<compile_context>
chip_gen: v7x
topology: tpu7x:2x2x1
jax: 0.10.2.dev20260603
libtpu: 0.0.44.dev20260713+nightly
codegen_flags: <defaults>
</compile_context>

<pallas_src>
import functools

import jax
import jax.numpy as jnp
from jax import lax
from jax.experimental import pallas as pl
from jax.experimental.pallas import tpu as pltpu
from jax.experimental.pallas import tpu_sc as plsc

D = 64
L = 16
BBLK = 128
NBUF = 3


def _rsqrt(x):
    i = plsc.bitcast(x, jnp.int32)
    i = jnp.int32(0x5F3759DF) - (i >> 1)
    y = plsc.bitcast(i, jnp.float32)
    h = x * jnp.float32(0.5)
    for _ in range(2):
        y = y * (jnp.float32(1.5) - h * y * y)
    return y


@functools.partial(jax.jit, static_argnames=("hist", "batch"))
def _embed_normalize(xt, table_p, hist, batch):
    info = plsc.get_sparse_core_info()
    nc, ns = info.num_cores, info.num_subcores
    mesh = plsc.VectorSubcoreMesh(core_axis_name="c", subcore_axis_name="s")

    @functools.partial(
        pl.kernel,
        mesh=mesh,
        out_type=jax.ShapeDtypeStruct((hist, D, batch), jnp.float32),
        compiler_params=pltpu.CompilerParams(needs_layout_passes=False),
        scratch_types=[
            pltpu.VMEM((hist, BBLK), jnp.int32),
            pltpu.VMEM((NBUF, BBLK, 2 * D), jnp.float32),
            pltpu.VMEM((NBUF, D, BBLK), jnp.float32),
            pltpu.SemaphoreType.DMA((NBUF,)),
            pltpu.SemaphoreType.DMA((NBUF,)),
        ],
    )
    def body(x_hbm, table_hbm, out_hbm, xb_v, gb_v, ob_v, sem_g, sem_o):
        wid = lax.axis_index("s") * nc + lax.axis_index("c")
        bcol = wid * BBLK

        def slot(g):
            return lax.rem(g, NBUF)

        def gather_dma(g):
            b = slot(g)
            return pltpu.make_async_copy(
                table_hbm.at[xb_v.at[g]], gb_v.at[b], sem_g.at[b])

        def out_dma(g):
            b = slot(g)
            return pltpu.make_async_copy(
                ob_v.at[b],
                out_hbm.at[g, :, pl.ds(bcol, BBLK)], sem_o.at[b])

        pltpu.sync_copy(x_hbm.at[:, pl.ds(bcol, BBLK)], xb_v)
        gather_dma(0).start()

        lanes = lax.iota(jnp.int32, L)

        def chunk_body(g, carry):
            b = slot(g)

            @pl.when(g + 1 < hist)
            def _():
                gather_dma(g + 1).start()

            gather_dma(g).wait()

            @pl.when(g >= NBUF)
            def _():
                out_dma(g - NBUF).wait()

            gb = gb_v.at[b]
            ob = ob_v.at[b]

            def grp(t, c):
                rowv = t * L + lanes
                ss = jnp.zeros((L,), jnp.float32)
                rv = lanes
                for d in range(D):
                    v = plsc.load_gather(gb, [rowv, rv])
                    ss = ss + v * v
                    rv = rv + 1
                    rv = jnp.where(rv >= D, rv - D, rv)
                scale = _rsqrt(ss)
                rv = lanes
                for d in range(D):
                    v = plsc.load_gather(gb, [rowv, rv])
                    plsc.store_scatter(ob, [rv, rowv], v * scale)
                    rv = rv + 1
                    rv = jnp.where(rv >= D, rv - D, rv)
                return c

            lax.fori_loop(0, BBLK // L, grp, 0)
            out_dma(g).start()
            return carry

        lax.fori_loop(0, hist, chunk_body, 0)
        for t in range(NBUF):
            out_dma(hist - 1 - t).wait()

    return body(xt, table_p)


def kernel(x, table):
    b, h = x.shape
    table_p = jnp.pad(table, ((0, 0), (0, table.shape[1])))
    out = _embed_normalize(x.T, table_p, h, b)
    return out.transpose(2, 0, 1)

# --- scband reference (transcript-rebuilt; emitter-appended) ---
"""Pipeline reference for scband-finance-embedding-12463995093212 (READ-ONLY COPY).

The authoritative reference and input builder live on the scoring server;
editing this copy changes nothing except your own understanding.
"""

import jax, jax.numpy as jnp
import numpy as np

RESOLUTION = 1000000
EMBED_DIM = 64
BATCH = 4096
HIST = 50
EPS = 1e-12


def setup_inputs(seed: int = 0) -> dict:
    key = jax.random.key(seed)
    k1, k2 = jax.random.split(key)
    x = jax.random.randint(k1, (BATCH, HIST), 0, RESOLUTION, dtype=jnp.int32)
    # nn.Embedding default init is N(0, 1)
    table = jax.random.normal(k2, (RESOLUTION, EMBED_DIM), dtype=jnp.float32)
    return {"x": x, "table": table}


def reference(x, table):
    # embedding lookup
    emb = jnp.take(table, x, axis=0)
    # torch F.normalize with default p=2, dim=1->last applicable dim here (dim=-1 for 3D via default dim=1?
    # torch default dim=1; for a (B, L, D) tensor dim=1 is L. The original module was written for
    # x of shape (B,) giving emb (B, D), where dim=1 is the embedding dim. We normalize over the
    # embedding dim (last axis), matching the intended semantics.
    norm = jnp.linalg.norm(emb, ord=2, axis=-1, keepdims=True)
    return emb / jnp.maximum(norm, EPS)

if __name__ == "__main__":
    import jax
    _d = setup_inputs()
    print(jax.jit(kernel)(*tuple(_d.values())))

</pallas_src>

<mosaic_0001>
#map = affine_map<(d0, d1) -> (0, 0)>
#map1 = affine_map<(d0, d1) -> (0, 0, 0)>
module attributes {stable_mosaic.version = 14 : i64} {
  func.func @body(%arg0: i32, %arg1: i32, %arg2: memref<50x4096xi32, #tpu.memory_space<hbm>>, %arg3: memref<1000000x128xf32, #tpu.memory_space<hbm>>, %arg4: memref<50x64x4096xf32, #tpu.memory_space<hbm>>, %arg5: memref<50x128xi32, #tpu.memory_space<vmem>>, %arg6: memref<3x128x128xf32, #tpu.memory_space<vmem>>, %arg7: memref<3x64x128xf32, #tpu.memory_space<vmem>>, %arg8: memref<3x!tpu.dma_semaphore, #tpu.memory_space<semaphore_mem>>, %arg9: memref<3x!tpu.dma_semaphore, #tpu.memory_space<semaphore_mem>>) attributes {dimension_semantics = [#tpu.dimension_semantics<core_parallel>, #tpu.dimension_semantics<subcore_parallel>], iteration_bounds = array<i64: 2, 16>, scalar_prefetch = 0 : i64, scratch_operands = 5 : i64, tpu.core_type = #tpu.core_type<sc_vector_subcore>, window_params = [{transform_indices = #map}, {transform_indices = #map}, {transform_indices = #map1}]} {
    %mul3A = arith.constant 2 : i32
    %mul3A_0 = arith.muli %arg1, %mul3A : i32
    %add3A = arith.addi %mul3A_0, %arg0 : i32
    %mul3A_1 = arith.constant 128 : i32
    %mul3A_2 = arith.muli %add3A, %mul3A_1 : i32
    "tpu.region"() ({
      %run_scoped3A = tpu.sem_alloc : memref<!tpu.dma_semaphore, #tpu.memory_space<semaphore_mem>>
      %dma_start3A_81 = arith.constant 0 : i32
      %dma_start3A_82 = tpu.memref_slice %arg2[%dma_start3A_81, %mul3A_2] : memref<50x4096xi32, #tpu.memory_space<hbm>> -> memref<50x128xi32, #tpu.memory_space<hbm>>
      %dma_start3A_83 = arith.constant 0 : i32
      %dma_start3A_84 = tpu.memref_slice %arg2[%dma_start3A_83, %mul3A_2] : memref<50x4096xi32, #tpu.memory_space<hbm>> -> memref<50x128xi32, #tpu.memory_space<hbm>>
      tpu.enqueue_dma source(%dma_start3A_84 : memref<50x128xi32, #tpu.memory_space<hbm>>) target(%arg5 : memref<50x128xi32, #tpu.memory_space<vmem>>) target_semaphore(%run_scoped3A : memref<!tpu.dma_semaphore, #tpu.memory_space<semaphore_mem>>)
      %dma_wait3A_85 = arith.constant 0 : i32
      %dma_wait3A_86 = tpu.memref_slice %arg2[%dma_wait3A_85, %mul3A_2] : memref<50x4096xi32, #tpu.memory_space<hbm>> -> memref<50x128xi32, #tpu.memory_space<hbm>>
      %dma_wait3A_87 = arith.constant 0 : i32
      %dma_wait3A_88 = tpu.memref_slice %arg2[%dma_wait3A_87, %mul3A_2] : memref<50x4096xi32, #tpu.memory_space<hbm>> -> memref<50x128xi32, #tpu.memory_space<hbm>>
      tpu.wait_dma2 semaphore(%run_scoped3A : memref<!tpu.dma_semaphore, #tpu.memory_space<semaphore_mem>>) src(%dma_wait3A_88 : memref<50x128xi32, #tpu.memory_space<hbm>>) dst(%arg5 : memref<50x128xi32, #tpu.memory_space<vmem>>)
      tpu.yield
    }) : () -> ()
    %rem3A = arith.constant 0 : i32
    %rem3A_3 = arith.constant 3 : i32
    %rem3A_4 = arith.remsi %rem3A, %rem3A_3 : i32
    %dma_start3A = arith.constant 0 : i32
    %dma_start3A_5 = arith.constant 0 : i32
    %dma_start3A_6 = arith.constant 0 : i32
    %dma_start3A_7 = tpu.memref_slice %arg6[%rem3A_4, %dma_start3A_5, %dma_start3A_6] : memref<3x128x128xf32, #tpu.memory_space<vmem>> -> memref<1x128x128xf32, #tpu.memory_space<vmem>>
    %dma_start3A_8 = tpu.memref_squeeze %dma_start3A_7 : memref<1x128x128xf32, #tpu.memory_space<vmem>> -> memref<128x128xf32, #tpu.memory_space<vmem>>
    %dma_start3A_9 = arith.constant 0 : i32
    %dma_start3A_10 = tpu.memref_slice %arg5[%dma_start3A, %dma_start3A_9] : memref<50x128xi32, #tpu.memory_space<vmem>> -> memref<1x128xi32, #tpu.memory_space<vmem>>
    %dma_start3A_11 = tpu.memref_squeeze %dma_start3A_10 : memref<1x128xi32, #tpu.memory_space<vmem>> -> memref<128xi32, #tpu.memory_space<vmem>>
    %dma_start3A_12 = arith.constant 0 : i32
    %dma_start3A_13 = arith.constant 0 : i32
    %dma_start3A_14 = tpu.memref_slice %arg3[%dma_start3A_12, %dma_start3A_13] : memref<1000000x128xf32, #tpu.memory_space<hbm>> -> memref<1000000x128xf32, #tpu.memory_space<hbm>>
    %dma_start3A_15 = tpu.memref_slice %arg8[%rem3A_4] : memref<3x!tpu.dma_semaphore, #tpu.memory_space<semaphore_mem>> -> memref<1x!tpu.dma_semaphore, #tpu.memory_space<semaphore_mem>>
    %dma_start3A_16 = tpu.memref_squeeze %dma_start3A_15 : memref<1x!tpu.dma_semaphore, #tpu.memory_space<semaphore_mem>> -> memref<!tpu.dma_semaphore, #tpu.memory_space<semaphore_mem>>
    tpu.enqueue_indirect_dma source(%dma_start3A_14 : memref<1000000x128xf32, #tpu.memory_space<hbm>>) target(%dma_start3A_8 : memref<128x128xf32, #tpu.memory_space<vmem>>) offsets(%dma_start3A_11 : memref<128xi32, #tpu.memory_space<vmem>>) semaphore(%dma_start3A_16 : memref<!tpu.dma_semaphore, #tpu.memory_space<semaphore_mem>>)
    %iota3A = tpu.iota {dimensions = array<i32: 0>} : vector<16xi32>
    %scan3A = arith.constant 0 : i32
    %scan3A_17 = arith.constant 0 : i32
    %scan3A_18 = arith.constant 50 : i32
    %scan3A_19 = arith.addi %scan3A_17, %scan3A_18 : i32
    %scan3A_20 = arith.constant 1 : i32
    scf.for %scan3A_81 = %scan3A_17 to %scan3A_19 step %scan3A_20  : i32 {
      %rem3A_82 = arith.constant 3 : i32
      %rem3A_83 = arith.remsi %scan3A_81, %rem3A_82 : i32
      %add3A_84 = arith.constant 1 : i32
      %add3A_85 = arith.addi %scan3A_81, %add3A_84 : i32
      %lt3A = arith.constant 50 : i32
      %lt3A_86 = arith.cmpi slt, %add3A_85, %lt3A : i32
      %convert_element_type3A = arith.extui %lt3A_86 : i1 to i32
      %cond3A = arith.constant 0 : i32
      %cond3A_87 = arith.cmpi ne, %convert_element_type3A, %cond3A : i32
      scf.if %cond3A_87 {
        %add3A_130 = arith.constant 1 : i32
        %add3A_131 = arith.addi %scan3A_81, %add3A_130 : i32
        %rem3A_132 = arith.constant 3 : i32
        %rem3A_133 = arith.remsi %add3A_131, %rem3A_132 : i32
        %dma_start3A_134 = arith.constant 0 : i32
        %dma_start3A_135 = arith.constant 0 : i32
        %dma_start3A_136 = tpu.memref_slice %arg6[%rem3A_133, %dma_start3A_134, %dma_start3A_135] : memref<3x128x128xf32, #tpu.memory_space<vmem>> -> memref<1x128x128xf32, #tpu.memory_space<vmem>>
        %dma_start3A_137 = tpu.memref_squeeze %dma_start3A_136 : memref<1x128x128xf32, #tpu.memory_space<vmem>> -> memref<128x128xf32, #tpu.memory_space<vmem>>
        %dma_start3A_138 = arith.constant 0 : i32
        %dma_start3A_139 = tpu.memref_slice %arg5[%add3A_131, %dma_start3A_138] : memref<50x128xi32, #tpu.memory_space<vmem>> -> memref<1x128xi32, #tpu.memory_space<vmem>>
        %dma_start3A_140 = tpu.memref_squeeze %dma_start3A_139 : memref<1x128xi32, #tpu.memory_space<vmem>> -> memref<128xi32, #tpu.memory_space<vmem>>
        %dma_start3A_141 = arith.constant 0 : i32
        %dma_start3A_142 = arith.constant 0 : i32
        %dma_start3A_143 = tpu.memref_slice %arg3[%dma_start3A_141, %dma_start3A_142] : memref<1000000x128xf32, #tpu.memory_space<hbm>> -> memref<1000000x128xf32, #tpu.memory_space<hbm>>
        %dma_start3A_144 = tpu.memref_slice %arg8[%rem3A_133] : memref<3x!tpu.dma_semaphore, #tpu.memory_space<semaphore_mem>> -> memref<1x!tpu.dma_semaphore, #tpu.memory_space<semaphore_mem>>
        %dma_start3A_145 = tpu.memref_squeeze %dma_start3A_144 : memref<1x!tpu.dma_semaphore, #tpu.memory_space<semaphore_mem>> -> memref<!tpu.dma_semaphore, #tpu.memory_space<semaphore_mem>>
        tpu.enqueue_indirect_dma source(%dma_start3A_143 : memref<1000000x128xf32, #tpu.memory_space<hbm>>) target(%dma_start3A_137 : memref<128x128xf32, #tpu.memory_space<vmem>>) offsets(%dma_start3A_140 : memref<128xi32, #tpu.memory_space<vmem>>) semaphore(%dma_start3A_145 : memref<!tpu.dma_semaphore, #tpu.memory_space<semaphore_mem>>)
      } else {
      }
      %rem3A_88 = arith.constant 3 : i32
      %rem3A_89 = arith.remsi %scan3A_81, %rem3A_88 : i32
      %dma_wait3A_90 = arith.constant 0 : i32
      %dma_wait3A_91 = arith.constant 0 : i32
      %dma_wait3A_92 = tpu.memref_slice %arg6[%rem3A_89, %dma_wait3A_90, %dma_wait3A_91] : memref<3x128x128xf32, #tpu.memory_space<vmem>> -> memref<1x128x128xf32, #tpu.memory_space<vmem>>
      %dma_wait3A_93 = tpu.memref_squeeze %dma_wait3A_92 : memref<1x128x128xf32, #tpu.memory_space<vmem>> -> memref<128x128xf32, #tpu.memory_space<vmem>>
      %dma_wait3A_94 = arith.constant 0 : i32
      %dma_wait3A_95 = tpu.memref_slice %arg5[%scan3A_81, %dma_wait3A_94] : memref<50x128xi32, #tpu.memory_space<vmem>> -> memref<1x128xi32, #tpu.memory_space<vmem>>
      %dma_wait3A_96 = tpu.memref_squeeze %dma_wait3A_95 : memref<1x128xi32, #tpu.memory_space<vmem>> -> memref<128xi32, #tpu.memory_space<vmem>>
      %dma_wait3A_97 = arith.constant 0 : i32
      %dma_wait3A_98 = arith.constant 0 : i32
      %dma_wait3A_99 = tpu.memref_slice %arg3[%dma_wait3A_97, %dma_wait3A_98] : memref<1000000x128xf32, #tpu.memory_space<hbm>> -> memref<1000000x128xf32, #tpu.memory_space<hbm>>
      %dma_wait3A_100 = tpu.memref_slice %arg8[%rem3A_89] : memref<3x!tpu.dma_semaphore, #tpu.memory_space<semaphore_mem>> -> memref<1x!tpu.dma_semaphore, #tpu.memory_space<semaphore_mem>>
      %dma_wait3A_101 = tpu.memref_squeeze %dma_wait3A_100 : memref<1x!tpu.dma_semaphore, #tpu.memory_space<semaphore_mem>> -> memref<!tpu.dma_semaphore, #tpu.memory_space<semaphore_mem>>
      tpu.wait_indirect_dma semaphore(%dma_wait3A_101 : memref<!tpu.dma_semaphore, #tpu.memory_space<semaphore_mem>>) src(%dma_wait3A_99 : memref<1000000x128xf32, #tpu.memory_space<hbm>>) dst(%dma_wait3A_93 : memref<128x128xf32, #tpu.memory_space<vmem>>)
      %ge3A = arith.constant 3 : i32
      %ge3A_102 = arith.cmpi sge, %scan3A_81, %ge3A : i32
      %convert_element_type3A_103 = arith.extui %ge3A_102 : i1 to i32
      %cond3A_104 = arith.constant 0 : i32
      %cond3A_105 = arith.cmpi ne, %convert_element_type3A_103, %cond3A_104 : i32
      scf.if %cond3A_105 {
        %sub3A = arith.constant 3 : i32
        %sub3A_130 = arith.subi %scan3A_81, %sub3A : i32
        %rem3A_131 = arith.constant 3 : i32
        %rem3A_132 = arith.remsi %sub3A_130, %rem3A_131 : i32
        %dma_wait3A_133 = arith.constant 0 : i32
        %dma_wait3A_134 = arith.constant 0 : i32
        %dma_wait3A_135 = tpu.memref_slice %arg7[%rem3A_132, %dma_wait3A_133, %dma_wait3A_134] : memref<3x64x128xf32, #tpu.memory_space<vmem>> -> memref<1x64x128xf32, #tpu.memory_space<vmem>>
        %dma_wait3A_136 = tpu.memref_squeeze %dma_wait3A_135 : memref<1x64x128xf32, #tpu.memory_space<vmem>> -> memref<64x128xf32, #tpu.memory_space<vmem>>
        %dma_wait3A_137 = arith.constant 0 : i32
        %dma_wait3A_138 = tpu.memref_slice %arg4[%sub3A_130, %dma_wait3A_137, %mul3A_2] : memref<50x64x4096xf32, #tpu.memory_space<hbm>> -> memref<1x64x128xf32, #tpu.memory_space<hbm>>
        %dma_wait3A_139 = tpu.memref_squeeze %dma_wait3A_138 : memref<1x64x128xf32, #tpu.memory_space<hbm>> -> memref<64x128xf32, #tpu.memory_space<hbm>>
        %dma_wait3A_140 = tpu.memref_slice %arg9[%rem3A_132] : memref<3x!tpu.dma_semaphore, #tpu.memory_space<semaphore_mem>> -> memref<1x!tpu.dma_semaphore, #tpu.memory_space<semaphore_mem>>
        %dma_wait3A_141 = tpu.memref_squeeze %dma_wait3A_140 : memref<1x!tpu.dma_semaphore, #tpu.memory_space<semaphore_mem>> -> memref<!tpu.dma_semaphore, #tpu.memory_space<semaphore_mem>>
        %dma_wait3A_142 = arith.constant 0 : i32
        %dma_wait3A_143 = tpu.memref_slice %arg4[%sub3A_130, %dma_wait3A_142, %mul3A_2] : memref<50x64x4096xf32, #tpu.memory_space<hbm>> -> memref<1x64x128xf32, #tpu.memory_space<hbm>>
        %dma_wait3A_144 = tpu.memref_squeeze %dma_wait3A_143 : memref<1x64x128xf32, #tpu.memory_space<hbm>> -> memref<64x128xf32, #tpu.memory_space<hbm>>
        %dma_wait3A_145 = arith.constant 0 : i32
        %dma_wait3A_146 = arith.constant 0 : i32
        %dma_wait3A_147 = tpu.memref_slice %arg7[%rem3A_132, %dma_wait3A_145, %dma_wait3A_146] : memref<3x64x128xf32, #tpu.memory_space<vmem>> -> memref<1x64x128xf32, #tpu.memory_space<vmem>>
        %dma_wait3A_148 = tpu.memref_squeeze %dma_wait3A_147 : memref<1x64x128xf32, #tpu.memory_space<vmem>> -> memref<64x128xf32, #tpu.memory_space<vmem>>
        tpu.wait_dma2 semaphore(%dma_wait3A_141 : memref<!tpu.dma_semaphore, #tpu.memory_space<semaphore_mem>>) src(%dma_wait3A_148 : memref<64x128xf32, #tpu.memory_space<vmem>>) dst(%dma_wait3A_144 : memref<64x128xf32, #tpu.memory_space<hbm>>)
      } else {
      }
      %scan3A_106 = arith.constant 0 : i32
      %scan3A_107 = arith.constant 0 : i32
      %scan3A_108 = arith.constant 8 : i32
      %scan3A_109 = arith.addi %scan3A_107, %scan3A_108 : i32
      %scan3A_110 = arith.constant 1 : i32
      scf.for %scan3A_130 = %scan3A_107 to %scan3A_109 step %scan3A_110  : i32 {
        %mul3A_131 = arith.constant 16 : i32
        %mul3A_132 = arith.muli %scan3A_130, %mul3A_131 : i32
        %add3A_133 = vector.broadcast %mul3A_132 : i32 to vector<16xi32>
        %add3A_134 = arith.addi %add3A_133, %iota3A : vector<16xi32>
        %broadcast_in_dim3A = arith.constant 0.000000e+00 : f32
        %broadcast_in_dim3A_135 = vector.broadcast %broadcast_in_dim3A : f32 to vector<16xf32>
        %gather3A = arith.constant 0 : i32
        %gather3A_136 = arith.constant 0 : i32
        %gather3A_137 = tpu.memref_slice %arg6[%rem3A_83, %gather3A, %gather3A_136] : memref<3x128x128xf32, #tpu.memory_space<vmem>> -> memref<1x128x128xf32, #tpu.memory_space<vmem>>
        %gather3A_138 = tpu.memref_squeeze %gather3A_137 : memref<1x128x128xf32, #tpu.memory_space<vmem>> -> memref<128x128xf32, #tpu.memory_space<vmem>>
        %gather3A_139 = tpu.vector_load_idx %gather3A_138[%add3A_134, %iota3A] : memref<128x128xf32, #tpu.memory_space<vmem>>[vector<16xi32>, vector<16xi32>], vector<16xf32>,
        %mul3A_140 = arith.mulf %gather3A_139, %gather3A_139 : vector<16xf32>
        %add3A_141 = arith.addf %broadcast_in_dim3A_135, %mul3A_140 : vector<16xf32>
        %add3A_142 = arith.constant 1 : i32
        %add3A_143 = vector.broadcast %add3A_142 : i32 to vector<16xi32>
        %add3A_144 = arith.addi %iota3A, %add3A_143 : vector<16xi32>
        %ge3A_145 = arith.constant 64 : i32
        %ge3A_146 = vector.broadcast %ge3A_145 : i32 to vector<16xi32>
        %ge3A_147 = arith.cmpi sge, %add3A_144, %ge3A_146 : vector<16xi32>
        %sub3A = arith.constant 64 : i32
        %sub3A_148 = vector.broadcast %sub3A : i32 to vector<16xi32>
        %sub3A_149 = arith.subi %add3A_144, %sub3A_148 : vector<16xi32>
        %select_n3A = arith.select %ge3A_147, %sub3A_149, %add3A_144 : vector<16xi1>, vector<16xi32>
        %gather3A_150 = arith.constant 0 : i32
        %gather3A_151 = arith.constant 0 : i32
        %gather3A_152 = tpu.memref_slice %arg6[%rem3A_83, %gather3A_150, %gather3A_151] : memref<3x128x128xf32, #tpu.memory_space<vmem>> -> memref<1x128x128xf32, #tpu.memory_space<vmem>>
        %gather3A_153 = tpu.memref_squeeze %gather3A_152 : memref<1x128x128xf32, #tpu.memory_space<vmem>> -> memref<128x128xf32, #tpu.memory_space<vmem>>
        %gather3A_154 = tpu.vector_load_idx %gather3A_153[%add3A_134, %select_n3A] : memref<128x128xf32, #tpu.memory_space<vmem>>[vector<16xi32>, vector<16xi32>], vector<16xf32>,
        %mul3A_155 = arith.mulf %gather3A_154, %gather3A_154 : vector<16xf32>
        %add3A_156 = arith.addf %add3A_141, %mul3A_155 : vector<16xf32>
        %add3A_157 = arith.constant 1 : i32
        %add3A_158 = vector.broadcast %add3A_157 : i32 to vector<16xi32>
        %add3A_159 = arith.addi %select_n3A, %add3A_158 : vector<16xi32>
        %ge3A_160 = arith.constant 64 : i32
        %ge3A_161 = vector.broadcast %ge3A_160 : i32 to vector<16xi32>
        %ge3A_162 = arith.cmpi sge, %add3A_159, %ge3A_161 : vector<16xi32>
        %sub3A_163 = arith.constant 64 : i32
        %sub3A_164 = vector.broadcast %sub3A_163 : i32 to vector<16xi32>
        %sub3A_165 = arith.subi %add3A_159, %sub3A_164 : vector<16xi32>
        %select_n3A_166 = arith.select %ge3A_162, %sub3A_165, %add3A_159 : vector<16xi1>, vector<16xi32>
        %gather3A_167 = arith.constant 0 : i32
        %gather3A_168 = arith.constant 0 : i32
        %gather3A_169 = tpu.memref_slice %arg6[%rem3A_83, %gather3A_167, %gather3A_168] : memref<3x128x128xf32, #tpu.memory_space<vmem>> -> memref<1x128x128xf32, #tpu.memory_space<vmem>>
        %gather3A_170 = tpu.memref_squeeze %gather3A_169 : memref<1x128x128xf32, #tpu.memory_space<vmem>> -> memref<128x128xf32, #tpu.memory_space<vmem>>
        %gather3A_171 = tpu.vector_load_idx %gather3A_170[%add3A_134, %select_n3A_166] : memref<128x128xf32, #tpu.memory_space<vmem>>[vector<16xi32>, vector<16xi32>], vector<16xf32>,
        %mul3A_172 = arith.mulf %gather3A_171, %gather3A_171 : vector<16xf32>
        %add3A_173 = arith.addf %add3A_156, %mul3A_172 : vector<16xf32>
        %add3A_174 = arith.constant 1 : i32
        %add3A_175 = vector.broadcast %add3A_174 : i32 to vector<16xi32>
        %add3A_176 = arith.addi %select_n3A_166, %add3A_175 : vector<16xi32>
        %ge3A_177 = arith.constant 64 : i32
        %ge3A_178 = vector.broadcast %ge3A_177 : i32 to vector<16xi32>
        %ge3A_179 = arith.cmpi sge, %add3A_176, %ge3A_178 : vector<16xi32>
        %sub3A_180 = arith.constant 64 : i32
        %sub3A_181 = vector.broadcast %sub3A_180 : i32 to vector<16xi32>
        %sub3A_182 = arith.subi %add3A_176, %sub3A_181 : vector<16xi32>
        %select_n3A_183 = arith.select %ge3A_179, %sub3A_182, %add3A_176 : vector<16xi1>, vector<16xi32>
        %gather3A_184 = arith.constant 0 : i32
        %gather3A_185 = arith.constant 0 : i32
        %gather3A_186 = tpu.memref_slice %arg6[%rem3A_83, %gather3A_184, %gather3A_185] : memref<3x128x128xf32, #tpu.memory_space<vmem>> -> memref<1x128x128xf32, #tpu.memory_space<vmem>>
        %gather3A_187 = tpu.memref_squeeze %gather3A_186 : memref<1x128x128xf32, #tpu.memory_space<vmem>> -> memref<128x128xf32, #tpu.memory_space<vmem>>
        %gather3A_188 = tpu.vector_load_idx %gather3A_187[%add3A_134, %select_n3A_183] : memref<128x128xf32, #tpu.memory_space<vmem>>[vector<16xi32>, vector<16xi32>], vector<16xf32>,
        %mul3A_189 = arith.mulf %gather3A_188, %gather3A_188 : vector<16xf32>
        %add3A_190 = arith.addf %add3A_173, %mul3A_189 : vector<16xf32>
        %add3A_191 = arith.constant 1 : i32
        %add3A_192 = vector.broadcast %add3A_191 : i32 to vector<16xi32>
        %add3A_193 = arith.addi %select_n3A_183, %add3A_192 : vector<16xi32>
        %ge3A_194 = arith.constant 64 : i32
        %ge3A_195 = vector.broadcast %ge3A_194 : i32 to vector<16xi32>
        %ge3A_196 = arith.cmpi sge, %add3A_193, %ge3A_195 : vector<16xi32>
        %sub3A_197 = arith.constant 64 : i32
        %sub3A_198 = vector.broadcast %sub3A_197 : i32 to vector<16xi32>
        %sub3A_199 = arith.subi %add3A_193, %sub3A_198 : vector<16xi32>
        %select_n3A_200 = arith.select %ge3A_196, %sub3A_199, %add3A_193 : vector<16xi1>, vector<16xi32>
        %gather3A_201 = arith.constant 0 : i32
        %gather3A_202 = arith.constant 0 : i32
        %gather3A_203 = tpu.memref_slice %arg6[%rem3A_83, %gather3A_201, %gather3A_202] : memref<3x128x128xf32, #tpu.memory_space<vmem>> -> memref<1x128x128xf32, #tpu.memory_space<vmem>>
        %gather3A_204 = tpu.memref_squeeze %gather3A_203 : memref<1x128x128xf32, #tpu.memory_space<vmem>> -> memref<128x128xf32, #tpu.memory_space<vmem>>
        %gather3A_205 = tpu.vector_load_idx %gather3A_204[%add3A_134, %select_n3A_200] : memref<128x128xf32, #tpu.memory_space<vmem>>[vector<16xi32>, vector<16xi32>], vector<16xf32>,
        %mul3A_206 = arith.mulf %gather3A_205, %gather3A_205 : vector<16xf32>
        %add3A_207 = arith.addf %add3A_190, %mul3A_206 : vector<16xf32>
        %add3A_208 = arith.constant 1 : i32
        %add3A_209 = vector.broadcast %add3A_208 : i32 to vector<16xi32>
        %add3A_210 = arith.addi %select_n3A_200, %add3A_209 : vector<16xi32>
        %ge3A_211 = arith.constant 64 : i32
        %ge3A_212 = vector.broadcast %ge3A_211 : i32 to vector<16xi32>
        %ge3A_213 = arith.cmpi sge, %add3A_210, %ge3A_212 : vector<16xi32>
        %sub3A_214 = arith.constant 64 : i32
        %sub3A_215 = vector.broadcast %sub3A_214 : i32 to vector<16xi32>
        %sub3A_216 = arith.subi %add3A_210, %sub3A_215 : vector<16xi32>
        %select_n3A_217 = arith.select %ge3A_213, %sub3A_216, %add3A_210 : vector<16xi1>, vector<16xi32>
        %gather3A_218 = arith.constant 0 : i32
        %gather3A_219 = arith.constant 0 : i32
        %gather3A_220 = tpu.memref_slice %arg6[%rem3A_83, %gather3A_218, %gather3A_219] : memref<3x128x128xf32, #tpu.memory_space<vmem>> -> memref<1x128x128xf32, #tpu.memory_space<vmem>>
        %gather3A_221 = tpu.memref_squeeze %gather3A_220 : memref<1x128x128xf32, #tpu.memory_space<vmem>> -> memref<128x128xf32, #tpu.memory_space<vmem>>
        %gather3A_222 = tpu.vector_load_idx %gather3A_221[%add3A_134, %select_n3A_217] : memref<128x128xf32, #tpu.memory_space<vmem>>[vector<16xi32>, vector<16xi32>], vector<16xf32>,
        %mul3A_223 = arith.mulf %gather3A_222, %gather3A_222 : vector<16xf32>
        %add3A_224 = arith.addf %add3A_207, %mul3A_223 : vector<16xf32>
        %add3A_225 = arith.constant 1 : i32
        %add3A_226 = vector.broadcast %add3A_225 : i32 to vector<16xi32>
        %add3A_227 = arith.addi %select_n3A_217, %add3A_226 : vector<16xi32>
        %ge3A_228 = arith.constant 64 : i32
        %ge3A_229 = vector.broadcast %ge3A_228 : i32 to vector<16xi32>
        %ge3A_230 = arith.cmpi sge, %add3A_227, %ge3A_229 : vector<16xi32>
        %sub3A_231 = arith.constant 64 : i32
        %sub3A_232 = vector.broadcast %sub3A_231 : i32 to vector<16xi32>
        %sub3A_233 = arith.subi %add3A_227, %sub3A_232 : vector<16xi32>
        %select_n3A_234 = arith.select %ge3A_230, %sub3A_233, %add3A_227 : vector<16xi1>, vector<16xi32>
        %gather3A_235 = arith.constant 0 : i32
        %gather3A_236 = arith.constant 0 : i32
        %gather3A_237 = tpu.memref_slice %arg6[%rem3A_83, %gather3A_235, %gather3A_236] : memref<3x128x128xf32, #tpu.memory_space<vmem>> -> memref<1x128x128xf32, #tpu.memory_space<vmem>>
        %gather3A_238 = tpu.memref_squeeze %gather3A_237 : memref<1x128x128xf32, #tpu.memory_space<vmem>> -> memref<128x128xf32, #tpu.memory_space<vmem>>
        %gather3A_239 = tpu.vector_load_idx %gather3A_238[%add3A_134, %select_n3A_234] : memref<128x128xf32, #tpu.memory_space<vmem>>[vector<16xi32>, vector<16xi32>], vector<16xf32>,
        %mul3A_240 = arith.mulf %gather3A_239, %gather3A_239 : vector<16xf32>
        %add3A_241 = arith.addf %add3A_224, %mul3A_240 : vector<16xf32>
        %add3A_242 = arith.constant 1 : i32
        %add3A_243 = vector.broadcast %add3A_242 : i32 to vector<16xi32>
        %add3A_244 = arith.addi %select_n3A_234, %add3A_243 : vector<16xi32>
        %ge3A_245 = arith.constant 64 : i32
        %ge3A_246 = vector.broadcast %ge3A_245 : i32 to vector<16xi32>
        %ge3A_247 = arith.cmpi sge, %add3A_244, %ge3A_246 : vector<16xi32>
        %sub3A_248 = arith.constant 64 : i32
        %sub3A_249 = vector.broadcast %sub3A_248 : i32 to vector<16xi32>
        %sub3A_250 = arith.subi %add3A_244, %sub3A_249 : vector<16xi32>
        %select_n3A_251 = arith.select %ge3A_247, %sub3A_250, %add3A_244 : vector<16xi1>, vector<16xi32>
        %gather3A_252 = arith.constant 0 : i32
        %gather3A_253 = arith.constant 0 : i32
        %gather3A_254 = tpu.memref_slice %arg6[%rem3A_83, %gather3A_252, %gather3A_253] : memref<3x128x128xf32, #tpu.memory_space<vmem>> -> memref<1x128x128xf32, #tpu.memory_space<vmem>>
        %gather3A_255 = tpu.memref_squeeze %gather3A_254 : memref<1x128x128xf32, #tpu.memory_space<vmem>> -> memref<128x128xf32, #tpu.memory_space<vmem>>
        %gather3A_256 = tpu.vector_load_idx %gather3A_255[%add3A_134, %select_n3A_251] : memref<128x128xf32, #tpu.memory_space<vmem>>[vector<16xi32>, vector<16xi32>], vector<16xf32>,
        %mul3A_257 = arith.mulf %gather3A_256, %gather3A_256 : vector<16xf32>
        %add3A_258 = arith.addf %add3A_241, %mul3A_257 : vector<16xf32>
        %add3A_259 = arith.constant 1 : i32
        %add3A_260 = vector.broadcast %add3A_259 : i32 to vector<16xi32>
        %add3A_261 = arith.addi %select_n3A_251, %add3A_260 : vector<16xi32>
        %ge3A_262 = arith.constant 64 : i32
        %ge3A_263 = vector.broadcast %ge3A_262 : i32 to vector<16xi32>
        %ge3A_264 = arith.cmpi sge, %add3A_261, %ge3A_263 : vector<16xi32>
        %sub3A_265 = arith.constant 64 : i32
        %sub3A_266 = vector.broadcast %sub3A_265 : i32 to vector<16xi32>
        %sub3A_267 = arith.subi %add3A_261, %sub3A_266 : vector<16xi32>
        %select_n3A_268 = arith.select %ge3A_264, %sub3A_267, %add3A_261 : vector<16xi1>, vector<16xi32>
        %gather3A_269 = arith.constant 0 : i32
        %gather3A_270 = arith.constant 0 : i32
        %gather3A_271 = tpu.memref_slice %arg6[%rem3A_83, %gather3A_269, %gather3A_270] : memref<3x128x128xf32, #tpu.memory_space<vmem>> -> memref<1x128x128xf32, #tpu.memory_space<vmem>>
        %gather3A_272 = tpu.memref_squeeze %gather3A_271 : memref<1x128x128xf32, #tpu.memory_space<vmem>> -> memref<128x128xf32, #tpu.memory_space<vmem>>
        %gather3A_273 = tpu.vector_load_idx %gather3A_272[%add3A_134, %select_n3A_268] : memref<128x128xf32, #tpu.memory_space<vmem>>[vector<16xi32>, vector<16xi32>], vector<16xf32>,
        %mul3A_274 = arith.mulf %gather3A_273, %gather3A_273 : vector<16xf32>
        %add3A_275 = arith.addf %add3A_258, %mul3A_274 : vector<16xf32>
        %add3A_276 = arith.constant 1 : i32
        %add3A_277 = vector.broadcast %add3A_276 : i32 to vector<16xi32>
        %add3A_278 = arith.addi %select_n3A_268, %add3A_277 : vector<16xi32>
        %ge3A_279 = arith.constant 64 : i32
        %ge3A_280 = vector.broadcast %ge3A_279 : i32 to vector<16xi32>
        %ge3A_281 = arith.cmpi sge, %add3A_278, %ge3A_280 : vector<16xi32>
        %sub3A_282 = arith.constant 64 : i32
        %sub3A_283 = vector.broadcast %sub3A_282 : i32 to vector<16xi32>
        %sub3A_284 = arith.subi %add3A_278, %sub3A_283 : vector<16xi32>
        %select_n3A_285 = arith.select %ge3A_281, %sub3A_284, %add3A_278 : vector<16xi1>, vector<16xi32>
        %gather3A_286 = arith.constant 0 : i32
        %gather3A_287 = arith.constant 0 : i32
        %gather3A_288 = tpu.memref_slice %arg6[%rem3A_83, %gather3A_286, %gather3A_287] : memref<3x128x128xf32, #tpu.memory_space<vmem>> -> memref<1x128x128xf32, #tpu.memory_space<vmem>>
        %gather3A_289 = tpu.memref_squeeze %gather3A_288 : memref<1x128x128xf32, #tpu.memory_space<vmem>> -> memref<128x128xf32, #tpu.memory_space<vmem>>
        %gather3A_290 = tpu.vector_load_idx %gather3A_289[%add3A_134, %select_n3A_285] : memref<128x128xf32, #tpu.memory_space<vmem>>[vector<16xi32>, vector<16xi32>], vector<16xf32>,
        %mul3A_291 = arith.mulf %gather3A_290, %gather3A_290 : vector<16xf32>
        %add3A_292 = arith.addf %add3A_275, %mul3A_291 : vector<16xf32>
        %add3A_293 = arith.constant 1 : i32
        %add3A_294 = vector.broadcast %add3A_293 : i32 to vector<16xi32>
        %add3A_295 = arith.addi %select_n3A_285, %add3A_294 : vector<16xi32>
        %ge3A_296 = arith.constant 64 : i32
        %ge3A_297 = vector.broadcast %ge3A_296 : i32 to vector<16xi32>
        %ge3A_298 = arith.cmpi sge, %add3A_295, %ge3A_297 : vector<16xi32>
        %sub3A_299 = arith.constant 64 : i32
        %sub3A_300 = vector.broadcast %sub3A_299 : i32 to vector<16xi32>
        %sub3A_301 = arith.subi %add3A_295, %sub3A_300 : vector<16xi32>
        %select_n3A_302 = arith.select %ge3A_298, %sub3A_301, %add3A_295 : vector<16xi1>, vector<16xi32>
        %gather3A_303 = arith.constant 0 : i32
        %gather3A_304 = arith.constant 0 : i32
        %gather3A_305 = tpu.memref_slice %arg6[%rem3A_83, %gather3A_303, %gather3A_304] : memref<3x128x128xf32, #tpu.memory_space<vmem>> -> memref<1x128x128xf32, #tpu.memory_space<vmem>>
        %gather3A_306 = tpu.memref_squeeze %gather3A_305 : memref<1x128x128xf32, #tpu.memory_space<vmem>> -> memref<128x128xf32, #tpu.memory_space<vmem>>
        %gather3A_307 = tpu.vector_load_idx %gather3A_306[%add3A_134, %select_n3A_302] : memref<128x128xf32, #tpu.memory_space<vmem>>[vector<16xi32>, vector<16xi32>], vector<16xf32>,
        %mul3A_308 = arith.mulf %gather3A_307, %gather3A_307 : vector<16xf32>
        %add3A_309 = arith.addf %add3A_292, %mul3A_308 : vector<16xf32>
        %add3A_310 = arith.constant 1 : i32
        %add3A_311 = vector.broadcast %add3A_310 : i32 to vector<16xi32>
        %add3A_312 = arith.addi %select_n3A_302, %add3A_311 : vector<16xi32>
        %ge3A_313 = arith.constant 64 : i32
        %ge3A_314 = vector.broadcast %ge3A_313 : i32 to vector<16xi32>
        %ge3A_315 = arith.cmpi sge, %add3A_312, %ge3A_314 : vector<16xi32>
        %sub3A_316 = arith.constant 64 : i32
        %sub3A_317 = vector.broadcast %sub3A_316 : i32 to vector<16xi32>
        %sub3A_318 = arith.subi %add3A_312, %sub3A_317 : vector<16xi32>
        %select_n3A_319 = arith.select %ge3A_315, %sub3A_318, %add3A_312 : vector<16xi1>, vector<16xi32>
        %gather3A_320 = arith.constant 0 : i32
        %gather3A_321 = arith.constant 0 : i32
        %gather3A_322 = tpu.memref_slice %arg6[%rem3A_83, %gather3A_320, %gather3A_321] : memref<3x128x128xf32, #tpu.memory_space<vmem>> -> memref<1x128x128xf32, #tpu.memory_space<vmem>>
        %gather3A_323 = tpu.memref_squeeze %gather3A_322 : memref<1x128x128xf32, #tpu.memory_space<vmem>> -> memref<128x128xf32, #tpu.memory_space<vmem>>
        %gather3A_324 = tpu.vector_load_idx %gather3A_323[%add3A_134, %select_n3A_319] : memref<128x128xf32, #tpu.memory_space<vmem>>[vector<16xi32>, vector<16xi32>], vector<16xf32>,
        %mul3A_325 = arith.mulf %gather3A_324, %gather3A_324 : vector<16xf32>
        %add3A_326 = arith.addf %add3A_309, %mul3A_325 : vector<16xf32>
        %add3A_327 = arith.constant 1 : i32
        %add3A_328 = vector.broadcast %add3A_327 : i32 to vector<16xi32>
        %add3A_329 = arith.addi %select_n3A_319, %add3A_328 : vector<16xi32>
        %ge3A_330 = arith.constant 64 : i32
        %ge3A_331 = vector.broadcast %ge3A_330 : i32 to vector<16xi32>
        %ge3A_332 = arith.cmpi sge, %add3A_329, %ge3A_331 : vector<16xi32>
        %sub3A_333 = arith.constant 64 : i32
        %sub3A_334 = vector.broadcast %sub3A_333 : i32 to vector<16xi32>
        %sub3A_335 = arith.subi %add3A_329, %sub3A_334 : vector<16xi32>
        %select_n3A_336 = arith.select %ge3A_332, %sub3A_335, %add3A_329 : vector<16xi1>, vector<16xi32>
        %gather3A_337 = arith.constant 0 : i32
        %gather3A_338 = arith.constant 0 : i32
        %gather3A_339 = tpu.memref_slice %arg6[%rem3A_83, %gather3A_337, %gather3A_338] : memref<3x128x128xf32, #tpu.memory_space<vmem>> -> memref<1x128x128xf32, #tpu.memory_space<vmem>>
        %gather3A_340 = tpu.memref_squeeze %gather3A_339 : memref<1x128x128xf32, #tpu.memory_space<vmem>> -> memref<128x128xf32, #tpu.memory_space<vmem>>
        %gather3A_341 = tpu.vector_load_idx %gather3A_340[%add3A_134, %select_n3A_336] : memref<128x128xf32, #tpu.memory_space<vmem>>[vector<16xi32>, vector<16xi32>], vector<16xf32>,
        %mul3A_342 = arith.mulf %gather3A_341, %gather3A_341 : vector<16xf32>
        %add3A_343 = arith.addf %add3A_326, %mul3A_342 : vector<16xf32>
        %add3A_344 = arith.constant 1 : i32
        %add3A_345 = vector.broadcast %add3A_344 : i32 to vector<16xi32>
        %add3A_346 = arith.addi %select_n3A_336, %add3A_345 : vector<16xi32>
        %ge3A_347 = arith.constant 64 : i32
        %ge3A_348 = vector.broadcast %ge3A_347 : i32 to vector<16xi32>
        %ge3A_349 = arith.cmpi sge, %add3A_346, %ge3A_348 : vector<16xi32>
        %sub3A_350 = arith.constant 64 : i32
        %sub3A_351 = vector.broadcast %sub3A_350 : i32 to vector<16xi32>
        %sub3A_352 = arith.subi %add3A_346, %sub3A_351 : vector<16xi32>
        %select_n3A_353 = arith.select %ge3A_349, %sub3A_352, %add3A_346 : vector<16xi1>, vector<16xi32>
        %gather3A_354 = arith.constant 0 : i32
        %gather3A_355 = arith.constant 0 : i32
        %gather3A_356 = tpu.memref_slice %arg6[%rem3A_83, %gather3A_354, %gather3A_355] : memref<3x128x128xf32, #tpu.memory_space<vmem>> -> memref<1x128x128xf32, #tpu.memory_space<vmem>>
        %gather3A_357 = tpu.memref_squeeze %gather3A_356 : memref<1x128x128xf32, #tpu.memory_space<vmem>> -> memref<128x128xf32, #tpu.memory_space<vmem>>
        %gather3A_358 = tpu.vector_load_idx %gather3A_357[%add3A_134, %select_n3A_353] : memref<128x128xf32, #tpu.memory_space<vmem>>[vector<16xi32>, vector<16xi32>], vector<16xf32>,
        %mul3A_359 = arith.mulf %gather3A_358, %gather3A_358 : vector<16xf32>
        %add3A_360 = arith.addf %add3A_343, %mul3A_359 : vector<16xf32>
        %add3A_361 = arith.constant 1 : i32
        %add3A_362 = vector.broadcast %add3A_361 : i32 to vector<16xi32>
        %add3A_363 = arith.addi %select_n3A_353, %add3A_362 : vector<16xi32>
        %ge3A_364 = arith.constant 64 : i32
        %ge3A_365 = vector.broadcast %ge3A_364 : i32 to vector<16xi32>
        %ge3A_366 = arith.cmpi sge, %add3A_363, %ge3A_365 : vector<16xi32>
        %sub3A_367 = arith.constant 64 : i32
        %sub3A_368 = vector.broadcast %sub3A_367 : i32 to vector<16xi32>
        %sub3A_369 = arith.subi %add3A_363, %sub3A_368 : vector<16xi32>
        %select_n3A_370 = arith.select %ge3A_366, %sub3A_369, %add3A_363 : vector<16xi1>, vector<16xi32>
        %gather3A_371 = arith.constant 0 : i32
        %gather3A_372 = arith.constant 0 : i32
        %gather3A_373 = tpu.memref_slice %arg6[%rem3A_83, %gather3A_371, %gather3A_372] : memref<3x128x128xf32, #tpu.memory_space<vmem>> -> memref<1x128x128xf32, #tpu.memory_space<vmem>>
        %gather3A_374 = tpu.memref_squeeze %gather3A_373 : memref<1x128x128xf32, #tpu.memory_space<vmem>> -> memref<128x128xf32, #tpu.memory_space<vmem>>
        %gather3A_375 = tpu.vector_load_idx %gather3A_374[%add3A_134, %select_n3A_370] : memref<128x128xf32, #tpu.memory_space<vmem>>[vector<16xi32>, vector<16xi32>], vector<16xf32>,
        %mul3A_376 = arith.mulf %gather3A_375, %gather3A_375 : vector<16xf32>
        %add3A_377 = arith.addf %add3A_360, %mul3A_376 : vector<16xf32>
        %add3A_378 = arith.constant 1 : i32
        %add3A_379 = vector.broadcast %add3A_378 : i32 to vector<16xi32>
        %add3A_380 = arith.addi %select_n3A_370, %add3A_379 : vector<16xi32>
        %ge3A_381 = arith.constant 64 : i32
        %ge3A_382 = vector.broadcast %ge3A_381 : i32 to vector<16xi32>
        %ge3A_383 = arith.cmpi sge, %add3A_380, %ge3A_382 : vector<16xi32>
        %sub3A_384 = arith.constant 64 : i32
        %sub3A_385 = vector.broadcast %sub3A_384 : i32 to vector<16xi32>
        %sub3A_386 = arith.subi %add3A_380, %sub3A_385 : vector<16xi32>
        %select_n3A_387 = arith.select %ge3A_383, %sub3A_386, %add3A_380 : vector<16xi1>, vector<16xi32>
        %gather3A_388 = arith.constant 0 : i32
        %gather3A_389 = arith.constant 0 : i32
        %gather3A_390 = tpu.memref_slice %arg6[%rem3A_83, %gather3A_388, %gather3A_389] : memref<3x128x128xf32, #tpu.memory_space<vmem>> -> memref<1x128x128xf32, #tpu.memory_space<vmem>>
        %gather3A_391 = tpu.memref_squeeze %gather3A_390 : memref<1x128x128xf32, #tpu.memory_space<vmem>> -> memref<128x128xf32, #tpu.memory_space<vmem>>
        %gather3A_392 = tpu.vector_load_idx %gather3A_391[%add3A_134, %select_n3A_387] : memref<128x128xf32, #tpu.memory_space<vmem>>[vector<16xi32>, vector<16xi32>], vector<16xf32>,
        %mul3A_393 = arith.mulf %gather3A_392, %gather3A_392 : vector<16xf32>
        %add3A_394 = arith.addf %add3A_377, %mul3A_393 : vector<16xf32>
        %add3A_395 = arith.constant 1 : i32
        %add3A_396 = vector.broadcast %add3A_395 : i32 to vector<16xi32>
        %add3A_397 = arith.addi %select_n3A_387, %add3A_396 : vector<16xi32>
        %ge3A_398 = arith.constant 64 : i32
        %ge3A_399 = vector.broadcast %ge3A_398 : i32 to vector<16xi32>
        %ge3A_400 = arith.cmpi sge, %add3A_397, %ge3A_399 : vector<16xi32>
        %sub3A_401 = arith.constant 64 : i32
        %sub3A_402 = vector.broadcast %sub3A_401 : i32 to vector<16xi32>
        %sub3A_403 = arith.subi %add3A_397, %sub3A_402 : vector<16xi32>
        %select_n3A_404 = arith.select %ge3A_400, %sub3A_403, %add3A_397 : vector<16xi1>, vector<16xi32>
        %gather3A_405 = arith.constant 0 : i32
        %gather3A_406 = arith.constant 0 : i32
        %gather3A_407 = tpu.memref_slice %arg6[%rem3A_83, %gather3A_405, %gather3A_406] : memref<3x128x128xf32, #tpu.memory_space<vmem>> -> memref<1x128x128xf32, #tpu.memory_space<vmem>>
        %gather3A_408 = tpu.memref_squeeze %gather3A_407 : memref<1x128x128xf32, #tpu.memory_space<vmem>> -> memref<128x128xf32, #tpu.memory_space<vmem>>
        %gather3A_409 = tpu.vector_load_idx %gather3A_408[%add3A_134, %select_n3A_404] : memref<128x128xf32, #tpu.memory_space<vmem>>[vector<16xi32>, vector<16xi32>], vector<16xf32>,
        %mul3A_410 = arith.mulf %gather3A_409, %gather3A_409 : vector<16xf32>
        %add3A_411 = arith.addf %add3A_394, %mul3A_410 : vector<16xf32>
        %add3A_412 = arith.constant 1 : i32
        %add3A_413 = vector.broadcast %add3A_412 : i32 to vector<16xi32>
        %add3A_414 = arith.addi %select_n3A_404, %add3A_413 : vector<16xi32>
        %ge3A_415 = arith.constant 64 : i32
        %ge3A_416 = vector.broadcast %ge3A_415 : i32 to vector<16xi32>
        %ge3A_417 = arith.cmpi sge, %add3A_414, %ge3A_416 : vector<16xi32>
        %sub3A_418 = arith.constant 64 : i32
        %sub3A_419 = vector.broadcast %sub3A_418 : i32 to vector<16xi32>
        %sub3A_420 = arith.subi %add3A_414, %sub3A_419 : vector<16xi32>
        %select_n3A_421 = arith.select %ge3A_417, %sub3A_420, %add3A_414 : vector<16xi1>, vector<16xi32>
        %gather3A_422 = arith.constant 0 : i32
        %gather3A_423 = arith.constant 0 : i32
        %gather3A_424 = tpu.memref_slice %arg6[%rem3A_83, %gather3A_422, %gather3A_423] : memref<3x128x128xf32, #tpu.memory_space<vmem>> -> memref<1x128x128xf32, #tpu.memory_space<vmem>>
        %gather3A_425 = tpu.memref_squeeze %gather3A_424 : memref<1x128x128xf32, #tpu.memory_space<vmem>> -> memref<128x128xf32, #tpu.memory_space<vmem>>
        %gather3A_426 = tpu.vector_load_idx %gather3A_425[%add3A_134, %select_n3A_421] : memref<128x128xf32, #tpu.memory_space<vmem>>[vector<16xi32>, vector<16xi32>], vector<16xf32>,
        %mul3A_427 = arith.mulf %gather3A_426, %gather3A_426 : vector<16xf32>
        %add3A_428 = arith.addf %add3A_411, %mul3A_427 : vector<16xf32>
        %add3A_429 = arith.constant 1 : i32
        %add3A_430 = vector.broadcast %add3A_429 : i32 to vector<16xi32>
        %add3A_431 = arith.addi %select_n3A_421, %add3A_430 : vector<16xi32>
        %ge3A_432 = arith.constant 64 : i32
        %ge3A_433 = vector.broadcast %ge3A_432 : i32 to vector<16xi32>
        %ge3A_434 = arith.cmpi sge, %add3A_431, %ge3A_433 : vector<16xi32>
        %sub3A_435 = arith.constant 64 : i32
        %sub3A_436 = vector.broadcast %sub3A_435 : i32 to vector<16xi32>
        %sub3A_437 = arith.subi %add3A_431, %sub3A_436 : vector<16xi32>
        %select_n3A_438 = arith.select %ge3A_434, %sub3A_437, %add3A_431 : vector<16xi1>, vector<16xi32>
        %gather3A_439 = arith.constant 0 : i32
        %gather3A_440 = arith.constant 0 : i32
        %gather3A_441 = tpu.memref_slice %arg6[%rem3A_83, %gather3A_439, %gather3A_440] : memref<3x128x128xf32, #tpu.memory_space<vmem>> -> memref<1x128x128xf32, #tpu.memory_space<vmem>>
        %gather3A_442 = tpu.memref_squeeze %gather3A_441 : memref<1x128x128xf32, #tpu.memory_space<vmem>> -> memref<128x128xf32, #tpu.memory_space<vmem>>
        %gather3A_443 = tpu.vector_load_idx %gather3A_442[%add3A_134, %select_n3A_438] : memref<128x128xf32, #tpu.memory_space<vmem>>[vector<16xi32>, vector<16xi32>], vector<16xf32>,
        %mul3A_444 = arith.mulf %gather3A_443, %gather3A_443 : vector<16xf32>
        %add3A_445 = arith.addf %add3A_428, %mul3A_444 : vector<16xf32>
        %add3A_446 = arith.constant 1 : i32
        %add3A_447 = vector.broadcast %add3A_446 : i32 to vector<16xi32>
        %add3A_448 = arith.addi %select_n3A_438, %add3A_447 : vector<16xi32>
        %ge3A_449 = arith.constant 64 : i32
        %ge3A_450 = vector.broadcast %ge3A_449 : i32 to vector<16xi32>
        %ge3A_451 = arith.cmpi sge, %add3A_448, %ge3A_450 : vector<16xi32>
        %sub3A_452 = arith.constant 64 : i32
        %sub3A_453 = vector.broadcast %sub3A_452 : i32 to vector<16xi32>
        %sub3A_454 = arith.subi %add3A_448, %sub3A_453 : vector<16xi32>
        %select_n3A_455 = arith.select %ge3A_451, %sub3A_454, %add3A_448 : vector<16xi1>, vector<16xi32>
        %gather3A_456 = arith.constant 0 : i32
        %gather3A_457 = arith.constant 0 : i32
        %gather3A_458 = tpu.memref_slice %arg6[%rem3A_83, %gather3A_456, %gather3A_457] : memref<3x128x128xf32, #tpu.memory_space<vmem>> -> memref<1x128x128xf32, #tpu.memory_space<vmem>>
        %gather3A_459 = tpu.memref_squeeze %gather3A_458 : memref<1x128x128xf32, #tpu.memory_space<vmem>> -> memref<128x128xf32, #tpu.memory_space<vmem>>
        %gather3A_460 = tpu.vector_load_idx %gather3A_459[%add3A_134, %select_n3A_455] : memref<128x128xf32, #tpu.memory_space<vmem>>[vector<16xi32>, vector<16xi32>], vector<16xf32>,
        %mul3A_461 = arith.mulf %gather3A_460, %gather3A_460 : vector<16xf32>
        %add3A_462 = arith.addf %add3A_445, %mul3A_461 : vector<16xf32>
        %add3A_463 = arith.constant 1 : i32
        %add3A_464 = vector.broadcast %add3A_463 : i32 to vector<16xi32>
        %add3A_465 = arith.addi %select_n3A_455, %add3A_464 : vector<16xi32>
        %ge3A_466 = arith.constant 64 : i32
        %ge3A_467 = vector.broadcast %ge3A_466 : i32 to vector<16xi32>
        %ge3A_468 = arith.cmpi sge, %add3A_465, %ge3A_467 : vector<16xi32>
        %sub3A_469 = arith.constant 64 : i32
        %sub3A_470 = vector.broadcast %sub3A_469 : i32 to vector<16xi32>
        %sub3A_471 = arith.subi %add3A_465, %sub3A_470 : vector<16xi32>
        %select_n3A_472 = arith.select %ge3A_468, %sub3A_471, %add3A_465 : vector<16xi1>, vector<16xi32>
        %gather3A_473 = arith.constant 0 : i32
        %gather3A_474 = arith.constant 0 : i32
        %gather3A_475 = tpu.memref_slice %arg6[%rem3A_83, %gather3A_473, %gather3A_474] : memref<3x128x128xf32, #tpu.memory_space<vmem>> -> memref<1x128x128xf32, #tpu.memory_space<vmem>>
        %gather3A_476 = tpu.memref_squeeze %gather3A_475 : memref<1x128x128xf32, #tpu.memory_space<vmem>> -> memref<128x128xf32, #tpu.memory_space<vmem>>
        %gather3A_477 = tpu.vector_load_idx %gather3A_476[%add3A_134, %select_n3A_472] : memref<128x128xf32, #tpu.memory_space<vmem>>[vector<16xi32>, vector<16xi32>], vector<16xf32>,
        %mul3A_478 = arith.mulf %gather3A_477, %gather3A_477 : vector<16xf32>
        %add3A_479 = arith.addf %add3A_462, %mul3A_478 : vector<16xf32>
        %add3A_480 = arith.constant 1 : i32
        %add3A_481 = vector.broadcast %add3A_480 : i32 to vector<16xi32>
        %add3A_482 = arith.addi %select_n3A_472, %add3A_481 : vector<16xi32>
        %ge3A_483 = arith.constant 64 : i32
        %ge3A_484 = vector.broadcast %ge3A_483 : i32 to vector<16xi32>
        %ge3A_485 = arith.cmpi sge, %add3A_482, %ge3A_484 : vector<16xi32>
        %sub3A_486 = arith.constant 64 : i32
        %sub3A_487 = vector.broadcast %sub3A_486 : i32 to vector<16xi32>
        %sub3A_488 = arith.subi %add3A_482, %sub3A_487 : vector<16xi32>
        %select_n3A_489 = arith.select %ge3A_485, %sub3A_488, %add3A_482 : vector<16xi1>, vector<16xi32>
        %gather3A_490 = arith.constant 0 : i32
        %gather3A_491 = arith.constant 0 : i32
        %gather3A_492 = tpu.memref_slice %arg6[%rem3A_83, %gather3A_490, %gather3A_491] : memref<3x128x128xf32, #tpu.memory_space<vmem>> -> memref<1x128x128xf32, #tpu.memory_space<vmem>>
        %gather3A_493 = tpu.memref_squeeze %gather3A_492 : memref<1x128x128xf32, #tpu.memory_space<vmem>> -> memref<128x128xf32, #tpu.memory_space<vmem>>
        %gather3A_494 = tpu.vector_load_idx %gather3A_493[%add3A_134, %select_n3A_489] : memref<128x128xf32, #tpu.memory_space<vmem>>[vector<16xi32>, vector<16xi32>], vector<16xf32>,
        %mul3A_495 = arith.mulf %gather3A_494, %gather3A_494 : vector<16xf32>
        %add3A_496 = arith.addf %add3A_479, %mul3A_495 : vector<16xf32>
        %add3A_497 = arith.constant 1 : i32
        %add3A_498 = vector.broadcast %add3A_497 : i32 to vector<16xi32>
        %add3A_499 = arith.addi %select_n3A_489, %add3A_498 : vector<16xi32>
        %ge3A_500 = arith.constant 64 : i32
        %ge3A_501 = vector.broadcast %ge3A_500 : i32 to vector<16xi32>
        %ge3A_502 = arith.cmpi sge, %add3A_499, %ge3A_501 : vector<16xi32>
        %sub3A_503 = arith.constant 64 : i32
        %sub3A_504 = vector.broadcast %sub3A_503 : i32 to vector<16xi32>
        %sub3A_505 = arith.subi %add3A_499, %sub3A_504 : vector<16xi32>
        %select_n3A_506 = arith.select %ge3A_502, %sub3A_505, %add3A_499 : vector<16xi1>, vector<16xi32>
        %gather3A_507 = arith.constant 0 : i32
        %gather3A_508 = arith.constant 0 : i32
        %gather3A_509 = tpu.memref_slice %arg6[%rem3A_83, %gather3A_507, %gather3A_508] : memref<3x128x128xf32, #tpu.memory_space<vmem>> -> memref<1x128x128xf32, #tpu.memory_space<vmem>>
        %gather3A_510 = tpu.memref_squeeze %gather3A_509 : memref<1x128x128xf32, #tpu.memory_space<vmem>> -> memref<128x128xf32, #tpu.memory_space<vmem>>
        %gather3A_511 = tpu.vector_load_idx %gather3A_510[%add3A_134, %select_n3A_506] : memref<128x128xf32, #tpu.memory_space<vmem>>[vector<16xi32>, vector<16xi32>], vector<16xf32>,
        %mul3A_512 = arith.mulf %gather3A_511, %gather3A_511 : vector<16xf32>
        %add3A_513 = arith.addf %add3A_496, %mul3A_512 : vector<16xf32>
        %add3A_514 = arith.constant 1 : i32
        %add3A_515 = vector.broadcast %add3A_514 : i32 to vector<16xi32>
        %add3A_516 = arith.addi %select_n3A_506, %add3A_515 : vector<16xi32>
        %ge3A_517 = arith.constant 64 : i32
        %ge3A_518 = vector.broadcast %ge3A_517 : i32 to vector<16xi32>
        %ge3A_519 = arith.cmpi sge, %add3A_516, %ge3A_518 : vector<16xi32>
        %sub3A_520 = arith.constant 64 : i32
        %sub3A_521 = vector.broadcast %sub3A_520 : i32 to vector<16xi32>
        %sub3A_522 = arith.subi %add3A_516, %sub3A_521 : vector<16xi32>
        %select_n3A_523 = arith.select %ge3A_519, %sub3A_522, %add3A_516 : vector<16xi1>, vector<16xi32>
        %gather3A_524 = arith.constant 0 : i32
        %gather3A_525 = arith.constant 0 : i32
        %gather3A_526 = tpu.memref_slice %arg6[%rem3A_83, %gather3A_524, %gather3A_525] : memref<3x128x128xf32, #tpu.memory_space<vmem>> -> memref<1x128x128xf32, #tpu.memory_space<vmem>>
        %gather3A_527 = tpu.memref_squeeze %gather3A_526 : memref<1x128x128xf32, #tpu.memory_space<vmem>> -> memref<128x128xf32, #tpu.memory_space<vmem>>
        %gather3A_528 = tpu.vector_load_idx %gather3A_527[%add3A_134, %select_n3A_523] : memref<128x128xf32, #tpu.memory_space<vmem>>[vector<16xi32>, vector<16xi32>], vector<16xf32>,
        %mul3A_529 = arith.mulf %gather3A_528, %gather3A_528 : vector<16xf32>
        %add3A_530 = arith.addf %add3A_513, %mul3A_529 : vector<16xf32>
        %add3A_531 = arith.constant 1 : i32
        %add3A_532 = vector.broadcast %add3A_531 : i32 to vector<16xi32>
        %add3A_533 = arith.addi %select_n3A_523, %add3A_532 : vector<16xi32>
        %ge3A_534 = arith.constant 64 : i32
        %ge3A_535 = vector.broadcast %ge3A_534 : i32 to vector<16xi32>
        %ge3A_536 = arith.cmpi sge, %add3A_533, %ge3A_535 : vector<16xi32>
        %sub3A_537 = arith.constant 64 : i32
        %sub3A_538 = vector.broadcast %sub3A_537 : i32 to vector<16xi32>
        %sub3A_539 = arith.subi %add3A_533, %sub3A_538 : vector<16xi32>
        %select_n3A_540 = arith.select %ge3A_536, %sub3A_539, %add3A_533 : vector<16xi1>, vector<16xi32>
        %gather3A_541 = arith.constant 0 : i32
        %gather3A_542 = arith.constant 0 : i32
        %gather3A_543 = tpu.memref_slice %arg6[%rem3A_83, %gather3A_541, %gather3A_542] : memref<3x128x128xf32, #tpu.memory_space<vmem>> -> memref<1x128x128xf32, #tpu.memory_space<vmem>>
        %gather3A_544 = tpu.memref_squeeze %gather3A_543 : memref<1x128x128xf32, #tpu.memory_space<vmem>> -> memref<128x128xf32, #tpu.memory_space<vmem>>
        %gather3A_545 = tpu.vector_load_idx %gather3A_544[%add3A_134, %select_n3A_540] : memref<128x128xf32, #tpu.memory_space<vmem>>[vector<16xi32>, vector<16xi32>], vector<16xf32>,
        %mul3A_546 = arith.mulf %gather3A_545, %gather3A_545 : vector<16xf32>
        %add3A_547 = arith.addf %add3A_530, %mul3A_546 : vector<16xf32>
        %add3A_548 = arith.constant 1 : i32
        %add3A_549 = vector.broadcast %add3A_548 : i32 to vector<16xi32>
        %add3A_550 = arith.addi %select_n3A_540, %add3A_549 : vector<16xi32>
        %ge3A_551 = arith.constant 64 : i32
        %ge3A_552 = vector.broadcast %ge3A_551 : i32 to vector<16xi32>
        %ge3A_553 = arith.cmpi sge, %add3A_550, %ge3A_552 : vector<16xi32>
        %sub3A_554 = arith.constant 64 : i32
        %sub3A_555 = vector.broadcast %sub3A_554 : i32 to vector<16xi32>
        %sub3A_556 = arith.subi %add3A_550, %sub3A_555 : vector<16xi32>
        %select_n3A_557 = arith.select %ge3A_553, %sub3A_556, %add3A_550 : vector<16xi1>, vector<16xi32>
        %gather3A_558 = arith.constant 0 : i32
        %gather3A_559 = arith.constant 0 : i32
        %gather3A_560 = tpu.memref_slice %arg6[%rem3A_83, %gather3A_558, %gather3A_559] : memref<3x128x128xf32, #tpu.memory_space<vmem>> -> memref<1x128x128xf32, #tpu.memory_space<vmem>>
        %gather3A_561 = tpu.memref_squeeze %gather3A_560 : memref<1x128x128xf32, #tpu.memory_space<vmem>> -> memref<128x128xf32, #tpu.memory_space<vmem>>
        %gather3A_562 = tpu.vector_load_idx %gather3A_561[%add3A_134, %select_n3A_557] : memref<128x128xf32, #tpu.memory_space<vmem>>[vector<16xi32>, vector<16xi32>], vector<16xf32>,
        %mul3A_563 = arith.mulf %gather3A_562, %gather3A_562 : vector<16xf32>
        %add3A_564 = arith.addf %add3A_547, %mul3A_563 : vector<16xf32>
        %add3A_565 = arith.constant 1 : i32
        %add3A_566 = vector.broadcast %add3A_565 : i32 to vector<16xi32>
        %add3A_567 = arith.addi %select_n3A_557, %add3A_566 : vector<16xi32>
        %ge3A_568 = arith.constant 64 : i32
        %ge3A_569 = vector.broadcast %ge3A_568 : i32 to vector<16xi32>
        %ge3A_570 = arith.cmpi sge, %add3A_567, %ge3A_569 : vector<16xi32>
        %sub3A_571 = arith.constant 64 : i32
        %sub3A_572 = vector.broadcast %sub3A_571 : i32 to vector<16xi32>
        %sub3A_573 = arith.subi %add3A_567, %sub3A_572 : vector<16xi32>
        %select_n3A_574 = arith.select %ge3A_570, %sub3A_573, %add3A_567 : vector<16xi1>, vector<16xi32>
        %gather3A_575 = arith.constant 0 : i32
        %gather3A_576 = arith.constant 0 : i32
        %gather3A_577 = tpu.memref_slice %arg6[%rem3A_83, %gather3A_575, %gather3A_576] : memref<3x128x128xf32, #tpu.memory_space<vmem>> -> memref<1x128x128xf32, #tpu.memory_space<vmem>>
        %gather3A_578 = tpu.memref_squeeze %gather3A_577 : memref<1x128x128xf32, #tpu.memory_space<vmem>> -> memref<128x128xf32, #tpu.memory_space<vmem>>
        %gather3A_579 = tpu.vector_load_idx %gather3A_578[%add3A_134, %select_n3A_574] : memref<128x128xf32, #tpu.memory_space<vmem>>[vector<16xi32>, vector<16xi32>], vector<16xf32>,
        %mul3A_580 = arith.mulf %gather3A_579, %gather3A_579 : vector<16xf32>
        %add3A_581 = arith.addf %add3A_564, %mul3A_580 : vector<16xf32>
        %add3A_582 = arith.constant 1 : i32
        %add3A_583 = vector.broadcast %add3A_582 : i32 to vector<16xi32>
        %add3A_584 = arith.addi %select_n3A_574, %add3A_583 : vector<16xi32>
        %ge3A_585 = arith.constant 64 : i32
        %ge3A_586 = vector.broadcast %ge3A_585 : i32 to vector<16xi32>
        %ge3A_587 = arith.cmpi sge, %add3A_584, %ge3A_586 : vector<16xi32>
        %sub3A_588 = arith.constant 64 : i32
        %sub3A_589 = vector.broadcast %sub3A_588 : i32 to vector<16xi32>
        %sub3A_590 = arith.subi %add3A_584, %sub3A_589 : vector<16xi32>
        %select_n3A_591 = arith.select %ge3A_587, %sub3A_590, %add3A_584 : vector<16xi1>, vector<16xi32>
        %gather3A_592 = arith.constant 0 : i32
        %gather3A_593 = arith.constant 0 : i32
        %gather3A_594 = tpu.memref_slice %arg6[%rem3A_83, %gather3A_592, %gather3A_593] : memref<3x128x128xf32, #tpu.memory_space<vmem>> -> memref<1x128x128xf32, #tpu.memory_space<vmem>>
        %gather3A_595 = tpu.memref_squeeze %gather3A_594 : memref<1x128x128xf32, #tpu.memory_space<vmem>> -> memref<128x128xf32, #tpu.memory_space<vmem>>
        %gather3A_596 = tpu.vector_load_idx %gather3A_595[%add3A_134, %select_n3A_591] : memref<128x128xf32, #tpu.memory_space<vmem>>[vector<16xi32>, vector<16xi32>], vector<16xf32>,
        %mul3A_597 = arith.mulf %gather3A_596, %gather3A_596 : vector<16xf32>
        %add3A_598 = arith.addf %add3A_581, %mul3A_597 : vector<16xf32>
        %add3A_599 = arith.constant 1 : i32
        %add3A_600 = vector.broadcast %add3A_599 : i32 to vector<16xi32>
        %add3A_601 = arith.addi %select_n3A_591, %add3A_600 : vector<16xi32>
        %ge3A_602 = arith.constant 64 : i32
        %ge3A_603 = vector.broadcast %ge3A_602 : i32 to vector<16xi32>
        %ge3A_604 = arith.cmpi sge, %add3A_601, %ge3A_603 : vector<16xi32>
        %sub3A_605 = arith.constant 64 : i32
        %sub3A_606 = vector.broadcast %sub3A_605 : i32 to vector<16xi32>
        %sub3A_607 = arith.subi %add3A_601, %sub3A_606 : vector<16xi32>
        %select_n3A_608 = arith.select %ge3A_604, %sub3A_607, %add3A_601 : vector<16xi1>, vector<16xi32>
        %gather3A_609 = arith.constant 0 : i32
        %gather3A_610 = arith.constant 0 : i32
        %gather3A_611 = tpu.memref_slice %arg6[%rem3A_83, %gather3A_609, %gather3A_610] : memref<3x128x128xf32, #tpu.memory_space<vmem>> -> memref<1x128x128xf32, #tpu.memory_space<vmem>>
        %gather3A_612 = tpu.memref_squeeze %gather3A_611 : memref<1x128x128xf32, #tpu.memory_space<vmem>> -> memref<128x128xf32, #tpu.memory_space<vmem>>
        %gather3A_613 = tpu.vector_load_idx %gather3A_612[%add3A_134, %select_n3A_608] : memref<128x128xf32, #tpu.memory_space<vmem>>[vector<16xi32>, vector<16xi32>], vector<16xf32>,
        %mul3A_614 = arith.mulf %gather3A_613, %gather3A_613 : vector<16xf32>
        %add3A_615 = arith.addf %add3A_598, %mul3A_614 : vector<16xf32>
        %add3A_616 = arith.constant 1 : i32
        %add3A_617 = vector.broadcast %add3A_616 : i32 to vector<16xi32>
        %add3A_618 = arith.addi %select_n3A_608, %add3A_617 : vector<16xi32>
        %ge3A_619 = arith.constant 64 : i32
        %ge3A_620 = vector.broadcast %ge3A_619 : i32 to vector<16xi32>
        %ge3A_621 = arith.cmpi sge, %add3A_618, %ge3A_620 : vector<16xi32>
        %sub3A_622 = arith.constant 64 : i32
        %sub3A_623 = vector.broadcast %sub3A_622 : i32 to vector<16xi32>
        %sub3A_624 = arith.subi %add3A_618, %sub3A_623 : vector<16xi32>
        %select_n3A_625 = arith.select %ge3A_621, %sub3A_624, %add3A_618 : vector<16xi1>, vector<16xi32>
        %gather3A_626 = arith.constant 0 : i32
        %gather3A_627 = arith.constant 0 : i32
        %gather3A_628 = tpu.memref_slice %arg6[%rem3A_83, %gather3A_626, %gather3A_627] : memref<3x128x128xf32, #tpu.memory_space<vmem>> -> memref<1x128x128xf32, #tpu.memory_space<vmem>>
        %gather3A_629 = tpu.memref_squeeze %gather3A_628 : memref<1x128x128xf32, #tpu.memory_space<vmem>> -> memref<128x128xf32, #tpu.memory_space<vmem>>
        %gather3A_630 = tpu.vector_load_idx %gather3A_629[%add3A_134, %select_n3A_625] : memref<128x128xf32, #tpu.memory_space<vmem>>[vector<16xi32>, vector<16xi32>], vector<16xf32>,
        %mul3A_631 = arith.mulf %gather3A_630, %gather3A_630 : vector<16xf32>
        %add3A_632 = arith.addf %add3A_615, %mul3A_631 : vector<16xf32>
        %add3A_633 = arith.constant 1 : i32
        %add3A_634 = vector.broadcast %add3A_633 : i32 to vector<16xi32>
        %add3A_635 = arith.addi %select_n3A_625, %add3A_634 : vector<16xi32>
        %ge3A_636 = arith.constant 64 : i32
        %ge3A_637 = vector.broadcast %ge3A_636 : i32 to vector<16xi32>
        %ge3A_638 = arith.cmpi sge, %add3A_635, %ge3A_637 : vector<16xi32>
        %sub3A_639 = arith.constant 64 : i32
        %sub3A_640 = vector.broadcast %sub3A_639 : i32 to vector<16xi32>
        %sub3A_641 = arith.subi %add3A_635, %sub3A_640 : vector<16xi32>
        %select_n3A_642 = arith.select %ge3A_638, %sub3A_641, %add3A_635 : vector<16xi1>, vector<16xi32>
        %gather3A_643 = arith.constant 0 : i32
        %gather3A_644 = arith.constant 0 : i32
        %gather3A_645 = tpu.memref_slice %arg6[%rem3A_83, %gather3A_643, %gather3A_644] : memref<3x128x128xf32, #tpu.memory_space<vmem>> -> memref<1x128x128xf32, #tpu.memory_space<vmem>>
        %gather3A_646 = tpu.memref_squeeze %gather3A_645 : memref<1x128x128xf32, #tpu.memory_space<vmem>> -> memref<128x128xf32, #tpu.memory_space<vmem>>
        %gather3A_647 = tpu.vector_load_idx %gather3A_646[%add3A_134, %select_n3A_642] : memref<128x128xf32, #tpu.memory_space<vmem>>[vector<16xi32>, vector<16xi32>], vector<16xf32>,
        %mul3A_648 = arith.mulf %gather3A_647, %gather3A_647 : vector<16xf32>
        %add3A_649 = arith.addf %add3A_632, %mul3A_648 : vector<16xf32>
        %add3A_650 = arith.constant 1 : i32
        %add3A_651 = vector.broadcast %add3A_650 : i32 to vector<16xi32>
        %add3A_652 = arith.addi %select_n3A_642, %add3A_651 : vector<16xi32>
        %ge3A_653 = arith.constant 64 : i32
        %ge3A_654 = vector.broadcast %ge3A_653 : i32 to vector<16xi32>
        %ge3A_655 = arith.cmpi sge, %add3A_652, %ge3A_654 : vector<16xi32>
        %sub3A_656 = arith.constant 64 : i32
        %sub3A_657 = vector.broadcast %sub3A_656 : i32 to vector<16xi32>
        %sub3A_658 = arith.subi %add3A_652, %sub3A_657 : vector<16xi32>
        %select_n3A_659 = arith.select %ge3A_655, %sub3A_658, %add3A_652 : vector<16xi1>, vector<16xi32>
        %gather3A_660 = arith.constant 0 : i32
        %gather3A_661 = arith.constant 0 : i32
        %gather3A_662 = tpu.memref_slice %arg6[%rem3A_83, %gather3A_660, %gather3A_661] : memref<3x128x128xf32, #tpu.memory_space<vmem>> -> memref<1x128x128xf32, #tpu.memory_space<vmem>>
        %gather3A_663 = tpu.memref_squeeze %gather3A_662 : memref<1x128x128xf32, #tpu.memory_space<vmem>> -> memref<128x128xf32, #tpu.memory_space<vmem>>
        %gather3A_664 = tpu.vector_load_idx %gather3A_663[%add3A_134, %select_n3A_659] : memref<128x128xf32, #tpu.memory_space<vmem>>[vector<16xi32>, vector<16xi32>], vector<16xf32>,
        %mul3A_665 = arith.mulf %gather3A_664, %gather3A_664 : vector<16xf32>
        %add3A_666 = arith.addf %add3A_649, %mul3A_665 : vector<16xf32>
        %add3A_667 = arith.constant 1 : i32
        %add3A_668 = vector.broadcast %add3A_667 : i32 to vector<16xi32>
        %add3A_669 = arith.addi %select_n3A_659, %add3A_668 : vector<16xi32>
        %ge3A_670 = arith.constant 64 : i32
        %ge3A_671 = vector.broadcast %ge3A_670 : i32 to vector<16xi32>
        %ge3A_672 = arith.cmpi sge, %add3A_669, %ge3A_671 : vector<16xi32>
        %sub3A_673 = arith.constant 64 : i32
        %sub3A_674 = vector.broadcast %sub3A_673 : i32 to vector<16xi32>
        %sub3A_675 = arith.subi %add3A_669, %sub3A_674 : vector<16xi32>
        %select_n3A_676 = arith.select %ge3A_672, %sub3A_675, %add3A_669 : vector<16xi1>, vector<16xi32>
        %gather3A_677 = arith.constant 0 : i32
        %gather3A_678 = arith.constant 0 : i32
        %gather3A_679 = tpu.memref_slice %arg6[%rem3A_83, %gather3A_677, %gather3A_678] : memref<3x128x128xf32, #tpu.memory_space<vmem>> -> memref<1x128x128xf32, #tpu.memory_space<vmem>>
        %gather3A_680 = tpu.memref_squeeze %gather3A_679 : memref<1x128x128xf32, #tpu.memory_space<vmem>> -> memref<128x128xf32, #tpu.memory_space<vmem>>
        %gather3A_681 = tpu.vector_load_idx %gather3A_680[%add3A_134, %select_n3A_676] : memref<128x128xf32, #tpu.memory_space<vmem>>[vector<16xi32>, vector<16xi32>], vector<16xf32>,
        %mul3A_682 = arith.mulf %gather3A_681, %gather3A_681 : vector<16xf32>
        %add3A_683 = arith.addf %add3A_666, %mul3A_682 : vector<16xf32>
        %add3A_684 = arith.constant 1 : i32
        %add3A_685 = vector.broadcast %add3A_684 : i32 to vector<16xi32>
        %add3A_686 = arith.addi %select_n3A_676, %add3A_685 : vector<16xi32>
        %ge3A_687 = arith.constant 64 : i32
        %ge3A_688 = vector.broadcast %ge3A_687 : i32 to vector<16xi32>
        %ge3A_689 = arith.cmpi sge, %add3A_686, %ge3A_688 : vector<16xi32>
        %sub3A_690 = arith.constant 64 : i32
        %sub3A_691 = vector.broadcast %sub3A_690 : i32 to vector<16xi32>
        %sub3A_692 = arith.subi %add3A_686, %sub3A_691 : vector<16xi32>
        %select_n3A_693 = arith.select %ge3A_689, %sub3A_692, %add3A_686 : vector<16xi1>, vector<16xi32>
        %gather3A_694 = arith.constant 0 : i32
        %gather3A_695 = arith.constant 0 : i32
        %gather3A_696 = tpu.memref_slice %arg6[%rem3A_83, %gather3A_694, %gather3A_695] : memref<3x128x128xf32, #tpu.memory_space<vmem>> -> memref<1x128x128xf32, #tpu.memory_space<vmem>>
        %gather3A_697 = tpu.memref_squeeze %gather3A_696 : memref<1x128x128xf32, #tpu.memory_space<vmem>> -> memref<128x128xf32, #tpu.memory_space<vmem>>
        %gather3A_698 = tpu.vector_load_idx %gather3A_697[%add3A_134, %select_n3A_693] : memref<128x128xf32, #tpu.memory_space<vmem>>[vector<16xi32>, vector<16xi32>], vector<16xf32>,
        %mul3A_699 = arith.mulf %gather3A_698, %gather3A_698 : vector<16xf32>
        %add3A_700 = arith.addf %add3A_683, %mul3A_699 : vector<16xf32>
        %add3A_701 = arith.constant 1 : i32
        %add3A_702 = vector.broadcast %add3A_701 : i32 to vector<16xi32>
        %add3A_703 = arith.addi %select_n3A_693, %add3A_702 : vector<16xi32>
        %ge3A_704 = arith.constant 64 : i32
        %ge3A_705 = vector.broadcast %ge3A_704 : i32 to vector<16xi32>
        %ge3A_706 = arith.cmpi sge, %add3A_703, %ge3A_705 : vector<16xi32>
        %sub3A_707 = arith.constant 64 : i32
        %sub3A_708 = vector.broadcast %sub3A_707 : i32 to vector<16xi32>
        %sub3A_709 = arith.subi %add3A_703, %sub3A_708 : vector<16xi32>
        %select_n3A_710 = arith.select %ge3A_706, %sub3A_709, %add3A_703 : vector<16xi1>, vector<16xi32>
        %gather3A_711 = arith.constant 0 : i32
        %gather3A_712 = arith.constant 0 : i32
        %gather3A_713 = tpu.memref_slice %arg6[%rem3A_83, %gather3A_711, %gather3A_712] : memref<3x128x128xf32, #tpu.memory_space<vmem>> -> memref<1x128x128xf32, #tpu.memory_space<vmem>>
        %gather3A_714 = tpu.memref_squeeze %gather3A_713 : memref<1x128x128xf32, #tpu.memory_space<vmem>> -> memref<128x128xf32, #tpu.memory_space<vmem>>
        %gather3A_715 = tpu.vector_load_idx %gather3A_714[%add3A_134, %select_n3A_710] : memref<128x128xf32, #tpu.memory_space<vmem>>[vector<16xi32>, vector<16xi32>], vector<16xf32>,
        %mul3A_716 = arith.mulf %gather3A_715, %gather3A_715 : vector<16xf32>
        %add3A_717 = arith.addf %add3A_700, %mul3A_716 : vector<16xf32>
        %add3A_718 = arith.constant 1 : i32
        %add3A_719 = vector.broadcast %add3A_718 : i32 to vector<16xi32>
        %add3A_720 = arith.addi %select_n3A_710, %add3A_719 : vector<16xi32>
        %ge3A_721 = arith.constant 64 : i32
        %ge3A_722 = vector.broadcast %ge3A_721 : i32 to vector<16xi32>
        %ge3A_723 = arith.cmpi sge, %add3A_720, %ge3A_722 : vector<16xi32>
        %sub3A_724 = arith.constant 64 : i32
        %sub3A_725 = vector.broadcast %sub3A_724 : i32 to vector<16xi32>
        %sub3A_726 = arith.subi %add3A_720, %sub3A_725 : vector<16xi32>
        %select_n3A_727 = arith.select %ge3A_723, %sub3A_726, %add3A_720 : vector<16xi1>, vector<16xi32>
        %gather3A_728 = arith.constant 0 : i32
        %gather3A_729 = arith.constant 0 : i32
        %gather3A_730 = tpu.memref_slice %arg6[%rem3A_83, %gather3A_728, %gather3A_729] : memref<3x128x128xf32, #tpu.memory_space<vmem>> -> memref<1x128x128xf32, #tpu.memory_space<vmem>>
        %gather3A_731 = tpu.memref_squeeze %gather3A_730 : memref<1x128x128xf32, #tpu.memory_space<vmem>> -> memref<128x128xf32, #tpu.memory_space<vmem>>
        %gather3A_732 = tpu.vector_load_idx %gather3A_731[%add3A_134, %select_n3A_727] : memref<128x128xf32, #tpu.memory_space<vmem>>[vector<16xi32>, vector<16xi32>], vector<16xf32>,
        %mul3A_733 = arith.mulf %gather3A_732, %gather3A_732 : vector<16xf32>
        %add3A_734 = arith.addf %add3A_717, %mul3A_733 : vector<16xf32>
        %add3A_735 = arith.constant 1 : i32
        %add3A_736 = vector.broadcast %add3A_735 : i32 to vector<16xi32>
        %add3A_737 = arith.addi %select_n3A_727, %add3A_736 : vector<16xi32>
        %ge3A_738 = arith.constant 64 : i32
        %ge3A_739 = vector.broadcast %ge3A_738 : i32 to vector<16xi32>
        %ge3A_740 = arith.cmpi sge, %add3A_737, %ge3A_739 : vector<16xi32>
        %sub3A_741 = arith.constant 64 : i32
        %sub3A_742 = vector.broadcast %sub3A_741 : i32 to vector<16xi32>
        %sub3A_743 = arith.subi %add3A_737, %sub3A_742 : vector<16xi32>
        %select_n3A_744 = arith.select %ge3A_740, %sub3A_743, %add3A_737 : vector<16xi1>, vector<16xi32>
        %gather3A_745 = arith.constant 0 : i32
        %gather3A_746 = arith.constant 0 : i32
        %gather3A_747 = tpu.memref_slice %arg6[%rem3A_83, %gather3A_745, %gather3A_746] : memref<3x128x128xf32, #tpu.memory_space<vmem>> -> memref<1x128x128xf32, #tpu.memory_space<vmem>>
        %gather3A_748 = tpu.memref_squeeze %gather3A_747 : memref<1x128x128xf32, #tpu.memory_space<vmem>> -> memref<128x128xf32, #tpu.memory_space<vmem>>
        %gather3A_749 = tpu.vector_load_idx %gather3A_748[%add3A_134, %select_n3A_744] : memref<128x128xf32, #tpu.memory_space<vmem>>[vector<16xi32>, vector<16xi32>], vector<16xf32>,
        %mul3A_750 = arith.mulf %gather3A_749, %gather3A_749 : vector<16xf32>
        %add3A_751 = arith.addf %add3A_734, %mul3A_750 : vector<16xf32>
        %add3A_752 = arith.constant 1 : i32
        %add3A_753 = vector.broadcast %add3A_752 : i32 to vector<16xi32>
        %add3A_754 = arith.addi %select_n3A_744, %add3A_753 : vector<16xi32>
        %ge3A_755 = arith.constant 64 : i32
        %ge3A_756 = vector.broadcast %ge3A_755 : i32 to vector<16xi32>
        %ge3A_757 = arith.cmpi sge, %add3A_754, %ge3A_756 : vector<16xi32>
        %sub3A_758 = arith.constant 64 : i32
        %sub3A_759 = vector.broadcast %sub3A_758 : i32 to vector<16xi32>
        %sub3A_760 = arith.subi %add3A_754, %sub3A_759 : vector<16xi32>
        %select_n3A_761 = arith.select %ge3A_757, %sub3A_760, %add3A_754 : vector<16xi1>, vector<16xi32>
        %gather3A_762 = arith.constant 0 : i32
        %gather3A_763 = arith.constant 0 : i32
        %gather3A_764 = tpu.memref_slice %arg6[%rem3A_83, %gather3A_762, %gather3A_763] : memref<3x128x128xf32, #tpu.memory_space<vmem>> -> memref<1x128x128xf32, #tpu.memory_space<vmem>>
        %gather3A_765 = tpu.memref_squeeze %gather3A_764 : memref<1x128x128xf32, #tpu.memory_space<vmem>> -> memref<128x128xf32, #tpu.memory_space<vmem>>
        %gather3A_766 = tpu.vector_load_idx %gather3A_765[%add3A_134, %select_n3A_761] : memref<128x128xf32, #tpu.memory_space<vmem>>[vector<16xi32>, vector<16xi32>], vector<16xf32>,
        %mul3A_767 = arith.mulf %gather3A_766, %gather3A_766 : vector<16xf32>
        %add3A_768 = arith.addf %add3A_751, %mul3A_767 : vector<16xf32>
        %add3A_769 = arith.constant 1 : i32
        %add3A_770 = vector.broadcast %add3A_769 : i32 to vector<16xi32>
        %add3A_771 = arith.addi %select_n3A_761, %add3A_770 : vector<16xi32>
        %ge3A_772 = arith.constant 64 : i32
        %ge3A_773 = vector.broadcast %ge3A_772 : i32 to vector<16xi32>
        %ge3A_774 = arith.cmpi sge, %add3A_771, %ge3A_773 : vector<16xi32>
        %sub3A_775 = arith.constant 64 : i32
        %sub3A_776 = vector.broadcast %sub3A_775 : i32 to vector<16xi32>
        %sub3A_777 = arith.subi %add3A_771, %sub3A_776 : vector<16xi32>
        %select_n3A_778 = arith.select %ge3A_774, %sub3A_777, %add3A_771 : vector<16xi1>, vector<16xi32>
        %gather3A_779 = arith.constant 0 : i32
        %gather3A_780 = arith.constant 0 : i32
        %gather3A_781 = tpu.memref_slice %arg6[%rem3A_83, %gather3A_779, %gather3A_780] : memref<3x128x128xf32, #tpu.memory_space<vmem>> -> memref<1x128x128xf32, #tpu.memory_space<vmem>>
        %gather3A_782 = tpu.memref_squeeze %gather3A_781 : memref<1x128x128xf32, #tpu.memory_space<vmem>> -> memref<128x128xf32, #tpu.memory_space<vmem>>
        %gather3A_783 = tpu.vector_load_idx %gather3A_782[%add3A_134, %select_n3A_778] : memref<128x128xf32, #tpu.memory_space<vmem>>[vector<16xi32>, vector<16xi32>], vector<16xf32>,
        %mul3A_784 = arith.mulf %gather3A_783, %gather3A_783 : vector<16xf32>
        %add3A_785 = arith.addf %add3A_768, %mul3A_784 : vector<16xf32>
        %add3A_786 = arith.constant 1 : i32
        %add3A_787 = vector.broadcast %add3A_786 : i32 to vector<16xi32>
        %add3A_788 = arith.addi %select_n3A_778, %add3A_787 : vector<16xi32>
        %ge3A_789 = arith.constant 64 : i32
        %ge3A_790 = vector.broadcast %ge3A_789 : i32 to vector<16xi32>
        %ge3A_791 = arith.cmpi sge, %add3A_788, %ge3A_790 : vector<16xi32>
        %sub3A_792 = arith.constant 64 : i32
        %sub3A_793 = vector.broadcast %sub3A_792 : i32 to vector<16xi32>
        %sub3A_794 = arith.subi %add3A_788, %sub3A_793 : vector<16xi32>
        %select_n3A_795 = arith.select %ge3A_791, %sub3A_794, %add3A_788 : vector<16xi1>, vector<16xi32>
        %gather3A_796 = arith.constant 0 : i32
        %gather3A_797 = arith.constant 0 : i32
        %gather3A_798 = tpu.memref_slice %arg6[%rem3A_83, %gather3A_796, %gather3A_797] : memref<3x128x128xf32, #tpu.memory_space<vmem>> -> memref<1x128x128xf32, #tpu.memory_space<vmem>>
        %gather3A_799 = tpu.memref_squeeze %gather3A_798 : memref<1x128x128xf32, #tpu.memory_space<vmem>> -> memref<128x128xf32, #tpu.memory_space<vmem>>
        %gather3A_800 = tpu.vector_load_idx %gather3A_799[%add3A_134, %select_n3A_795] : memref<128x128xf32, #tpu.memory_space<vmem>>[vector<16xi32>, vector<16xi32>], vector<16xf32>,
        %mul3A_801 = arith.mulf %gather3A_800, %gather3A_800 : vector<16xf32>
        %add3A_802 = arith.addf %add3A_785, %mul3A_801 : vector<16xf32>
        %add3A_803 = arith.constant 1 : i32
        %add3A_804 = vector.broadcast %add3A_803 : i32 to vector<16xi32>
        %add3A_805 = arith.addi %select_n3A_795, %add3A_804 : vector<16xi32>
        %ge3A_806 = arith.constant 64 : i32
        %ge3A_807 = vector.broadcast %ge3A_806 : i32 to vector<16xi32>
        %ge3A_808 = arith.cmpi sge, %add3A_805, %ge3A_807 : vector<16xi32>
        %sub3A_809 = arith.constant 64 : i32
        %sub3A_810 = vector.broadcast %sub3A_809 : i32 to vector<16xi32>
        %sub3A_811 = arith.subi %add3A_805, %sub3A_810 : vector<16xi32>
        %select_n3A_812 = arith.select %ge3A_808, %sub3A_811, %add3A_805 : vector<16xi1>, vector<16xi32>
        %gather3A_813 = arith.constant 0 : i32
        %gather3A_814 = arith.constant 0 : i32
        %gather3A_815 = tpu.memref_slice %arg6[%rem3A_83, %gather3A_813, %gather3A_814] : memref<3x128x128xf32, #tpu.memory_space<vmem>> -> memref<1x128x128xf32, #tpu.memory_space<vmem>>
        %gather3A_816 = tpu.memref_squeeze %gather3A_815 : memref<1x128x128xf32, #tpu.memory_space<vmem>> -> memref<128x128xf32, #tpu.memory_space<vmem>>
        %gather3A_817 = tpu.vector_load_idx %gather3A_816[%add3A_134, %select_n3A_812] : memref<128x128xf32, #tpu.memory_space<vmem>>[vector<16xi32>, vector<16xi32>], vector<16xf32>,
        %mul3A_818 = arith.mulf %gather3A_817, %gather3A_817 : vector<16xf32>
        %add3A_819 = arith.addf %add3A_802, %mul3A_818 : vector<16xf32>
        %add3A_820 = arith.constant 1 : i32
        %add3A_821 = vector.broadcast %add3A_820 : i32 to vector<16xi32>
        %add3A_822 = arith.addi %select_n3A_812, %add3A_821 : vector<16xi32>
        %ge3A_823 = arith.constant 64 : i32
        %ge3A_824 = vector.broadcast %ge3A_823 : i32 to vector<16xi32>
        %ge3A_825 = arith.cmpi sge, %add3A_822, %ge3A_824 : vector<16xi32>
        %sub3A_826 = arith.constant 64 : i32
        %sub3A_827 = vector.broadcast %sub3A_826 : i32 to vector<16xi32>
        %sub3A_828 = arith.subi %add3A_822, %sub3A_827 : vector<16xi32>
        %select_n3A_829 = arith.select %ge3A_825, %sub3A_828, %add3A_822 : vector<16xi1>, vector<16xi32>
        %gather3A_830 = arith.constant 0 : i32
        %gather3A_831 = arith.constant 0 : i32
        %gather3A_832 = tpu.memref_slice %arg6[%rem3A_83, %gather3A_830, %gather3A_831] : memref<3x128x128xf32, #tpu.memory_space<vmem>> -> memref<1x128x128xf32, #tpu.memory_space<vmem>>
        %gather3A_833 = tpu.memref_squeeze %gather3A_832 : memref<1x128x128xf32, #tpu.memory_space<vmem>> -> memref<128x128xf32, #tpu.memory_space<vmem>>
        %gather3A_834 = tpu.vector_load_idx %gather3A_833[%add3A_134, %select_n3A_829] : memref<128x128xf32, #tpu.memory_space<vmem>>[vector<16xi32>, vector<16xi32>], vector<16xf32>,
        %mul3A_835 = arith.mulf %gather3A_834, %gather3A_834 : vector<16xf32>
        %add3A_836 = arith.addf %add3A_819, %mul3A_835 : vector<16xf32>
        %add3A_837 = arith.constant 1 : i32
        %add3A_838 = vector.broadcast %add3A_837 : i32 to vector<16xi32>
        %add3A_839 = arith.addi %select_n3A_829, %add3A_838 : vector<16xi32>
        %ge3A_840 = arith.constant 64 : i32
        %ge3A_841 = vector.broadcast %ge3A_840 : i32 to vector<16xi32>
        %ge3A_842 = arith.cmpi sge, %add3A_839, %ge3A_841 : vector<16xi32>
        %sub3A_843 = arith.constant 64 : i32
        %sub3A_844 = vector.broadcast %sub3A_843 : i32 to vector<16xi32>
        %sub3A_845 = arith.subi %add3A_839, %sub3A_844 : vector<16xi32>
        %select_n3A_846 = arith.select %ge3A_842, %sub3A_845, %add3A_839 : vector<16xi1>, vector<16xi32>
        %gather3A_847 = arith.constant 0 : i32
        %gather3A_848 = arith.constant 0 : i32
        %gather3A_849 = tpu.memref_slice %arg6[%rem3A_83, %gather3A_847, %gather3A_848] : memref<3x128x128xf32, #tpu.memory_space<vmem>> -> memref<1x128x128xf32, #tpu.memory_space<vmem>>
        %gather3A_850 = tpu.memref_squeeze %gather3A_849 : memref<1x128x128xf32, #tpu.memory_space<vmem>> -> memref<128x128xf32, #tpu.memory_space<vmem>>
        %gather3A_851 = tpu.vector_load_idx %gather3A_850[%add3A_134, %select_n3A_846] : memref<128x128xf32, #tpu.memory_space<vmem>>[vector<16xi32>, vector<16xi32>], vector<16xf32>,
        %mul3A_852 = arith.mulf %gather3A_851, %gather3A_851 : vector<16xf32>
        %add3A_853 = arith.addf %add3A_836, %mul3A_852 : vector<16xf32>
        %add3A_854 = arith.constant 1 : i32
        %add3A_855 = vector.broadcast %add3A_854 : i32 to vector<16xi32>
        %add3A_856 = arith.addi %select_n3A_846, %add3A_855 : vector<16xi32>
        %ge3A_857 = arith.constant 64 : i32
        %ge3A_858 = vector.broadcast %ge3A_857 : i32 to vector<16xi32>
        %ge3A_859 = arith.cmpi sge, %add3A_856, %ge3A_858 : vector<16xi32>
        %sub3A_860 = arith.constant 64 : i32
        %sub3A_861 = vector.broadcast %sub3A_860 : i32 to vector<16xi32>
        %sub3A_862 = arith.subi %add3A_856, %sub3A_861 : vector<16xi32>
        %select_n3A_863 = arith.select %ge3A_859, %sub3A_862, %add3A_856 : vector<16xi1>, vector<16xi32>
        %gather3A_864 = arith.constant 0 : i32
        %gather3A_865 = arith.constant 0 : i32
        %gather3A_866 = tpu.memref_slice %arg6[%rem3A_83, %gather3A_864, %gather3A_865] : memref<3x128x128xf32, #tpu.memory_space<vmem>> -> memref<1x128x128xf32, #tpu.memory_space<vmem>>
        %gather3A_867 = tpu.memref_squeeze %gather3A_866 : memref<1x128x128xf32, #tpu.memory_space<vmem>> -> memref<128x128xf32, #tpu.memory_space<vmem>>
        %gather3A_868 = tpu.vector_load_idx %gather3A_867[%add3A_134, %select_n3A_863] : memref<128x128xf32, #tpu.memory_space<vmem>>[vector<16xi32>, vector<16xi32>], vector<16xf32>,
        %mul3A_869 = arith.mulf %gather3A_868, %gather3A_868 : vector<16xf32>
        %add3A_870 = arith.addf %add3A_853, %mul3A_869 : vector<16xf32>
        %add3A_871 = arith.constant 1 : i32
        %add3A_872 = vector.broadcast %add3A_871 : i32 to vector<16xi32>
        %add3A_873 = arith.addi %select_n3A_863, %add3A_872 : vector<16xi32>
        %ge3A_874 = arith.constant 64 : i32
        %ge3A_875 = vector.broadcast %ge3A_874 : i32 to vector<16xi32>
        %ge3A_876 = arith.cmpi sge, %add3A_873, %ge3A_875 : vector<16xi32>
        %sub3A_877 = arith.constant 64 : i32
        %sub3A_878 = vector.broadcast %sub3A_877 : i32 to vector<16xi32>
        %sub3A_879 = arith.subi %add3A_873, %sub3A_878 : vector<16xi32>
        %select_n3A_880 = arith.select %ge3A_876, %sub3A_879, %add3A_873 : vector<16xi1>, vector<16xi32>
        %gather3A_881 = arith.constant 0 : i32
        %gather3A_882 = arith.constant 0 : i32
        %gather3A_883 = tpu.memref_slice %arg6[%rem3A_83, %gather3A_881, %gather3A_882] : memref<3x128x128xf32, #tpu.memory_space<vmem>> -> memref<1x128x128xf32, #tpu.memory_space<vmem>>
        %gather3A_884 = tpu.memref_squeeze %gather3A_883 : memref<1x128x128xf32, #tpu.memory_space<vmem>> -> memref<128x128xf32, #tpu.memory_space<vmem>>
        %gather3A_885 = tpu.vector_load_idx %gather3A_884[%add3A_134, %select_n3A_880] : memref<128x128xf32, #tpu.memory_space<vmem>>[vector<16xi32>, vector<16xi32>], vector<16xf32>,
        %mul3A_886 = arith.mulf %gather3A_885, %gather3A_885 : vector<16xf32>
        %add3A_887 = arith.addf %add3A_870, %mul3A_886 : vector<16xf32>
        %add3A_888 = arith.constant 1 : i32
        %add3A_889 = vector.broadcast %add3A_888 : i32 to vector<16xi32>
        %add3A_890 = arith.addi %select_n3A_880, %add3A_889 : vector<16xi32>
        %ge3A_891 = arith.constant 64 : i32
        %ge3A_892 = vector.broadcast %ge3A_891 : i32 to vector<16xi32>
        %ge3A_893 = arith.cmpi sge, %add3A_890, %ge3A_892 : vector<16xi32>
        %sub3A_894 = arith.constant 64 : i32
        %sub3A_895 = vector.broadcast %sub3A_894 : i32 to vector<16xi32>
        %sub3A_896 = arith.subi %add3A_890, %sub3A_895 : vector<16xi32>
        %select_n3A_897 = arith.select %ge3A_893, %sub3A_896, %add3A_890 : vector<16xi1>, vector<16xi32>
        %gather3A_898 = arith.constant 0 : i32
        %gather3A_899 = arith.constant 0 : i32
        %gather3A_900 = tpu.memref_slice %arg6[%rem3A_83, %gather3A_898, %gather3A_899] : memref<3x128x128xf32, #tpu.memory_space<vmem>> -> memref<1x128x128xf32, #tpu.memory_space<vmem>>
        %gather3A_901 = tpu.memref_squeeze %gather3A_900 : memref<1x128x128xf32, #tpu.memory_space<vmem>> -> memref<128x128xf32, #tpu.memory_space<vmem>>
        %gather3A_902 = tpu.vector_load_idx %gather3A_901[%add3A_134, %select_n3A_897] : memref<128x128xf32, #tpu.memory_space<vmem>>[vector<16xi32>, vector<16xi32>], vector<16xf32>,
        %mul3A_903 = arith.mulf %gather3A_902, %gather3A_902 : vector<16xf32>
        %add3A_904 = arith.addf %add3A_887, %mul3A_903 : vector<16xf32>
        %add3A_905 = arith.constant 1 : i32
        %add3A_906 = vector.broadcast %add3A_905 : i32 to vector<16xi32>
        %add3A_907 = arith.addi %select_n3A_897, %add3A_906 : vector<16xi32>
        %ge3A_908 = arith.constant 64 : i32
        %ge3A_909 = vector.broadcast %ge3A_908 : i32 to vector<16xi32>
        %ge3A_910 = arith.cmpi sge, %add3A_907, %ge3A_909 : vector<16xi32>
        %sub3A_911 = arith.constant 64 : i32
        %sub3A_912 = vector.broadcast %sub3A_911 : i32 to vector<16xi32>
        %sub3A_913 = arith.subi %add3A_907, %sub3A_912 : vector<16xi32>
        %select_n3A_914 = arith.select %ge3A_910, %sub3A_913, %add3A_907 : vector<16xi1>, vector<16xi32>
        %gather3A_915 = arith.constant 0 : i32
        %gather3A_916 = arith.constant 0 : i32
        %gather3A_917 = tpu.memref_slice %arg6[%rem3A_83, %gather3A_915, %gather3A_916] : memref<3x128x128xf32, #tpu.memory_space<vmem>> -> memref<1x128x128xf32, #tpu.memory_space<vmem>>
        %gather3A_918 = tpu.memref_squeeze %gather3A_917 : memref<1x128x128xf32, #tpu.memory_space<vmem>> -> memref<128x128xf32, #tpu.memory_space<vmem>>
        %gather3A_919 = tpu.vector_load_idx %gather3A_918[%add3A_134, %select_n3A_914] : memref<128x128xf32, #tpu.memory_space<vmem>>[vector<16xi32>, vector<16xi32>], vector<16xf32>,
        %mul3A_920 = arith.mulf %gather3A_919, %gather3A_919 : vector<16xf32>
        %add3A_921 = arith.addf %add3A_904, %mul3A_920 : vector<16xf32>
        %add3A_922 = arith.constant 1 : i32
        %add3A_923 = vector.broadcast %add3A_922 : i32 to vector<16xi32>
        %add3A_924 = arith.addi %select_n3A_914, %add3A_923 : vector<16xi32>
        %ge3A_925 = arith.constant 64 : i32
        %ge3A_926 = vector.broadcast %ge3A_925 : i32 to vector<16xi32>
        %ge3A_927 = arith.cmpi sge, %add3A_924, %ge3A_926 : vector<16xi32>
        %sub3A_928 = arith.constant 64 : i32
        %sub3A_929 = vector.broadcast %sub3A_928 : i32 to vector<16xi32>
        %sub3A_930 = arith.subi %add3A_924, %sub3A_929 : vector<16xi32>
        %select_n3A_931 = arith.select %ge3A_927, %sub3A_930, %add3A_924 : vector<16xi1>, vector<16xi32>
        %gather3A_932 = arith.constant 0 : i32
        %gather3A_933 = arith.constant 0 : i32
        %gather3A_934 = tpu.memref_slice %arg6[%rem3A_83, %gather3A_932, %gather3A_933] : memref<3x128x128xf32, #tpu.memory_space<vmem>> -> memref<1x128x128xf32, #tpu.memory_space<vmem>>
        %gather3A_935 = tpu.memref_squeeze %gather3A_934 : memref<1x128x128xf32, #tpu.memory_space<vmem>> -> memref<128x128xf32, #tpu.memory_space<vmem>>
        %gather3A_936 = tpu.vector_load_idx %gather3A_935[%add3A_134, %select_n3A_931] : memref<128x128xf32, #tpu.memory_space<vmem>>[vector<16xi32>, vector<16xi32>], vector<16xf32>,
        %mul3A_937 = arith.mulf %gather3A_936, %gather3A_936 : vector<16xf32>
        %add3A_938 = arith.addf %add3A_921, %mul3A_937 : vector<16xf32>
        %add3A_939 = arith.constant 1 : i32
        %add3A_940 = vector.broadcast %add3A_939 : i32 to vector<16xi32>
        %add3A_941 = arith.addi %select_n3A_931, %add3A_940 : vector<16xi32>
        %ge3A_942 = arith.constant 64 : i32
        %ge3A_943 = vector.broadcast %ge3A_942 : i32 to vector<16xi32>
        %ge3A_944 = arith.cmpi sge, %add3A_941, %ge3A_943 : vector<16xi32>
        %sub3A_945 = arith.constant 64 : i32
        %sub3A_946 = vector.broadcast %sub3A_945 : i32 to vector<16xi32>
        %sub3A_947 = arith.subi %add3A_941, %sub3A_946 : vector<16xi32>
        %select_n3A_948 = arith.select %ge3A_944, %sub3A_947, %add3A_941 : vector<16xi1>, vector<16xi32>
        %gather3A_949 = arith.constant 0 : i32
        %gather3A_950 = arith.constant 0 : i32
        %gather3A_951 = tpu.memref_slice %arg6[%rem3A_83, %gather3A_949, %gather3A_950] : memref<3x128x128xf32, #tpu.memory_space<vmem>> -> memref<1x128x128xf32, #tpu.memory_space<vmem>>
        %gather3A_952 = tpu.memref_squeeze %gather3A_951 : memref<1x128x128xf32, #tpu.memory_space<vmem>> -> memref<128x128xf32, #tpu.memory_space<vmem>>
        %gather3A_953 = tpu.vector_load_idx %gather3A_952[%add3A_134, %select_n3A_948] : memref<128x128xf32, #tpu.memory_space<vmem>>[vector<16xi32>, vector<16xi32>], vector<16xf32>,
        %mul3A_954 = arith.mulf %gather3A_953, %gather3A_953 : vector<16xf32>
        %add3A_955 = arith.addf %add3A_938, %mul3A_954 : vector<16xf32>
        %add3A_956 = arith.constant 1 : i32
        %add3A_957 = vector.broadcast %add3A_956 : i32 to vector<16xi32>
        %add3A_958 = arith.addi %select_n3A_948, %add3A_957 : vector<16xi32>
        %ge3A_959 = arith.constant 64 : i32
        %ge3A_960 = vector.broadcast %ge3A_959 : i32 to vector<16xi32>
        %ge3A_961 = arith.cmpi sge, %add3A_958, %ge3A_960 : vector<16xi32>
        %sub3A_962 = arith.constant 64 : i32
        %sub3A_963 = vector.broadcast %sub3A_962 : i32 to vector<16xi32>
        %sub3A_964 = arith.subi %add3A_958, %sub3A_963 : vector<16xi32>
        %select_n3A_965 = arith.select %ge3A_961, %sub3A_964, %add3A_958 : vector<16xi1>, vector<16xi32>
        %gather3A_966 = arith.constant 0 : i32
        %gather3A_967 = arith.constant 0 : i32
        %gather3A_968 = tpu.memref_slice %arg6[%rem3A_83, %gather3A_966, %gather3A_967] : memref<3x128x128xf32, #tpu.memory_space<vmem>> -> memref<1x128x128xf32, #tpu.memory_space<vmem>>
        %gather3A_969 = tpu.memref_squeeze %gather3A_968 : memref<1x128x128xf32, #tpu.memory_space<vmem>> -> memref<128x128xf32, #tpu.memory_space<vmem>>
        %gather3A_970 = tpu.vector_load_idx %gather3A_969[%add3A_134, %select_n3A_965] : memref<128x128xf32, #tpu.memory_space<vmem>>[vector<16xi32>, vector<16xi32>], vector<16xf32>,
        %mul3A_971 = arith.mulf %gather3A_970, %gather3A_970 : vector<16xf32>
        %add3A_972 = arith.addf %add3A_955, %mul3A_971 : vector<16xf32>
        %add3A_973 = arith.constant 1 : i32
        %add3A_974 = vector.broadcast %add3A_973 : i32 to vector<16xi32>
        %add3A_975 = arith.addi %select_n3A_965, %add3A_974 : vector<16xi32>
        %ge3A_976 = arith.constant 64 : i32
        %ge3A_977 = vector.broadcast %ge3A_976 : i32 to vector<16xi32>
        %ge3A_978 = arith.cmpi sge, %add3A_975, %ge3A_977 : vector<16xi32>
        %sub3A_979 = arith.constant 64 : i32
        %sub3A_980 = vector.broadcast %sub3A_979 : i32 to vector<16xi32>
        %sub3A_981 = arith.subi %add3A_975, %sub3A_980 : vector<16xi32>
        %select_n3A_982 = arith.select %ge3A_978, %sub3A_981, %add3A_975 : vector<16xi1>, vector<16xi32>
        %gather3A_983 = arith.constant 0 : i32
        %gather3A_984 = arith.constant 0 : i32
        %gather3A_985 = tpu.memref_slice %arg6[%rem3A_83, %gather3A_983, %gather3A_984] : memref<3x128x128xf32, #tpu.memory_space<vmem>> -> memref<1x128x128xf32, #tpu.memory_space<vmem>>
        %gather3A_986 = tpu.memref_squeeze %gather3A_985 : memref<1x128x128xf32, #tpu.memory_space<vmem>> -> memref<128x128xf32, #tpu.memory_space<vmem>>
        %gather3A_987 = tpu.vector_load_idx %gather3A_986[%add3A_134, %select_n3A_982] : memref<128x128xf32, #tpu.memory_space<vmem>>[vector<16xi32>, vector<16xi32>], vector<16xf32>,
        %mul3A_988 = arith.mulf %gather3A_987, %gather3A_987 : vector<16xf32>
        %add3A_989 = arith.addf %add3A_972, %mul3A_988 : vector<16xf32>
        %add3A_990 = arith.constant 1 : i32
        %add3A_991 = vector.broadcast %add3A_990 : i32 to vector<16xi32>
        %add3A_992 = arith.addi %select_n3A_982, %add3A_991 : vector<16xi32>
        %ge3A_993 = arith.constant 64 : i32
        %ge3A_994 = vector.broadcast %ge3A_993 : i32 to vector<16xi32>
        %ge3A_995 = arith.cmpi sge, %add3A_992, %ge3A_994 : vector<16xi32>
        %sub3A_996 = arith.constant 64 : i32
        %sub3A_997 = vector.broadcast %sub3A_996 : i32 to vector<16xi32>
        %sub3A_998 = arith.subi %add3A_992, %sub3A_997 : vector<16xi32>
        %select_n3A_999 = arith.select %ge3A_995, %sub3A_998, %add3A_992 : vector<16xi1>, vector<16xi32>
        %gather3A_1000 = arith.constant 0 : i32
        %gather3A_1001 = arith.constant 0 : i32
        %gather3A_1002 = tpu.memref_slice %arg6[%rem3A_83, %gather3A_1000, %gather3A_1001] : memref<3x128x128xf32, #tpu.memory_space<vmem>> -> memref<1x128x128xf32, #tpu.memory_space<vmem>>
        %gather3A_1003 = tpu.memref_squeeze %gather3A_1002 : memref<1x128x128xf32, #tpu.memory_space<vmem>> -> memref<128x128xf32, #tpu.memory_space<vmem>>
        %gather3A_1004 = tpu.vector_load_idx %gather3A_1003[%add3A_134, %select_n3A_999] : memref<128x128xf32, #tpu.memory_space<vmem>>[vector<16xi32>, vector<16xi32>], vector<16xf32>,
        %mul3A_1005 = arith.mulf %gather3A_1004, %gather3A_1004 : vector<16xf32>
        %add3A_1006 = arith.addf %add3A_989, %mul3A_1005 : vector<16xf32>
        %add3A_1007 = arith.constant 1 : i32
        %add3A_1008 = vector.broadcast %add3A_1007 : i32 to vector<16xi32>
        %add3A_1009 = arith.addi %select_n3A_999, %add3A_1008 : vector<16xi32>
        %ge3A_1010 = arith.constant 64 : i32
        %ge3A_1011 = vector.broadcast %ge3A_1010 : i32 to vector<16xi32>
        %ge3A_1012 = arith.cmpi sge, %add3A_1009, %ge3A_1011 : vector<16xi32>
        %sub3A_1013 = arith.constant 64 : i32
        %sub3A_1014 = vector.broadcast %sub3A_1013 : i32 to vector<16xi32>
        %sub3A_1015 = arith.subi %add3A_1009, %sub3A_1014 : vector<16xi32>
        %select_n3A_1016 = arith.select %ge3A_1012, %sub3A_1015, %add3A_1009 : vector<16xi1>, vector<16xi32>
        %gather3A_1017 = arith.constant 0 : i32
        %gather3A_1018 = arith.constant 0 : i32
        %gather3A_1019 = tpu.memref_slice %arg6[%rem3A_83, %gather3A_1017, %gather3A_1018] : memref<3x128x128xf32, #tpu.memory_space<vmem>> -> memref<1x128x128xf32, #tpu.memory_space<vmem>>
        %gather3A_1020 = tpu.memref_squeeze %gather3A_1019 : memref<1x128x128xf32, #tpu.memory_space<vmem>> -> memref<128x128xf32, #tpu.memory_space<vmem>>
        %gather3A_1021 = tpu.vector_load_idx %gather3A_1020[%add3A_134, %select_n3A_1016] : memref<128x128xf32, #tpu.memory_space<vmem>>[vector<16xi32>, vector<16xi32>], vector<16xf32>,
        %mul3A_1022 = arith.mulf %gather3A_1021, %gather3A_1021 : vector<16xf32>
        %add3A_1023 = arith.addf %add3A_1006, %mul3A_1022 : vector<16xf32>
        %add3A_1024 = arith.constant 1 : i32
        %add3A_1025 = vector.broadcast %add3A_1024 : i32 to vector<16xi32>
        %add3A_1026 = arith.addi %select_n3A_1016, %add3A_1025 : vector<16xi32>
        %ge3A_1027 = arith.constant 64 : i32
        %ge3A_1028 = vector.broadcast %ge3A_1027 : i32 to vector<16xi32>
        %ge3A_1029 = arith.cmpi sge, %add3A_1026, %ge3A_1028 : vector<16xi32>
        %sub3A_1030 = arith.constant 64 : i32
        %sub3A_1031 = vector.broadcast %sub3A_1030 : i32 to vector<16xi32>
        %sub3A_1032 = arith.subi %add3A_1026, %sub3A_1031 : vector<16xi32>
        %select_n3A_1033 = arith.select %ge3A_1029, %sub3A_1032, %add3A_1026 : vector<16xi1>, vector<16xi32>
        %gather3A_1034 = arith.constant 0 : i32
        %gather3A_1035 = arith.constant 0 : i32
        %gather3A_1036 = tpu.memref_slice %arg6[%rem3A_83, %gather3A_1034, %gather3A_1035] : memref<3x128x128xf32, #tpu.memory_space<vmem>> -> memref<1x128x128xf32, #tpu.memory_space<vmem>>
        %gather3A_1037 = tpu.memref_squeeze %gather3A_1036 : memref<1x128x128xf32, #tpu.memory_space<vmem>> -> memref<128x128xf32, #tpu.memory_space<vmem>>
        %gather3A_1038 = tpu.vector_load_idx %gather3A_1037[%add3A_134, %select_n3A_1033] : memref<128x128xf32, #tpu.memory_space<vmem>>[vector<16xi32>, vector<16xi32>], vector<16xf32>,
        %mul3A_1039 = arith.mulf %gather3A_1038, %gather3A_1038 : vector<16xf32>
        %add3A_1040 = arith.addf %add3A_1023, %mul3A_1039 : vector<16xf32>
        %add3A_1041 = arith.constant 1 : i32
        %add3A_1042 = vector.broadcast %add3A_1041 : i32 to vector<16xi32>
        %add3A_1043 = arith.addi %select_n3A_1033, %add3A_1042 : vector<16xi32>
        %ge3A_1044 = arith.constant 64 : i32
        %ge3A_1045 = vector.broadcast %ge3A_1044 : i32 to vector<16xi32>
        %ge3A_1046 = arith.cmpi sge, %add3A_1043, %ge3A_1045 : vector<16xi32>
        %sub3A_1047 = arith.constant 64 : i32
        %sub3A_1048 = vector.broadcast %sub3A_1047 : i32 to vector<16xi32>
        %sub3A_1049 = arith.subi %add3A_1043, %sub3A_1048 : vector<16xi32>
        %select_n3A_1050 = arith.select %ge3A_1046, %sub3A_1049, %add3A_1043 : vector<16xi1>, vector<16xi32>
        %gather3A_1051 = arith.constant 0 : i32
        %gather3A_1052 = arith.constant 0 : i32
        %gather3A_1053 = tpu.memref_slice %arg6[%rem3A_83, %gather3A_1051, %gather3A_1052] : memref<3x128x128xf32, #tpu.memory_space<vmem>> -> memref<1x128x128xf32, #tpu.memory_space<vmem>>
        %gather3A_1054 = tpu.memref_squeeze %gather3A_1053 : memref<1x128x128xf32, #tpu.memory_space<vmem>> -> memref<128x128xf32, #tpu.memory_space<vmem>>
        %gather3A_1055 = tpu.vector_load_idx %gather3A_1054[%add3A_134, %select_n3A_1050] : memref<128x128xf32, #tpu.memory_space<vmem>>[vector<16xi32>, vector<16xi32>], vector<16xf32>,
        %mul3A_1056 = arith.mulf %gather3A_1055, %gather3A_1055 : vector<16xf32>
        %add3A_1057 = arith.addf %add3A_1040, %mul3A_1056 : vector<16xf32>
        %add3A_1058 = arith.constant 1 : i32
        %add3A_1059 = vector.broadcast %add3A_1058 : i32 to vector<16xi32>
        %add3A_1060 = arith.addi %select_n3A_1050, %add3A_1059 : vector<16xi32>
        %ge3A_1061 = arith.constant 64 : i32
        %ge3A_1062 = vector.broadcast %ge3A_1061 : i32 to vector<16xi32>
        %ge3A_1063 = arith.cmpi sge, %add3A_1060, %ge3A_1062 : vector<16xi32>
        %sub3A_1064 = arith.constant 64 : i32
        %sub3A_1065 = vector.broadcast %sub3A_1064 : i32 to vector<16xi32>
        %sub3A_1066 = arith.subi %add3A_1060, %sub3A_1065 : vector<16xi32>
        %select_n3A_1067 = arith.select %ge3A_1063, %sub3A_1066, %add3A_1060 : vector<16xi1>, vector<16xi32>
        %gather3A_1068 = arith.constant 0 : i32
        %gather3A_1069 = arith.constant 0 : i32
        %gather3A_1070 = tpu.memref_slice %arg6[%rem3A_83, %gather3A_1068, %gather3A_1069] : memref<3x128x128xf32, #tpu.memory_space<vmem>> -> memref<1x128x128xf32, #tpu.memory_space<vmem>>
        %gather3A_1071 = tpu.memref_squeeze %gather3A_1070 : memref<1x128x128xf32, #tpu.memory_space<vmem>> -> memref<128x128xf32, #tpu.memory_space<vmem>>
        %gather3A_1072 = tpu.vector_load_idx %gather3A_1071[%add3A_134, %select_n3A_1067] : memref<128x128xf32, #tpu.memory_space<vmem>>[vector<16xi32>, vector<16xi32>], vector<16xf32>,
        %mul3A_1073 = arith.mulf %gather3A_1072, %gather3A_1072 : vector<16xf32>
        %add3A_1074 = arith.addf %add3A_1057, %mul3A_1073 : vector<16xf32>
        %add3A_1075 = arith.constant 1 : i32
        %add3A_1076 = vector.broadcast %add3A_1075 : i32 to vector<16xi32>
        %add3A_1077 = arith.addi %select_n3A_1067, %add3A_1076 : vector<16xi32>
        %ge3A_1078 = arith.constant 64 : i32
        %ge3A_1079 = vector.broadcast %ge3A_1078 : i32 to vector<16xi32>
        %ge3A_1080 = arith.cmpi sge, %add3A_1077, %ge3A_1079 : vector<16xi32>
        %sub3A_1081 = arith.constant 64 : i32
        %sub3A_1082 = vector.broadcast %sub3A_1081 : i32 to vector<16xi32>
        %sub3A_1083 = arith.subi %add3A_1077, %sub3A_1082 : vector<16xi32>
        %select_n3A_1084 = arith.select %ge3A_1080, %sub3A_1083, %add3A_1077 : vector<16xi1>, vector<16xi32>
        %gather3A_1085 = arith.constant 0 : i32
        %gather3A_1086 = arith.constant 0 : i32
        %gather3A_1087 = tpu.memref_slice %arg6[%rem3A_83, %gather3A_1085, %gather3A_1086] : memref<3x128x128xf32, #tpu.memory_space<vmem>> -> memref<1x128x128xf32, #tpu.memory_space<vmem>>
        %gather3A_1088 = tpu.memref_squeeze %gather3A_1087 : memref<1x128x128xf32, #tpu.memory_space<vmem>> -> memref<128x128xf32, #tpu.memory_space<vmem>>
        %gather3A_1089 = tpu.vector_load_idx %gather3A_1088[%add3A_134, %select_n3A_1084] : memref<128x128xf32, #tpu.memory_space<vmem>>[vector<16xi32>, vector<16xi32>], vector<16xf32>,
        %mul3A_1090 = arith.mulf %gather3A_1089, %gather3A_1089 : vector<16xf32>
        %add3A_1091 = arith.addf %add3A_1074, %mul3A_1090 : vector<16xf32>
        %add3A_1092 = arith.constant 1 : i32
        %add3A_1093 = vector.broadcast %add3A_1092 : i32 to vector<16xi32>
        %add3A_1094 = arith.addi %select_n3A_1084, %add3A_1093 : vector<16xi32>
        %ge3A_1095 = arith.constant 64 : i32
        %ge3A_1096 = vector.broadcast %ge3A_1095 : i32 to vector<16xi32>
        %ge3A_1097 = arith.cmpi sge, %add3A_1094, %ge3A_1096 : vector<16xi32>
        %sub3A_1098 = arith.constant 64 : i32
        %sub3A_1099 = vector.broadcast %sub3A_1098 : i32 to vector<16xi32>
        %sub3A_1100 = arith.subi %add3A_1094, %sub3A_1099 : vector<16xi32>
        %select_n3A_1101 = arith.select %ge3A_1097, %sub3A_1100, %add3A_1094 : vector<16xi1>, vector<16xi32>
        %gather3A_1102 = arith.constant 0 : i32
        %gather3A_1103 = arith.constant 0 : i32
        %gather3A_1104 = tpu.memref_slice %arg6[%rem3A_83, %gather3A_1102, %gather3A_1103] : memref<3x128x128xf32, #tpu.memory_space<vmem>> -> memref<1x128x128xf32, #tpu.memory_space<vmem>>
        %gather3A_1105 = tpu.memref_squeeze %gather3A_1104 : memref<1x128x128xf32, #tpu.memory_space<vmem>> -> memref<128x128xf32, #tpu.memory_space<vmem>>
        %gather3A_1106 = tpu.vector_load_idx %gather3A_1105[%add3A_134, %select_n3A_1101] : memref<128x128xf32, #tpu.memory_space<vmem>>[vector<16xi32>, vector<16xi32>], vector<16xf32>,
        %mul3A_1107 = arith.mulf %gather3A_1106, %gather3A_1106 : vector<16xf32>
        %add3A_1108 = arith.addf %add3A_1091, %mul3A_1107 : vector<16xf32>
        %add3A_1109 = arith.constant 1 : i32
        %add3A_1110 = vector.broadcast %add3A_1109 : i32 to vector<16xi32>
        %add3A_1111 = arith.addi %select_n3A_1101, %add3A_1110 : vector<16xi32>
        %ge3A_1112 = arith.constant 64 : i32
        %ge3A_1113 = vector.broadcast %ge3A_1112 : i32 to vector<16xi32>
        %ge3A_1114 = arith.cmpi sge, %add3A_1111, %ge3A_1113 : vector<16xi32>
        %sub3A_1115 = arith.constant 64 : i32
        %sub3A_1116 = vector.broadcast %sub3A_1115 : i32 to vector<16xi32>
        %sub3A_1117 = arith.subi %add3A_1111, %sub3A_1116 : vector<16xi32>
        %select_n3A_1118 = arith.select %ge3A_1114, %sub3A_1117, %add3A_1111 : vector<16xi1>, vector<16xi32>
        %gather3A_1119 = arith.constant 0 : i32
        %gather3A_1120 = arith.constant 0 : i32
        %gather3A_1121 = tpu.memref_slice %arg6[%rem3A_83, %gather3A_1119, %gather3A_1120] : memref<3x128x128xf32, #tpu.memory_space<vmem>> -> memref<1x128x128xf32, #tpu.memory_space<vmem>>
        %gather3A_1122 = tpu.memref_squeeze %gather3A_1121 : memref<1x128x128xf32, #tpu.memory_space<vmem>> -> memref<128x128xf32, #tpu.memory_space<vmem>>
        %gather3A_1123 = tpu.vector_load_idx %gather3A_1122[%add3A_134, %select_n3A_1118] : memref<128x128xf32, #tpu.memory_space<vmem>>[vector<16xi32>, vector<16xi32>], vector<16xf32>,
        %mul3A_1124 = arith.mulf %gather3A_1123, %gather3A_1123 : vector<16xf32>
        %add3A_1125 = arith.addf %add3A_1108, %mul3A_1124 : vector<16xf32>
        %add3A_1126 = arith.constant 1 : i32
        %add3A_1127 = vector.broadcast %add3A_1126 : i32 to vector<16xi32>
        %add3A_1128 = arith.addi %select_n3A_1118, %add3A_1127 : vector<16xi32>
        %ge3A_1129 = arith.constant 64 : i32
        %ge3A_1130 = vector.broadcast %ge3A_1129 : i32 to vector<16xi32>
        %ge3A_1131 = arith.cmpi sge, %add3A_1128, %ge3A_1130 : vector<16xi32>
        %sub3A_1132 = arith.constant 64 : i32
        %sub3A_1133 = vector.broadcast %sub3A_1132 : i32 to vector<16xi32>
        %sub3A_1134 = arith.subi %add3A_1128, %sub3A_1133 : vector<16xi32>
        %select_n3A_1135 = arith.select %ge3A_1131, %sub3A_1134, %add3A_1128 : vector<16xi1>, vector<16xi32>
        %gather3A_1136 = arith.constant 0 : i32
        %gather3A_1137 = arith.constant 0 : i32
        %gather3A_1138 = tpu.memref_slice %arg6[%rem3A_83, %gather3A_1136, %gather3A_1137] : memref<3x128x128xf32, #tpu.memory_space<vmem>> -> memref<1x128x128xf32, #tpu.memory_space<vmem>>
        %gather3A_1139 = tpu.memref_squeeze %gather3A_1138 : memref<1x128x128xf32, #tpu.memory_space<vmem>> -> memref<128x128xf32, #tpu.memory_space<vmem>>
        %gather3A_1140 = tpu.vector_load_idx %gather3A_1139[%add3A_134, %select_n3A_1135] : memref<128x128xf32, #tpu.memory_space<vmem>>[vector<16xi32>, vector<16xi32>], vector<16xf32>,
        %mul3A_1141 = arith.mulf %gather3A_1140, %gather3A_1140 : vector<16xf32>
        %add3A_1142 = arith.addf %add3A_1125, %mul3A_1141 : vector<16xf32>
        %add3A_1143 = arith.constant 1 : i32
        %add3A_1144 = vector.broadcast %add3A_1143 : i32 to vector<16xi32>
        %add3A_1145 = arith.addi %select_n3A_1135, %add3A_1144 : vector<16xi32>
        %ge3A_1146 = arith.constant 64 : i32
        %ge3A_1147 = vector.broadcast %ge3A_1146 : i32 to vector<16xi32>
        %ge3A_1148 = arith.cmpi sge, %add3A_1145, %ge3A_1147 : vector<16xi32>
        %sub3A_1149 = arith.constant 64 : i32
        %sub3A_1150 = vector.broadcast %sub3A_1149 : i32 to vector<16xi32>
        %sub3A_1151 = arith.subi %add3A_1145, %sub3A_1150 : vector<16xi32>
        %select_n3A_1152 = arith.select %ge3A_1148, %sub3A_1151, %add3A_1145 : vector<16xi1>, vector<16xi32>
        %gather3A_1153 = arith.constant 0 : i32
        %gather3A_1154 = arith.constant 0 : i32
        %gather3A_1155 = tpu.memref_slice %arg6[%rem3A_83, %gather3A_1153, %gather3A_1154] : memref<3x128x128xf32, #tpu.memory_space<vmem>> -> memref<1x128x128xf32, #tpu.memory_space<vmem>>
        %gather3A_1156 = tpu.memref_squeeze %gather3A_1155 : memref<1x128x128xf32, #tpu.memory_space<vmem>> -> memref<128x128xf32, #tpu.memory_space<vmem>>
        %gather3A_1157 = tpu.vector_load_idx %gather3A_1156[%add3A_134, %select_n3A_1152] : memref<128x128xf32, #tpu.memory_space<vmem>>[vector<16xi32>, vector<16xi32>], vector<16xf32>,
        %mul3A_1158 = arith.mulf %gather3A_1157, %gather3A_1157 : vector<16xf32>
        %add3A_1159 = arith.addf %add3A_1142, %mul3A_1158 : vector<16xf32>
        %add3A_1160 = arith.constant 1 : i32
        %add3A_1161 = vector.broadcast %add3A_1160 : i32 to vector<16xi32>
        %add3A_1162 = arith.addi %select_n3A_1152, %add3A_1161 : vector<16xi32>
        %ge3A_1163 = arith.constant 64 : i32
        %ge3A_1164 = vector.broadcast %ge3A_1163 : i32 to vector<16xi32>
        %ge3A_1165 = arith.cmpi sge, %add3A_1162, %ge3A_1164 : vector<16xi32>
        %sub3A_1166 = arith.constant 64 : i32
        %sub3A_1167 = vector.broadcast %sub3A_1166 : i32 to vector<16xi32>
        %sub3A_1168 = arith.subi %add3A_1162, %sub3A_1167 : vector<16xi32>
        %select_n3A_1169 = arith.select %ge3A_1165, %sub3A_1168, %add3A_1162 : vector<16xi1>, vector<16xi32>
        %gather3A_1170 = arith.constant 0 : i32
        %gather3A_1171 = arith.constant 0 : i32
        %gather3A_1172 = tpu.memref_slice %arg6[%rem3A_83, %gather3A_1170, %gather3A_1171] : memref<3x128x128xf32, #tpu.memory_space<vmem>> -> memref<1x128x128xf32, #tpu.memory_space<vmem>>
        %gather3A_1173 = tpu.memref_squeeze %gather3A_1172 : memref<1x128x128xf32, #tpu.memory_space<vmem>> -> memref<128x128xf32, #tpu.memory_space<vmem>>
        %gather3A_1174 = tpu.vector_load_idx %gather3A_1173[%add3A_134, %select_n3A_1169] : memref<128x128xf32, #tpu.memory_space<vmem>>[vector<16xi32>, vector<16xi32>], vector<16xf32>,
        %mul3A_1175 = arith.mulf %gather3A_1174, %gather3A_1174 : vector<16xf32>
        %add3A_1176 = arith.addf %add3A_1159, %mul3A_1175 : vector<16xf32>
        %add3A_1177 = arith.constant 1 : i32
        %add3A_1178 = vector.broadcast %add3A_1177 : i32 to vector<16xi32>
        %add3A_1179 = arith.addi %select_n3A_1169, %add3A_1178 : vector<16xi32>
        %ge3A_1180 = arith.constant 64 : i32
        %ge3A_1181 = vector.broadcast %ge3A_1180 : i32 to vector<16xi32>
        %ge3A_1182 = arith.cmpi sge, %add3A_1179, %ge3A_1181 : vector<16xi32>
        %sub3A_1183 = arith.constant 64 : i32
        %sub3A_1184 = vector.broadcast %sub3A_1183 : i32 to vector<16xi32>
        %sub3A_1185 = arith.subi %add3A_1179, %sub3A_1184 : vector<16xi32>
        %select_n3A_1186 = arith.select %ge3A_1182, %sub3A_1185, %add3A_1179 : vector<16xi1>, vector<16xi32>
        %gather3A_1187 = arith.constant 0 : i32
        %gather3A_1188 = arith.constant 0 : i32
        %gather3A_1189 = tpu.memref_slice %arg6[%rem3A_83, %gather3A_1187, %gather3A_1188] : memref<3x128x128xf32, #tpu.memory_space<vmem>> -> memref<1x128x128xf32, #tpu.memory_space<vmem>>
        %gather3A_1190 = tpu.memref_squeeze %gather3A_1189 : memref<1x128x128xf32, #tpu.memory_space<vmem>> -> memref<128x128xf32, #tpu.memory_space<vmem>>
        %gather3A_1191 = tpu.vector_load_idx %gather3A_1190[%add3A_134, %select_n3A_1186] : memref<128x128xf32, #tpu.memory_space<vmem>>[vector<16xi32>, vector<16xi32>], vector<16xf32>,
        %mul3A_1192 = arith.mulf %gather3A_1191, %gather3A_1191 : vector<16xf32>
        %add3A_1193 = arith.addf %add3A_1176, %mul3A_1192 : vector<16xf32>
        %add3A_1194 = arith.constant 1 : i32
        %add3A_1195 = vector.broadcast %add3A_1194 : i32 to vector<16xi32>
        %add3A_1196 = arith.addi %select_n3A_1186, %add3A_1195 : vector<16xi32>
        %ge3A_1197 = arith.constant 64 : i32
        %ge3A_1198 = vector.broadcast %ge3A_1197 : i32 to vector<16xi32>
        %ge3A_1199 = arith.cmpi sge, %add3A_1196, %ge3A_1198 : vector<16xi32>
        %sub3A_1200 = arith.constant 64 : i32
        %sub3A_1201 = vector.broadcast %sub3A_1200 : i32 to vector<16xi32>
        %sub3A_1202 = arith.subi %add3A_1196, %sub3A_1201 : vector<16xi32>
        %select_n3A_1203 = arith.select %ge3A_1199, %sub3A_1202, %add3A_1196 : vector<16xi1>, vector<16xi32>
        %gather3A_1204 = arith.constant 0 : i32
        %gather3A_1205 = arith.constant 0 : i32
        %gather3A_1206 = tpu.memref_slice %arg6[%rem3A_83, %gather3A_1204, %gather3A_1205] : memref<3x128x128xf32, #tpu.memory_space<vmem>> -> memref<1x128x128xf32, #tpu.memory_space<vmem>>
        %gather3A_1207 = tpu.memref_squeeze %gather3A_1206 : memref<1x128x128xf32, #tpu.memory_space<vmem>> -> memref<128x128xf32, #tpu.memory_space<vmem>>
        %gather3A_1208 = tpu.vector_load_idx %gather3A_1207[%add3A_134, %select_n3A_1203] : memref<128x128xf32, #tpu.memory_space<vmem>>[vector<16xi32>, vector<16xi32>], vector<16xf32>,
        %mul3A_1209 = arith.mulf %gather3A_1208, %gather3A_1208 : vector<16xf32>
        %add3A_1210 = arith.addf %add3A_1193, %mul3A_1209 : vector<16xf32>
        %add3A_1211 = arith.constant 1 : i32
        %add3A_1212 = vector.broadcast %add3A_1211 : i32 to vector<16xi32>
        %add3A_1213 = arith.addi %select_n3A_1203, %add3A_1212 : vector<16xi32>
        %ge3A_1214 = arith.constant 64 : i32
        %ge3A_1215 = vector.broadcast %ge3A_1214 : i32 to vector<16xi32>
        %ge3A_1216 = arith.cmpi sge, %add3A_1213, %ge3A_1215 : vector<16xi32>
        %sub3A_1217 = arith.constant 64 : i32
        %sub3A_1218 = vector.broadcast %sub3A_1217 : i32 to vector<16xi32>
        %sub3A_1219 = arith.subi %add3A_1213, %sub3A_1218 : vector<16xi32>
        %select_n3A_1220 = arith.select %ge3A_1216, %sub3A_1219, %add3A_1213 : vector<16xi1>, vector<16xi32>
        %bitcast3A = vector.bitcast %add3A_1210 : vector<16xf32> to vector<16xi32>
        %shift_right_arithmetic3A = arith.constant 1 : i32
        %shift_right_arithmetic3A_1221 = vector.broadcast %shift_right_arithmetic3A : i32 to vector<16xi32>
        %shift_right_arithmetic3A_1222 = arith.shrsi %bitcast3A, %shift_right_arithmetic3A_1221 : vector<16xi32>
        %sub3A_1223 = arith.constant 1597463007 : i32
        %sub3A_1224 = vector.broadcast %sub3A_1223 : i32 to vector<16xi32>
        %sub3A_1225 = arith.subi %sub3A_1224, %shift_right_arithmetic3A_1222 : vector<16xi32>
        %bitcast3A_1226 = vector.bitcast %sub3A_1225 : vector<16xi32> to vector<16xf32>
        %mul3A_1227 = arith.constant 5.000000e-01 : f32
        %mul3A_1228 = vector.broadcast %mul3A_1227 : f32 to vector<16xf32>
        %mul3A_1229 = arith.mulf %add3A_1210, %mul3A_1228 : vector<16xf32>
        %mul3A_1230 = arith.mulf %mul3A_1229, %bitcast3A_1226 : vector<16xf32>
        %mul3A_1231 = arith.mulf %mul3A_1230, %bitcast3A_1226 : vector<16xf32>
        %sub3A_1232 = arith.constant 1.500000e+00 : f32
        %sub3A_1233 = vector.broadcast %sub3A_1232 : f32 to vector<16xf32>
        %sub3A_1234 = arith.subf %sub3A_1233, %mul3A_1231 : vector<16xf32>
        %mul3A_1235 = arith.mulf %bitcast3A_1226, %sub3A_1234 : vector<16xf32>
        %mul3A_1236 = arith.mulf %mul3A_1229, %mul3A_1235 : vector<16xf32>
        %mul3A_1237 = arith.mulf %mul3A_1236, %mul3A_1235 : vector<16xf32>
        %sub3A_1238 = arith.constant 1.500000e+00 : f32
        %sub3A_1239 = vector.broadcast %sub3A_1238 : f32 to vector<16xf32>
        %sub3A_1240 = arith.subf %sub3A_1239, %mul3A_1237 : vector<16xf32>
        %mul3A_1241 = arith.mulf %mul3A_1235, %sub3A_1240 : vector<16xf32>
        %gather3A_1242 = arith.constant 0 : i32
        %gather3A_1243 = arith.constant 0 : i32
        %gather3A_1244 = tpu.memref_slice %arg6[%rem3A_83, %gather3A_1242, %gather3A_1243] : memref<3x128x128xf32, #tpu.memory_space<vmem>> -> memref<1x128x128xf32, #tpu.memory_space<vmem>>
        %gather3A_1245 = tpu.memref_squeeze %gather3A_1244 : memref<1x128x128xf32, #tpu.memory_space<vmem>> -> memref<128x128xf32, #tpu.memory_space<vmem>>
        %gather3A_1246 = tpu.vector_load_idx %gather3A_1245[%add3A_134, %iota3A] : memref<128x128xf32, #tpu.memory_space<vmem>>[vector<16xi32>, vector<16xi32>], vector<16xf32>,
        %mul3A_1247 = arith.mulf %gather3A_1246, %mul3A_1241 : vector<16xf32>
        %scatter3A = arith.constant 0 : i32
        %scatter3A_1248 = arith.constant 0 : i32
        %scatter3A_1249 = tpu.memref_slice %arg7[%rem3A_83, %scatter3A, %scatter3A_1248] : memref<3x64x128xf32, #tpu.memory_space<vmem>> -> memref<1x64x128xf32, #tpu.memory_space<vmem>>
        %scatter3A_1250 = tpu.memref_squeeze %scatter3A_1249 : memref<1x64x128xf32, #tpu.memory_space<vmem>> -> memref<64x128xf32, #tpu.memory_space<vmem>>
        tpu.vector_store_idx %scatter3A_1250[%iota3A, %add3A_134], %mul3A_1247 : memref<64x128xf32, #tpu.memory_space<vmem>>[vector<16xi32>, vector<16xi32>], vector<16xf32>,
        %add3A_1251 = arith.constant 1 : i32
        %add3A_1252 = vector.broadcast %add3A_1251 : i32 to vector<16xi32>
        %add3A_1253 = arith.addi %iota3A, %add3A_1252 : vector<16xi32>
        %ge3A_1254 = arith.constant 64 : i32
        %ge3A_1255 = vector.broadcast %ge3A_1254 : i32 to vector<16xi32>
        %ge3A_1256 = arith.cmpi sge, %add3A_1253, %ge3A_1255 : vector<16xi32>
        %sub3A_1257 = arith.constant 64 : i32
        %sub3A_1258 = vector.broadcast %sub3A_1257 : i32 to vector<16xi32>
        %sub3A_1259 = arith.subi %add3A_1253, %sub3A_1258 : vector<16xi32>
        %select_n3A_1260 = arith.select %ge3A_1256, %sub3A_1259, %add3A_1253 : vector<16xi1>, vector<16xi32>
        %gather3A_1261 = arith.constant 0 : i32
        %gather3A_1262 = arith.constant 0 : i32
        %gather3A_1263 = tpu.memref_slice %arg6[%rem3A_83, %gather3A_1261, %gather3A_1262] : memref<3x128x128xf32, #tpu.memory_space<vmem>> -> memref<1x128x128xf32, #tpu.memory_space<vmem>>
        %gather3A_1264 = tpu.memref_squeeze %gather3A_1263 : memref<1x128x128xf32, #tpu.memory_space<vmem>> -> memref<128x128xf32, #tpu.memory_space<vmem>>
        %gather3A_1265 = tpu.vector_load_idx %gather3A_1264[%add3A_134, %select_n3A_1260] : memref<128x128xf32, #tpu.memory_space<vmem>>[vector<16xi32>, vector<16xi32>], vector<16xf32>,
        %mul3A_1266 = arith.mulf %gather3A_1265, %mul3A_1241 : vector<16xf32>
        %scatter3A_1267 = arith.constant 0 : i32
        %scatter3A_1268 = arith.constant 0 : i32
        %scatter3A_1269 = tpu.memref_slice %arg7[%rem3A_83, %scatter3A_1267, %scatter3A_1268] : memref<3x64x128xf32, #tpu.memory_space<vmem>> -> memref<1x64x128xf32, #tpu.memory_space<vmem>>
        %scatter3A_1270 = tpu.memref_squeeze %scatter3A_1269 : memref<1x64x128xf32, #tpu.memory_space<vmem>> -> memref<64x128xf32, #tpu.memory_space<vmem>>
        tpu.vector_store_idx %scatter3A_1270[%select_n3A_1260, %add3A_134], %mul3A_1266 : memref<64x128xf32, #tpu.memory_space<vmem>>[vector<16xi32>, vector<16xi32>], vector<16xf32>,
        %add3A_1271 = arith.constant 1 : i32
        %add3A_1272 = vector.broadcast %add3A_1271 : i32 to vector<16xi32>
        %add3A_1273 = arith.addi %select_n3A_1260, %add3A_1272 : vector<16xi32>
        %ge3A_1274 = arith.constant 64 : i32
        %ge3A_1275 = vector.broadcast %ge3A_1274 : i32 to vector<16xi32>
        %ge3A_1276 = arith.cmpi sge, %add3A_1273, %ge3A_1275 : vector<16xi32>
        %sub3A_1277 = arith.constant 64 : i32
        %sub3A_1278 = vector.broadcast %sub3A_1277 : i32 to vector<16xi32>
        %sub3A_1279 = arith.subi %add3A_1273, %sub3A_1278 : vector<16xi32>
        %select_n3A_1280 = arith.select %ge3A_1276, %sub3A_1279, %add3A_1273 : vector<16xi1>, vector<16xi32>
        %gather3A_1281 = arith.constant 0 : i32
        %gather3A_1282 = arith.constant 0 : i32
        %gather3A_1283 = tpu.memref_slice %arg6[%rem3A_83, %gather3A_1281, %gather3A_1282] : memref<3x128x128xf32, #tpu.memory_space<vmem>> -> memref<1x128x128xf32, #tpu.memory_space<vmem>>
        %gather3A_1284 = tpu.memref_squeeze %gather3A_1283 : memref<1x128x128xf32, #tpu.memory_space<vmem>> -> memref<128x128xf32, #tpu.memory_space<vmem>>
        %gather3A_1285 = tpu.vector_load_idx %gather3A_1284[%add3A_134, %select_n3A_1280] : memref<128x128xf32, #tpu.memory_space<vmem>>[vector<16xi32>, vector<16xi32>], vector<16xf32>,
        %mul3A_1286 = arith.mulf %gather3A_1285, %mul3A_1241 : vector<16xf32>
        %scatter3A_1287 = arith.constant 0 : i32
        %scatter3A_1288 = arith.constant 0 : i32
        %scatter3A_1289 = tpu.memref_slice %arg7[%rem3A_83, %scatter3A_1287, %scatter3A_1288] : memref<3x64x128xf32, #tpu.memory_space<vmem>> -> memref<1x64x128xf32, #tpu.memory_space<vmem>>
        %scatter3A_1290 = tpu.memref_squeeze %scatter3A_1289 : memref<1x64x128xf32, #tpu.memory_space<vmem>> -> memref<64x128xf32, #tpu.memory_space<vmem>>
        tpu.vector_store_idx %scatter3A_1290[%select_n3A_1280, %add3A_134], %mul3A_1286 : memref<64x128xf32, #tpu.memory_space<vmem>>[vector<16xi32>, vector<16xi32>], vector<16xf32>,
        %add3A_1291 = arith.constant 1 : i32
        %add3A_1292 = vector.broadcast %add3A_1291 : i32 to vector<16xi32>
        %add3A_1293 = arith.addi %select_n3A_1280, %add3A_1292 : vector<16xi32>
        %ge3A_1294 = arith.constant 64 : i32
        %ge3A_1295 = vector.broadcast %ge3A_1294 : i32 to vector<16xi32>
        %ge3A_1296 = arith.cmpi sge, %add3A_1293, %ge3A_1295 : vector<16xi32>
        %sub3A_1297 = arith.constant 64 : i32
        %sub3A_1298 = vector.broadcast %sub3A_1297 : i32 to vector<16xi32>
        %sub3A_1299 = arith.subi %add3A_1293, %sub3A_1298 : vector<16xi32>
        %select_n3A_1300 = arith.select %ge3A_1296, %sub3A_1299, %add3A_1293 : vector<16xi1>, vector<16xi32>
        %gather3A_1301 = arith.constant 0 : i32
        %gather3A_1302 = arith.constant 0 : i32
        %gather3A_1303 = tpu.memref_slice %arg6[%rem3A_83, %gather3A_1301, %gather3A_1302] : memref<3x128x128xf32, #tpu.memory_space<vmem>> -> memref<1x128x128xf32, #tpu.memory_space<vmem>>
        %gather3A_1304 = tpu.memref_squeeze %gather3A_1303 : memref<1x128x128xf32, #tpu.memory_space<vmem>> -> memref<128x128xf32, #tpu.memory_space<vmem>>
        %gather3A_1305 = tpu.vector_load_idx %gather3A_1304[%add3A_134, %select_n3A_1300] : memref<128x128xf32, #tpu.memory_space<vmem>>[vector<16xi32>, vector<16xi32>], vector<16xf32>,
        %mul3A_1306 = arith.mulf %gather3A_1305, %mul3A_1241 : vector<16xf32>
        %scatter3A_1307 = arith.constant 0 : i32
        %scatter3A_1308 = arith.constant 0 : i32
        %scatter3A_1309 = tpu.memref_slice %arg7[%rem3A_83, %scatter3A_1307, %scatter3A_1308] : memref<3x64x128xf32, #tpu.memory_space<vmem>> -> memref<1x64x128xf32, #tpu.memory_space<vmem>>
        %scatter3A_1310 = tpu.memref_squeeze %scatter3A_1309 : memref<1x64x128xf32, #tpu.memory_space<vmem>> -> memref<64x128xf32, #tpu.memory_space<vmem>>
        tpu.vector_store_idx %scatter3A_1310[%select_n3A_1300, %add3A_134], %mul3A_1306 : memref<64x128xf32, #tpu.memory_space<vmem>>[vector<16xi32>, vector<16xi32>], vector<16xf32>,
        %add3A_1311 = arith.constant 1 : i32
        %add3A_1312 = vector.broadcast %add3A_1311 : i32 to vector<16xi32>
        %add3A_1313 = arith.addi %select_n3A_1300, %add3A_1312 : vector<16xi32>
        %ge3A_1314 = arith.constant 64 : i32
        %ge3A_1315 = vector.broadcast %ge3A_1314 : i32 to vector<16xi32>
        %ge3A_1316 = arith.cmpi sge, %add3A_1313, %ge3A_1315 : vector<16xi32>
        %sub3A_1317 = arith.constant 64 : i32
        %sub3A_1318 = vector.broadcast %sub3A_1317 : i32 to vector<16xi32>
        %sub3A_1319 = arith.subi %add3A_1313, %sub3A_1318 : vector<16xi32>
        %select_n3A_1320 = arith.select %ge3A_1316, %sub3A_1319, %add3A_1313 : vector<16xi1>, vector<16xi32>
        %gather3A_1321 = arith.constant 0 : i32
        %gather3A_1322 = arith.constant 0 : i32
        %gather3A_1323 = tpu.memref_slice %arg6[%rem3A_83, %gather3A_1321, %gather3A_1322] : memref<3x128x128xf32, #tpu.memory_space<vmem>> -> memref<1x128x128xf32, #tpu.memory_space<vmem>>
        %gather3A_1324 = tpu.memref_squeeze %gather3A_1323 : memref<1x128x128xf32, #tpu.memory_space<vmem>> -> memref<128x128xf32, #tpu.memory_space<vmem>>
        %gather3A_1325 = tpu.vector_load_idx %gather3A_1324[%add3A_134, %select_n3A_1320] : memref<128x128xf32, #tpu.memory_space<vmem>>[vector<16xi32>, vector<16xi32>], vector<16xf32>,
        %mul3A_1326 = arith.mulf %gather3A_1325, %mul3A_1241 : vector<16xf32>
        %scatter3A_1327 = arith.constant 0 : i32
        %scatter3A_1328 = arith.constant 0 : i32
        %scatter3A_1329 = tpu.memref_slice %arg7[%rem3A_83, %scatter3A_1327, %scatter3A_1328] : memref<3x64x128xf32, #tpu.memory_space<vmem>> -> memref<1x64x128xf32, #tpu.memory_space<vmem>>
        %scatter3A_1330 = tpu.memref_squeeze %scatter3A_1329 : memref<1x64x128xf32, #tpu.memory_space<vmem>> -> memref<64x128xf32, #tpu.memory_space<vmem>>
        tpu.vector_store_idx %scatter3A_1330[%select_n3A_1320, %add3A_134], %mul3A_1326 : memref<64x128xf32, #tpu.memory_space<vmem>>[vector<16xi32>, vector<16xi32>], vector<16xf32>,
        %add3A_1331 = arith.constant 1 : i32
        %add3A_1332 = vector.broadcast %add3A_1331 : i32 to vector<16xi32>
        %add3A_1333 = arith.addi %select_n3A_1320, %add3A_1332 : vector<16xi32>
        %ge3A_1334 = arith.constant 64 : i32
        %ge3A_1335 = vector.broadcast %ge3A_1334 : i32 to vector<16xi32>
        %ge3A_1336 = arith.cmpi sge, %add3A_1333, %ge3A_1335 : vector<16xi32>
        %sub3A_1337 = arith.constant 64 : i32
        %sub3A_1338 = vector.broadcast %sub3A_1337 : i32 to vector<16xi32>
        %sub3A_1339 = arith.subi %add3A_1333, %sub3A_1338 : vector<16xi32>
        %select_n3A_1340 = arith.select %ge3A_1336, %sub3A_1339, %add3A_1333 : vector<16xi1>, vector<16xi32>
        %gather3A_1341 = arith.constant 0 : i32
        %gather3A_1342 = arith.constant 0 : i32
        %gather3A_1343 = tpu.memref_slice %arg6[%rem3A_83, %gather3A_1341, %gather3A_1342] : memref<3x128x128xf32, #tpu.memory_space<vmem>> -> memref<1x128x128xf32, #tpu.memory_space<vmem>>
        %gather3A_1344 = tpu.memref_squeeze %gather3A_1343 : memref<1x128x128xf32, #tpu.memory_space<vmem>> -> memref<128x128xf32, #tpu.memory_space<vmem>>
        %gather3A_1345 = tpu.vector_load_idx %gather3A_1344[%add3A_134, %select_n3A_1340] : memref<128x128xf32, #tpu.memory_space<vmem>>[vector<16xi32>, vector<16xi32>], vector<16xf32>,
        %mul3A_1346 = arith.mulf %gather3A_1345, %mul3A_1241 : vector<16xf32>
        %scatter3A_1347 = arith.constant 0 : i32
        %scatter3A_1348 = arith.constant 0 : i32
        %scatter3A_1349 = tpu.memref_slice %arg7[%rem3A_83, %scatter3A_1347, %scatter3A_1348] : memref<3x64x128xf32, #tpu.memory_space<vmem>> -> memref<1x64x128xf32, #tpu.memory_space<vmem>>
        %scatter3A_1350 = tpu.memref_squeeze %scatter3A_1349 : memref<1x64x128xf32, #tpu.memory_space<vmem>> -> memref<64x128xf32, #tpu.memory_space<vmem>>
        tpu.vector_store_idx %scatter3A_1350[%select_n3A_1340, %add3A_134], %mul3A_1346 : memref<64x128xf32, #tpu.memory_space<vmem>>[vector<16xi32>, vector<16xi32>], vector<16xf32>,
        %add3A_1351 = arith.constant 1 : i32
        %add3A_1352 = vector.broadcast %add3A_1351 : i32 to vector<16xi32>
        %add3A_1353 = arith.addi %select_n3A_1340, %add3A_1352 : vector<16xi32>
        %ge3A_1354 = arith.constant 64 : i32
        %ge3A_1355 = vector.broadcast %ge3A_1354 : i32 to vector<16xi32>
        %ge3A_1356 = arith.cmpi sge, %add3A_1353, %ge3A_1355 : vector<16xi32>
        %sub3A_1357 = arith.constant 64 : i32
        %sub3A_1358 = vector.broadcast %sub3A_1357 : i32 to vector<16xi32>
        %sub3A_1359 = arith.subi %add3A_1353, %sub3A_1358 : vector<16xi32>
        %select_n3A_1360 = arith.select %ge3A_1356, %sub3A_1359, %add3A_1353 : vector<16xi1>, vector<16xi32>
        %gather3A_1361 = arith.constant 0 : i32
        %gather3A_1362 = arith.constant 0 : i32
        %gather3A_1363 = tpu.memref_slice %arg6[%rem3A_83, %gather3A_1361, %gather3A_1362] : memref<3x128x128xf32, #tpu.memory_space<vmem>> -> memref<1x128x128xf32, #tpu.memory_space<vmem>>
        %gather3A_1364 = tpu.memref_squeeze %gather3A_1363 : memref<1x128x128xf32, #tpu.memory_space<vmem>> -> memref<128x128xf32, #tpu.memory_space<vmem>>
        %gather3A_1365 = tpu.vector_load_idx %gather3A_1364[%add3A_134, %select_n3A_1360] : memref<128x128xf32, #tpu.memory_space<vmem>>[vector<16xi32>, vector<16xi32>], vector<16xf32>,
        %mul3A_1366 = arith.mulf %gather3A_1365, %mul3A_1241 : vector<16xf32>
        %scatter3A_1367 = arith.constant 0 : i32
        %scatter3A_1368 = arith.constant 0 : i32
        %scatter3A_1369 = tpu.memref_slice %arg7[%rem3A_83, %scatter3A_1367, %scatter3A_1368] : memref<3x64x128xf32, #tpu.memory_space<vmem>> -> memref<1x64x128xf32, #tpu.memory_space<vmem>>
        %scatter3A_1370 = tpu.memref_squeeze %scatter3A_1369 : memref<1x64x128xf32, #tpu.memory_space<vmem>> -> memref<64x128xf32, #tpu.memory_space<vmem>>
        tpu.vector_store_idx %scatter3A_1370[%select_n3A_1360, %add3A_134], %mul3A_1366 : memref<64x128xf32, #tpu.memory_space<vmem>>[vector<16xi32>, vector<16xi32>], vector<16xf32>,
        %add3A_1371 = arith.constant 1 : i32
        %add3A_1372 = vector.broadcast %add3A_1371 : i32 to vector<16xi32>
        %add3A_1373 = arith.addi %select_n3A_1360, %add3A_1372 : vector<16xi32>
        %ge3A_1374 = arith.constant 64 : i32
        %ge3A_1375 = vector.broadcast %ge3A_1374 : i32 to vector<16xi32>
        %ge3A_1376 = arith.cmpi sge, %add3A_1373, %ge3A_1375 : vector<16xi32>
        %sub3A_1377 = arith.constant 64 : i32
        %sub3A_1378 = vector.broadcast %sub3A_1377 : i32 to vector<16xi32>
        %sub3A_1379 = arith.subi %add3A_1373, %sub3A_1378 : vector<16xi32>
        %select_n3A_1380 = arith.select %ge3A_1376, %sub3A_1379, %add3A_1373 : vector<16xi1>, vector<16xi32>
        %gather3A_1381 = arith.constant 0 : i32
        %gather3A_1382 = arith.constant 0 : i32
        %gather3A_1383 = tpu.memref_slice %arg6[%rem3A_83, %gather3A_1381, %gather3A_1382] : memref<3x128x128xf32, #tpu.memory_space<vmem>> -> memref<1x128x128xf32, #tpu.memory_space<vmem>>
        %gather3A_1384 = tpu.memref_squeeze %gather3A_1383 : memref<1x128x128xf32, #tpu.memory_space<vmem>> -> memref<128x128xf32, #tpu.memory_space<vmem>>
        %gather3A_1385 = tpu.vector_load_idx %gather3A_1384[%add3A_134, %select_n3A_1380] : memref<128x128xf32, #tpu.memory_space<vmem>>[vector<16xi32>, vector<16xi32>], vector<16xf32>,
        %mul3A_1386 = arith.mulf %gather3A_1385, %mul3A_1241 : vector<16xf32>
        %scatter3A_1387 = arith.constant 0 : i32
        %scatter3A_1388 = arith.constant 0 : i32
        %scatter3A_1389 = tpu.memref_slice %arg7[%rem3A_83, %scatter3A_1387, %scatter3A_1388] : memref<3x64x128xf32, #tpu.memory_space<vmem>> -> memref<1x64x128xf32, #tpu.memory_space<vmem>>
        %scatter3A_1390 = tpu.memref_squeeze %scatter3A_1389 : memref<1x64x128xf32, #tpu.memory_space<vmem>> -> memref<64x128xf32, #tpu.memory_space<vmem>>
        tpu.vector_store_idx %scatter3A_1390[%select_n3A_1380, %add3A_134], %mul3A_1386 : memref<64x128xf32, #tpu.memory_space<vmem>>[vector<16xi32>, vector<16xi32>], vector<16xf32>,
        %add3A_1391 = arith.constant 1 : i32
        %add3A_1392 = vector.broadcast %add3A_1391 : i32 to vector<16xi32>
        %add3A_1393 = arith.addi %select_n3A_1380, %add3A_1392 : vector<16xi32>
        %ge3A_1394 = arith.constant 64 : i32
        %ge3A_1395 = vector.broadcast %ge3A_1394 : i32 to vector<16xi32>
        %ge3A_1396 = arith.cmpi sge, %add3A_1393, %ge3A_1395 : vector<16xi32>
        %sub3A_1397 = arith.constant 64 : i32
        %sub3A_1398 = vector.broadcast %sub3A_1397 : i32 to vector<16xi32>
        %sub3A_1399 = arith.subi %add3A_1393, %sub3A_1398 : vector<16xi32>
        %select_n3A_1400 = arith.select %ge3A_1396, %sub3A_1399, %add3A_1393 : vector<16xi1>, vector<16xi32>
        %gather3A_1401 = arith.constant 0 : i32
        %gather3A_1402 = arith.constant 0 : i32
        %gather3A_1403 = tpu.memref_slice %arg6[%rem3A_83, %gather3A_1401, %gather3A_1402] : memref<3x128x128xf32, #tpu.memory_space<vmem>> -> memref<1x128x128xf32, #tpu.memory_space<vmem>>
        %gather3A_1404 = tpu.memref_squeeze %gather3A_1403 : memref<1x128x128xf32, #tpu.memory_space<vmem>> -> memref<128x128xf32, #tpu.memory_space<vmem>>
        %gather3A_1405 = tpu.vector_load_idx %gather3A_1404[%add3A_134, %select_n3A_1400] : memref<128x128xf32, #tpu.memory_space<vmem>>[vector<16xi32>, vector<16xi32>], vector<16xf32>,
        %mul3A_1406 = arith.mulf %gather3A_1405, %mul3A_1241 : vector<16xf32>
        %scatter3A_1407 = arith.constant 0 : i32
        %scatter3A_1408 = arith.constant 0 : i32
        %scatter3A_1409 = tpu.memref_slice %arg7[%rem3A_83, %scatter3A_1407, %scatter3A_1408] : memref<3x64x128xf32, #tpu.memory_space<vmem>> -> memref<1x64x128xf32, #tpu.memory_space<vmem>>
        %scatter3A_1410 = tpu.memref_squeeze %scatter3A_1409 : memref<1x64x128xf32, #tpu.memory_space<vmem>> -> memref<64x128xf32, #tpu.memory_space<vmem>>
        tpu.vector_store_idx %scatter3A_1410[%select_n3A_1400, %add3A_134], %mul3A_1406 : memref<64x128xf32, #tpu.memory_space<vmem>>[vector<16xi32>, vector<16xi32>], vector<16xf32>,
        %add3A_1411 = arith.constant 1 : i32
        %add3A_1412 = vector.broadcast %add3A_1411 : i32 to vector<16xi32>
        %add3A_1413 = arith.addi %select_n3A_1400, %add3A_1412 : vector<16xi32>
        %ge3A_1414 = arith.constant 64 : i32
        %ge3A_1415 = vector.broadcast %ge3A_1414 : i32 to vector<16xi32>
        %ge3A_1416 = arith.cmpi sge, %add3A_1413, %ge3A_1415 : vector<16xi32>
        %sub3A_1417 = arith.constant 64 : i32
        %sub3A_1418 = vector.broadcast %sub3A_1417 : i32 to vector<16xi32>
        %sub3A_1419 = arith.subi %add3A_1413, %sub3A_1418 : vector<16xi32>
        %select_n3A_1420 = arith.select %ge3A_1416, %sub3A_1419, %add3A_1413 : vector<16xi1>, vector<16xi32>
        %gather3A_1421 = arith.constant 0 : i32
        %gather3A_1422 = arith.constant 0 : i32
        %gather3A_1423 = tpu.memref_slice %arg6[%rem3A_83, %gather3A_1421, %gather3A_1422] : memref<3x128x128xf32, #tpu.memory_space<vmem>> -> memref<1x128x128xf32, #tpu.memory_space<vmem>>
        %gather3A_1424 = tpu.memref_squeeze %gather3A_1423 : memref<1x128x128xf32, #tpu.memory_space<vmem>> -> memref<128x128xf32, #tpu.memory_space<vmem>>
        %gather3A_1425 = tpu.vector_load_idx %gather3A_1424[%add3A_134, %select_n3A_1420] : memref<128x128xf32, #tpu.memory_space<vmem>>[vector<16xi32>, vector<16xi32>], vector<16xf32>,
        %mul3A_1426 = arith.mulf %gather3A_1425, %mul3A_1241 : vector<16xf32>
        %scatter3A_1427 = arith.constant 0 : i32
        %scatter3A_1428 = arith.constant 0 : i32
        %scatter3A_1429 = tpu.memref_slice %arg7[%rem3A_83, %scatter3A_1427, %scatter3A_1428] : memref<3x64x128xf32, #tpu.memory_space<vmem>> -> memref<1x64x128xf32, #tpu.memory_space<vmem>>
        %scatter3A_1430 = tpu.memref_squeeze %scatter3A_1429 : memref<1x64x128xf32, #tpu.memory_space<vmem>> -> memref<64x128xf32, #tpu.memory_space<vmem>>
        tpu.vector_store_idx %scatter3A_1430[%select_n3A_1420, %add3A_134], %mul3A_1426 : memref<64x128xf32, #tpu.memory_space<vmem>>[vector<16xi32>, vector<16xi32>], vector<16xf32>,
        %add3A_1431 = arith.constant 1 : i32
        %add3A_1432 = vector.broadcast %add3A_1431 : i32 to vector<16xi32>
        %add3A_1433 = arith.addi %select_n3A_1420, %add3A_1432 : vector<16xi32>
        %ge3A_1434 = arith.constant 64 : i32
        %ge3A_1435 = vector.broadcast %ge3A_1434 : i32 to vector<16xi32>
        %ge3A_1436 = arith.cmpi sge, %add3A_1433, %ge3A_1435 : vector<16xi32>
        %sub3A_1437 = arith.constant 64 : i32
        %sub3A_1438 = vector.broadcast %sub3A_1437 : i32 to vector<16xi32>
        %sub3A_1439 = arith.subi %add3A_1433, %sub3A_1438 : vector<16xi32>
        %select_n3A_1440 = arith.select %ge3A_1436, %sub3A_1439, %add3A_1433 : vector<16xi1>, vector<16xi32>
        %gather3A_1441 = arith.constant 0 : i32
        %gather3A_1442 = arith.constant 0 : i32
        %gather3A_1443 = tpu.memref_slice %arg6[%rem3A_83, %gather3A_1441, %gather3A_1442] : memref<3x128x128xf32, #tpu.memory_space<vmem>> -> memref<1x128x128xf32, #tpu.memory_space<vmem>>
        %gather3A_1444 = tpu.memref_squeeze %gather3A_1443 : memref<1x128x128xf32, #tpu.memory_space<vmem>> -> memref<128x128xf32, #tpu.memory_space<vmem>>
        %gather3A_1445 = tpu.vector_load_idx %gather3A_1444[%add3A_134, %select_n3A_1440] : memref<128x128xf32, #tpu.memory_space<vmem>>[vector<16xi32>, vector<16xi32>], vector<16xf32>,
        %mul3A_1446 = arith.mulf %gather3A_1445, %mul3A_1241 : vector<16xf32>
        %scatter3A_1447 = arith.constant 0 : i32
        %scatter3A_1448 = arith.constant 0 : i32
        %scatter3A_1449 = tpu.memref_slice %arg7[%rem3A_83, %scatter3A_1447, %scatter3A_1448] : memref<3x64x128xf32, #tpu.memory_space<vmem>> -> memref<1x64x128xf32, #tpu.memory_space<vmem>>
        %scatter3A_1450 = tpu.memref_squeeze %scatter3A_1449 : memref<1x64x128xf32, #tpu.memory_space<vmem>> -> memref<64x128xf32, #tpu.memory_space<vmem>>
        tpu.vector_store_idx %scatter3A_1450[%select_n3A_1440, %add3A_134], %mul3A_1446 : memref<64x128xf32, #tpu.memory_space<vmem>>[vector<16xi32>, vector<16xi32>], vector<16xf32>,
        %add3A_1451 = arith.constant 1 : i32
        %add3A_1452 = vector.broadcast %add3A_1451 : i32 to vector<16xi32>
        %add3A_1453 = arith.addi %select_n3A_1440, %add3A_1452 : vector<16xi32>
        %ge3A_1454 = arith.constant 64 : i32
        %ge3A_1455 = vector.broadcast %ge3A_1454 : i32 to vector<16xi32>
        %ge3A_1456 = arith.cmpi sge, %add3A_1453, %ge3A_1455 : vector<16xi32>
        %sub3A_1457 = arith.constant 64 : i32
        %sub3A_1458 = vector.broadcast %sub3A_1457 : i32 to vector<16xi32>
        %sub3A_1459 = arith.subi %add3A_1453, %sub3A_1458 : vector<16xi32>
        %select_n3A_1460 = arith.select %ge3A_1456, %sub3A_1459, %add3A_1453 : vector<16xi1>, vector<16xi32>
        %gather3A_1461 = arith.constant 0 : i32
        %gather3A_1462 = arith.constant 0 : i32
        %gather3A_1463 = tpu.memref_slice %arg6[%rem3A_83, %gather3A_1461, %gather3A_1462] : memref<3x128x128xf32, #tpu.memory_space<vmem>> -> memref<1x128x128xf32, #tpu.memory_space<vmem>>
        %gather3A_1464 = tpu.memref_squeeze %gather3A_1463 : memref<1x128x128xf32, #tpu.memory_space<vmem>> -> memref<128x128xf32, #tpu.memory_space<vmem>>
        %gather3A_1465 = tpu.vector_load_idx %gather3A_1464[%add3A_134, %select_n3A_1460] : memref<128x128xf32, #tpu.memory_space<vmem>>[vector<16xi32>, vector<16xi32>], vector<16xf32>,
        %mul3A_1466 = arith.mulf %gather3A_1465, %mul3A_1241 : vector<16xf32>
        %scatter3A_1467 = arith.constant 0 : i32
        %scatter3A_1468 = arith.constant 0 : i32
        %scatter3A_1469 = tpu.memref_slice %arg7[%rem3A_83, %scatter3A_1467, %scatter3A_1468] : memref<3x64x128xf32, #tpu.memory_space<vmem>> -> memref<1x64x128xf32, #tpu.memory_space<vmem>>
        %scatter3A_1470 = tpu.memref_squeeze %scatter3A_1469 : memref<1x64x128xf32, #tpu.memory_space<vmem>> -> memref<64x128xf32, #tpu.memory_space<vmem>>
        tpu.vector_store_idx %scatter3A_1470[%select_n3A_1460, %add3A_134], %mul3A_1466 : memref<64x128xf32, #tpu.memory_space<vmem>>[vector<16xi32>, vector<16xi32>], vector<16xf32>,
        %add3A_1471 = arith.constant 1 : i32
        %add3A_1472 = vector.broadcast %add3A_1471 : i32 to vector<16xi32>
        %add3A_1473 = arith.addi %select_n3A_1460, %add3A_1472 : vector<16xi32>
        %ge3A_1474 = arith.constant 64 : i32
        %ge3A_1475 = vector.broadcast %ge3A_1474 : i32 to vector<16xi32>
        %ge3A_1476 = arith.cmpi sge, %add3A_1473, %ge3A_1475 : vector<16xi32>
        %sub3A_1477 = arith.constant 64 : i32
        %sub3A_1478 = vector.broadcast %sub3A_1477 : i32 to vector<16xi32>
        %sub3A_1479 = arith.subi %add3A_1473, %sub3A_1478 : vector<16xi32>
        %select_n3A_1480 = arith.select %ge3A_1476, %sub3A_1479, %add3A_1473 : vector<16xi1>, vector<16xi32>
        %gather3A_1481 = arith.constant 0 : i32
        %gather3A_1482 = arith.constant 0 : i32
        %gather3A_1483 = tpu.memref_slice %arg6[%rem3A_83, %gather3A_1481, %gather3A_1482] : memref<3x128x128xf32, #tpu.memory_space<vmem>> -> memref<1x128x128xf32, #tpu.memory_space<vmem>>
        %gather3A_1484 = tpu.memref_squeeze %gather3A_1483 : memref<1x128x128xf32, #tpu.memory_space<vmem>> -> memref<128x128xf32, #tpu.memory_space<vmem>>
        %gather3A_1485 = tpu.vector_load_idx %gather3A_1484[%add3A_134, %select_n3A_1480] : memref<128x128xf32, #tpu.memory_space<vmem>>[vector<16xi32>, vector<16xi32>], vector<16xf32>,
        %mul3A_1486 = arith.mulf %gather3A_1485, %mul3A_1241 : vector<16xf32>
        %scatter3A_1487 = arith.constant 0 : i32
        %scatter3A_1488 = arith.constant 0 : i32
        %scatter3A_1489 = tpu.memref_slice %arg7[%rem3A_83, %scatter3A_1487, %scatter3A_1488] : memref<3x64x128xf32, #tpu.memory_space<vmem>> -> memref<1x64x128xf32, #tpu.memory_space<vmem>>
        %scatter3A_1490 = tpu.memref_squeeze %scatter3A_1489 : memref<1x64x128xf32, #tpu.memory_space<vmem>> -> memref<64x128xf32, #tpu.memory_space<vmem>>
        tpu.vector_store_idx %scatter3A_1490[%select_n3A_1480, %add3A_134], %mul3A_1486 : memref<64x128xf32, #tpu.memory_space<vmem>>[vector<16xi32>, vector<16xi32>], vector<16xf32>,
        %add3A_1491 = arith.constant 1 : i32
        %add3A_1492 = vector.broadcast %add3A_1491 : i32 to vector<16xi32>
        %add3A_1493 = arith.addi %select_n3A_1480, %add3A_1492 : vector<16xi32>
        %ge3A_1494 = arith.constant 64 : i32
        %ge3A_1495 = vector.broadcast %ge3A_1494 : i32 to vector<16xi32>
        %ge3A_1496 = arith.cmpi sge, %add3A_1493, %ge3A_1495 : vector<16xi32>
        %sub3A_1497 = arith.constant 64 : i32
        %sub3A_1498 = vector.broadcast %sub3A_1497 : i32 to vector<16xi32>
        %sub3A_1499 = arith.subi %add3A_1493, %sub3A_1498 : vector<16xi32>
        %select_n3A_1500 = arith.select %ge3A_1496, %sub3A_1499, %add3A_1493 : vector<16xi1>, vector<16xi32>
        %gather3A_1501 = arith.constant 0 : i32
        %gather3A_1502 = arith.constant 0 : i32
        %gather3A_1503 = tpu.memref_slice %arg6[%rem3A_83, %gather3A_1501, %gather3A_1502] : memref<3x128x128xf32, #tpu.memory_space<vmem>> -> memref<1x128x128xf32, #tpu.memory_space<vmem>>
        %gather3A_1504 = tpu.memref_squeeze %gather3A_1503 : memref<1x128x128xf32, #tpu.memory_space<vmem>> -> memref<128x128xf32, #tpu.memory_space<vmem>>
        %gather3A_1505 = tpu.vector_load_idx %gather3A_1504[%add3A_134, %select_n3A_1500] : memref<128x128xf32, #tpu.memory_space<vmem>>[vector<16xi32>, vector<16xi32>], vector<16xf32>,
        %mul3A_1506 = arith.mulf %gather3A_1505, %mul3A_1241 : vector<16xf32>
        %scatter3A_1507 = arith.constant 0 : i32
        %scatter3A_1508 = arith.constant 0 : i32
        %scatter3A_1509 = tpu.memref_slice %arg7[%rem3A_83, %scatter3A_1507, %scatter3A_1508] : memref<3x64x128xf32, #tpu.memory_space<vmem>> -> memref<1x64x128xf32, #tpu.memory_space<vmem>>
        %scatter3A_1510 = tpu.memref_squeeze %scatter3A_1509 : memref<1x64x128xf32, #tpu.memory_space<vmem>> -> memref<64x128xf32, #tpu.memory_space<vmem>>
        tpu.vector_store_idx %scatter3A_1510[%select_n3A_1500, %add3A_134], %mul3A_1506 : memref<64x128xf32, #tpu.memory_space<vmem>>[vector<16xi32>, vector<16xi32>], vector<16xf32>,
        %add3A_1511 = arith.constant 1 : i32
        %add3A_1512 = vector.broadcast %add3A_1511 : i32 to vector<16xi32>
        %add3A_1513 = arith.addi %select_n3A_1500, %add3A_1512 : vector<16xi32>
        %ge3A_1514 = arith.constant 64 : i32
        %ge3A_1515 = vector.broadcast %ge3A_1514 : i32 to vector<16xi32>
        %ge3A_1516 = arith.cmpi sge, %add3A_1513, %ge3A_1515 : vector<16xi32>
        %sub3A_1517 = arith.constant 64 : i32
        %sub3A_1518 = vector.broadcast %sub3A_1517 : i32 to vector<16xi32>
        %sub3A_1519 = arith.subi %add3A_1513, %sub3A_1518 : vector<16xi32>
        %select_n3A_1520 = arith.select %ge3A_1516, %sub3A_1519, %add3A_1513 : vector<16xi1>, vector<16xi32>
        %gather3A_1521 = arith.constant 0 : i32
        %gather3A_1522 = arith.constant 0 : i32
        %gather3A_1523 = tpu.memref_slice %arg6[%rem3A_83, %gather3A_1521, %gather3A_1522] : memref<3x128x128xf32, #tpu.memory_space<vmem>> -> memref<1x128x128xf32, #tpu.memory_space<vmem>>
        %gather3A_1524 = tpu.memref_squeeze %gather3A_1523 : memref<1x128x128xf32, #tpu.memory_space<vmem>> -> memref<128x128xf32, #tpu.memory_space<vmem>>
        %gather3A_1525 = tpu.vector_load_idx %gather3A_1524[%add3A_134, %select_n3A_1520] : memref<128x128xf32, #tpu.memory_space<vmem>>[vector<16xi32>, vector<16xi32>], vector<16xf32>,
        %mul3A_1526 = arith.mulf %gather3A_1525, %mul3A_1241 : vector<16xf32>
        %scatter3A_1527 = arith.constant 0 : i32
        %scatter3A_1528 = arith.constant 0 : i32
        %scatter3A_1529 = tpu.memref_slice %arg7[%rem3A_83, %scatter3A_1527, %scatter3A_1528] : memref<3x64x128xf32, #tpu.memory_space<vmem>> -> memref<1x64x128xf32, #tpu.memory_space<vmem>>
        %scatter3A_1530 = tpu.memref_squeeze %scatter3A_1529 : memref<1x64x128xf32, #tpu.memory_space<vmem>> -> memref<64x128xf32, #tpu.memory_space<vmem>>
        tpu.vector_store_idx %scatter3A_1530[%select_n3A_1520, %add3A_134], %mul3A_1526 : memref<64x128xf32, #tpu.memory_space<vmem>>[vector<16xi32>, vector<16xi32>], vector<16xf32>,
        %add3A_1531 = arith.constant 1 : i32
        %add3A_1532 = vector.broadcast %add3A_1531 : i32 to vector<16xi32>
        %add3A_1533 = arith.addi %select_n3A_1520, %add3A_1532 : vector<16xi32>
        %ge3A_1534 = arith.constant 64 : i32
        %ge3A_1535 = vector.broadcast %ge3A_1534 : i32 to vector<16xi32>
        %ge3A_1536 = arith.cmpi sge, %add3A_1533, %ge3A_1535 : vector<16xi32>
        %sub3A_1537 = arith.constant 64 : i32
        %sub3A_1538 = vector.broadcast %sub3A_1537 : i32 to vector<16xi32>
        %sub3A_1539 = arith.subi %add3A_1533, %sub3A_1538 : vector<16xi32>
        %select_n3A_1540 = arith.select %ge3A_1536, %sub3A_1539, %add3A_1533 : vector<16xi1>, vector<16xi32>
        %gather3A_1541 = arith.constant 0 : i32
        %gather3A_1542 = arith.constant 0 : i32
        %gather3A_1543 = tpu.memref_slice %arg6[%rem3A_83, %gather3A_1541, %gather3A_1542] : memref<3x128x128xf32, #tpu.memory_space<vmem>> -> memref<1x128x128xf32, #tpu.memory_space<vmem>>
        %gather3A_1544 = tpu.memref_squeeze %gather3A_1543 : memref<1x128x128xf32, #tpu.memory_space<vmem>> -> memref<128x128xf32, #tpu.memory_space<vmem>>
        %gather3A_1545 = tpu.vector_load_idx %gather3A_1544[%add3A_134, %select_n3A_1540] : memref<128x128xf32, #tpu.memory_space<vmem>>[vector<16xi32>, vector<16xi32>], vector<16xf32>,
        %mul3A_1546 = arith.mulf %gather3A_1545, %mul3A_1241 : vector<16xf32>
        %scatter3A_1547 = arith.constant 0 : i32
        %scatter3A_1548 = arith.constant 0 : i32
        %scatter3A_1549 = tpu.memref_slice %arg7[%rem3A_83, %scatter3A_1547, %scatter3A_1548] : memref<3x64x128xf32, #tpu.memory_space<vmem>> -> memref<1x64x128xf32, #tpu.memory_space<vmem>>
        %scatter3A_1550 = tpu.memref_squeeze %scatter3A_1549 : memref<1x64x128xf32, #tpu.memory_space<vmem>> -> memref<64x128xf32, #tpu.memory_space<vmem>>
        tpu.vector_store_idx %scatter3A_1550[%select_n3A_1540, %add3A_134], %mul3A_1546 : memref<64x128xf32, #tpu.memory_space<vmem>>[vector<16xi32>, vector<16xi32>], vector<16xf32>,
        %add3A_1551 = arith.constant 1 : i32
        %add3A_1552 = vector.broadcast %add3A_1551 : i32 to vector<16xi32>
        %add3A_1553 = arith.addi %select_n3A_1540, %add3A_1552 : vector<16xi32>
        %ge3A_1554 = arith.constant 64 : i32
        %ge3A_1555 = vector.broadcast %ge3A_1554 : i32 to vector<16xi32>
        %ge3A_1556 = arith.cmpi sge, %add3A_1553, %ge3A_1555 : vector<16xi32>
        %sub3A_1557 = arith.constant 64 : i32
        %sub3A_1558 = vector.broadcast %sub3A_1557 : i32 to vector<16xi32>
        %sub3A_1559 = arith.subi %add3A_1553, %sub3A_1558 : vector<16xi32>
        %select_n3A_1560 = arith.select %ge3A_1556, %sub3A_1559, %add3A_1553 : vector<16xi1>, vector<16xi32>
        %gather3A_1561 = arith.constant 0 : i32
        %gather3A_1562 = arith.constant 0 : i32
        %gather3A_1563 = tpu.memref_slice %arg6[%rem3A_83, %gather3A_1561, %gather3A_1562] : memref<3x128x128xf32, #tpu.memory_space<vmem>> -> memref<1x128x128xf32, #tpu.memory_space<vmem>>
        %gather3A_1564 = tpu.memref_squeeze %gather3A_1563 : memref<1x128x128xf32, #tpu.memory_space<vmem>> -> memref<128x128xf32, #tpu.memory_space<vmem>>
        %gather3A_1565 = tpu.vector_load_idx %gather3A_1564[%add3A_134, %select_n3A_1560] : memref<128x128xf32, #tpu.memory_space<vmem>>[vector<16xi32>, vector<16xi32>], vector<16xf32>,
        %mul3A_1566 = arith.mulf %gather3A_1565, %mul3A_1241 : vector<16xf32>
        %scatter3A_1567 = arith.constant 0 : i32
        %scatter3A_1568 = arith.constant 0 : i32
        %scatter3A_1569 = tpu.memref_slice %arg7[%rem3A_83, %scatter3A_1567, %scatter3A_1568] : memref<3x64x128xf32, #tpu.memory_space<vmem>> -> memref<1x64x128xf32, #tpu.memory_space<vmem>>
        %scatter3A_1570 = tpu.memref_squeeze %scatter3A_1569 : memref<1x64x128xf32, #tpu.memory_space<vmem>> -> memref<64x128xf32, #tpu.memory_space<vmem>>
        tpu.vector_store_idx %scatter3A_1570[%select_n3A_1560, %add3A_134], %mul3A_1566 : memref<64x128xf32, #tpu.memory_space<vmem>>[vector<16xi32>, vector<16xi32>], vector<16xf32>,
        %add3A_1571 = arith.constant 1 : i32
        %add3A_1572 = vector.broadcast %add3A_1571 : i32 to vector<16xi32>
        %add3A_1573 = arith.addi %select_n3A_1560, %add3A_1572 : vector<16xi32>
        %ge3A_1574 = arith.constant 64 : i32
        %ge3A_1575 = vector.broadcast %ge3A_1574 : i32 to vector<16xi32>
        %ge3A_1576 = arith.cmpi sge, %add3A_1573, %ge3A_1575 : vector<16xi32>
        %sub3A_1577 = arith.constant 64 : i32
        %sub3A_1578 = vector.broadcast %sub3A_1577 : i32 to vector<16xi32>
        %sub3A_1579 = arith.subi %add3A_1573, %sub3A_1578 : vector<16xi32>
        %select_n3A_1580 = arith.select %ge3A_1576, %sub3A_1579, %add3A_1573 : vector<16xi1>, vector<16xi32>
        %gather3A_1581 = arith.constant 0 : i32
        %gather3A_1582 = arith.constant 0 : i32
        %gather3A_1583 = tpu.memref_slice %arg6[%rem3A_83, %gather3A_1581, %gather3A_1582] : memref<3x128x128xf32, #tpu.memory_space<vmem>> -> memref<1x128x128xf32, #tpu.memory_space<vmem>>
        %gather3A_1584 = tpu.memref_squeeze %gather3A_1583 : memref<1x128x128xf32, #tpu.memory_space<vmem>> -> memref<128x128xf32, #tpu.memory_space<vmem>>
        %gather3A_1585 = tpu.vector_load_idx %gather3A_1584[%add3A_134, %select_n3A_1580] : memref<128x128xf32, #tpu.memory_space<vmem>>[vector<16xi32>, vector<16xi32>], vector<16xf32>,
        %mul3A_1586 = arith.mulf %gather3A_1585, %mul3A_1241 : vector<16xf32>
        %scatter3A_1587 = arith.constant 0 : i32
        %scatter3A_1588 = arith.constant 0 : i32
        %scatter3A_1589 = tpu.memref_slice %arg7[%rem3A_83, %scatter3A_1587, %scatter3A_1588] : memref<3x64x128xf32, #tpu.memory_space<vmem>> -> memref<1x64x128xf32, #tpu.memory_space<vmem>>
        %scatter3A_1590 = tpu.memref_squeeze %scatter3A_1589 : memref<1x64x128xf32, #tpu.memory_space<vmem>> -> memref<64x128xf32, #tpu.memory_space<vmem>>
        tpu.vector_store_idx %scatter3A_1590[%select_n3A_1580, %add3A_134], %mul3A_1586 : memref<64x128xf32, #tpu.memory_space<vmem>>[vector<16xi32>, vector<16xi32>], vector<16xf32>,
        %add3A_1591 = arith.constant 1 : i32
        %add3A_1592 = vector.broadcast %add3A_1591 : i32 to vector<16xi32>
        %add3A_1593 = arith.addi %select_n3A_1580, %add3A_1592 : vector<16xi32>
        %ge3A_1594 = arith.constant 64 : i32
        %ge3A_1595 = vector.broadcast %ge3A_1594 : i32 to vector<16xi32>
        %ge3A_1596 = arith.cmpi sge, %add3A_1593, %ge3A_1595 : vector<16xi32>
        %sub3A_1597 = arith.constant 64 : i32
        %sub3A_1598 = vector.broadcast %sub3A_1597 : i32 to vector<16xi32>
        %sub3A_1599 = arith.subi %add3A_1593, %sub3A_1598 : vector<16xi32>
        %select_n3A_1600 = arith.select %ge3A_1596, %sub3A_1599, %add3A_1593 : vector<16xi1>, vector<16xi32>
        %gather3A_1601 = arith.constant 0 : i32
        %gather3A_1602 = arith.constant 0 : i32
        %gather3A_1603 = tpu.memref_slice %arg6[%rem3A_83, %gather3A_1601, %gather3A_1602] : memref<3x128x128xf32, #tpu.memory_space<vmem>> -> memref<1x128x128xf32, #tpu.memory_space<vmem>>
        %gather3A_1604 = tpu.memref_squeeze %gather3A_1603 : memref<1x128x128xf32, #tpu.memory_space<vmem>> -> memref<128x128xf32, #tpu.memory_space<vmem>>
        %gather3A_1605 = tpu.vector_load_idx %gather3A_1604[%add3A_134, %select_n3A_1600] : memref<128x128xf32, #tpu.memory_space<vmem>>[vector<16xi32>, vector<16xi32>], vector<16xf32>,
        %mul3A_1606 = arith.mulf %gather3A_1605, %mul3A_1241 : vector<16xf32>
        %scatter3A_1607 = arith.constant 0 : i32
        %scatter3A_1608 = arith.constant 0 : i32
        %scatter3A_1609 = tpu.memref_slice %arg7[%rem3A_83, %scatter3A_1607, %scatter3A_1608] : memref<3x64x128xf32, #tpu.memory_space<vmem>> -> memref<1x64x128xf32, #tpu.memory_space<vmem>>
        %scatter3A_1610 = tpu.memref_squeeze %scatter3A_1609 : memref<1x64x128xf32, #tpu.memory_space<vmem>> -> memref<64x128xf32, #tpu.memory_space<vmem>>
        tpu.vector_store_idx %scatter3A_1610[%select_n3A_1600, %add3A_134], %mul3A_1606 : memref<64x128xf32, #tpu.memory_space<vmem>>[vector<16xi32>, vector<16xi32>], vector<16xf32>,
        %add3A_1611 = arith.constant 1 : i32
        %add3A_1612 = vector.broadcast %add3A_1611 : i32 to vector<16xi32>
        %add3A_1613 = arith.addi %select_n3A_1600, %add3A_1612 : vector<16xi32>
        %ge3A_1614 = arith.constant 64 : i32
        %ge3A_1615 = vector.broadcast %ge3A_1614 : i32 to vector<16xi32>
        %ge3A_1616 = arith.cmpi sge, %add3A_1613, %ge3A_1615 : vector<16xi32>
        %sub3A_1617 = arith.constant 64 : i32
        %sub3A_1618 = vector.broadcast %sub3A_1617 : i32 to vector<16xi32>
        %sub3A_1619 = arith.subi %add3A_1613, %sub3A_1618 : vector<16xi32>
        %select_n3A_1620 = arith.select %ge3A_1616, %sub3A_1619, %add3A_1613 : vector<16xi1>, vector<16xi32>
        %gather3A_1621 = arith.constant 0 : i32
        %gather3A_1622 = arith.constant 0 : i32
        %gather3A_1623 = tpu.memref_slice %arg6[%rem3A_83, %gather3A_1621, %gather3A_1622] : memref<3x128x128xf32, #tpu.memory_space<vmem>> -> memref<1x128x128xf32, #tpu.memory_space<vmem>>
        %gather3A_1624 = tpu.memref_squeeze %gather3A_1623 : memref<1x128x128xf32, #tpu.memory_space<vmem>> -> memref<128x128xf32, #tpu.memory_space<vmem>>
        %gather3A_1625 = tpu.vector_load_idx %gather3A_1624[%add3A_134, %select_n3A_1620] : memref<128x128xf32, #tpu.memory_space<vmem>>[vector<16xi32>, vector<16xi32>], vector<16xf32>,
        %mul3A_1626 = arith.mulf %gather3A_1625, %mul3A_1241 : vector<16xf32>
        %scatter3A_1627 = arith.constant 0 : i32
        %scatter3A_1628 = arith.constant 0 : i32
        %scatter3A_1629 = tpu.memref_slice %arg7[%rem3A_83, %scatter3A_1627, %scatter3A_1628] : memref<3x64x128xf32, #tpu.memory_space<vmem>> -> memref<1x64x128xf32, #tpu.memory_space<vmem>>
        %scatter3A_1630 = tpu.memref_squeeze %scatter3A_1629 : memref<1x64x128xf32, #tpu.memory_space<vmem>> -> memref<64x128xf32, #tpu.memory_space<vmem>>
        tpu.vector_store_idx %scatter3A_1630[%select_n3A_1620, %add3A_134], %mul3A_1626 : memref<64x128xf32, #tpu.memory_space<vmem>>[vector<16xi32>, vector<16xi32>], vector<16xf32>,
        %add3A_1631 = arith.constant 1 : i32
        %add3A_1632 = vector.broadcast %add3A_1631 : i32 to vector<16xi32>
        %add3A_1633 = arith.addi %select_n3A_1620, %add3A_1632 : vector<16xi32>
        %ge3A_1634 = arith.constant 64 : i32
        %ge3A_1635 = vector.broadcast %ge3A_1634 : i32 to vector<16xi32>
        %ge3A_1636 = arith.cmpi sge, %add3A_1633, %ge3A_1635 : vector<16xi32>
        %sub3A_1637 = arith.constant 64 : i32
        %sub3A_1638 = vector.broadcast %sub3A_1637 : i32 to vector<16xi32>
        %sub3A_1639 = arith.subi %add3A_1633, %sub3A_1638 : vector<16xi32>
        %select_n3A_1640 = arith.select %ge3A_1636, %sub3A_1639, %add3A_1633 : vector<16xi1>, vector<16xi32>
        %gather3A_1641 = arith.constant 0 : i32
        %gather3A_1642 = arith.constant 0 : i32
        %gather3A_1643 = tpu.memref_slice %arg6[%rem3A_83, %gather3A_1641, %gather3A_1642] : memref<3x128x128xf32, #tpu.memory_space<vmem>> -> memref<1x128x128xf32, #tpu.memory_space<vmem>>
        %gather3A_1644 = tpu.memref_squeeze %gather3A_1643 : memref<1x128x128xf32, #tpu.memory_space<vmem>> -> memref<128x128xf32, #tpu.memory_space<vmem>>
        %gather3A_1645 = tpu.vector_load_idx %gather3A_1644[%add3A_134, %select_n3A_1640] : memref<128x128xf32, #tpu.memory_space<vmem>>[vector<16xi32>, vector<16xi32>], vector<16xf32>,
        %mul3A_1646 = arith.mulf %gather3A_1645, %mul3A_1241 : vector<16xf32>
        %scatter3A_1647 = arith.constant 0 : i32
        %scatter3A_1648 = arith.constant 0 : i32
        %scatter3A_1649 = tpu.memref_slice %arg7[%rem3A_83, %scatter3A_1647, %scatter3A_1648] : memref<3x64x128xf32, #tpu.memory_space<vmem>> -> memref<1x64x128xf32, #tpu.memory_space<vmem>>
        %scatter3A_1650 = tpu.memref_squeeze %scatter3A_1649 : memref<1x64x128xf32, #tpu.memory_space<vmem>> -> memref<64x128xf32, #tpu.memory_space<vmem>>
        tpu.vector_store_idx %scatter3A_1650[%select_n3A_1640, %add3A_134], %mul3A_1646 : memref<64x128xf32, #tpu.memory_space<vmem>>[vector<16xi32>, vector<16xi32>], vector<16xf32>,
        %add3A_1651 = arith.constant 1 : i32
        %add3A_1652 = vector.broadcast %add3A_1651 : i32 to vector<16xi32>
        %add3A_1653 = arith.addi %select_n3A_1640, %add3A_1652 : vector<16xi32>
        %ge3A_1654 = arith.constant 64 : i32
        %ge3A_1655 = vector.broadcast %ge3A_1654 : i32 to vector<16xi32>
        %ge3A_1656 = arith.cmpi sge, %add3A_1653, %ge3A_1655 : vector<16xi32>
        %sub3A_1657 = arith.constant 64 : i32
        %sub3A_1658 = vector.broadcast %sub3A_1657 : i32 to vector<16xi32>
        %sub3A_1659 = arith.subi %add3A_1653, %sub3A_1658 : vector<16xi32>
        %select_n3A_1660 = arith.select %ge3A_1656, %sub3A_1659, %add3A_1653 : vector<16xi1>, vector<16xi32>
        %gather3A_1661 = arith.constant 0 : i32
        %gather3A_1662 = arith.constant 0 : i32
        %gather3A_1663 = tpu.memref_slice %arg6[%rem3A_83, %gather3A_1661, %gather3A_1662] : memref<3x128x128xf32, #tpu.memory_space<vmem>> -> memref<1x128x128xf32, #tpu.memory_space<vmem>>
        %gather3A_1664 = tpu.memref_squeeze %gather3A_1663 : memref<1x128x128xf32, #tpu.memory_space<vmem>> -> memref<128x128xf32, #tpu.memory_space<vmem>>
        %gather3A_1665 = tpu.vector_load_idx %gather3A_1664[%add3A_134, %select_n3A_1660] : memref<128x128xf32, #tpu.memory_space<vmem>>[vector<16xi32>, vector<16xi32>], vector<16xf32>,
        %mul3A_1666 = arith.mulf %gather3A_1665, %mul3A_1241 : vector<16xf32>
        %scatter3A_1667 = arith.constant 0 : i32
        %scatter3A_1668 = arith.constant 0 : i32
        %scatter3A_1669 = tpu.memref_slice %arg7[%rem3A_83, %scatter3A_1667, %scatter3A_1668] : memref<3x64x128xf32, #tpu.memory_space<vmem>> -> memref<1x64x128xf32, #tpu.memory_space<vmem>>
        %scatter3A_1670 = tpu.memref_squeeze %scatter3A_1669 : memref<1x64x128xf32, #tpu.memory_space<vmem>> -> memref<64x128xf32, #tpu.memory_space<vmem>>
        tpu.vector_store_idx %scatter3A_1670[%select_n3A_1660, %add3A_134], %mul3A_1666 : memref<64x128xf32, #tpu.memory_space<vmem>>[vector<16xi32>, vector<16xi32>], vector<16xf32>,
        %add3A_1671 = arith.constant 1 : i32
        %add3A_1672 = vector.broadcast %add3A_1671 : i32 to vector<16xi32>
        %add3A_1673 = arith.addi %select_n3A_1660, %add3A_1672 : vector<16xi32>
        %ge3A_1674 = arith.constant 64 : i32
        %ge3A_1675 = vector.broadcast %ge3A_1674 : i32 to vector<16xi32>
        %ge3A_1676 = arith.cmpi sge, %add3A_1673, %ge3A_1675 : vector<16xi32>
        %sub3A_1677 = arith.constant 64 : i32
        %sub3A_1678 = vector.broadcast %sub3A_1677 : i32 to vector<16xi32>
        %sub3A_1679 = arith.subi %add3A_1673, %sub3A_1678 : vector<16xi32>
        %select_n3A_1680 = arith.select %ge3A_1676, %sub3A_1679, %add3A_1673 : vector<16xi1>, vector<16xi32>
        %gather3A_1681 = arith.constant 0 : i32
        %gather3A_1682 = arith.constant 0 : i32
        %gather3A_1683 = tpu.memref_slice %arg6[%rem3A_83, %gather3A_1681, %gather3A_1682] : memref<3x128x128xf32, #tpu.memory_space<vmem>> -> memref<1x128x128xf32, #tpu.memory_space<vmem>>
        %gather3A_1684 = tpu.memref_squeeze %gather3A_1683 : memref<1x128x128xf32, #tpu.memory_space<vmem>> -> memref<128x128xf32, #tpu.memory_space<vmem>>
        %gather3A_1685 = tpu.vector_load_idx %gather3A_1684[%add3A_134, %select_n3A_1680] : memref<128x128xf32, #tpu.memory_space<vmem>>[vector<16xi32>, vector<16xi32>], vector<16xf32>,
        %mul3A_1686 = arith.mulf %gather3A_1685, %mul3A_1241 : vector<16xf32>
        %scatter3A_1687 = arith.constant 0 : i32
        %scatter3A_1688 = arith.constant 0 : i32
        %scatter3A_1689 = tpu.memref_slice %arg7[%rem3A_83, %scatter3A_1687, %scatter3A_1688] : memref<3x64x128xf32, #tpu.memory_space<vmem>> -> memref<1x64x128xf32, #tpu.memory_space<vmem>>
        %scatter3A_1690 = tpu.memref_squeeze %scatter3A_1689 : memref<1x64x128xf32, #tpu.memory_space<vmem>> -> memref<64x128xf32, #tpu.memory_space<vmem>>
        tpu.vector_store_idx %scatter3A_1690[%select_n3A_1680, %add3A_134], %mul3A_1686 : memref<64x128xf32, #tpu.memory_space<vmem>>[vector<16xi32>, vector<16xi32>], vector<16xf32>,
        %add3A_1691 = arith.constant 1 : i32
        %add3A_1692 = vector.broadcast %add3A_1691 : i32 to vector<16xi32>
        %add3A_1693 = arith.addi %select_n3A_1680, %add3A_1692 : vector<16xi32>
        %ge3A_1694 = arith.constant 64 : i32
        %ge3A_1695 = vector.broadcast %ge3A_1694 : i32 to vector<16xi32>
        %ge3A_1696 = arith.cmpi sge, %add3A_1693, %ge3A_1695 : vector<16xi32>
        %sub3A_1697 = arith.constant 64 : i32
        %sub3A_1698 = vector.broadcast %sub3A_1697 : i32 to vector<16xi32>
        %sub3A_1699 = arith.subi %add3A_1693, %sub3A_1698 : vector<16xi32>
        %select_n3A_1700 = arith.select %ge3A_1696, %sub3A_1699, %add3A_1693 : vector<16xi1>, vector<16xi32>
        %gather3A_1701 = arith.constant 0 : i32
        %gather3A_1702 = arith.constant 0 : i32
        %gather3A_1703 = tpu.memref_slice %arg6[%rem3A_83, %gather3A_1701, %gather3A_1702] : memref<3x128x128xf32, #tpu.memory_space<vmem>> -> memref<1x128x128xf32, #tpu.memory_space<vmem>>
        %gather3A_1704 = tpu.memref_squeeze %gather3A_1703 : memref<1x128x128xf32, #tpu.memory_space<vmem>> -> memref<128x128xf32, #tpu.memory_space<vmem>>
        %gather3A_1705 = tpu.vector_load_idx %gather3A_1704[%add3A_134, %select_n3A_1700] : memref<128x128xf32, #tpu.memory_space<vmem>>[vector<16xi32>, vector<16xi32>], vector<16xf32>,
        %mul3A_1706 = arith.mulf %gather3A_1705, %mul3A_1241 : vector<16xf32>
        %scatter3A_1707 = arith.constant 0 : i32
        %scatter3A_1708 = arith.constant 0 : i32
        %scatter3A_1709 = tpu.memref_slice %arg7[%rem3A_83, %scatter3A_1707, %scatter3A_1708] : memref<3x64x128xf32, #tpu.memory_space<vmem>> -> memref<1x64x128xf32, #tpu.memory_space<vmem>>
        %scatter3A_1710 = tpu.memref_squeeze %scatter3A_1709 : memref<1x64x128xf32, #tpu.memory_space<vmem>> -> memref<64x128xf32, #tpu.memory_space<vmem>>
        tpu.vector_store_idx %scatter3A_1710[%select_n3A_1700, %add3A_134], %mul3A_1706 : memref<64x128xf32, #tpu.memory_space<vmem>>[vector<16xi32>, vector<16xi32>], vector<16xf32>,
        %add3A_1711 = arith.constant 1 : i32
        %add3A_1712 = vector.broadcast %add3A_1711 : i32 to vector<16xi32>
        %add3A_1713 = arith.addi %select_n3A_1700, %add3A_1712 : vector<16xi32>
        %ge3A_1714 = arith.constant 64 : i32
        %ge3A_1715 = vector.broadcast %ge3A_1714 : i32 to vector<16xi32>
        %ge3A_1716 = arith.cmpi sge, %add3A_1713, %ge3A_1715 : vector<16xi32>
        %sub3A_1717 = arith.constant 64 : i32
        %sub3A_1718 = vector.broadcast %sub3A_1717 : i32 to vector<16xi32>
        %sub3A_1719 = arith.subi %add3A_1713, %sub3A_1718 : vector<16xi32>
        %select_n3A_1720 = arith.select %ge3A_1716, %sub3A_1719, %add3A_1713 : vector<16xi1>, vector<16xi32>
        %gather3A_1721 = arith.constant 0 : i32
        %gather3A_1722 = arith.constant 0 : i32
        %gather3A_1723 = tpu.memref_slice %arg6[%rem3A_83, %gather3A_1721, %gather3A_1722] : memref<3x128x128xf32, #tpu.memory_space<vmem>> -> memref<1x128x128xf32, #tpu.memory_space<vmem>>
        %gather3A_1724 = tpu.memref_squeeze %gather3A_1723 : memref<1x128x128xf32, #tpu.memory_space<vmem>> -> memref<128x128xf32, #tpu.memory_space<vmem>>
        %gather3A_1725 = tpu.vector_load_idx %gather3A_1724[%add3A_134, %select_n3A_1720] : memref<128x128xf32, #tpu.memory_space<vmem>>[vector<16xi32>, vector<16xi32>], vector<16xf32>,
        %mul3A_1726 = arith.mulf %gather3A_1725, %mul3A_1241 : vector<16xf32>
        %scatter3A_1727 = arith.constant 0 : i32
        %scatter3A_1728 = arith.constant 0 : i32
        %scatter3A_1729 = tpu.memref_slice %arg7[%rem3A_83, %scatter3A_1727, %scatter3A_1728] : memref<3x64x128xf32, #tpu.memory_space<vmem>> -> memref<1x64x128xf32, #tpu.memory_space<vmem>>
        %scatter3A_1730 = tpu.memref_squeeze %scatter3A_1729 : memref<1x64x128xf32, #tpu.memory_space<vmem>> -> memref<64x128xf32, #tpu.memory_space<vmem>>
        tpu.vector_store_idx %scatter3A_1730[%select_n3A_1720, %add3A_134], %mul3A_1726 : memref<64x128xf32, #tpu.memory_space<vmem>>[vector<16xi32>, vector<16xi32>], vector<16xf32>,
        %add3A_1731 = arith.constant 1 : i32
        %add3A_1732 = vector.broadcast %add3A_1731 : i32 to vector<16xi32>
        %add3A_1733 = arith.addi %select_n3A_1720, %add3A_1732 : vector<16xi32>
        %ge3A_1734 = arith.constant 64 : i32
        %ge3A_1735 = vector.broadcast %ge3A_1734 : i32 to vector<16xi32>
        %ge3A_1736 = arith.cmpi sge, %add3A_1733, %ge3A_1735 : vector<16xi32>
        %sub3A_1737 = arith.constant 64 : i32
        %sub3A_1738 = vector.broadcast %sub3A_1737 : i32 to vector<16xi32>
        %sub3A_1739 = arith.subi %add3A_1733, %sub3A_1738 : vector<16xi32>
        %select_n3A_1740 = arith.select %ge3A_1736, %sub3A_1739, %add3A_1733 : vector<16xi1>, vector<16xi32>
        %gather3A_1741 = arith.constant 0 : i32
        %gather3A_1742 = arith.constant 0 : i32
        %gather3A_1743 = tpu.memref_slice %arg6[%rem3A_83, %gather3A_1741, %gather3A_1742] : memref<3x128x128xf32, #tpu.memory_space<vmem>> -> memref<1x128x128xf32, #tpu.memory_space<vmem>>
        %gather3A_1744 = tpu.memref_squeeze %gather3A_1743 : memref<1x128x128xf32, #tpu.memory_space<vmem>> -> memref<128x128xf32, #tpu.memory_space<vmem>>
        %gather3A_1745 = tpu.vector_load_idx %gather3A_1744[%add3A_134, %select_n3A_1740] : memref<128x128xf32, #tpu.memory_space<vmem>>[vector<16xi32>, vector<16xi32>], vector<16xf32>,
        %mul3A_1746 = arith.mulf %gather3A_1745, %mul3A_1241 : vector<16xf32>
        %scatter3A_1747 = arith.constant 0 : i32
        %scatter3A_1748 = arith.constant 0 : i32
        %scatter3A_1749 = tpu.memref_slice %arg7[%rem3A_83, %scatter3A_1747, %scatter3A_1748] : memref<3x64x128xf32, #tpu.memory_space<vmem>> -> memref<1x64x128xf32, #tpu.memory_space<vmem>>
        %scatter3A_1750 = tpu.memref_squeeze %scatter3A_1749 : memref<1x64x128xf32, #tpu.memory_space<vmem>> -> memref<64x128xf32, #tpu.memory_space<vmem>>
        tpu.vector_store_idx %scatter3A_1750[%select_n3A_1740, %add3A_134], %mul3A_1746 : memref<64x128xf32, #tpu.memory_space<vmem>>[vector<16xi32>, vector<16xi32>], vector<16xf32>,
        %add3A_1751 = arith.constant 1 : i32
        %add3A_1752 = vector.broadcast %add3A_1751 : i32 to vector<16xi32>
        %add3A_1753 = arith.addi %select_n3A_1740, %add3A_1752 : vector<16xi32>
        %ge3A_1754 = arith.constant 64 : i32
        %ge3A_1755 = vector.broadcast %ge3A_1754 : i32 to vector<16xi32>
        %ge3A_1756 = arith.cmpi sge, %add3A_1753, %ge3A_1755 : vector<16xi32>
        %sub3A_1757 = arith.constant 64 : i32
        %sub3A_1758 = vector.broadcast %sub3A_1757 : i32 to vector<16xi32>
        %sub3A_1759 = arith.subi %add3A_1753, %sub3A_1758 : vector<16xi32>
        %select_n3A_1760 = arith.select %ge3A_1756, %sub3A_1759, %add3A_1753 : vector<16xi1>, vector<16xi32>
        %gather3A_1761 = arith.constant 0 : i32
        %gather3A_1762 = arith.constant 0 : i32
        %gather3A_1763 = tpu.memref_slice %arg6[%rem3A_83, %gather3A_1761, %gather3A_1762] : memref<3x128x128xf32, #tpu.memory_space<vmem>> -> memref<1x128x128xf32, #tpu.memory_space<vmem>>
        %gather3A_1764 = tpu.memref_squeeze %gather3A_1763 : memref<1x128x128xf32, #tpu.memory_space<vmem>> -> memref<128x128xf32, #tpu.memory_space<vmem>>
        %gather3A_1765 = tpu.vector_load_idx %gather3A_1764[%add3A_134, %select_n3A_1760] : memref<128x128xf32, #tpu.memory_space<vmem>>[vector<16xi32>, vector<16xi32>], vector<16xf32>,
        %mul3A_1766 = arith.mulf %gather3A_1765, %mul3A_1241 : vector<16xf32>
        %scatter3A_1767 = arith.constant 0 : i32
        %scatter3A_1768 = arith.constant 0 : i32
        %scatter3A_1769 = tpu.memref_slice %arg7[%rem3A_83, %scatter3A_1767, %scatter3A_1768] : memref<3x64x128xf32, #tpu.memory_space<vmem>> -> memref<1x64x128xf32, #tpu.memory_space<vmem>>
        %scatter3A_1770 = tpu.memref_squeeze %scatter3A_1769 : memref<1x64x128xf32, #tpu.memory_space<vmem>> -> memref<64x128xf32, #tpu.memory_space<vmem>>
        tpu.vector_store_idx %scatter3A_1770[%select_n3A_1760, %add3A_134], %mul3A_1766 : memref<64x128xf32, #tpu.memory_space<vmem>>[vector<16xi32>, vector<16xi32>], vector<16xf32>,
        %add3A_1771 = arith.constant 1 : i32
        %add3A_1772 = vector.broadcast %add3A_1771 : i32 to vector<16xi32>
        %add3A_1773 = arith.addi %select_n3A_1760, %add3A_1772 : vector<16xi32>
        %ge3A_1774 = arith.constant 64 : i32
        %ge3A_1775 = vector.broadcast %ge3A_1774 : i32 to vector<16xi32>
        %ge3A_1776 = arith.cmpi sge, %add3A_1773, %ge3A_1775 : vector<16xi32>
        %sub3A_1777 = arith.constant 64 : i32
        %sub3A_1778 = vector.broadcast %sub3A_1777 : i32 to vector<16xi32>
        %sub3A_1779 = arith.subi %add3A_1773, %sub3A_1778 : vector<16xi32>
        %select_n3A_1780 = arith.select %ge3A_1776, %sub3A_1779, %add3A_1773 : vector<16xi1>, vector<16xi32>
        %gather3A_1781 = arith.constant 0 : i32
        %gather3A_1782 = arith.constant 0 : i32
        %gather3A_1783 = tpu.memref_slice %arg6[%rem3A_83, %gather3A_1781, %gather3A_1782] : memref<3x128x128xf32, #tpu.memory_space<vmem>> -> memref<1x128x128xf32, #tpu.memory_space<vmem>>
        %gather3A_1784 = tpu.memref_squeeze %gather3A_1783 : memref<1x128x128xf32, #tpu.memory_space<vmem>> -> memref<128x128xf32, #tpu.memory_space<vmem>>
        %gather3A_1785 = tpu.vector_load_idx %gather3A_1784[%add3A_134, %select_n3A_1780] : memref<128x128xf32, #tpu.memory_space<vmem>>[vector<16xi32>, vector<16xi32>], vector<16xf32>,
        %mul3A_1786 = arith.mulf %gather3A_1785, %mul3A_1241 : vector<16xf32>
        %scatter3A_1787 = arith.constant 0 : i32
        %scatter3A_1788 = arith.constant 0 : i32
        %scatter3A_1789 = tpu.memref_slice %arg7[%rem3A_83, %scatter3A_1787, %scatter3A_1788] : memref<3x64x128xf32, #tpu.memory_space<vmem>> -> memref<1x64x128xf32, #tpu.memory_space<vmem>>
        %scatter3A_1790 = tpu.memref_squeeze %scatter3A_1789 : memref<1x64x128xf32, #tpu.memory_space<vmem>> -> memref<64x128xf32, #tpu.memory_space<vmem>>
        tpu.vector_store_idx %scatter3A_1790[%select_n3A_1780, %add3A_134], %mul3A_1786 : memref<64x128xf32, #tpu.memory_space<vmem>>[vector<16xi32>, vector<16xi32>], vector<16xf32>,
        %add3A_1791 = arith.constant 1 : i32
        %add3A_1792 = vector.broadcast %add3A_1791 : i32 to vector<16xi32>
        %add3A_1793 = arith.addi %select_n3A_1780, %add3A_1792 : vector<16xi32>
        %ge3A_1794 = arith.constant 64 : i32
        %ge3A_1795 = vector.broadcast %ge3A_1794 : i32 to vector<16xi32>
        %ge3A_1796 = arith.cmpi sge, %add3A_1793, %ge3A_1795 : vector<16xi32>
        %sub3A_1797 = arith.constant 64 : i32
        %sub3A_1798 = vector.broadcast %sub3A_1797 : i32 to vector<16xi32>
        %sub3A_1799 = arith.subi %add3A_1793, %sub3A_1798 : vector<16xi32>
        %select_n3A_1800 = arith.select %ge3A_1796, %sub3A_1799, %add3A_1793 : vector<16xi1>, vector<16xi32>
        %gather3A_1801 = arith.constant 0 : i32
        %gather3A_1802 = arith.constant 0 : i32
        %gather3A_1803 = tpu.memref_slice %arg6[%rem3A_83, %gather3A_1801, %gather3A_1802] : memref<3x128x128xf32, #tpu.memory_space<vmem>> -> memref<1x128x128xf32, #tpu.memory_space<vmem>>
        %gather3A_1804 = tpu.memref_squeeze %gather3A_1803 : memref<1x128x128xf32, #tpu.memory_space<vmem>> -> memref<128x128xf32, #tpu.memory_space<vmem>>
        %gather3A_1805 = tpu.vector_load_idx %gather3A_1804[%add3A_134, %select_n3A_1800] : memref<128x128xf32, #tpu.memory_space<vmem>>[vector<16xi32>, vector<16xi32>], vector<16xf32>,
        %mul3A_1806 = arith.mulf %gather3A_1805, %mul3A_1241 : vector<16xf32>
        %scatter3A_1807 = arith.constant 0 : i32
        %scatter3A_1808 = arith.constant 0 : i32
        %scatter3A_1809 = tpu.memref_slice %arg7[%rem3A_83, %scatter3A_1807, %scatter3A_1808] : memref<3x64x128xf32, #tpu.memory_space<vmem>> -> memref<1x64x128xf32, #tpu.memory_space<vmem>>
        %scatter3A_1810 = tpu.memref_squeeze %scatter3A_1809 : memref<1x64x128xf32, #tpu.memory_space<vmem>> -> memref<64x128xf32, #tpu.memory_space<vmem>>
        tpu.vector_store_idx %scatter3A_1810[%select_n3A_1800, %add3A_134], %mul3A_1806 : memref<64x128xf32, #tpu.memory_space<vmem>>[vector<16xi32>, vector<16xi32>], vector<16xf32>,
        %add3A_1811 = arith.constant 1 : i32
        %add3A_1812 = vector.broadcast %add3A_1811 : i32 to vector<16xi32>
        %add3A_1813 = arith.addi %select_n3A_1800, %add3A_1812 : vector<16xi32>
        %ge3A_1814 = arith.constant 64 : i32
        %ge3A_1815 = vector.broadcast %ge3A_1814 : i32 to vector<16xi32>
        %ge3A_1816 = arith.cmpi sge, %add3A_1813, %ge3A_1815 : vector<16xi32>
        %sub3A_1817 = arith.constant 64 : i32
        %sub3A_1818 = vector.broadcast %sub3A_1817 : i32 to vector<16xi32>
        %sub3A_1819 = arith.subi %add3A_1813, %sub3A_1818 : vector<16xi32>
        %select_n3A_1820 = arith.select %ge3A_1816, %sub3A_1819, %add3A_1813 : vector<16xi1>, vector<16xi32>
        %gather3A_1821 = arith.constant 0 : i32
        %gather3A_1822 = arith.constant 0 : i32
        %gather3A_1823 = tpu.memref_slice %arg6[%rem3A_83, %gather3A_1821, %gather3A_1822] : memref<3x128x128xf32, #tpu.memory_space<vmem>> -> memref<1x128x128xf32, #tpu.memory_space<vmem>>
        %gather3A_1824 = tpu.memref_squeeze %gather3A_1823 : memref<1x128x128xf32, #tpu.memory_space<vmem>> -> memref<128x128xf32, #tpu.memory_space<vmem>>
        %gather3A_1825 = tpu.vector_load_idx %gather3A_1824[%add3A_134, %select_n3A_1820] : memref<128x128xf32, #tpu.memory_space<vmem>>[vector<16xi32>, vector<16xi32>], vector<16xf32>,
        %mul3A_1826 = arith.mulf %gather3A_1825, %mul3A_1241 : vector<16xf32>
        %scatter3A_1827 = arith.constant 0 : i32
        %scatter3A_1828 = arith.constant 0 : i32
        %scatter3A_1829 = tpu.memref_slice %arg7[%rem3A_83, %scatter3A_1827, %scatter3A_1828] : memref<3x64x128xf32, #tpu.memory_space<vmem>> -> memref<1x64x128xf32, #tpu.memory_space<vmem>>
        %scatter3A_1830 = tpu.memref_squeeze %scatter3A_1829 : memref<1x64x128xf32, #tpu.memory_space<vmem>> -> memref<64x128xf32, #tpu.memory_space<vmem>>
        tpu.vector_store_idx %scatter3A_1830[%select_n3A_1820, %add3A_134], %mul3A_1826 : memref<64x128xf32, #tpu.memory_space<vmem>>[vector<16xi32>, vector<16xi32>], vector<16xf32>,
        %add3A_1831 = arith.constant 1 : i32
        %add3A_1832 = vector.broadcast %add3A_1831 : i32 to vector<16xi32>
        %add3A_1833 = arith.addi %select_n3A_1820, %add3A_1832 : vector<16xi32>
        %ge3A_1834 = arith.constant 64 : i32
        %ge3A_1835 = vector.broadcast %ge3A_1834 : i32 to vector<16xi32>
        %ge3A_1836 = arith.cmpi sge, %add3A_1833, %ge3A_1835 : vector<16xi32>
        %sub3A_1837 = arith.constant 64 : i32
        %sub3A_1838 = vector.broadcast %sub3A_1837 : i32 to vector<16xi32>
        %sub3A_1839 = arith.subi %add3A_1833, %sub3A_1838 : vector<16xi32>
        %select_n3A_1840 = arith.select %ge3A_1836, %sub3A_1839, %add3A_1833 : vector<16xi1>, vector<16xi32>
        %gather3A_1841 = arith.constant 0 : i32
        %gather3A_1842 = arith.constant 0 : i32
        %gather3A_1843 = tpu.memref_slice %arg6[%rem3A_83, %gather3A_1841, %gather3A_1842] : memref<3x128x128xf32, #tpu.memory_space<vmem>> -> memref<1x128x128xf32, #tpu.memory_space<vmem>>
        %gather3A_1844 = tpu.memref_squeeze %gather3A_1843 : memref<1x128x128xf32, #tpu.memory_space<vmem>> -> memref<128x128xf32, #tpu.memory_space<vmem>>
        %gather3A_1845 = tpu.vector_load_idx %gather3A_1844[%add3A_134, %select_n3A_1840] : memref<128x128xf32, #tpu.memory_space<vmem>>[vector<16xi32>, vector<16xi32>], vector<16xf32>,
        %mul3A_1846 = arith.mulf %gather3A_1845, %mul3A_1241 : vector<16xf32>
        %scatter3A_1847 = arith.constant 0 : i32
        %scatter3A_1848 = arith.constant 0 : i32
        %scatter3A_1849 = tpu.memref_slice %arg7[%rem3A_83, %scatter3A_1847, %scatter3A_1848] : memref<3x64x128xf32, #tpu.memory_space<vmem>> -> memref<1x64x128xf32, #tpu.memory_space<vmem>>
        %scatter3A_1850 = tpu.memref_squeeze %scatter3A_1849 : memref<1x64x128xf32, #tpu.memory_space<vmem>> -> memref<64x128xf32, #tpu.memory_space<vmem>>
        tpu.vector_store_idx %scatter3A_1850[%select_n3A_1840, %add3A_134], %mul3A_1846 : memref<64x128xf32, #tpu.memory_space<vmem>>[vector<16xi32>, vector<16xi32>], vector<16xf32>,
        %add3A_1851 = arith.constant 1 : i32
        %add3A_1852 = vector.broadcast %add3A_1851 : i32 to vector<16xi32>
        %add3A_1853 = arith.addi %select_n3A_1840, %add3A_1852 : vector<16xi32>
        %ge3A_1854 = arith.constant 64 : i32
        %ge3A_1855 = vector.broadcast %ge3A_1854 : i32 to vector<16xi32>
        %ge3A_1856 = arith.cmpi sge, %add3A_1853, %ge3A_1855 : vector<16xi32>
        %sub3A_1857 = arith.constant 64 : i32
        %sub3A_1858 = vector.broadcast %sub3A_1857 : i32 to vector<16xi32>
        %sub3A_1859 = arith.subi %add3A_1853, %sub3A_1858 : vector<16xi32>
        %select_n3A_1860 = arith.select %ge3A_1856, %sub3A_1859, %add3A_1853 : vector<16xi1>, vector<16xi32>
        %gather3A_1861 = arith.constant 0 : i32
        %gather3A_1862 = arith.constant 0 : i32
        %gather3A_1863 = tpu.memref_slice %arg6[%rem3A_83, %gather3A_1861, %gather3A_1862] : memref<3x128x128xf32, #tpu.memory_space<vmem>> -> memref<1x128x128xf32, #tpu.memory_space<vmem>>
        %gather3A_1864 = tpu.memref_squeeze %gather3A_1863 : memref<1x128x128xf32, #tpu.memory_space<vmem>> -> memref<128x128xf32, #tpu.memory_space<vmem>>
        %gather3A_1865 = tpu.vector_load_idx %gather3A_1864[%add3A_134, %select_n3A_1860] : memref<128x128xf32, #tpu.memory_space<vmem>>[vector<16xi32>, vector<16xi32>], vector<16xf32>,
        %mul3A_1866 = arith.mulf %gather3A_1865, %mul3A_1241 : vector<16xf32>
        %scatter3A_1867 = arith.constant 0 : i32
        %scatter3A_1868 = arith.constant 0 : i32
        %scatter3A_1869 = tpu.memref_slice %arg7[%rem3A_83, %scatter3A_1867, %scatter3A_1868] : memref<3x64x128xf32, #tpu.memory_space<vmem>> -> memref<1x64x128xf32, #tpu.memory_space<vmem>>
        %scatter3A_1870 = tpu.memref_squeeze %scatter3A_1869 : memref<1x64x128xf32, #tpu.memory_space<vmem>> -> memref<64x128xf32, #tpu.memory_space<vmem>>
        tpu.vector_store_idx %scatter3A_1870[%select_n3A_1860, %add3A_134], %mul3A_1866 : memref<64x128xf32, #tpu.memory_space<vmem>>[vector<16xi32>, vector<16xi32>], vector<16xf32>,
        %add3A_1871 = arith.constant 1 : i32
        %add3A_1872 = vector.broadcast %add3A_1871 : i32 to vector<16xi32>
        %add3A_1873 = arith.addi %select_n3A_1860, %add3A_1872 : vector<16xi32>
        %ge3A_1874 = arith.constant 64 : i32
        %ge3A_1875 = vector.broadcast %ge3A_1874 : i32 to vector<16xi32>
        %ge3A_1876 = arith.cmpi sge, %add3A_1873, %ge3A_1875 : vector<16xi32>
        %sub3A_1877 = arith.constant 64 : i32
        %sub3A_1878 = vector.broadcast %sub3A_1877 : i32 to vector<16xi32>
        %sub3A_1879 = arith.subi %add3A_1873, %sub3A_1878 : vector<16xi32>
        %select_n3A_1880 = arith.select %ge3A_1876, %sub3A_1879, %add3A_1873 : vector<16xi1>, vector<16xi32>
        %gather3A_1881 = arith.constant 0 : i32
        %gather3A_1882 = arith.constant 0 : i32
        %gather3A_1883 = tpu.memref_slice %arg6[%rem3A_83, %gather3A_1881, %gather3A_1882] : memref<3x128x128xf32, #tpu.memory_space<vmem>> -> memref<1x128x128xf32, #tpu.memory_space<vmem>>
        %gather3A_1884 = tpu.memref_squeeze %gather3A_1883 : memref<1x128x128xf32, #tpu.memory_space<vmem>> -> memref<128x128xf32, #tpu.memory_space<vmem>>
        %gather3A_1885 = tpu.vector_load_idx %gather3A_1884[%add3A_134, %select_n3A_1880] : memref<128x128xf32, #tpu.memory_space<vmem>>[vector<16xi32>, vector<16xi32>], vector<16xf32>,
        %mul3A_1886 = arith.mulf %gather3A_1885, %mul3A_1241 : vector<16xf32>
        %scatter3A_1887 = arith.constant 0 : i32
        %scatter3A_1888 = arith.constant 0 : i32
        %scatter3A_1889 = tpu.memref_slice %arg7[%rem3A_83, %scatter3A_1887, %scatter3A_1888] : memref<3x64x128xf32, #tpu.memory_space<vmem>> -> memref<1x64x128xf32, #tpu.memory_space<vmem>>
        %scatter3A_1890 = tpu.memref_squeeze %scatter3A_1889 : memref<1x64x128xf32, #tpu.memory_space<vmem>> -> memref<64x128xf32, #tpu.memory_space<vmem>>
        tpu.vector_store_idx %scatter3A_1890[%select_n3A_1880, %add3A_134], %mul3A_1886 : memref<64x128xf32, #tpu.memory_space<vmem>>[vector<16xi32>, vector<16xi32>], vector<16xf32>,
        %add3A_1891 = arith.constant 1 : i32
        %add3A_1892 = vector.broadcast %add3A_1891 : i32 to vector<16xi32>
        %add3A_1893 = arith.addi %select_n3A_1880, %add3A_1892 : vector<16xi32>
        %ge3A_1894 = arith.constant 64 : i32
        %ge3A_1895 = vector.broadcast %ge3A_1894 : i32 to vector<16xi32>
        %ge3A_1896 = arith.cmpi sge, %add3A_1893, %ge3A_1895 : vector<16xi32>
        %sub3A_1897 = arith.constant 64 : i32
        %sub3A_1898 = vector.broadcast %sub3A_1897 : i32 to vector<16xi32>
        %sub3A_1899 = arith.subi %add3A_1893, %sub3A_1898 : vector<16xi32>
        %select_n3A_1900 = arith.select %ge3A_1896, %sub3A_1899, %add3A_1893 : vector<16xi1>, vector<16xi32>
        %gather3A_1901 = arith.constant 0 : i32
        %gather3A_1902 = arith.constant 0 : i32
        %gather3A_1903 = tpu.memref_slice %arg6[%rem3A_83, %gather3A_1901, %gather3A_1902] : memref<3x128x128xf32, #tpu.memory_space<vmem>> -> memref<1x128x128xf32, #tpu.memory_space<vmem>>
        %gather3A_1904 = tpu.memref_squeeze %gather3A_1903 : memref<1x128x128xf32, #tpu.memory_space<vmem>> -> memref<128x128xf32, #tpu.memory_space<vmem>>
        %gather3A_1905 = tpu.vector_load_idx %gather3A_1904[%add3A_134, %select_n3A_1900] : memref<128x128xf32, #tpu.memory_space<vmem>>[vector<16xi32>, vector<16xi32>], vector<16xf32>,
        %mul3A_1906 = arith.mulf %gather3A_1905, %mul3A_1241 : vector<16xf32>
        %scatter3A_1907 = arith.constant 0 : i32
        %scatter3A_1908 = arith.constant 0 : i32
        %scatter3A_1909 = tpu.memref_slice %arg7[%rem3A_83, %scatter3A_1907, %scatter3A_1908] : memref<3x64x128xf32, #tpu.memory_space<vmem>> -> memref<1x64x128xf32, #tpu.memory_space<vmem>>
        %scatter3A_1910 = tpu.memref_squeeze %scatter3A_1909 : memref<1x64x128xf32, #tpu.memory_space<vmem>> -> memref<64x128xf32, #tpu.memory_space<vmem>>
        tpu.vector_store_idx %scatter3A_1910[%select_n3A_1900, %add3A_134], %mul3A_1906 : memref<64x128xf32, #tpu.memory_space<vmem>>[vector<16xi32>, vector<16xi32>], vector<16xf32>,
        %add3A_1911 = arith.constant 1 : i32
        %add3A_1912 = vector.broadcast %add3A_1911 : i32 to vector<16xi32>
        %add3A_1913 = arith.addi %select_n3A_1900, %add3A_1912 : vector<16xi32>
        %ge3A_1914 = arith.constant 64 : i32
        %ge3A_1915 = vector.broadcast %ge3A_1914 : i32 to vector<16xi32>
        %ge3A_1916 = arith.cmpi sge, %add3A_1913, %ge3A_1915 : vector<16xi32>
        %sub3A_1917 = arith.constant 64 : i32
        %sub3A_1918 = vector.broadcast %sub3A_1917 : i32 to vector<16xi32>
        %sub3A_1919 = arith.subi %add3A_1913, %sub3A_1918 : vector<16xi32>
        %select_n3A_1920 = arith.select %ge3A_1916, %sub3A_1919, %add3A_1913 : vector<16xi1>, vector<16xi32>
        %gather3A_1921 = arith.constant 0 : i32
        %gather3A_1922 = arith.constant 0 : i32
        %gather3A_1923 = tpu.memref_slice %arg6[%rem3A_83, %gather3A_1921, %gather3A_1922] : memref<3x128x128xf32, #tpu.memory_space<vmem>> -> memref<1x128x128xf32, #tpu.memory_space<vmem>>
        %gather3A_1924 = tpu.memref_squeeze %gather3A_1923 : memref<1x128x128xf32, #tpu.memory_space<vmem>> -> memref<128x128xf32, #tpu.memory_space<vmem>>
        %gather3A_1925 = tpu.vector_load_idx %gather3A_1924[%add3A_134, %select_n3A_1920] : memref<128x128xf32, #tpu.memory_space<vmem>>[vector<16xi32>, vector<16xi32>], vector<16xf32>,
        %mul3A_1926 = arith.mulf %gather3A_1925, %mul3A_1241 : vector<16xf32>
        %scatter3A_1927 = arith.constant 0 : i32
        %scatter3A_1928 = arith.constant 0 : i32
        %scatter3A_1929 = tpu.memref_slice %arg7[%rem3A_83, %scatter3A_1927, %scatter3A_1928] : memref<3x64x128xf32, #tpu.memory_space<vmem>> -> memref<1x64x128xf32, #tpu.memory_space<vmem>>
        %scatter3A_1930 = tpu.memref_squeeze %scatter3A_1929 : memref<1x64x128xf32, #tpu.memory_space<vmem>> -> memref<64x128xf32, #tpu.memory_space<vmem>>
        tpu.vector_store_idx %scatter3A_1930[%select_n3A_1920, %add3A_134], %mul3A_1926 : memref<64x128xf32, #tpu.memory_space<vmem>>[vector<16xi32>, vector<16xi32>], vector<16xf32>,
        %add3A_1931 = arith.constant 1 : i32
        %add3A_1932 = vector.broadcast %add3A_1931 : i32 to vector<16xi32>
        %add3A_1933 = arith.addi %select_n3A_1920, %add3A_1932 : vector<16xi32>
        %ge3A_1934 = arith.constant 64 : i32
        %ge3A_1935 = vector.broadcast %ge3A_1934 : i32 to vector<16xi32>
        %ge3A_1936 = arith.cmpi sge, %add3A_1933, %ge3A_1935 : vector<16xi32>
        %sub3A_1937 = arith.constant 64 : i32
        %sub3A_1938 = vector.broadcast %sub3A_1937 : i32 to vector<16xi32>
        %sub3A_1939 = arith.subi %add3A_1933, %sub3A_1938 : vector<16xi32>
        %select_n3A_1940 = arith.select %ge3A_1936, %sub3A_1939, %add3A_1933 : vector<16xi1>, vector<16xi32>
        %gather3A_1941 = arith.constant 0 : i32
        %gather3A_1942 = arith.constant 0 : i32
        %gather3A_1943 = tpu.memref_slice %arg6[%rem3A_83, %gather3A_1941, %gather3A_1942] : memref<3x128x128xf32, #tpu.memory_space<vmem>> -> memref<1x128x128xf32, #tpu.memory_space<vmem>>
        %gather3A_1944 = tpu.memref_squeeze %gather3A_1943 : memref<1x128x128xf32, #tpu.memory_space<vmem>> -> memref<128x128xf32, #tpu.memory_space<vmem>>
        %gather3A_1945 = tpu.vector_load_idx %gather3A_1944[%add3A_134, %select_n3A_1940] : memref<128x128xf32, #tpu.memory_space<vmem>>[vector<16xi32>, vector<16xi32>], vector<16xf32>,
        %mul3A_1946 = arith.mulf %gather3A_1945, %mul3A_1241 : vector<16xf32>
        %scatter3A_1947 = arith.constant 0 : i32
        %scatter3A_1948 = arith.constant 0 : i32
        %scatter3A_1949 = tpu.memref_slice %arg7[%rem3A_83, %scatter3A_1947, %scatter3A_1948] : memref<3x64x128xf32, #tpu.memory_space<vmem>> -> memref<1x64x128xf32, #tpu.memory_space<vmem>>
        %scatter3A_1950 = tpu.memref_squeeze %scatter3A_1949 : memref<1x64x128xf32, #tpu.memory_space<vmem>> -> memref<64x128xf32, #tpu.memory_space<vmem>>
        tpu.vector_store_idx %scatter3A_1950[%select_n3A_1940, %add3A_134], %mul3A_1946 : memref<64x128xf32, #tpu.memory_space<vmem>>[vector<16xi32>, vector<16xi32>], vector<16xf32>,
        %add3A_1951 = arith.constant 1 : i32
        %add3A_1952 = vector.broadcast %add3A_1951 : i32 to vector<16xi32>
        %add3A_1953 = arith.addi %select_n3A_1940, %add3A_1952 : vector<16xi32>
        %ge3A_1954 = arith.constant 64 : i32
        %ge3A_1955 = vector.broadcast %ge3A_1954 : i32 to vector<16xi32>
        %ge3A_1956 = arith.cmpi sge, %add3A_1953, %ge3A_1955 : vector<16xi32>
        %sub3A_1957 = arith.constant 64 : i32
        %sub3A_1958 = vector.broadcast %sub3A_1957 : i32 to vector<16xi32>
        %sub3A_1959 = arith.subi %add3A_1953, %sub3A_1958 : vector<16xi32>
        %select_n3A_1960 = arith.select %ge3A_1956, %sub3A_1959, %add3A_1953 : vector<16xi1>, vector<16xi32>
        %gather3A_1961 = arith.constant 0 : i32
        %gather3A_1962 = arith.constant 0 : i32
        %gather3A_1963 = tpu.memref_slice %arg6[%rem3A_83, %gather3A_1961, %gather3A_1962] : memref<3x128x128xf32, #tpu.memory_space<vmem>> -> memref<1x128x128xf32, #tpu.memory_space<vmem>>
        %gather3A_1964 = tpu.memref_squeeze %gather3A_1963 : memref<1x128x128xf32, #tpu.memory_space<vmem>> -> memref<128x128xf32, #tpu.memory_space<vmem>>
        %gather3A_1965 = tpu.vector_load_idx %gather3A_1964[%add3A_134, %select_n3A_1960] : memref<128x128xf32, #tpu.memory_space<vmem>>[vector<16xi32>, vector<16xi32>], vector<16xf32>,
        %mul3A_1966 = arith.mulf %gather3A_1965, %mul3A_1241 : vector<16xf32>
        %scatter3A_1967 = arith.constant 0 : i32
        %scatter3A_1968 = arith.constant 0 : i32
        %scatter3A_1969 = tpu.memref_slice %arg7[%rem3A_83, %scatter3A_1967, %scatter3A_1968] : memref<3x64x128xf32, #tpu.memory_space<vmem>> -> memref<1x64x128xf32, #tpu.memory_space<vmem>>
        %scatter3A_1970 = tpu.memref_squeeze %scatter3A_1969 : memref<1x64x128xf32, #tpu.memory_space<vmem>> -> memref<64x128xf32, #tpu.memory_space<vmem>>
        tpu.vector_store_idx %scatter3A_1970[%select_n3A_1960, %add3A_134], %mul3A_1966 : memref<64x128xf32, #tpu.memory_space<vmem>>[vector<16xi32>, vector<16xi32>], vector<16xf32>,
        %add3A_1971 = arith.constant 1 : i32
        %add3A_1972 = vector.broadcast %add3A_1971 : i32 to vector<16xi32>
        %add3A_1973 = arith.addi %select_n3A_1960, %add3A_1972 : vector<16xi32>
        %ge3A_1974 = arith.constant 64 : i32
        %ge3A_1975 = vector.broadcast %ge3A_1974 : i32 to vector<16xi32>
        %ge3A_1976 = arith.cmpi sge, %add3A_1973, %ge3A_1975 : vector<16xi32>
        %sub3A_1977 = arith.constant 64 : i32
        %sub3A_1978 = vector.broadcast %sub3A_1977 : i32 to vector<16xi32>
        %sub3A_1979 = arith.subi %add3A_1973, %sub3A_1978 : vector<16xi32>
        %select_n3A_1980 = arith.select %ge3A_1976, %sub3A_1979, %add3A_1973 : vector<16xi1>, vector<16xi32>
        %gather3A_1981 = arith.constant 0 : i32
        %gather3A_1982 = arith.constant 0 : i32
        %gather3A_1983 = tpu.memref_slice %arg6[%rem3A_83, %gather3A_1981, %gather3A_1982] : memref<3x128x128xf32, #tpu.memory_space<vmem>> -> memref<1x128x128xf32, #tpu.memory_space<vmem>>
        %gather3A_1984 = tpu.memref_squeeze %gather3A_1983 : memref<1x128x128xf32, #tpu.memory_space<vmem>> -> memref<128x128xf32, #tpu.memory_space<vmem>>
        %gather3A_1985 = tpu.vector_load_idx %gather3A_1984[%add3A_134, %select_n3A_1980] : memref<128x128xf32, #tpu.memory_space<vmem>>[vector<16xi32>, vector<16xi32>], vector<16xf32>,
        %mul3A_1986 = arith.mulf %gather3A_1985, %mul3A_1241 : vector<16xf32>
        %scatter3A_1987 = arith.constant 0 : i32
        %scatter3A_1988 = arith.constant 0 : i32
        %scatter3A_1989 = tpu.memref_slice %arg7[%rem3A_83, %scatter3A_1987, %scatter3A_1988] : memref<3x64x128xf32, #tpu.memory_space<vmem>> -> memref<1x64x128xf32, #tpu.memory_space<vmem>>
        %scatter3A_1990 = tpu.memref_squeeze %scatter3A_1989 : memref<1x64x128xf32, #tpu.memory_space<vmem>> -> memref<64x128xf32, #tpu.memory_space<vmem>>
        tpu.vector_store_idx %scatter3A_1990[%select_n3A_1980, %add3A_134], %mul3A_1986 : memref<64x128xf32, #tpu.memory_space<vmem>>[vector<16xi32>, vector<16xi32>], vector<16xf32>,
        %add3A_1991 = arith.constant 1 : i32
        %add3A_1992 = vector.broadcast %add3A_1991 : i32 to vector<16xi32>
        %add3A_1993 = arith.addi %select_n3A_1980, %add3A_1992 : vector<16xi32>
        %ge3A_1994 = arith.constant 64 : i32
        %ge3A_1995 = vector.broadcast %ge3A_1994 : i32 to vector<16xi32>
        %ge3A_1996 = arith.cmpi sge, %add3A_1993, %ge3A_1995 : vector<16xi32>
        %sub3A_1997 = arith.constant 64 : i32
        %sub3A_1998 = vector.broadcast %sub3A_1997 : i32 to vector<16xi32>
        %sub3A_1999 = arith.subi %add3A_1993, %sub3A_1998 : vector<16xi32>
        %select_n3A_2000 = arith.select %ge3A_1996, %sub3A_1999, %add3A_1993 : vector<16xi1>, vector<16xi32>
        %gather3A_2001 = arith.constant 0 : i32
        %gather3A_2002 = arith.constant 0 : i32
        %gather3A_2003 = tpu.memref_slice %arg6[%rem3A_83, %gather3A_2001, %gather3A_2002] : memref<3x128x128xf32, #tpu.memory_space<vmem>> -> memref<1x128x128xf32, #tpu.memory_space<vmem>>
        %gather3A_2004 = tpu.memref_squeeze %gather3A_2003 : memref<1x128x128xf32, #tpu.memory_space<vmem>> -> memref<128x128xf32, #tpu.memory_space<vmem>>
        %gather3A_2005 = tpu.vector_load_idx %gather3A_2004[%add3A_134, %select_n3A_2000] : memref<128x128xf32, #tpu.memory_space<vmem>>[vector<16xi32>, vector<16xi32>], vector<16xf32>,
        %mul3A_2006 = arith.mulf %gather3A_2005, %mul3A_1241 : vector<16xf32>
        %scatter3A_2007 = arith.constant 0 : i32
        %scatter3A_2008 = arith.constant 0 : i32
        %scatter3A_2009 = tpu.memref_slice %arg7[%rem3A_83, %scatter3A_2007, %scatter3A_2008] : memref<3x64x128xf32, #tpu.memory_space<vmem>> -> memref<1x64x128xf32, #tpu.memory_space<vmem>>
        %scatter3A_2010 = tpu.memref_squeeze %scatter3A_2009 : memref<1x64x128xf32, #tpu.memory_space<vmem>> -> memref<64x128xf32, #tpu.memory_space<vmem>>
        tpu.vector_store_idx %scatter3A_2010[%select_n3A_2000, %add3A_134], %mul3A_2006 : memref<64x128xf32, #tpu.memory_space<vmem>>[vector<16xi32>, vector<16xi32>], vector<16xf32>,
        %add3A_2011 = arith.constant 1 : i32
        %add3A_2012 = vector.broadcast %add3A_2011 : i32 to vector<16xi32>
        %add3A_2013 = arith.addi %select_n3A_2000, %add3A_2012 : vector<16xi32>
        %ge3A_2014 = arith.constant 64 : i32
        %ge3A_2015 = vector.broadcast %ge3A_2014 : i32 to vector<16xi32>
        %ge3A_2016 = arith.cmpi sge, %add3A_2013, %ge3A_2015 : vector<16xi32>
        %sub3A_2017 = arith.constant 64 : i32
        %sub3A_2018 = vector.broadcast %sub3A_2017 : i32 to vector<16xi32>
        %sub3A_2019 = arith.subi %add3A_2013, %sub3A_2018 : vector<16xi32>
        %select_n3A_2020 = arith.select %ge3A_2016, %sub3A_2019, %add3A_2013 : vector<16xi1>, vector<16xi32>
        %gather3A_2021 = arith.constant 0 : i32
        %gather3A_2022 = arith.constant 0 : i32
        %gather3A_2023 = tpu.memref_slice %arg6[%rem3A_83, %gather3A_2021, %gather3A_2022] : memref<3x128x128xf32, #tpu.memory_space<vmem>> -> memref<1x128x128xf32, #tpu.memory_space<vmem>>
        %gather3A_2024 = tpu.memref_squeeze %gather3A_2023 : memref<1x128x128xf32, #tpu.memory_space<vmem>> -> memref<128x128xf32, #tpu.memory_space<vmem>>
        %gather3A_2025 = tpu.vector_load_idx %gather3A_2024[%add3A_134, %select_n3A_2020] : memref<128x128xf32, #tpu.memory_space<vmem>>[vector<16xi32>, vector<16xi32>], vector<16xf32>,
        %mul3A_2026 = arith.mulf %gather3A_2025, %mul3A_1241 : vector<16xf32>
        %scatter3A_2027 = arith.constant 0 : i32
        %scatter3A_2028 = arith.constant 0 : i32
        %scatter3A_2029 = tpu.memref_slice %arg7[%rem3A_83, %scatter3A_2027, %scatter3A_2028] : memref<3x64x128xf32, #tpu.memory_space<vmem>> -> memref<1x64x128xf32, #tpu.memory_space<vmem>>
        %scatter3A_2030 = tpu.memref_squeeze %scatter3A_2029 : memref<1x64x128xf32, #tpu.memory_space<vmem>> -> memref<64x128xf32, #tpu.memory_space<vmem>>
        tpu.vector_store_idx %scatter3A_2030[%select_n3A_2020, %add3A_134], %mul3A_2026 : memref<64x128xf32, #tpu.memory_space<vmem>>[vector<16xi32>, vector<16xi32>], vector<16xf32>,
        %add3A_2031 = arith.constant 1 : i32
        %add3A_2032 = vector.broadcast %add3A_2031 : i32 to vector<16xi32>
        %add3A_2033 = arith.addi %select_n3A_2020, %add3A_2032 : vector<16xi32>
        %ge3A_2034 = arith.constant 64 : i32
        %ge3A_2035 = vector.broadcast %ge3A_2034 : i32 to vector<16xi32>
        %ge3A_2036 = arith.cmpi sge, %add3A_2033, %ge3A_2035 : vector<16xi32>
        %sub3A_2037 = arith.constant 64 : i32
        %sub3A_2038 = vector.broadcast %sub3A_2037 : i32 to vector<16xi32>
        %sub3A_2039 = arith.subi %add3A_2033, %sub3A_2038 : vector<16xi32>
        %select_n3A_2040 = arith.select %ge3A_2036, %sub3A_2039, %add3A_2033 : vector<16xi1>, vector<16xi32>
        %gather3A_2041 = arith.constant 0 : i32
        %gather3A_2042 = arith.constant 0 : i32
        %gather3A_2043 = tpu.memref_slice %arg6[%rem3A_83, %gather3A_2041, %gather3A_2042] : memref<3x128x128xf32, #tpu.memory_space<vmem>> -> memref<1x128x128xf32, #tpu.memory_space<vmem>>
        %gather3A_2044 = tpu.memref_squeeze %gather3A_2043 : memref<1x128x128xf32, #tpu.memory_space<vmem>> -> memref<128x128xf32, #tpu.memory_space<vmem>>
        %gather3A_2045 = tpu.vector_load_idx %gather3A_2044[%add3A_134, %select_n3A_2040] : memref<128x128xf32, #tpu.memory_space<vmem>>[vector<16xi32>, vector<16xi32>], vector<16xf32>,
        %mul3A_2046 = arith.mulf %gather3A_2045, %mul3A_1241 : vector<16xf32>
        %scatter3A_2047 = arith.constant 0 : i32
        %scatter3A_2048 = arith.constant 0 : i32
        %scatter3A_2049 = tpu.memref_slice %arg7[%rem3A_83, %scatter3A_2047, %scatter3A_2048] : memref<3x64x128xf32, #tpu.memory_space<vmem>> -> memref<1x64x128xf32, #tpu.memory_space<vmem>>
        %scatter3A_2050 = tpu.memref_squeeze %scatter3A_2049 : memref<1x64x128xf32, #tpu.memory_space<vmem>> -> memref<64x128xf32, #tpu.memory_space<vmem>>
        tpu.vector_store_idx %scatter3A_2050[%select_n3A_2040, %add3A_134], %mul3A_2046 : memref<64x128xf32, #tpu.memory_space<vmem>>[vector<16xi32>, vector<16xi32>], vector<16xf32>,
        %add3A_2051 = arith.constant 1 : i32
        %add3A_2052 = vector.broadcast %add3A_2051 : i32 to vector<16xi32>
        %add3A_2053 = arith.addi %select_n3A_2040, %add3A_2052 : vector<16xi32>
        %ge3A_2054 = arith.constant 64 : i32
        %ge3A_2055 = vector.broadcast %ge3A_2054 : i32 to vector<16xi32>
        %ge3A_2056 = arith.cmpi sge, %add3A_2053, %ge3A_2055 : vector<16xi32>
        %sub3A_2057 = arith.constant 64 : i32
        %sub3A_2058 = vector.broadcast %sub3A_2057 : i32 to vector<16xi32>
        %sub3A_2059 = arith.subi %add3A_2053, %sub3A_2058 : vector<16xi32>
        %select_n3A_2060 = arith.select %ge3A_2056, %sub3A_2059, %add3A_2053 : vector<16xi1>, vector<16xi32>
        %gather3A_2061 = arith.constant 0 : i32
        %gather3A_2062 = arith.constant 0 : i32
        %gather3A_2063 = tpu.memref_slice %arg6[%rem3A_83, %gather3A_2061, %gather3A_2062] : memref<3x128x128xf32, #tpu.memory_space<vmem>> -> memref<1x128x128xf32, #tpu.memory_space<vmem>>
        %gather3A_2064 = tpu.memref_squeeze %gather3A_2063 : memref<1x128x128xf32, #tpu.memory_space<vmem>> -> memref<128x128xf32, #tpu.memory_space<vmem>>
        %gather3A_2065 = tpu.vector_load_idx %gather3A_2064[%add3A_134, %select_n3A_2060] : memref<128x128xf32, #tpu.memory_space<vmem>>[vector<16xi32>, vector<16xi32>], vector<16xf32>,
        %mul3A_2066 = arith.mulf %gather3A_2065, %mul3A_1241 : vector<16xf32>
        %scatter3A_2067 = arith.constant 0 : i32
        %scatter3A_2068 = arith.constant 0 : i32
        %scatter3A_2069 = tpu.memref_slice %arg7[%rem3A_83, %scatter3A_2067, %scatter3A_2068] : memref<3x64x128xf32, #tpu.memory_space<vmem>> -> memref<1x64x128xf32, #tpu.memory_space<vmem>>
        %scatter3A_2070 = tpu.memref_squeeze %scatter3A_2069 : memref<1x64x128xf32, #tpu.memory_space<vmem>> -> memref<64x128xf32, #tpu.memory_space<vmem>>
        tpu.vector_store_idx %scatter3A_2070[%select_n3A_2060, %add3A_134], %mul3A_2066 : memref<64x128xf32, #tpu.memory_space<vmem>>[vector<16xi32>, vector<16xi32>], vector<16xf32>,
        %add3A_2071 = arith.constant 1 : i32
        %add3A_2072 = vector.broadcast %add3A_2071 : i32 to vector<16xi32>
        %add3A_2073 = arith.addi %select_n3A_2060, %add3A_2072 : vector<16xi32>
        %ge3A_2074 = arith.constant 64 : i32
        %ge3A_2075 = vector.broadcast %ge3A_2074 : i32 to vector<16xi32>
        %ge3A_2076 = arith.cmpi sge, %add3A_2073, %ge3A_2075 : vector<16xi32>
        %sub3A_2077 = arith.constant 64 : i32
        %sub3A_2078 = vector.broadcast %sub3A_2077 : i32 to vector<16xi32>
        %sub3A_2079 = arith.subi %add3A_2073, %sub3A_2078 : vector<16xi32>
        %select_n3A_2080 = arith.select %ge3A_2076, %sub3A_2079, %add3A_2073 : vector<16xi1>, vector<16xi32>
        %gather3A_2081 = arith.constant 0 : i32
        %gather3A_2082 = arith.constant 0 : i32
        %gather3A_2083 = tpu.memref_slice %arg6[%rem3A_83, %gather3A_2081, %gather3A_2082] : memref<3x128x128xf32, #tpu.memory_space<vmem>> -> memref<1x128x128xf32, #tpu.memory_space<vmem>>
        %gather3A_2084 = tpu.memref_squeeze %gather3A_2083 : memref<1x128x128xf32, #tpu.memory_space<vmem>> -> memref<128x128xf32, #tpu.memory_space<vmem>>
        %gather3A_2085 = tpu.vector_load_idx %gather3A_2084[%add3A_134, %select_n3A_2080] : memref<128x128xf32, #tpu.memory_space<vmem>>[vector<16xi32>, vector<16xi32>], vector<16xf32>,
        %mul3A_2086 = arith.mulf %gather3A_2085, %mul3A_1241 : vector<16xf32>
        %scatter3A_2087 = arith.constant 0 : i32
        %scatter3A_2088 = arith.constant 0 : i32
        %scatter3A_2089 = tpu.memref_slice %arg7[%rem3A_83, %scatter3A_2087, %scatter3A_2088] : memref<3x64x128xf32, #tpu.memory_space<vmem>> -> memref<1x64x128xf32, #tpu.memory_space<vmem>>
        %scatter3A_2090 = tpu.memref_squeeze %scatter3A_2089 : memref<1x64x128xf32, #tpu.memory_space<vmem>> -> memref<64x128xf32, #tpu.memory_space<vmem>>
        tpu.vector_store_idx %scatter3A_2090[%select_n3A_2080, %add3A_134], %mul3A_2086 : memref<64x128xf32, #tpu.memory_space<vmem>>[vector<16xi32>, vector<16xi32>], vector<16xf32>,
        %add3A_2091 = arith.constant 1 : i32
        %add3A_2092 = vector.broadcast %add3A_2091 : i32 to vector<16xi32>
        %add3A_2093 = arith.addi %select_n3A_2080, %add3A_2092 : vector<16xi32>
        %ge3A_2094 = arith.constant 64 : i32
        %ge3A_2095 = vector.broadcast %ge3A_2094 : i32 to vector<16xi32>
        %ge3A_2096 = arith.cmpi sge, %add3A_2093, %ge3A_2095 : vector<16xi32>
        %sub3A_2097 = arith.constant 64 : i32
        %sub3A_2098 = vector.broadcast %sub3A_2097 : i32 to vector<16xi32>
        %sub3A_2099 = arith.subi %add3A_2093, %sub3A_2098 : vector<16xi32>
        %select_n3A_2100 = arith.select %ge3A_2096, %sub3A_2099, %add3A_2093 : vector<16xi1>, vector<16xi32>
        %gather3A_2101 = arith.constant 0 : i32
        %gather3A_2102 = arith.constant 0 : i32
        %gather3A_2103 = tpu.memref_slice %arg6[%rem3A_83, %gather3A_2101, %gather3A_2102] : memref<3x128x128xf32, #tpu.memory_space<vmem>> -> memref<1x128x128xf32, #tpu.memory_space<vmem>>
        %gather3A_2104 = tpu.memref_squeeze %gather3A_2103 : memref<1x128x128xf32, #tpu.memory_space<vmem>> -> memref<128x128xf32, #tpu.memory_space<vmem>>
        %gather3A_2105 = tpu.vector_load_idx %gather3A_2104[%add3A_134, %select_n3A_2100] : memref<128x128xf32, #tpu.memory_space<vmem>>[vector<16xi32>, vector<16xi32>], vector<16xf32>,
        %mul3A_2106 = arith.mulf %gather3A_2105, %mul3A_1241 : vector<16xf32>
        %scatter3A_2107 = arith.constant 0 : i32
        %scatter3A_2108 = arith.constant 0 : i32
        %scatter3A_2109 = tpu.memref_slice %arg7[%rem3A_83, %scatter3A_2107, %scatter3A_2108] : memref<3x64x128xf32, #tpu.memory_space<vmem>> -> memref<1x64x128xf32, #tpu.memory_space<vmem>>
        %scatter3A_2110 = tpu.memref_squeeze %scatter3A_2109 : memref<1x64x128xf32, #tpu.memory_space<vmem>> -> memref<64x128xf32, #tpu.memory_space<vmem>>
        tpu.vector_store_idx %scatter3A_2110[%select_n3A_2100, %add3A_134], %mul3A_2106 : memref<64x128xf32, #tpu.memory_space<vmem>>[vector<16xi32>, vector<16xi32>], vector<16xf32>,
        %add3A_2111 = arith.constant 1 : i32
        %add3A_2112 = vector.broadcast %add3A_2111 : i32 to vector<16xi32>
        %add3A_2113 = arith.addi %select_n3A_2100, %add3A_2112 : vector<16xi32>
        %ge3A_2114 = arith.constant 64 : i32
        %ge3A_2115 = vector.broadcast %ge3A_2114 : i32 to vector<16xi32>
        %ge3A_2116 = arith.cmpi sge, %add3A_2113, %ge3A_2115 : vector<16xi32>
        %sub3A_2117 = arith.constant 64 : i32
        %sub3A_2118 = vector.broadcast %sub3A_2117 : i32 to vector<16xi32>
        %sub3A_2119 = arith.subi %add3A_2113, %sub3A_2118 : vector<16xi32>
        %select_n3A_2120 = arith.select %ge3A_2116, %sub3A_2119, %add3A_2113 : vector<16xi1>, vector<16xi32>
        %gather3A_2121 = arith.constant 0 : i32
        %gather3A_2122 = arith.constant 0 : i32
        %gather3A_2123 = tpu.memref_slice %arg6[%rem3A_83, %gather3A_2121, %gather3A_2122] : memref<3x128x128xf32, #tpu.memory_space<vmem>> -> memref<1x128x128xf32, #tpu.memory_space<vmem>>
        %gather3A_2124 = tpu.memref_squeeze %gather3A_2123 : memref<1x128x128xf32, #tpu.memory_space<vmem>> -> memref<128x128xf32, #tpu.memory_space<vmem>>
        %gather3A_2125 = tpu.vector_load_idx %gather3A_2124[%add3A_134, %select_n3A_2120] : memref<128x128xf32, #tpu.memory_space<vmem>>[vector<16xi32>, vector<16xi32>], vector<16xf32>,
        %mul3A_2126 = arith.mulf %gather3A_2125, %mul3A_1241 : vector<16xf32>
        %scatter3A_2127 = arith.constant 0 : i32
        %scatter3A_2128 = arith.constant 0 : i32
        %scatter3A_2129 = tpu.memref_slice %arg7[%rem3A_83, %scatter3A_2127, %scatter3A_2128] : memref<3x64x128xf32, #tpu.memory_space<vmem>> -> memref<1x64x128xf32, #tpu.memory_space<vmem>>
        %scatter3A_2130 = tpu.memref_squeeze %scatter3A_2129 : memref<1x64x128xf32, #tpu.memory_space<vmem>> -> memref<64x128xf32, #tpu.memory_space<vmem>>
        tpu.vector_store_idx %scatter3A_2130[%select_n3A_2120, %add3A_134], %mul3A_2126 : memref<64x128xf32, #tpu.memory_space<vmem>>[vector<16xi32>, vector<16xi32>], vector<16xf32>,
        %add3A_2131 = arith.constant 1 : i32
        %add3A_2132 = vector.broadcast %add3A_2131 : i32 to vector<16xi32>
        %add3A_2133 = arith.addi %select_n3A_2120, %add3A_2132 : vector<16xi32>
        %ge3A_2134 = arith.constant 64 : i32
        %ge3A_2135 = vector.broadcast %ge3A_2134 : i32 to vector<16xi32>
        %ge3A_2136 = arith.cmpi sge, %add3A_2133, %ge3A_2135 : vector<16xi32>
        %sub3A_2137 = arith.constant 64 : i32
        %sub3A_2138 = vector.broadcast %sub3A_2137 : i32 to vector<16xi32>
        %sub3A_2139 = arith.subi %add3A_2133, %sub3A_2138 : vector<16xi32>
        %select_n3A_2140 = arith.select %ge3A_2136, %sub3A_2139, %add3A_2133 : vector<16xi1>, vector<16xi32>
        %gather3A_2141 = arith.constant 0 : i32
        %gather3A_2142 = arith.constant 0 : i32
        %gather3A_2143 = tpu.memref_slice %arg6[%rem3A_83, %gather3A_2141, %gather3A_2142] : memref<3x128x128xf32, #tpu.memory_space<vmem>> -> memref<1x128x128xf32, #tpu.memory_space<vmem>>
        %gather3A_2144 = tpu.memref_squeeze %gather3A_2143 : memref<1x128x128xf32, #tpu.memory_space<vmem>> -> memref<128x128xf32, #tpu.memory_space<vmem>>
        %gather3A_2145 = tpu.vector_load_idx %gather3A_2144[%add3A_134, %select_n3A_2140] : memref<128x128xf32, #tpu.memory_space<vmem>>[vector<16xi32>, vector<16xi32>], vector<16xf32>,
        %mul3A_2146 = arith.mulf %gather3A_2145, %mul3A_1241 : vector<16xf32>
        %scatter3A_2147 = arith.constant 0 : i32
        %scatter3A_2148 = arith.constant 0 : i32
        %scatter3A_2149 = tpu.memref_slice %arg7[%rem3A_83, %scatter3A_2147, %scatter3A_2148] : memref<3x64x128xf32, #tpu.memory_space<vmem>> -> memref<1x64x128xf32, #tpu.memory_space<vmem>>
        %scatter3A_2150 = tpu.memref_squeeze %scatter3A_2149 : memref<1x64x128xf32, #tpu.memory_space<vmem>> -> memref<64x128xf32, #tpu.memory_space<vmem>>
        tpu.vector_store_idx %scatter3A_2150[%select_n3A_2140, %add3A_134], %mul3A_2146 : memref<64x128xf32, #tpu.memory_space<vmem>>[vector<16xi32>, vector<16xi32>], vector<16xf32>,
        %add3A_2151 = arith.constant 1 : i32
        %add3A_2152 = vector.broadcast %add3A_2151 : i32 to vector<16xi32>
        %add3A_2153 = arith.addi %select_n3A_2140, %add3A_2152 : vector<16xi32>
        %ge3A_2154 = arith.constant 64 : i32
        %ge3A_2155 = vector.broadcast %ge3A_2154 : i32 to vector<16xi32>
        %ge3A_2156 = arith.cmpi sge, %add3A_2153, %ge3A_2155 : vector<16xi32>
        %sub3A_2157 = arith.constant 64 : i32
        %sub3A_2158 = vector.broadcast %sub3A_2157 : i32 to vector<16xi32>
        %sub3A_2159 = arith.subi %add3A_2153, %sub3A_2158 : vector<16xi32>
        %select_n3A_2160 = arith.select %ge3A_2156, %sub3A_2159, %add3A_2153 : vector<16xi1>, vector<16xi32>
        %gather3A_2161 = arith.constant 0 : i32
        %gather3A_2162 = arith.constant 0 : i32
        %gather3A_2163 = tpu.memref_slice %arg6[%rem3A_83, %gather3A_2161, %gather3A_2162] : memref<3x128x128xf32, #tpu.memory_space<vmem>> -> memref<1x128x128xf32, #tpu.memory_space<vmem>>
        %gather3A_2164 = tpu.memref_squeeze %gather3A_2163 : memref<1x128x128xf32, #tpu.memory_space<vmem>> -> memref<128x128xf32, #tpu.memory_space<vmem>>
        %gather3A_2165 = tpu.vector_load_idx %gather3A_2164[%add3A_134, %select_n3A_2160] : memref<128x128xf32, #tpu.memory_space<vmem>>[vector<16xi32>, vector<16xi32>], vector<16xf32>,
        %mul3A_2166 = arith.mulf %gather3A_2165, %mul3A_1241 : vector<16xf32>
        %scatter3A_2167 = arith.constant 0 : i32
        %scatter3A_2168 = arith.constant 0 : i32
        %scatter3A_2169 = tpu.memref_slice %arg7[%rem3A_83, %scatter3A_2167, %scatter3A_2168] : memref<3x64x128xf32, #tpu.memory_space<vmem>> -> memref<1x64x128xf32, #tpu.memory_space<vmem>>
        %scatter3A_2170 = tpu.memref_squeeze %scatter3A_2169 : memref<1x64x128xf32, #tpu.memory_space<vmem>> -> memref<64x128xf32, #tpu.memory_space<vmem>>
        tpu.vector_store_idx %scatter3A_2170[%select_n3A_2160, %add3A_134], %mul3A_2166 : memref<64x128xf32, #tpu.memory_space<vmem>>[vector<16xi32>, vector<16xi32>], vector<16xf32>,
        %add3A_2171 = arith.constant 1 : i32
        %add3A_2172 = vector.broadcast %add3A_2171 : i32 to vector<16xi32>
        %add3A_2173 = arith.addi %select_n3A_2160, %add3A_2172 : vector<16xi32>
        %ge3A_2174 = arith.constant 64 : i32
        %ge3A_2175 = vector.broadcast %ge3A_2174 : i32 to vector<16xi32>
        %ge3A_2176 = arith.cmpi sge, %add3A_2173, %ge3A_2175 : vector<16xi32>
        %sub3A_2177 = arith.constant 64 : i32
        %sub3A_2178 = vector.broadcast %sub3A_2177 : i32 to vector<16xi32>
        %sub3A_2179 = arith.subi %add3A_2173, %sub3A_2178 : vector<16xi32>
        %select_n3A_2180 = arith.select %ge3A_2176, %sub3A_2179, %add3A_2173 : vector<16xi1>, vector<16xi32>
        %gather3A_2181 = arith.constant 0 : i32
        %gather3A_2182 = arith.constant 0 : i32
        %gather3A_2183 = tpu.memref_slice %arg6[%rem3A_83, %gather3A_2181, %gather3A_2182] : memref<3x128x128xf32, #tpu.memory_space<vmem>> -> memref<1x128x128xf32, #tpu.memory_space<vmem>>
        %gather3A_2184 = tpu.memref_squeeze %gather3A_2183 : memref<1x128x128xf32, #tpu.memory_space<vmem>> -> memref<128x128xf32, #tpu.memory_space<vmem>>
        %gather3A_2185 = tpu.vector_load_idx %gather3A_2184[%add3A_134, %select_n3A_2180] : memref<128x128xf32, #tpu.memory_space<vmem>>[vector<16xi32>, vector<16xi32>], vector<16xf32>,
        %mul3A_2186 = arith.mulf %gather3A_2185, %mul3A_1241 : vector<16xf32>
        %scatter3A_2187 = arith.constant 0 : i32
        %scatter3A_2188 = arith.constant 0 : i32
        %scatter3A_2189 = tpu.memref_slice %arg7[%rem3A_83, %scatter3A_2187, %scatter3A_2188] : memref<3x64x128xf32, #tpu.memory_space<vmem>> -> memref<1x64x128xf32, #tpu.memory_space<vmem>>
        %scatter3A_2190 = tpu.memref_squeeze %scatter3A_2189 : memref<1x64x128xf32, #tpu.memory_space<vmem>> -> memref<64x128xf32, #tpu.memory_space<vmem>>
        tpu.vector_store_idx %scatter3A_2190[%select_n3A_2180, %add3A_134], %mul3A_2186 : memref<64x128xf32, #tpu.memory_space<vmem>>[vector<16xi32>, vector<16xi32>], vector<16xf32>,
        %add3A_2191 = arith.constant 1 : i32
        %add3A_2192 = vector.broadcast %add3A_2191 : i32 to vector<16xi32>
        %add3A_2193 = arith.addi %select_n3A_2180, %add3A_2192 : vector<16xi32>
        %ge3A_2194 = arith.constant 64 : i32
        %ge3A_2195 = vector.broadcast %ge3A_2194 : i32 to vector<16xi32>
        %ge3A_2196 = arith.cmpi sge, %add3A_2193, %ge3A_2195 : vector<16xi32>
        %sub3A_2197 = arith.constant 64 : i32
        %sub3A_2198 = vector.broadcast %sub3A_2197 : i32 to vector<16xi32>
        %sub3A_2199 = arith.subi %add3A_2193, %sub3A_2198 : vector<16xi32>
        %select_n3A_2200 = arith.select %ge3A_2196, %sub3A_2199, %add3A_2193 : vector<16xi1>, vector<16xi32>
        %gather3A_2201 = arith.constant 0 : i32
        %gather3A_2202 = arith.constant 0 : i32
        %gather3A_2203 = tpu.memref_slice %arg6[%rem3A_83, %gather3A_2201, %gather3A_2202] : memref<3x128x128xf32, #tpu.memory_space<vmem>> -> memref<1x128x128xf32, #tpu.memory_space<vmem>>
        %gather3A_2204 = tpu.memref_squeeze %gather3A_2203 : memref<1x128x128xf32, #tpu.memory_space<vmem>> -> memref<128x128xf32, #tpu.memory_space<vmem>>
        %gather3A_2205 = tpu.vector_load_idx %gather3A_2204[%add3A_134, %select_n3A_2200] : memref<128x128xf32, #tpu.memory_space<vmem>>[vector<16xi32>, vector<16xi32>], vector<16xf32>,
        %mul3A_2206 = arith.mulf %gather3A_2205, %mul3A_1241 : vector<16xf32>
        %scatter3A_2207 = arith.constant 0 : i32
        %scatter3A_2208 = arith.constant 0 : i32
        %scatter3A_2209 = tpu.memref_slice %arg7[%rem3A_83, %scatter3A_2207, %scatter3A_2208] : memref<3x64x128xf32, #tpu.memory_space<vmem>> -> memref<1x64x128xf32, #tpu.memory_space<vmem>>
        %scatter3A_2210 = tpu.memref_squeeze %scatter3A_2209 : memref<1x64x128xf32, #tpu.memory_space<vmem>> -> memref<64x128xf32, #tpu.memory_space<vmem>>
        tpu.vector_store_idx %scatter3A_2210[%select_n3A_2200, %add3A_134], %mul3A_2206 : memref<64x128xf32, #tpu.memory_space<vmem>>[vector<16xi32>, vector<16xi32>], vector<16xf32>,
        %add3A_2211 = arith.constant 1 : i32
        %add3A_2212 = vector.broadcast %add3A_2211 : i32 to vector<16xi32>
        %add3A_2213 = arith.addi %select_n3A_2200, %add3A_2212 : vector<16xi32>
        %ge3A_2214 = arith.constant 64 : i32
        %ge3A_2215 = vector.broadcast %ge3A_2214 : i32 to vector<16xi32>
        %ge3A_2216 = arith.cmpi sge, %add3A_2213, %ge3A_2215 : vector<16xi32>
        %sub3A_2217 = arith.constant 64 : i32
        %sub3A_2218 = vector.broadcast %sub3A_2217 : i32 to vector<16xi32>
        %sub3A_2219 = arith.subi %add3A_2213, %sub3A_2218 : vector<16xi32>
        %select_n3A_2220 = arith.select %ge3A_2216, %sub3A_2219, %add3A_2213 : vector<16xi1>, vector<16xi32>
        %gather3A_2221 = arith.constant 0 : i32
        %gather3A_2222 = arith.constant 0 : i32
        %gather3A_2223 = tpu.memref_slice %arg6[%rem3A_83, %gather3A_2221, %gather3A_2222] : memref<3x128x128xf32, #tpu.memory_space<vmem>> -> memref<1x128x128xf32, #tpu.memory_space<vmem>>
        %gather3A_2224 = tpu.memref_squeeze %gather3A_2223 : memref<1x128x128xf32, #tpu.memory_space<vmem>> -> memref<128x128xf32, #tpu.memory_space<vmem>>
        %gather3A_2225 = tpu.vector_load_idx %gather3A_2224[%add3A_134, %select_n3A_2220] : memref<128x128xf32, #tpu.memory_space<vmem>>[vector<16xi32>, vector<16xi32>], vector<16xf32>,
        %mul3A_2226 = arith.mulf %gather3A_2225, %mul3A_1241 : vector<16xf32>
        %scatter3A_2227 = arith.constant 0 : i32
        %scatter3A_2228 = arith.constant 0 : i32
        %scatter3A_2229 = tpu.memref_slice %arg7[%rem3A_83, %scatter3A_2227, %scatter3A_2228] : memref<3x64x128xf32, #tpu.memory_space<vmem>> -> memref<1x64x128xf32, #tpu.memory_space<vmem>>
        %scatter3A_2230 = tpu.memref_squeeze %scatter3A_2229 : memref<1x64x128xf32, #tpu.memory_space<vmem>> -> memref<64x128xf32, #tpu.memory_space<vmem>>
        tpu.vector_store_idx %scatter3A_2230[%select_n3A_2220, %add3A_134], %mul3A_2226 : memref<64x128xf32, #tpu.memory_space<vmem>>[vector<16xi32>, vector<16xi32>], vector<16xf32>,
        %add3A_2231 = arith.constant 1 : i32
        %add3A_2232 = vector.broadcast %add3A_2231 : i32 to vector<16xi32>
        %add3A_2233 = arith.addi %select_n3A_2220, %add3A_2232 : vector<16xi32>
        %ge3A_2234 = arith.constant 64 : i32
        %ge3A_2235 = vector.broadcast %ge3A_2234 : i32 to vector<16xi32>
        %ge3A_2236 = arith.cmpi sge, %add3A_2233, %ge3A_2235 : vector<16xi32>
        %sub3A_2237 = arith.constant 64 : i32
        %sub3A_2238 = vector.broadcast %sub3A_2237 : i32 to vector<16xi32>
        %sub3A_2239 = arith.subi %add3A_2233, %sub3A_2238 : vector<16xi32>
        %select_n3A_2240 = arith.select %ge3A_2236, %sub3A_2239, %add3A_2233 : vector<16xi1>, vector<16xi32>
        %gather3A_2241 = arith.constant 0 : i32
        %gather3A_2242 = arith.constant 0 : i32
        %gather3A_2243 = tpu.memref_slice %arg6[%rem3A_83, %gather3A_2241, %gather3A_2242] : memref<3x128x128xf32, #tpu.memory_space<vmem>> -> memref<1x128x128xf32, #tpu.memory_space<vmem>>
        %gather3A_2244 = tpu.memref_squeeze %gather3A_2243 : memref<1x128x128xf32, #tpu.memory_space<vmem>> -> memref<128x128xf32, #tpu.memory_space<vmem>>
        %gather3A_2245 = tpu.vector_load_idx %gather3A_2244[%add3A_134, %select_n3A_2240] : memref<128x128xf32, #tpu.memory_space<vmem>>[vector<16xi32>, vector<16xi32>], vector<16xf32>,
        %mul3A_2246 = arith.mulf %gather3A_2245, %mul3A_1241 : vector<16xf32>
        %scatter3A_2247 = arith.constant 0 : i32
        %scatter3A_2248 = arith.constant 0 : i32
        %scatter3A_2249 = tpu.memref_slice %arg7[%rem3A_83, %scatter3A_2247, %scatter3A_2248] : memref<3x64x128xf32, #tpu.memory_space<vmem>> -> memref<1x64x128xf32, #tpu.memory_space<vmem>>
        %scatter3A_2250 = tpu.memref_squeeze %scatter3A_2249 : memref<1x64x128xf32, #tpu.memory_space<vmem>> -> memref<64x128xf32, #tpu.memory_space<vmem>>
        tpu.vector_store_idx %scatter3A_2250[%select_n3A_2240, %add3A_134], %mul3A_2246 : memref<64x128xf32, #tpu.memory_space<vmem>>[vector<16xi32>, vector<16xi32>], vector<16xf32>,
        %add3A_2251 = arith.constant 1 : i32
        %add3A_2252 = vector.broadcast %add3A_2251 : i32 to vector<16xi32>
        %add3A_2253 = arith.addi %select_n3A_2240, %add3A_2252 : vector<16xi32>
        %ge3A_2254 = arith.constant 64 : i32
        %ge3A_2255 = vector.broadcast %ge3A_2254 : i32 to vector<16xi32>
        %ge3A_2256 = arith.cmpi sge, %add3A_2253, %ge3A_2255 : vector<16xi32>
        %sub3A_2257 = arith.constant 64 : i32
        %sub3A_2258 = vector.broadcast %sub3A_2257 : i32 to vector<16xi32>
        %sub3A_2259 = arith.subi %add3A_2253, %sub3A_2258 : vector<16xi32>
        %select_n3A_2260 = arith.select %ge3A_2256, %sub3A_2259, %add3A_2253 : vector<16xi1>, vector<16xi32>
        %gather3A_2261 = arith.constant 0 : i32
        %gather3A_2262 = arith.constant 0 : i32
        %gather3A_2263 = tpu.memref_slice %arg6[%rem3A_83, %gather3A_2261, %gather3A_2262] : memref<3x128x128xf32, #tpu.memory_space<vmem>> -> memref<1x128x128xf32, #tpu.memory_space<vmem>>
        %gather3A_2264 = tpu.memref_squeeze %gather3A_2263 : memref<1x128x128xf32, #tpu.memory_space<vmem>> -> memref<128x128xf32, #tpu.memory_space<vmem>>
        %gather3A_2265 = tpu.vector_load_idx %gather3A_2264[%add3A_134, %select_n3A_2260] : memref<128x128xf32, #tpu.memory_space<vmem>>[vector<16xi32>, vector<16xi32>], vector<16xf32>,
        %mul3A_2266 = arith.mulf %gather3A_2265, %mul3A_1241 : vector<16xf32>
        %scatter3A_2267 = arith.constant 0 : i32
        %scatter3A_2268 = arith.constant 0 : i32
        %scatter3A_2269 = tpu.memref_slice %arg7[%rem3A_83, %scatter3A_2267, %scatter3A_2268] : memref<3x64x128xf32, #tpu.memory_space<vmem>> -> memref<1x64x128xf32, #tpu.memory_space<vmem>>
        %scatter3A_2270 = tpu.memref_squeeze %scatter3A_2269 : memref<1x64x128xf32, #tpu.memory_space<vmem>> -> memref<64x128xf32, #tpu.memory_space<vmem>>
        tpu.vector_store_idx %scatter3A_2270[%select_n3A_2260, %add3A_134], %mul3A_2266 : memref<64x128xf32, #tpu.memory_space<vmem>>[vector<16xi32>, vector<16xi32>], vector<16xf32>,
        %add3A_2271 = arith.constant 1 : i32
        %add3A_2272 = vector.broadcast %add3A_2271 : i32 to vector<16xi32>
        %add3A_2273 = arith.addi %select_n3A_2260, %add3A_2272 : vector<16xi32>
        %ge3A_2274 = arith.constant 64 : i32
        %ge3A_2275 = vector.broadcast %ge3A_2274 : i32 to vector<16xi32>
        %ge3A_2276 = arith.cmpi sge, %add3A_2273, %ge3A_2275 : vector<16xi32>
        %sub3A_2277 = arith.constant 64 : i32
        %sub3A_2278 = vector.broadcast %sub3A_2277 : i32 to vector<16xi32>
        %sub3A_2279 = arith.subi %add3A_2273, %sub3A_2278 : vector<16xi32>
        %select_n3A_2280 = arith.select %ge3A_2276, %sub3A_2279, %add3A_2273 : vector<16xi1>, vector<16xi32>
        %gather3A_2281 = arith.constant 0 : i32
        %gather3A_2282 = arith.constant 0 : i32
        %gather3A_2283 = tpu.memref_slice %arg6[%rem3A_83, %gather3A_2281, %gather3A_2282] : memref<3x128x128xf32, #tpu.memory_space<vmem>> -> memref<1x128x128xf32, #tpu.memory_space<vmem>>
        %gather3A_2284 = tpu.memref_squeeze %gather3A_2283 : memref<1x128x128xf32, #tpu.memory_space<vmem>> -> memref<128x128xf32, #tpu.memory_space<vmem>>
        %gather3A_2285 = tpu.vector_load_idx %gather3A_2284[%add3A_134, %select_n3A_2280] : memref<128x128xf32, #tpu.memory_space<vmem>>[vector<16xi32>, vector<16xi32>], vector<16xf32>,
        %mul3A_2286 = arith.mulf %gather3A_2285, %mul3A_1241 : vector<16xf32>
        %scatter3A_2287 = arith.constant 0 : i32
        %scatter3A_2288 = arith.constant 0 : i32
        %scatter3A_2289 = tpu.memref_slice %arg7[%rem3A_83, %scatter3A_2287, %scatter3A_2288] : memref<3x64x128xf32, #tpu.memory_space<vmem>> -> memref<1x64x128xf32, #tpu.memory_space<vmem>>
        %scatter3A_2290 = tpu.memref_squeeze %scatter3A_2289 : memref<1x64x128xf32, #tpu.memory_space<vmem>> -> memref<64x128xf32, #tpu.memory_space<vmem>>
        tpu.vector_store_idx %scatter3A_2290[%select_n3A_2280, %add3A_134], %mul3A_2286 : memref<64x128xf32, #tpu.memory_space<vmem>>[vector<16xi32>, vector<16xi32>], vector<16xf32>,
        %add3A_2291 = arith.constant 1 : i32
        %add3A_2292 = vector.broadcast %add3A_2291 : i32 to vector<16xi32>
        %add3A_2293 = arith.addi %select_n3A_2280, %add3A_2292 : vector<16xi32>
        %ge3A_2294 = arith.constant 64 : i32
        %ge3A_2295 = vector.broadcast %ge3A_2294 : i32 to vector<16xi32>
        %ge3A_2296 = arith.cmpi sge, %add3A_2293, %ge3A_2295 : vector<16xi32>
        %sub3A_2297 = arith.constant 64 : i32
        %sub3A_2298 = vector.broadcast %sub3A_2297 : i32 to vector<16xi32>
        %sub3A_2299 = arith.subi %add3A_2293, %sub3A_2298 : vector<16xi32>
        %select_n3A_2300 = arith.select %ge3A_2296, %sub3A_2299, %add3A_2293 : vector<16xi1>, vector<16xi32>
        %gather3A_2301 = arith.constant 0 : i32
        %gather3A_2302 = arith.constant 0 : i32
        %gather3A_2303 = tpu.memref_slice %arg6[%rem3A_83, %gather3A_2301, %gather3A_2302] : memref<3x128x128xf32, #tpu.memory_space<vmem>> -> memref<1x128x128xf32, #tpu.memory_space<vmem>>
        %gather3A_2304 = tpu.memref_squeeze %gather3A_2303 : memref<1x128x128xf32, #tpu.memory_space<vmem>> -> memref<128x128xf32, #tpu.memory_space<vmem>>
        %gather3A_2305 = tpu.vector_load_idx %gather3A_2304[%add3A_134, %select_n3A_2300] : memref<128x128xf32, #tpu.memory_space<vmem>>[vector<16xi32>, vector<16xi32>], vector<16xf32>,
        %mul3A_2306 = arith.mulf %gather3A_2305, %mul3A_1241 : vector<16xf32>
        %scatter3A_2307 = arith.constant 0 : i32
        %scatter3A_2308 = arith.constant 0 : i32
        %scatter3A_2309 = tpu.memref_slice %arg7[%rem3A_83, %scatter3A_2307, %scatter3A_2308] : memref<3x64x128xf32, #tpu.memory_space<vmem>> -> memref<1x64x128xf32, #tpu.memory_space<vmem>>
        %scatter3A_2310 = tpu.memref_squeeze %scatter3A_2309 : memref<1x64x128xf32, #tpu.memory_space<vmem>> -> memref<64x128xf32, #tpu.memory_space<vmem>>
        tpu.vector_store_idx %scatter3A_2310[%select_n3A_2300, %add3A_134], %mul3A_2306 : memref<64x128xf32, #tpu.memory_space<vmem>>[vector<16xi32>, vector<16xi32>], vector<16xf32>,
        %add3A_2311 = arith.constant 1 : i32
        %add3A_2312 = vector.broadcast %add3A_2311 : i32 to vector<16xi32>
        %add3A_2313 = arith.addi %select_n3A_2300, %add3A_2312 : vector<16xi32>
        %ge3A_2314 = arith.constant 64 : i32
        %ge3A_2315 = vector.broadcast %ge3A_2314 : i32 to vector<16xi32>
        %ge3A_2316 = arith.cmpi sge, %add3A_2313, %ge3A_2315 : vector<16xi32>
        %sub3A_2317 = arith.constant 64 : i32
        %sub3A_2318 = vector.broadcast %sub3A_2317 : i32 to vector<16xi32>
        %sub3A_2319 = arith.subi %add3A_2313, %sub3A_2318 : vector<16xi32>
        %select_n3A_2320 = arith.select %ge3A_2316, %sub3A_2319, %add3A_2313 : vector<16xi1>, vector<16xi32>
        %gather3A_2321 = arith.constant 0 : i32
        %gather3A_2322 = arith.constant 0 : i32
        %gather3A_2323 = tpu.memref_slice %arg6[%rem3A_83, %gather3A_2321, %gather3A_2322] : memref<3x128x128xf32, #tpu.memory_space<vmem>> -> memref<1x128x128xf32, #tpu.memory_space<vmem>>
        %gather3A_2324 = tpu.memref_squeeze %gather3A_2323 : memref<1x128x128xf32, #tpu.memory_space<vmem>> -> memref<128x128xf32, #tpu.memory_space<vmem>>
        %gather3A_2325 = tpu.vector_load_idx %gather3A_2324[%add3A_134, %select_n3A_2320] : memref<128x128xf32, #tpu.memory_space<vmem>>[vector<16xi32>, vector<16xi32>], vector<16xf32>,
        %mul3A_2326 = arith.mulf %gather3A_2325, %mul3A_1241 : vector<16xf32>
        %scatter3A_2327 = arith.constant 0 : i32
        %scatter3A_2328 = arith.constant 0 : i32
        %scatter3A_2329 = tpu.memref_slice %arg7[%rem3A_83, %scatter3A_2327, %scatter3A_2328] : memref<3x64x128xf32, #tpu.memory_space<vmem>> -> memref<1x64x128xf32, #tpu.memory_space<vmem>>
        %scatter3A_2330 = tpu.memref_squeeze %scatter3A_2329 : memref<1x64x128xf32, #tpu.memory_space<vmem>> -> memref<64x128xf32, #tpu.memory_space<vmem>>
        tpu.vector_store_idx %scatter3A_2330[%select_n3A_2320, %add3A_134], %mul3A_2326 : memref<64x128xf32, #tpu.memory_space<vmem>>[vector<16xi32>, vector<16xi32>], vector<16xf32>,
        %add3A_2331 = arith.constant 1 : i32
        %add3A_2332 = vector.broadcast %add3A_2331 : i32 to vector<16xi32>
        %add3A_2333 = arith.addi %select_n3A_2320, %add3A_2332 : vector<16xi32>
        %ge3A_2334 = arith.constant 64 : i32
        %ge3A_2335 = vector.broadcast %ge3A_2334 : i32 to vector<16xi32>
        %ge3A_2336 = arith.cmpi sge, %add3A_2333, %ge3A_2335 : vector<16xi32>
        %sub3A_2337 = arith.constant 64 : i32
        %sub3A_2338 = vector.broadcast %sub3A_2337 : i32 to vector<16xi32>
        %sub3A_2339 = arith.subi %add3A_2333, %sub3A_2338 : vector<16xi32>
        %select_n3A_2340 = arith.select %ge3A_2336, %sub3A_2339, %add3A_2333 : vector<16xi1>, vector<16xi32>
        %gather3A_2341 = arith.constant 0 : i32
        %gather3A_2342 = arith.constant 0 : i32
        %gather3A_2343 = tpu.memref_slice %arg6[%rem3A_83, %gather3A_2341, %gather3A_2342] : memref<3x128x128xf32, #tpu.memory_space<vmem>> -> memref<1x128x128xf32, #tpu.memory_space<vmem>>
        %gather3A_2344 = tpu.memref_squeeze %gather3A_2343 : memref<1x128x128xf32, #tpu.memory_space<vmem>> -> memref<128x128xf32, #tpu.memory_space<vmem>>
        %gather3A_2345 = tpu.vector_load_idx %gather3A_2344[%add3A_134, %select_n3A_2340] : memref<128x128xf32, #tpu.memory_space<vmem>>[vector<16xi32>, vector<16xi32>], vector<16xf32>,
        %mul3A_2346 = arith.mulf %gather3A_2345, %mul3A_1241 : vector<16xf32>
        %scatter3A_2347 = arith.constant 0 : i32
        %scatter3A_2348 = arith.constant 0 : i32
        %scatter3A_2349 = tpu.memref_slice %arg7[%rem3A_83, %scatter3A_2347, %scatter3A_2348] : memref<3x64x128xf32, #tpu.memory_space<vmem>> -> memref<1x64x128xf32, #tpu.memory_space<vmem>>
        %scatter3A_2350 = tpu.memref_squeeze %scatter3A_2349 : memref<1x64x128xf32, #tpu.memory_space<vmem>> -> memref<64x128xf32, #tpu.memory_space<vmem>>
        tpu.vector_store_idx %scatter3A_2350[%select_n3A_2340, %add3A_134], %mul3A_2346 : memref<64x128xf32, #tpu.memory_space<vmem>>[vector<16xi32>, vector<16xi32>], vector<16xf32>,
        %add3A_2351 = arith.constant 1 : i32
        %add3A_2352 = vector.broadcast %add3A_2351 : i32 to vector<16xi32>
        %add3A_2353 = arith.addi %select_n3A_2340, %add3A_2352 : vector<16xi32>
        %ge3A_2354 = arith.constant 64 : i32
        %ge3A_2355 = vector.broadcast %ge3A_2354 : i32 to vector<16xi32>
        %ge3A_2356 = arith.cmpi sge, %add3A_2353, %ge3A_2355 : vector<16xi32>
        %sub3A_2357 = arith.constant 64 : i32
        %sub3A_2358 = vector.broadcast %sub3A_2357 : i32 to vector<16xi32>
        %sub3A_2359 = arith.subi %add3A_2353, %sub3A_2358 : vector<16xi32>
        %select_n3A_2360 = arith.select %ge3A_2356, %sub3A_2359, %add3A_2353 : vector<16xi1>, vector<16xi32>
        %gather3A_2361 = arith.constant 0 : i32
        %gather3A_2362 = arith.constant 0 : i32
        %gather3A_2363 = tpu.memref_slice %arg6[%rem3A_83, %gather3A_2361, %gather3A_2362] : memref<3x128x128xf32, #tpu.memory_space<vmem>> -> memref<1x128x128xf32, #tpu.memory_space<vmem>>
        %gather3A_2364 = tpu.memref_squeeze %gather3A_2363 : memref<1x128x128xf32, #tpu.memory_space<vmem>> -> memref<128x128xf32, #tpu.memory_space<vmem>>
        %gather3A_2365 = tpu.vector_load_idx %gather3A_2364[%add3A_134, %select_n3A_2360] : memref<128x128xf32, #tpu.memory_space<vmem>>[vector<16xi32>, vector<16xi32>], vector<16xf32>,
        %mul3A_2366 = arith.mulf %gather3A_2365, %mul3A_1241 : vector<16xf32>
        %scatter3A_2367 = arith.constant 0 : i32
        %scatter3A_2368 = arith.constant 0 : i32
        %scatter3A_2369 = tpu.memref_slice %arg7[%rem3A_83, %scatter3A_2367, %scatter3A_2368] : memref<3x64x128xf32, #tpu.memory_space<vmem>> -> memref<1x64x128xf32, #tpu.memory_space<vmem>>
        %scatter3A_2370 = tpu.memref_squeeze %scatter3A_2369 : memref<1x64x128xf32, #tpu.memory_space<vmem>> -> memref<64x128xf32, #tpu.memory_space<vmem>>
        tpu.vector_store_idx %scatter3A_2370[%select_n3A_2360, %add3A_134], %mul3A_2366 : memref<64x128xf32, #tpu.memory_space<vmem>>[vector<16xi32>, vector<16xi32>], vector<16xf32>,
        %add3A_2371 = arith.constant 1 : i32
        %add3A_2372 = vector.broadcast %add3A_2371 : i32 to vector<16xi32>
        %add3A_2373 = arith.addi %select_n3A_2360, %add3A_2372 : vector<16xi32>
        %ge3A_2374 = arith.constant 64 : i32
        %ge3A_2375 = vector.broadcast %ge3A_2374 : i32 to vector<16xi32>
        %ge3A_2376 = arith.cmpi sge, %add3A_2373, %ge3A_2375 : vector<16xi32>
        %sub3A_2377 = arith.constant 64 : i32
        %sub3A_2378 = vector.broadcast %sub3A_2377 : i32 to vector<16xi32>
        %sub3A_2379 = arith.subi %add3A_2373, %sub3A_2378 : vector<16xi32>
        %select_n3A_2380 = arith.select %ge3A_2376, %sub3A_2379, %add3A_2373 : vector<16xi1>, vector<16xi32>
        %gather3A_2381 = arith.constant 0 : i32
        %gather3A_2382 = arith.constant 0 : i32
        %gather3A_2383 = tpu.memref_slice %arg6[%rem3A_83, %gather3A_2381, %gather3A_2382] : memref<3x128x128xf32, #tpu.memory_space<vmem>> -> memref<1x128x128xf32, #tpu.memory_space<vmem>>
        %gather3A_2384 = tpu.memref_squeeze %gather3A_2383 : memref<1x128x128xf32, #tpu.memory_space<vmem>> -> memref<128x128xf32, #tpu.memory_space<vmem>>
        %gather3A_2385 = tpu.vector_load_idx %gather3A_2384[%add3A_134, %select_n3A_2380] : memref<128x128xf32, #tpu.memory_space<vmem>>[vector<16xi32>, vector<16xi32>], vector<16xf32>,
        %mul3A_2386 = arith.mulf %gather3A_2385, %mul3A_1241 : vector<16xf32>
        %scatter3A_2387 = arith.constant 0 : i32
        %scatter3A_2388 = arith.constant 0 : i32
        %scatter3A_2389 = tpu.memref_slice %arg7[%rem3A_83, %scatter3A_2387, %scatter3A_2388] : memref<3x64x128xf32, #tpu.memory_space<vmem>> -> memref<1x64x128xf32, #tpu.memory_space<vmem>>
        %scatter3A_2390 = tpu.memref_squeeze %scatter3A_2389 : memref<1x64x128xf32, #tpu.memory_space<vmem>> -> memref<64x128xf32, #tpu.memory_space<vmem>>
        tpu.vector_store_idx %scatter3A_2390[%select_n3A_2380, %add3A_134], %mul3A_2386 : memref<64x128xf32, #tpu.memory_space<vmem>>[vector<16xi32>, vector<16xi32>], vector<16xf32>,
        %add3A_2391 = arith.constant 1 : i32
        %add3A_2392 = vector.broadcast %add3A_2391 : i32 to vector<16xi32>
        %add3A_2393 = arith.addi %select_n3A_2380, %add3A_2392 : vector<16xi32>
        %ge3A_2394 = arith.constant 64 : i32
        %ge3A_2395 = vector.broadcast %ge3A_2394 : i32 to vector<16xi32>
        %ge3A_2396 = arith.cmpi sge, %add3A_2393, %ge3A_2395 : vector<16xi32>
        %sub3A_2397 = arith.constant 64 : i32
        %sub3A_2398 = vector.broadcast %sub3A_2397 : i32 to vector<16xi32>
        %sub3A_2399 = arith.subi %add3A_2393, %sub3A_2398 : vector<16xi32>
        %select_n3A_2400 = arith.select %ge3A_2396, %sub3A_2399, %add3A_2393 : vector<16xi1>, vector<16xi32>
        %gather3A_2401 = arith.constant 0 : i32
        %gather3A_2402 = arith.constant 0 : i32
        %gather3A_2403 = tpu.memref_slice %arg6[%rem3A_83, %gather3A_2401, %gather3A_2402] : memref<3x128x128xf32, #tpu.memory_space<vmem>> -> memref<1x128x128xf32, #tpu.memory_space<vmem>>
        %gather3A_2404 = tpu.memref_squeeze %gather3A_2403 : memref<1x128x128xf32, #tpu.memory_space<vmem>> -> memref<128x128xf32, #tpu.memory_space<vmem>>
        %gather3A_2405 = tpu.vector_load_idx %gather3A_2404[%add3A_134, %select_n3A_2400] : memref<128x128xf32, #tpu.memory_space<vmem>>[vector<16xi32>, vector<16xi32>], vector<16xf32>,
        %mul3A_2406 = arith.mulf %gather3A_2405, %mul3A_1241 : vector<16xf32>
        %scatter3A_2407 = arith.constant 0 : i32
        %scatter3A_2408 = arith.constant 0 : i32
        %scatter3A_2409 = tpu.memref_slice %arg7[%rem3A_83, %scatter3A_2407, %scatter3A_2408] : memref<3x64x128xf32, #tpu.memory_space<vmem>> -> memref<1x64x128xf32, #tpu.memory_space<vmem>>
        %scatter3A_2410 = tpu.memref_squeeze %scatter3A_2409 : memref<1x64x128xf32, #tpu.memory_space<vmem>> -> memref<64x128xf32, #tpu.memory_space<vmem>>
        tpu.vector_store_idx %scatter3A_2410[%select_n3A_2400, %add3A_134], %mul3A_2406 : memref<64x128xf32, #tpu.memory_space<vmem>>[vector<16xi32>, vector<16xi32>], vector<16xf32>,
        %add3A_2411 = arith.constant 1 : i32
        %add3A_2412 = vector.broadcast %add3A_2411 : i32 to vector<16xi32>
        %add3A_2413 = arith.addi %select_n3A_2400, %add3A_2412 : vector<16xi32>
        %ge3A_2414 = arith.constant 64 : i32
        %ge3A_2415 = vector.broadcast %ge3A_2414 : i32 to vector<16xi32>
        %ge3A_2416 = arith.cmpi sge, %add3A_2413, %ge3A_2415 : vector<16xi32>
        %sub3A_2417 = arith.constant 64 : i32
        %sub3A_2418 = vector.broadcast %sub3A_2417 : i32 to vector<16xi32>
        %sub3A_2419 = arith.subi %add3A_2413, %sub3A_2418 : vector<16xi32>
        %select_n3A_2420 = arith.select %ge3A_2416, %sub3A_2419, %add3A_2413 : vector<16xi1>, vector<16xi32>
        %gather3A_2421 = arith.constant 0 : i32
        %gather3A_2422 = arith.constant 0 : i32
        %gather3A_2423 = tpu.memref_slice %arg6[%rem3A_83, %gather3A_2421, %gather3A_2422] : memref<3x128x128xf32, #tpu.memory_space<vmem>> -> memref<1x128x128xf32, #tpu.memory_space<vmem>>
        %gather3A_2424 = tpu.memref_squeeze %gather3A_2423 : memref<1x128x128xf32, #tpu.memory_space<vmem>> -> memref<128x128xf32, #tpu.memory_space<vmem>>
        %gather3A_2425 = tpu.vector_load_idx %gather3A_2424[%add3A_134, %select_n3A_2420] : memref<128x128xf32, #tpu.memory_space<vmem>>[vector<16xi32>, vector<16xi32>], vector<16xf32>,
        %mul3A_2426 = arith.mulf %gather3A_2425, %mul3A_1241 : vector<16xf32>
        %scatter3A_2427 = arith.constant 0 : i32
        %scatter3A_2428 = arith.constant 0 : i32
        %scatter3A_2429 = tpu.memref_slice %arg7[%rem3A_83, %scatter3A_2427, %scatter3A_2428] : memref<3x64x128xf32, #tpu.memory_space<vmem>> -> memref<1x64x128xf32, #tpu.memory_space<vmem>>
        %scatter3A_2430 = tpu.memref_squeeze %scatter3A_2429 : memref<1x64x128xf32, #tpu.memory_space<vmem>> -> memref<64x128xf32, #tpu.memory_space<vmem>>
        tpu.vector_store_idx %scatter3A_2430[%select_n3A_2420, %add3A_134], %mul3A_2426 : memref<64x128xf32, #tpu.memory_space<vmem>>[vector<16xi32>, vector<16xi32>], vector<16xf32>,
        %add3A_2431 = arith.constant 1 : i32
        %add3A_2432 = vector.broadcast %add3A_2431 : i32 to vector<16xi32>
        %add3A_2433 = arith.addi %select_n3A_2420, %add3A_2432 : vector<16xi32>
        %ge3A_2434 = arith.constant 64 : i32
        %ge3A_2435 = vector.broadcast %ge3A_2434 : i32 to vector<16xi32>
        %ge3A_2436 = arith.cmpi sge, %add3A_2433, %ge3A_2435 : vector<16xi32>
        %sub3A_2437 = arith.constant 64 : i32
        %sub3A_2438 = vector.broadcast %sub3A_2437 : i32 to vector<16xi32>
        %sub3A_2439 = arith.subi %add3A_2433, %sub3A_2438 : vector<16xi32>
        %select_n3A_2440 = arith.select %ge3A_2436, %sub3A_2439, %add3A_2433 : vector<16xi1>, vector<16xi32>
        %gather3A_2441 = arith.constant 0 : i32
        %gather3A_2442 = arith.constant 0 : i32
        %gather3A_2443 = tpu.memref_slice %arg6[%rem3A_83, %gather3A_2441, %gather3A_2442] : memref<3x128x128xf32, #tpu.memory_space<vmem>> -> memref<1x128x128xf32, #tpu.memory_space<vmem>>
        %gather3A_2444 = tpu.memref_squeeze %gather3A_2443 : memref<1x128x128xf32, #tpu.memory_space<vmem>> -> memref<128x128xf32, #tpu.memory_space<vmem>>
        %gather3A_2445 = tpu.vector_load_idx %gather3A_2444[%add3A_134, %select_n3A_2440] : memref<128x128xf32, #tpu.memory_space<vmem>>[vector<16xi32>, vector<16xi32>], vector<16xf32>,
        %mul3A_2446 = arith.mulf %gather3A_2445, %mul3A_1241 : vector<16xf32>
        %scatter3A_2447 = arith.constant 0 : i32
        %scatter3A_2448 = arith.constant 0 : i32
        %scatter3A_2449 = tpu.memref_slice %arg7[%rem3A_83, %scatter3A_2447, %scatter3A_2448] : memref<3x64x128xf32, #tpu.memory_space<vmem>> -> memref<1x64x128xf32, #tpu.memory_space<vmem>>
        %scatter3A_2450 = tpu.memref_squeeze %scatter3A_2449 : memref<1x64x128xf32, #tpu.memory_space<vmem>> -> memref<64x128xf32, #tpu.memory_space<vmem>>
        tpu.vector_store_idx %scatter3A_2450[%select_n3A_2440, %add3A_134], %mul3A_2446 : memref<64x128xf32, #tpu.memory_space<vmem>>[vector<16xi32>, vector<16xi32>], vector<16xf32>,
        %add3A_2451 = arith.constant 1 : i32
        %add3A_2452 = vector.broadcast %add3A_2451 : i32 to vector<16xi32>
        %add3A_2453 = arith.addi %select_n3A_2440, %add3A_2452 : vector<16xi32>
        %ge3A_2454 = arith.constant 64 : i32
        %ge3A_2455 = vector.broadcast %ge3A_2454 : i32 to vector<16xi32>
        %ge3A_2456 = arith.cmpi sge, %add3A_2453, %ge3A_2455 : vector<16xi32>
        %sub3A_2457 = arith.constant 64 : i32
        %sub3A_2458 = vector.broadcast %sub3A_2457 : i32 to vector<16xi32>
        %sub3A_2459 = arith.subi %add3A_2453, %sub3A_2458 : vector<16xi32>
        %select_n3A_2460 = arith.select %ge3A_2456, %sub3A_2459, %add3A_2453 : vector<16xi1>, vector<16xi32>
        %gather3A_2461 = arith.constant 0 : i32
        %gather3A_2462 = arith.constant 0 : i32
        %gather3A_2463 = tpu.memref_slice %arg6[%rem3A_83, %gather3A_2461, %gather3A_2462] : memref<3x128x128xf32, #tpu.memory_space<vmem>> -> memref<1x128x128xf32, #tpu.memory_space<vmem>>
        %gather3A_2464 = tpu.memref_squeeze %gather3A_2463 : memref<1x128x128xf32, #tpu.memory_space<vmem>> -> memref<128x128xf32, #tpu.memory_space<vmem>>
        %gather3A_2465 = tpu.vector_load_idx %gather3A_2464[%add3A_134, %select_n3A_2460] : memref<128x128xf32, #tpu.memory_space<vmem>>[vector<16xi32>, vector<16xi32>], vector<16xf32>,
        %mul3A_2466 = arith.mulf %gather3A_2465, %mul3A_1241 : vector<16xf32>
        %scatter3A_2467 = arith.constant 0 : i32
        %scatter3A_2468 = arith.constant 0 : i32
        %scatter3A_2469 = tpu.memref_slice %arg7[%rem3A_83, %scatter3A_2467, %scatter3A_2468] : memref<3x64x128xf32, #tpu.memory_space<vmem>> -> memref<1x64x128xf32, #tpu.memory_space<vmem>>
        %scatter3A_2470 = tpu.memref_squeeze %scatter3A_2469 : memref<1x64x128xf32, #tpu.memory_space<vmem>> -> memref<64x128xf32, #tpu.memory_space<vmem>>
        tpu.vector_store_idx %scatter3A_2470[%select_n3A_2460, %add3A_134], %mul3A_2466 : memref<64x128xf32, #tpu.memory_space<vmem>>[vector<16xi32>, vector<16xi32>], vector<16xf32>,
        %add3A_2471 = arith.constant 1 : i32
        %add3A_2472 = vector.broadcast %add3A_2471 : i32 to vector<16xi32>
        %add3A_2473 = arith.addi %select_n3A_2460, %add3A_2472 : vector<16xi32>
        %ge3A_2474 = arith.constant 64 : i32
        %ge3A_2475 = vector.broadcast %ge3A_2474 : i32 to vector<16xi32>
        %ge3A_2476 = arith.cmpi sge, %add3A_2473, %ge3A_2475 : vector<16xi32>
        %sub3A_2477 = arith.constant 64 : i32
        %sub3A_2478 = vector.broadcast %sub3A_2477 : i32 to vector<16xi32>
        %sub3A_2479 = arith.subi %add3A_2473, %sub3A_2478 : vector<16xi32>
        %select_n3A_2480 = arith.select %ge3A_2476, %sub3A_2479, %add3A_2473 : vector<16xi1>, vector<16xi32>
        %gather3A_2481 = arith.constant 0 : i32
        %gather3A_2482 = arith.constant 0 : i32
        %gather3A_2483 = tpu.memref_slice %arg6[%rem3A_83, %gather3A_2481, %gather3A_2482] : memref<3x128x128xf32, #tpu.memory_space<vmem>> -> memref<1x128x128xf32, #tpu.memory_space<vmem>>
        %gather3A_2484 = tpu.memref_squeeze %gather3A_2483 : memref<1x128x128xf32, #tpu.memory_space<vmem>> -> memref<128x128xf32, #tpu.memory_space<vmem>>
        %gather3A_2485 = tpu.vector_load_idx %gather3A_2484[%add3A_134, %select_n3A_2480] : memref<128x128xf32, #tpu.memory_space<vmem>>[vector<16xi32>, vector<16xi32>], vector<16xf32>,
        %mul3A_2486 = arith.mulf %gather3A_2485, %mul3A_1241 : vector<16xf32>
        %scatter3A_2487 = arith.constant 0 : i32
        %scatter3A_2488 = arith.constant 0 : i32
        %scatter3A_2489 = tpu.memref_slice %arg7[%rem3A_83, %scatter3A_2487, %scatter3A_2488] : memref<3x64x128xf32, #tpu.memory_space<vmem>> -> memref<1x64x128xf32, #tpu.memory_space<vmem>>
        %scatter3A_2490 = tpu.memref_squeeze %scatter3A_2489 : memref<1x64x128xf32, #tpu.memory_space<vmem>> -> memref<64x128xf32, #tpu.memory_space<vmem>>
        tpu.vector_store_idx %scatter3A_2490[%select_n3A_2480, %add3A_134], %mul3A_2486 : memref<64x128xf32, #tpu.memory_space<vmem>>[vector<16xi32>, vector<16xi32>], vector<16xf32>,
        %add3A_2491 = arith.constant 1 : i32
        %add3A_2492 = vector.broadcast %add3A_2491 : i32 to vector<16xi32>
        %add3A_2493 = arith.addi %select_n3A_2480, %add3A_2492 : vector<16xi32>
        %ge3A_2494 = arith.constant 64 : i32
        %ge3A_2495 = vector.broadcast %ge3A_2494 : i32 to vector<16xi32>
        %ge3A_2496 = arith.cmpi sge, %add3A_2493, %ge3A_2495 : vector<16xi32>
        %sub3A_2497 = arith.constant 64 : i32
        %sub3A_2498 = vector.broadcast %sub3A_2497 : i32 to vector<16xi32>
        %sub3A_2499 = arith.subi %add3A_2493, %sub3A_2498 : vector<16xi32>
        %select_n3A_2500 = arith.select %ge3A_2496, %sub3A_2499, %add3A_2493 : vector<16xi1>, vector<16xi32>
        %gather3A_2501 = arith.constant 0 : i32
        %gather3A_2502 = arith.constant 0 : i32
        %gather3A_2503 = tpu.memref_slice %arg6[%rem3A_83, %gather3A_2501, %gather3A_2502] : memref<3x128x128xf32, #tpu.memory_space<vmem>> -> memref<1x128x128xf32, #tpu.memory_space<vmem>>
        %gather3A_2504 = tpu.memref_squeeze %gather3A_2503 : memref<1x128x128xf32, #tpu.memory_space<vmem>> -> memref<128x128xf32, #tpu.memory_space<vmem>>
        %gather3A_2505 = tpu.vector_load_idx %gather3A_2504[%add3A_134, %select_n3A_2500] : memref<128x128xf32, #tpu.memory_space<vmem>>[vector<16xi32>, vector<16xi32>], vector<16xf32>,
        %mul3A_2506 = arith.mulf %gather3A_2505, %mul3A_1241 : vector<16xf32>
        %scatter3A_2507 = arith.constant 0 : i32
        %scatter3A_2508 = arith.constant 0 : i32
        %scatter3A_2509 = tpu.memref_slice %arg7[%rem3A_83, %scatter3A_2507, %scatter3A_2508] : memref<3x64x128xf32, #tpu.memory_space<vmem>> -> memref<1x64x128xf32, #tpu.memory_space<vmem>>
        %scatter3A_2510 = tpu.memref_squeeze %scatter3A_2509 : memref<1x64x128xf32, #tpu.memory_space<vmem>> -> memref<64x128xf32, #tpu.memory_space<vmem>>
        tpu.vector_store_idx %scatter3A_2510[%select_n3A_2500, %add3A_134], %mul3A_2506 : memref<64x128xf32, #tpu.memory_space<vmem>>[vector<16xi32>, vector<16xi32>], vector<16xf32>,
        %add3A_2511 = arith.constant 1 : i32
        %add3A_2512 = vector.broadcast %add3A_2511 : i32 to vector<16xi32>
        %add3A_2513 = arith.addi %select_n3A_2500, %add3A_2512 : vector<16xi32>
        %ge3A_2514 = arith.constant 64 : i32
        %ge3A_2515 = vector.broadcast %ge3A_2514 : i32 to vector<16xi32>
        %ge3A_2516 = arith.cmpi sge, %add3A_2513, %ge3A_2515 : vector<16xi32>
        %sub3A_2517 = arith.constant 64 : i32
        %sub3A_2518 = vector.broadcast %sub3A_2517 : i32 to vector<16xi32>
        %sub3A_2519 = arith.subi %add3A_2513, %sub3A_2518 : vector<16xi32>
        %select_n3A_2520 = arith.select %ge3A_2516, %sub3A_2519, %add3A_2513 : vector<16xi1>, vector<16xi32>
      }
      %scan3A_111 = arith.constant 8 : i32
      %rem3A_112 = arith.constant 3 : i32
      %rem3A_113 = arith.remsi %scan3A_81, %rem3A_112 : i32
      %dma_start3A_114 = arith.constant 0 : i32
      %dma_start3A_115 = arith.constant 0 : i32
      %dma_start3A_116 = tpu.memref_slice %arg7[%rem3A_113, %dma_start3A_114, %dma_start3A_115] : memref<3x64x128xf32, #tpu.memory_space<vmem>> -> memref<1x64x128xf32, #tpu.memory_space<vmem>>
      %dma_start3A_117 = tpu.memref_squeeze %dma_start3A_116 : memref<1x64x128xf32, #tpu.memory_space<vmem>> -> memref<64x128xf32, #tpu.memory_space<vmem>>
      %dma_start3A_118 = arith.constant 0 : i32
      %dma_start3A_119 = tpu.memref_slice %arg4[%scan3A_81, %dma_start3A_118, %mul3A_2] : memref<50x64x4096xf32, #tpu.memory_space<hbm>> -> memref<1x64x128xf32, #tpu.memory_space<hbm>>
      %dma_start3A_120 = tpu.memref_squeeze %dma_start3A_119 : memref<1x64x128xf32, #tpu.memory_space<hbm>> -> memref<64x128xf32, #tpu.memory_space<hbm>>
      %dma_start3A_121 = tpu.memref_slice %arg9[%rem3A_113] : memref<3x!tpu.dma_semaphore, #tpu.memory_space<semaphore_mem>> -> memref<1x!tpu.dma_semaphore, #tpu.memory_space<semaphore_mem>>
      %dma_start3A_122 = tpu.memref_squeeze %dma_start3A_121 : memref<1x!tpu.dma_semaphore, #tpu.memory_space<semaphore_mem>> -> memref<!tpu.dma_semaphore, #tpu.memory_space<semaphore_mem>>
      %dma_start3A_123 = arith.constant 0 : i32
      %dma_start3A_124 = tpu.memref_slice %arg4[%scan3A_81, %dma_start3A_123, %mul3A_2] : memref<50x64x4096xf32, #tpu.memory_space<hbm>> -> memref<1x64x128xf32, #tpu.memory_space<hbm>>
      %dma_start3A_125 = tpu.memref_squeeze %dma_start3A_124 : memref<1x64x128xf32, #tpu.memory_space<hbm>> -> memref<64x128xf32, #tpu.memory_space<hbm>>
      %dma_start3A_126 = arith.constant 0 : i32
      %dma_start3A_127 = arith.constant 0 : i32
      %dma_start3A_128 = tpu.memref_slice %arg7[%rem3A_113, %dma_start3A_126, %dma_start3A_127] : memref<3x64x128xf32, #tpu.memory_space<vmem>> -> memref<1x64x128xf32, #tpu.memory_space<vmem>>
      %dma_start3A_129 = tpu.memref_squeeze %dma_start3A_128 : memref<1x64x128xf32, #tpu.memory_space<vmem>> -> memref<64x128xf32, #tpu.memory_space<vmem>>
      tpu.enqueue_dma source(%dma_start3A_129 : memref<64x128xf32, #tpu.memory_space<vmem>>) target(%dma_start3A_125 : memref<64x128xf32, #tpu.memory_space<hbm>>) target_semaphore(%dma_start3A_122 : memref<!tpu.dma_semaphore, #tpu.memory_space<semaphore_mem>>)
    }
    %scan3A_21 = arith.constant 50 : i32
    %rem3A_22 = arith.constant 49 : i32
    %rem3A_23 = arith.constant 3 : i32
    %rem3A_24 = arith.remsi %rem3A_22, %rem3A_23 : i32
    %dma_wait3A = arith.constant 49 : i32
    %dma_wait3A_25 = arith.constant 0 : i32
    %dma_wait3A_26 = arith.constant 0 : i32
    %dma_wait3A_27 = tpu.memref_slice %arg7[%rem3A_24, %dma_wait3A_25, %dma_wait3A_26] : memref<3x64x128xf32, #tpu.memory_space<vmem>> -> memref<1x64x128xf32, #tpu.memory_space<vmem>>
    %dma_wait3A_28 = tpu.memref_squeeze %dma_wait3A_27 : memref<1x64x128xf32, #tpu.memory_space<vmem>> -> memref<64x128xf32, #tpu.memory_space<vmem>>
    %dma_wait3A_29 = arith.constant 0 : i32
    %dma_wait3A_30 = tpu.memref_slice %arg4[%dma_wait3A, %dma_wait3A_29, %mul3A_2] : memref<50x64x4096xf32, #tpu.memory_space<hbm>> -> memref<1x64x128xf32, #tpu.memory_space<hbm>>
    %dma_wait3A_31 = tpu.memref_squeeze %dma_wait3A_30 : memref<1x64x128xf32, #tpu.memory_space<hbm>> -> memref<64x128xf32, #tpu.memory_space<hbm>>
    %dma_wait3A_32 = tpu.memref_slice %arg9[%rem3A_24] : memref<3x!tpu.dma_semaphore, #tpu.memory_space<semaphore_mem>> -> memref<1x!tpu.dma_semaphore, #tpu.memory_space<semaphore_mem>>
    %dma_wait3A_33 = tpu.memref_squeeze %dma_wait3A_32 : memref<1x!tpu.dma_semaphore, #tpu.memory_space<semaphore_mem>> -> memref<!tpu.dma_semaphore, #tpu.memory_space<semaphore_mem>>
    %dma_wait3A_34 = arith.constant 0 : i32
    %dma_wait3A_35 = tpu.memref_slice %arg4[%dma_wait3A, %dma_wait3A_34, %mul3A_2] : memref<50x64x4096xf32, #tpu.memory_space<hbm>> -> memref<1x64x128xf32, #tpu.memory_space<hbm>>
    %dma_wait3A_36 = tpu.memref_squeeze %dma_wait3A_35 : memref<1x64x128xf32, #tpu.memory_space<hbm>> -> memref<64x128xf32, #tpu.memory_space<hbm>>
    %dma_wait3A_37 = arith.constant 0 : i32
    %dma_wait3A_38 = arith.constant 0 : i32
    %dma_wait3A_39 = tpu.memref_slice %arg7[%rem3A_24, %dma_wait3A_37, %dma_wait3A_38] : memref<3x64x128xf32, #tpu.memory_space<vmem>> -> memref<1x64x128xf32, #tpu.memory_space<vmem>>
    %dma_wait3A_40 = tpu.memref_squeeze %dma_wait3A_39 : memref<1x64x128xf32, #tpu.memory_space<vmem>> -> memref<64x128xf32, #tpu.memory_space<vmem>>
    tpu.wait_dma2 semaphore(%dma_wait3A_33 : memref<!tpu.dma_semaphore, #tpu.memory_space<semaphore_mem>>) src(%dma_wait3A_40 : memref<64x128xf32, #tpu.memory_space<vmem>>) dst(%dma_wait3A_36 : memref<64x128xf32, #tpu.memory_space<hbm>>)
    %rem3A_41 = arith.constant 48 : i32
    %rem3A_42 = arith.constant 3 : i32
    %rem3A_43 = arith.remsi %rem3A_41, %rem3A_42 : i32
    %dma_wait3A_44 = arith.constant 48 : i32
    %dma_wait3A_45 = arith.constant 0 : i32
    %dma_wait3A_46 = arith.constant 0 : i32
    %dma_wait3A_47 = tpu.memref_slice %arg7[%rem3A_43, %dma_wait3A_45, %dma_wait3A_46] : memref<3x64x128xf32, #tpu.memory_space<vmem>> -> memref<1x64x128xf32, #tpu.memory_space<vmem>>
    %dma_wait3A_48 = tpu.memref_squeeze %dma_wait3A_47 : memref<1x64x128xf32, #tpu.memory_space<vmem>> -> memref<64x128xf32, #tpu.memory_space<vmem>>
    %dma_wait3A_49 = arith.constant 0 : i32
    %dma_wait3A_50 = tpu.memref_slice %arg4[%dma_wait3A_44, %dma_wait3A_49, %mul3A_2] : memref<50x64x4096xf32, #tpu.memory_space<hbm>> -> memref<1x64x128xf32, #tpu.memory_space<hbm>>
    %dma_wait3A_51 = tpu.memref_squeeze %dma_wait3A_50 : memref<1x64x128xf32, #tpu.memory_space<hbm>> -> memref<64x128xf32, #tpu.memory_space<hbm>>
    %dma_wait3A_52 = tpu.memref_slice %arg9[%rem3A_43] : memref<3x!tpu.dma_semaphore, #tpu.memory_space<semaphore_mem>> -> memref<1x!tpu.dma_semaphore, #tpu.memory_space<semaphore_mem>>
    %dma_wait3A_53 = tpu.memref_squeeze %dma_wait3A_52 : memref<1x!tpu.dma_semaphore, #tpu.memory_space<semaphore_mem>> -> memref<!tpu.dma_semaphore, #tpu.memory_space<semaphore_mem>>
    %dma_wait3A_54 = arith.constant 0 : i32
    %dma_wait3A_55 = tpu.memref_slice %arg4[%dma_wait3A_44, %dma_wait3A_54, %mul3A_2] : memref<50x64x4096xf32, #tpu.memory_space<hbm>> -> memref<1x64x128xf32, #tpu.memory_space<hbm>>
    %dma_wait3A_56 = tpu.memref_squeeze %dma_wait3A_55 : memref<1x64x128xf32, #tpu.memory_space<hbm>> -> memref<64x128xf32, #tpu.memory_space<hbm>>
    %dma_wait3A_57 = arith.constant 0 : i32
    %dma_wait3A_58 = arith.constant 0 : i32
    %dma_wait3A_59 = tpu.memref_slice %arg7[%rem3A_43, %dma_wait3A_57, %dma_wait3A_58] : memref<3x64x128xf32, #tpu.memory_space<vmem>> -> memref<1x64x128xf32, #tpu.memory_space<vmem>>
    %dma_wait3A_60 = tpu.memref_squeeze %dma_wait3A_59 : memref<1x64x128xf32, #tpu.memory_space<vmem>> -> memref<64x128xf32, #tpu.memory_space<vmem>>
    tpu.wait_dma2 semaphore(%dma_wait3A_53 : memref<!tpu.dma_semaphore, #tpu.memory_space<semaphore_mem>>) src(%dma_wait3A_60 : memref<64x128xf32, #tpu.memory_space<vmem>>) dst(%dma_wait3A_56 : memref<64x128xf32, #tpu.memory_space<hbm>>)
    %rem3A_61 = arith.constant 47 : i32
    %rem3A_62 = arith.constant 3 : i32
    %rem3A_63 = arith.remsi %rem3A_61, %rem3A_62 : i32
    %dma_wait3A_64 = arith.constant 47 : i32
    %dma_wait3A_65 = arith.constant 0 : i32
    %dma_wait3A_66 = arith.constant 0 : i32
    %dma_wait3A_67 = tpu.memref_slice %arg7[%rem3A_63, %dma_wait3A_65, %dma_wait3A_66] : memref<3x64x128xf32, #tpu.memory_space<vmem>> -> memref<1x64x128xf32, #tpu.memory_space<vmem>>
    %dma_wait3A_68 = tpu.memref_squeeze %dma_wait3A_67 : memref<1x64x128xf32, #tpu.memory_space<vmem>> -> memref<64x128xf32, #tpu.memory_space<vmem>>
    %dma_wait3A_69 = arith.constant 0 : i32
    %dma_wait3A_70 = tpu.memref_slice %arg4[%dma_wait3A_64, %dma_wait3A_69, %mul3A_2] : memref<50x64x4096xf32, #tpu.memory_space<hbm>> -> memref<1x64x128xf32, #tpu.memory_space<hbm>>
    %dma_wait3A_71 = tpu.memref_squeeze %dma_wait3A_70 : memref<1x64x128xf32, #tpu.memory_space<hbm>> -> memref<64x128xf32, #tpu.memory_space<hbm>>
    %dma_wait3A_72 = tpu.memref_slice %arg9[%rem3A_63] : memref<3x!tpu.dma_semaphore, #tpu.memory_space<semaphore_mem>> -> memref<1x!tpu.dma_semaphore, #tpu.memory_space<semaphore_mem>>
    %dma_wait3A_73 = tpu.memref_squeeze %dma_wait3A_72 : memref<1x!tpu.dma_semaphore, #tpu.memory_space<semaphore_mem>> -> memref<!tpu.dma_semaphore, #tpu.memory_space<semaphore_mem>>
    %dma_wait3A_74 = arith.constant 0 : i32
    %dma_wait3A_75 = tpu.memref_slice %arg4[%dma_wait3A_64, %dma_wait3A_74, %mul3A_2] : memref<50x64x4096xf32, #tpu.memory_space<hbm>> -> memref<1x64x128xf32, #tpu.memory_space<hbm>>
    %dma_wait3A_76 = tpu.memref_squeeze %dma_wait3A_75 : memref<1x64x128xf32, #tpu.memory_space<hbm>> -> memref<64x128xf32, #tpu.memory_space<hbm>>
    %dma_wait3A_77 = arith.constant 0 : i32
    %dma_wait3A_78 = arith.constant 0 : i32
    %dma_wait3A_79 = tpu.memref_slice %arg7[%rem3A_63, %dma_wait3A_77, %dma_wait3A_78] : memref<3x64x128xf32, #tpu.memory_space<vmem>> -> memref<1x64x128xf32, #tpu.memory_space<vmem>>
    %dma_wait3A_80 = tpu.memref_squeeze %dma_wait3A_79 : memref<1x64x128xf32, #tpu.memory_space<vmem>> -> memref<64x128xf32, #tpu.memory_space<vmem>>
    tpu.wait_dma2 semaphore(%dma_wait3A_73 : memref<!tpu.dma_semaphore, #tpu.memory_space<semaphore_mem>>) src(%dma_wait3A_80 : memref<64x128xf32, #tpu.memory_space<vmem>>) dst(%dma_wait3A_76 : memref<64x128xf32, #tpu.memory_space<hbm>>)
    return
  }
}

</mosaic_0001>

<sc_bundles>
// kernel: _embed_normalize.3.cloned.1.call-start
scs
__scs_entry_jumppad:
0x0: {  	(pc) =	sbr.rel $0x88, $3  }
0x1: {  	(tag) =	ssettag $0x0;
	lr =	simm.s32 $0x1  }
0x2: {  	[smem:$0x3F9F] =	sst lr;
	_ =	strace $0xD0000000  }
0x3: {  	_ = 	snop  }
0x4: {  	_ = 	snop  }
0x5: {  	_ = 	snop  }
0x6: {  	_ = 	snop  }
0x7: {  	_ = 	snop  }
__scs_overlays_trampoline_lowered:
0x8: {  	[smem:$0x3FAE] =	sst s0  }
0x9: {  	[smem:$0x3FAF] =	sst s1  }
0xa: {  	[smem:$0x3FB0] =	sst s2  }
0xb: {  	[smem:$0x3FB1] =	sst s3  }
0xc: {  	[smem:$0x3FB2] =	sst s4  }
0xd: {  	[smem:$0x3FB3] =	sst s5  }
0xe: {  	[smem:$0x3FB4] =	sst s6  }
0xf: {  	[smem:$0x3FB5] =	sst s7  }
0x10: {  	[smem:$0x3FB6] =	sst s8  }
0x11: {  	[smem:$0x3FB7] =	sst s9;
	s0 =	simm.s32 @!p0 $0x0  }
0x12: {  	s1 =	sld [smem:$0x3F9D];
	s0 =	simm.s32 @p0 $0x1  }
0x13: {  	[smem:$0x3FB8] =	sst s0;
	s0 =	simm.s32 @!p1 $0x0  }
0x14: {  	s2 =	sld [smem:$0x3F9C];
	s0 =	simm.s32 @p1 $0x1  }
0x15: {  	[smem:$0x3FB9] =	sst s0;
	s0 =	simm.s32 @!p2 $0x0  }
0x16: {  	s3 =	sld [smem:$0x3FDB];
	s0 =	simm.s32 @p2 $0x1  }
0x17: {  	s4 =	simm.s32 $0x1BF5;
	[smem:$0x3FBB] =	sst s0  }
0x18: {  	s0 =	sld [smem:$0x3F9E];
	_ =	swait.ge [sflag:s4], $0x0  }
0x19: {  	s7 =	sld [smem:$0x3F9F]  }
0x1a: {  	s8 =	sadd.s32 $0xFFFFE003, lr  }
0x1b: {  	s9 =	sadd.s32 $0xFFFFFEF7, lr;
	s5 =	simm.s32 $0xFFFFFFFF;
	p2 =	slt.u32 s8, $0xFFFFF086  }
0x1c: {  	p1 =	slt.u32 s9, $0xF7A;
	s5 =	simm.s32 @!p2 $0x0  }
0x1d: {  	s5 =	simm.s32 @p1 $0x1;
	p0 =	seq.s32 s7, s2  }
0x1e: {  	s7 =	smul.u32 @!p0 $0xF7A, s2;
	p2 =	seq.s32 @!p0 s5, $0x0  }
0x1f: {  	s9 =	smul.u32 $0xF7A, s1;
	s8 =	simm.s32 @!p0 $0x1BF5;
	p2 =	por !p2, p0  }
0x20: {  	[sflag:s8] =	ssyncset.s32 @!p0 $0xFFFFF086;
	s6 =	sadd.s32 @!p0 s3, s7;
	s7 =	simm.s32 @!p0 $0x108  }
0x21: {  	s3 =	sadd.s32 s3, s9;
	s6 =	sadd.s32 @!p0 $0x88, s6;
	s7 =	simm.s32 @p2 $0x1082  }
0x22: {  	[simem:s7], [sflag:s8] =	dma.local @!p0 [hbm:s6], $0xF7A  }
0x23: {  	s9 =	sor.u32 $0xD0000000, s2;
	s6 =	simm.s32 $0x108;
	_ =	swait.ge @!p0 [sflag:s8], $0x0  }
0x24: {  	s3 =	sadd.s32 $0x88, s3;
	s6 =	simm.s32 @!p1 $0x1082;
	[sflag:s4] =	ssyncset.s32 $0xFFFFF086  }
0x25: {  	[simem:s6], [sflag:s4] =	dma.local [hbm:s3], $0xF7A  }
0x26: {  	[smem:$0x3F9F] =	sst s1;
	(tag) =	ssettag s2;
	_ =	strace s9  }
0x27: {  	s1 =	sld [smem:$0x3FAF]  }
0x28: {  	s2 =	sld [smem:$0x3FB0]  }
0x29: {  	s4 =	sld [smem:$0x3FB2]  }
0x2a: {  	p0 =	seq.s32 s5, $0x0;
	s5 =	sld [smem:$0x3FB3]  }
0x2b: {  	s6 =	sld [smem:$0x3FB4]  }
0x2c: {  	s7 =	sld [smem:$0x3FB5]  }
0x2d: {  	s3 =	simm.s32 $0x108;
	s8 =	sld [smem:$0x3FB6]  }
0x2e: {  	s3 =	simm.s32 @!p0 $0x1082;
	s9 =	sld [smem:$0x3FB7]  }
0x2f: {  	lr =	sadd.s32 s0, s3;
	s0 =	sld [smem:$0x3FAE]  }
0x30: {  	s3 =	sld [smem:$0x3FB1]  }
0x31: {  	[smem:$0x3FBA] =	sst s10  }
0x32: {  	s10 =	sld [smem:$0x3FB8];
	_ =	sdelay $0x3  }
0x33: {  	p0 =	seq.s32 s10, $0x1;
	s10 =	sld [smem:$0x3FBA];
	_ =	sdelay $0x3  }
0x34: {  	[smem:$0x3FBA] =	sst s10  }
0x35: {  	s10 =	sld [smem:$0x3FB9];
	_ =	sdelay $0x3  }
0x36: {  	p1 =	seq.s32 s10, $0x1;
	s10 =	sld [smem:$0x3FBA];
	_ =	sdelay $0x3  }
0x37: {  	[smem:$0x3FBA] =	sst s10  }
0x38: {  	s10 =	sld [smem:$0x3FBB]  }
0x39: {  	_ = 	snop;
	(pc) =	sbr.ind lr, $3  }
0x3a: {  	_ = 	snop  }
0x3b: {  	_ = 	snop  }
0x3c: {  	p2 =	seq.s32 s10, $0x1;
	s10 =	sld [smem:$0x3FBA]  }
0x3d: {  	_ =	shalt  }
0x3e: {  	_ =	shalt  }
0x3f: {  	_ =	shalt  }
0x40: {  	_ =	shalt  }
0x41: {  	_ =	shalt  }
0x42: {  	_ =	shalt  }
0x43: {  	_ =	shalt  }
0x44: {  	_ =	shalt  }
0x45: {  	_ =	shalt  }
0x46: {  	_ =	shalt  }
0x47: {  	_ =	shalt  }
0x48: {  	_ =	shalt  }
0x49: {  	_ =	shalt  }
0x4a: {  	_ =	shalt  }
0x4b: {  	_ =	shalt  }
0x4c: {  	_ =	shalt  }
0x4d: {  	_ =	shalt  }
0x4e: {  	_ =	shalt  }
0x4f: {  	_ =	shalt  }
0x50: {  	_ =	shalt  }
0x51: {  	_ =	shalt  }
0x52: {  	_ =	shalt  }
0x53: {  	_ =	shalt  }
0x54: {  	_ =	shalt  }
0x55: {  	_ =	shalt  }
0x56: {  	_ =	shalt  }
0x57: {  	_ =	shalt  }
0x58: {  	_ =	shalt  }
0x59: {  	_ =	shalt  }
0x5a: {  	_ =	shalt  }
0x5b: {  	_ =	shalt  }
0x5c: {  	_ =	shalt  }
0x5d: {  	_ =	shalt  }
0x5e: {  	_ =	shalt  }
0x5f: {  	_ =	shalt  }
0x60: {  	_ =	shalt  }
0x61: {  	_ =	shalt  }
0x62: {  	_ =	shalt  }
0x63: {  	_ =	shalt  }
0x64: {  	_ =	shalt  }
0x65: {  	_ =	shalt  }
0x66: {  	_ =	shalt  }
0x67: {  	_ =	shalt  }
0x68: {  	_ =	shalt  }
0x69: {  	_ =	shalt  }
0x6a: {  	_ =	shalt  }
0x6b: {  	_ =	shalt  }
0x6c: {  	_ =	shalt  }
0x6d: {  	_ =	shalt  }
0x6e: {  	_ =	shalt  }
0x6f: {  	_ =	shalt  }
0x70: {  	_ =	shalt  }
0x71: {  	_ =	shalt  }
0x72: {  	_ =	shalt  }
0x73: {  	_ =	shalt  }
0x74: {  	_ =	shalt  }
0x75: {  	_ =	shalt  }
0x76: {  	_ =	shalt  }
0x77: {  	_ =	shalt  }
0x78: {  	_ =	shalt  }
0x79: {  	_ =	shalt  }
0x7a: {  	_ =	shalt  }
0x7b: {  	_ =	shalt  }
0x7c: {  	_ =	shalt  }
0x7d: {  	_ =	shalt  }
0x7e: {  	_ =	shalt  }
0x7f: {  	_ =	shalt  }
0x80: {  	_ =	shalt  }
0x81: {  	_ =	shalt  }
0x82: {  	_ =	shalt  }
0x83: {  	_ =	shalt  }
0x84: {  	_ =	shalt  }
0x85: {  	_ =	shalt  }
0x86: {  	_ =	shalt  }
0x87: {  	_ =	shalt  }
.Lfunc_end0:
.L_simem_size_0:
called_computation_lowered:
.L_overlay_start_0:
0x88: {  	s2 =	sld [smem:$0x3FD9]  }
0x89: {  	s3 =	sld [smem:$0x3FFE];
	_ =	sdelay $0x1  }
0x8a: {  	s1 =	srdreg.scid  }
0x8b: {  	s0 =	sand.u32 $0x1, s1  }
0x8c: {  	s18 =	sshll.u32 s0, $0xA;
	s2 =	sadd.s32 s3, s2  }
0x8d: {  	s2 =	sadd.s32 s2, s18  }
0x8e: {  	[smem:$0x3FC6] =	sst s2  }
0x8f: {  	_ = 	snop  }
0x90: {  	s2 =	sld [smem:$0x3FC9]  }
0x91: {  	s19 =	sld [smem:$0x3FC8]  }
0x92: {  	s4 =	sld [smem:$0x3FD0];
	(tm) =	ssettm $0x1  }
0x93: {  	s5 =	sld [smem:$0x3FFB];
	_ =	sdelay $0x3  }
0x94: {  	_ =	strace s5  }
0x95: {  	s5 =	sld [smem:$0x3FFC];
	_ =	sdelay $0x3  }
0x96: {  	_ =	strace s5  }
0x97: {  	s5 =	sld [smem:$0x3FFD];
	_ =	sdelay $0x3  }
0x98: {  	_ =	strace s5  }
0x99: {  	_ =	strace $0x8FFFFFFF  }
0x9a: {  	s20 =	sld [smem:$0x3FDB];
	_ =	sdelay $0x1  }
0x9b: {  	s6 =	simm.s32 $_scs_section_size  }
0x9c: {  	s7 =	simm.s32 $_size__tile_overlayer_lowered;
	s8 =	simm.s32 $_tile_overlayer_lowered  }
0x9d: {  	s23 =	simm.s32 $0x1BFF;
	s22 =	sshll.u32 s8, $0x1;
	s5 =	sadd.s32 s6, s20  }
0x9e: {  	s9 =	simm.s32 $0x0;
	s21 =	sshll.u32 s7, $0x1;
	s7 =	sadd.s32 s22, s5  }
0x9f: {  	[timem:s9], [sflag:s23] =	dma.local [hbm:s7], s21  }
0xa0: {  	_ =	swait.ge [sflag:s23], s21  }
0xa1: {  	s6 =	ssub.s32 $0x0, s21;
	[sflag:s23] =	ssyncset.done $0x0  }
0xa2: {  	[sflag:s23] =	ssyncadd.s32 s6;
	_ =	sdelay $0x1  }
0xa3: {  	s24 =	simm.s32 $0x1B8B  }
0xa4: {  	_ =	swait.ge [sflag:s24], $0x1  }
0xa5: {  	[sflag:s24] =	ssyncset.done $0x0  }
0xa6: {  	s25 =	simm.s32 $0x1B8E;
	[sflag:s24] =	ssyncadd.s32 $0xFFFFFFFF  }
0xa7: {  	s26 =	simm.s32 $execute0_lowered;
	[smem:$0x3FD2] =	sst s25  }
0xa8: {  	s6 =	sshll.u32 s26, $0x1;
	_ =	strace $0x80000046;
	[dreg:$0x1] =	wrdreg $0xFFFFFFFF  }
0xa9: {  	s28 =	simm.s32 $_size_execute0_lowered;
	s5 =	sadd.s32 s5, s6;
	[dreg:$0x0] =	wrdreg $0x0  }
0xaa: {  	s6 =	sshll.u32 s28, $0x1;
	[dreg:$0x2] =	wrdreg s5  }
0xab: {  	[dreg:$0x3] =	wrdreg s6  }
0xac: {  	[dreg:$0x4] =	wrdreg $0xC0  }
0xad: {  	_ =	task [dreg:s9], $0x5FFFF  }
0xae: {  	[dreg:$0x1] =	wrdreg $0xFFFFFFFF  }
0xaf: {  	[dreg:$0x0] =	wrdreg $0x60  }
0xb0: {  	[dreg:$0x2] =	wrdreg s2  }
0xb1: {  	[dreg:$0x3] =	wrdreg s19  }
0xb2: {  	[dreg:$0x4] =	wrdreg s4  }
0xb3: {  	[dreg:$0x5] =	wrdreg $0x9  }
0xb4: {  	_ =	task.clear_ibuf [dreg:s9], $0x6FFFF;
	_ =	strace $0x90000046  }
0xb5: {  	s29 =	simm.s32 $0x9;
	_ =	strace $0x80000048  }
0xb6: {  	_ =	swait.ge [sflag:s29], $0x1  }
0xb7: {  	[sflag:s29] =	ssyncadd.s32 $0xFFFFFFFF  }
0xb8: {  	_ =	strace $0x90000048  }
0xb9: {  	_ =	sfence  }
0xba: {  	s30 =	sld [smem:$0x0];
	_ =	sdelay $0x2  }
0xbb: {  	s31 =	sshll.u32 s1, $0xD;
	s1 =	sshrl.u32 s1, $0x2  }
0xbc: {  	s3 =	sand.u32 $0x4000, s31;
	s1 =	sadd.s32 s1, s30  }
0xbd: {  	s0 =	sor.u32 s3, s0;
	s1 =	sshll.u32 s1, $0x11  }
0xbe: {  	s0 =	sor.u32 s1, s0  }
0xbf: {  	s0 =	sadd.s32 $0x8F2B, s0  }
0xc0: {  	[sflag:s0] =	ssyncadd.remote.s32 $0x1  }
0xc1: {  	_ =	sfence.sel $0xFFFF  }
0xc2: {  	[dreg:$0x0] =	wrdreg $0xFFFFFFFF;
	(pc) =	sbr.abs _section_cstart, $3  }
0xc3: {  	[dreg:$0x1] =	wrdreg $0xFFFFFFFF  }
0xc4: {  	_ =	task.clear_ibuf [dreg:s9], $0x2FFFF;
	_ =	strace $0x9FFFFFFF  }
0xc5: {  	(tm) =	ssettm $0x7FFFFFFF  }
tec
execute0_lowered:
.L_overlay_start_1:
0x0: {  	(tag) =	ssettag $0x1  }
0x1: {  	v0 =	vimm.s32 $0x34333231;
	v1 =	vimm.s32 $0x38373635  }
0x2: {  	vm0 =	vcmask $0x1F10;
	v2 =	vimm.s32 $0x3F3E3D;
	v3 =	vimm.s32 $0x39383736  }
0x3: {  	v4 =	vimm.s32 $0x3D3C3B3A;
	v59 =	vimm.s32 $0x36353433;
	v5 =	vimm.s32 $0x3A393837  }
0x4: {  	v60 =	vimm.s32 $0x3020100;
	v61 =	vimm.s32 $0x3F3E3D3C;
	v62 =	vimm.s32 $0x37363534  }
0x5: {  	v63 =	vimm.s32 $0x3B3A3938;
	v33 =	vimm.s32 $0x4030201;
	v0 =	vunpack.c.0.s8.s32 v0  }
0x6: {  	v19 =	vunpack.c.0.s8.s32 v1;
	v1 =	vimm.s32 $0x3C3B3A39;
	v21 =	vunpack.c.0.s8.s32 v3  }
0x7: {  	v22 =	vunpack.c.0.s8.s32 v4;
	v3 =	vimm.s32 $0x1003F3E;
	v4 =	vunpack.c.0.s8.s32 v59  }
0x8: {  	v20 =	vunpack.c.0.s8.s32 v1;
	v1 =	vunpack.c.0.s8.s32 v2;
	v2 =	vimm.s32 $0x35343332  }
0x9: {  	v49 =	vunpack.c.0.s8.s32 v5;
	v3 =	vunpack.c.0.s8.s32 v3;
	v2 =	vunpack.c.0.s8.s32 v2  }
0xa: {  	v51 =	vunpack.c.0.s8.s32 v61;
	v0 =	vsel vm0, v19, v0;
	v6 =	vsel vm0, v1, v20  }
0xb: {  	v43 =	vcombine.low v0, v6;
	v0 =	vsel vm0, v21, v2;
	v2 =	vsel vm0, v3, v22  }
0xc: {  	v8 =	vunpack.c.0.s8.s32 v63;
	v44 =	vcombine.low v0, v2;
	v0 =	vimm.s32 $0x3E3D3C3B  }
0xd: {  	v47 =	vsel vm0, v49, v4;
	v50 =	vunpack.c.0.s8.s32 v0;
	v0 =	vimm.s32 $0x201003F  }
0xe: {  	v4 =	vunpack.c.0.s8.s32 v62;
	v23 =	vunpack.c.0.s8.s32 v0;
	v0 =	vunpack.c.0.s8.s32 v60  }
0xf: {  	v5 =	vunpack.c.0.s8.s32 v33  }
0x10: {  	v4 =	vsel vm0, v8, v4;
	v0 =	vsel vm0, v0, v51  }
0x11: {  	[tilespmem:$0x1FA80] =	vst v8;
	v8 =	vimm.s32 $0x87654321;
	v48 =	vcombine.low v4, v0;
	v0 =	vsel vm0, v5, v1  }
0x12: {  	v9 =	vlaneseq.u32;
	v7 =	vimm.s32 $0x5040302;
	[tilespmem:$0x1FA90] =	vst v0;
	v0 =	vunpack.c.l.s4.s8 v8  }
0x13: {  	v45 =	vimm.s32 $0x6050403;
	v46 =	vimm.s32 $0x98765432;
	v52 =	vimm.s32 $0x76543210  }
0x14: {  	v54 =	vimm.s32 $0xA9876543;
	vm7 =	vcmask $0x2F10;
	v0 =	vunpack.c.0.s8.s32 v0  }
0x15: {  	v57 =	vimm.s32 $0x54329876;
	v58 =	vimm.s32 $0xB0A0908;
	v5 =	vunpack.c.l.s4.s8 v46  }
0x16: {  	vm8 =	vcmask $0x3F30;
	vm1 =	vcmask $0x300;
	v0 =	vand.u32 $0xF, v0  }
0x17: {  	vm2 =	vcmask $0x704;
	v5 =	vunpack.c.0.s8.s32 v5;
	v0 =	vcombine.low v6, v0  }
0x18: {  	vm3 =	vcmask $0xB08;
	vm4 =	vcmask $0xF0C;
	vm5 =	vcmask $0x1310  }
0x19: {  	vm6 =	vcmask $0x1714;
	v7 =	vunpack.c.0.s8.s32 v7;
	[tilespmem:$0x1FAD0] =	vst v0;
	v0 =	vand.u32 $0xF, v5  }
0x1a: {  	vm9 =	vcmask $0x2320;
	v8 =	vimm.s32 $0x32107654;
	v0 =	vcombine.low v2, v0  }
0x1b: {  	v42 =	vsel vm0, v7, v3;
	v7 =	vunpack.c.l.s4.s8 v52;
	v8 =	vunpack.c.l.s4.s8 v8  }
0x1c: {  	v4 =	vunpack.c.0.s8.s32 v45;
	v2 =	vimm.s32 $0x43218765;
	[tilespmem:$0x1FAE0] =	vst v0;
	v0 =	vunpack.c.l.s4.s8 v54  }
0x1d: {  	v59 =	vimm.s32 $0xC0B0A09;
	v55 =	vunpack.c.0.s8.s32 v8;
	v2 =	vunpack.c.l.s4.s8 v2  }
0x1e: {  	v53 =	vunpack.c.0.s8.s32 v7;
	v4 =	vsel vm0, v4, v23;
	v0 =	vunpack.c.0.s8.s32 v0  }
0x1f: {  	v56 =	vand.u32 $0xF, v55;
	v6 =	vunpack.c.0.s8.s32 v58;
	v2 =	vunpack.c.0.s8.s32 v2  }
0x20: {  	[tilespmem:$0x1FAB0] =	vst v4;
	v4 =	vsel vm7, v56, v51;
	v5 =	vunpack.c.l.s4.s8 v57;
	v0 =	vand.u32 $0xF, v0  }
0x21: {  	v7 =	vunpack.c.0.s8.s32 v59;
	v2 =	vand.u32 $0xF, v2;
	[tilespmem:$0x1FAF0] =	vst v0;
	v0 =	vsel vm8, v6, v4  }
0x22: {  	v5 =	vunpack.c.0.s8.s32 v5;
	[tilespmem:$0x1FB00] =	vst v0;
	v0 =	vsel vm7, v2, v1;
	v1 =	vimm.s32 $0x6543A987  }
0x23: {  	v2 =	vimm.s32 $0xD0C0B0A;
	v0 =	vsel vm8, v7, v0;
	v1 =	vunpack.c.l.s4.s8 v1  }
0x24: {  	vm10 =	vcmask $0x2724;
	v2 =	vunpack.c.0.s8.s32 v2;
	[tilespmem:$0x1FB10] =	vst v0;
	v0 =	vand.u32 $0xF, v5  }
0x25: {  	vm11 =	vcmask $0x2B28;
	v0 =	vsel vm7, v0, v3;
	v1 =	vunpack.c.0.s8.s32 v1  }
0x26: {  	vm12 =	vcmask $0x2F2C;
	v0 =	vsel vm8, v2, v0;
	v2 =	vimm.s32 $0xE0D0C0B  }
0x27: {  	v3 =	vimm.s32 $0xF;
	v1 =	vand.u32 $0xF, v1;
	v2 =	vunpack.c.0.s8.s32 v2  }
0x28: {  	vm13 =	vcmask $0x3330;
	v3 =	vsel vm1, $0x1880, v3;
	v1 =	vsel vm7, v1, v23  }
0x29: {  	vm14 =	vcmask $0x3734;
	[tilespmem:$0x1FB20] =	vst v0;
	v0 =	vsel vm2, $0x1901, v3;
	v1 =	vsel vm8, v2, v1  }
0x2a: {  	vm15 =	vcmask $0x3B38;
	v0 =	vsel vm3, $0x1982, v0;
	[tilespmem:$0x1FB30] =	vst v1;
	v1 =	vimm.s32 $0x8F  }
0x2b: {  	vm7 =	vcmask $0x1B18;
	v2 =	vimm.s32 $0x10F;
	v1 =	vsel vm1, $0x1900, v1  }
0x2c: {  	v0 =	vsel vm4, $0x1A03, v0;
	v2 =	vsel vm1, $0x1980, v2;
	v1 =	vsel vm2, $0x1981, v1  }
0x2d: {  	vm8 =	vcmask $0x1F1C;
	v2 =	vsel vm2, $0x1A01, v2;
	v1 =	vsel vm3, $0x1A02, v1  }
0x2e: {  	v0 =	vsel vm5, $0x1A84, v0;
	v2 =	vsel vm3, $0x1A82, v2;
	v1 =	vsel vm4, $0x1A83, v1  }
0x2f: {  	v0 =	vsel vm6, $0x1B05, v0;
	v2 =	vsel vm4, $0x1B03, v2;
	v1 =	vsel vm5, $0x1B04, v1  }
0x30: {  	v0 =	vsel vm7, $0x1B86, v0;
	v2 =	vsel vm5, $0x1B84, v2;
	v1 =	vsel vm6, $0x1B85, v1  }
0x31: {  	v0 =	vsel vm8, $0x1C07, v0;
	v2 =	vsel vm6, $0x1C05, v2;
	v1 =	vsel vm7, $0x1C06, v1  }
0x32: {  	v0 =	vsel vm9, $0x1C88, v0;
	v2 =	vsel vm7, $0x1C86, v2;
	v1 =	vsel vm8, $0x1C87, v1  }
0x33: {  	v0 =	vsel vm10, $0x1D09, v0;
	v2 =	vsel vm8, $0x1D07, v2;
	v1 =	vsel vm9, $0x1D08, v1  }
0x34: {  	v0 =	vsel vm11, $0x1D8A, v0;
	v2 =	vsel vm9, $0x1D88, v2;
	v1 =	vsel vm10, $0x1D89, v1  }
0x35: {  	v0 =	vsel vm12, $0x1E0B, v0;
	v2 =	vsel vm10, $0x1E09, v2;
	v1 =	vsel vm11, $0x1E0A, v1  }
0x36: {  	v0 =	vsel vm13, $0x1E8C, v0;
	v2 =	vsel vm11, $0x1E8A, v2;
	v1 =	vsel vm12, $0x1E8B, v1  }
0x37: {  	v0 =	vsel vm14, $0x1F0D, v0;
	v2 =	vsel vm12, $0x1F0B, v2;
	v1 =	vsel vm13, $0x1F0C, v1  }
0x38: {  	v3 =	vsel vm15, $0x1F8E, v0;
	v2 =	vsel vm13, $0x1F8C, v2;
	v0 =	vsel vm14, $0x1F8D, v1  }
0x39: {  	v1 =	vsel vm14, $0xD, v2;
	v60 =	vsel vm15, $0xE, v0;
	v0 =	vimm.s32 $0x18F  }
0x3a: {  	v61 =	vsel vm15, $0x8E, v1;
	v1 =	vimm.s32 $0x20F;
	v0 =	vsel vm1, $0x1A00, v0  }
0x3b: {  	v2 =	vimm.s32 $0x28F;
	v1 =	vsel vm1, $0x1A80, v1;
	v0 =	vsel vm2, $0x1A81, v0  }
0x3c: {  	v2 =	vsel vm1, $0x1B00, v2;
	v1 =	vsel vm2, $0x1B01, v1;
	v0 =	vsel vm3, $0x1B02, v0  }
0x3d: {  	v2 =	vsel vm2, $0x1B81, v2;
	v1 =	vsel vm3, $0x1B82, v1;
	v0 =	vsel vm4, $0x1B83, v0  }
0x3e: {  	v2 =	vsel vm3, $0x1C02, v2;
	v1 =	vsel vm4, $0x1C03, v1;
	v0 =	vsel vm5, $0x1C04, v0  }
0x3f: {  	v2 =	vsel vm4, $0x1C83, v2;
	v1 =	vsel vm5, $0x1C84, v1;
	v0 =	vsel vm6, $0x1C85, v0  }
0x40: {  	v2 =	vsel vm5, $0x1D04, v2;
	v1 =	vsel vm6, $0x1D05, v1;
	v0 =	vsel vm7, $0x1D06, v0  }
0x41: {  	v2 =	vsel vm6, $0x1D85, v2;
	v1 =	vsel vm7, $0x1D86, v1;
	v0 =	vsel vm8, $0x1D87, v0  }
0x42: {  	v2 =	vsel vm7, $0x1E06, v2;
	v1 =	vsel vm8, $0x1E07, v1;
	v0 =	vsel vm9, $0x1E08, v0  }
0x43: {  	v2 =	vsel vm8, $0x1E87, v2;
	v1 =	vsel vm9, $0x1E88, v1;
	v0 =	vsel vm10, $0x1E89, v0  }
0x44: {  	v2 =	vsel vm9, $0x1F08, v2;
	v1 =	vsel vm10, $0x1F09, v1;
	v0 =	vsel vm11, $0x1F0A, v0  }
0x45: {  	v2 =	vsel vm10, $0x1F89, v2;
	v1 =	vsel vm11, $0x1F8A, v1;
	v0 =	vsel vm12, $0x1F8B, v0  }
0x46: {  	v2 =	vsel vm11, $0xA, v2;
	v1 =	vsel vm12, $0xB, v1;
	v0 =	vsel vm13, $0xC, v0  }
0x47: {  	v2 =	vsel vm12, $0x8B, v2;
	v1 =	vsel vm13, $0x8C, v1;
	v0 =	vsel vm14, $0x8D, v0  }
0x48: {  	v2 =	vsel vm13, $0x10C, v2;
	v62 =	vsel vm15, $0x10E, v0;
	v0 =	vsel vm14, $0x10D, v1  }
0x49: {  	v1 =	vsel vm14, $0x18D, v2;
	v63 =	vsel vm15, $0x18E, v0;
	v0 =	vimm.s32 $0x30F  }
0x4a: {  	v8 =	vsel vm15, $0x20E, v1;
	v1 =	vimm.s32 $0x38F;
	v0 =	vsel vm1, $0x1B80, v0  }
0x4b: {  	v2 =	vimm.s32 $0x40F;
	v1 =	vsel vm1, $0x1C00, v1;
	v0 =	vsel vm2, $0x1C01, v0  }
0x4c: {  	v2 =	vsel vm1, $0x1C80, v2;
	v1 =	vsel vm2, $0x1C81, v1;
	v0 =	vsel vm3, $0x1C82, v0  }
0x4d: {  	v2 =	vsel vm2, $0x1D01, v2;
	v1 =	vsel vm3, $0x1D02, v1;
	v0 =	vsel vm4, $0x1D03, v0  }
0x4e: {  	v2 =	vsel vm3, $0x1D82, v2;
	v1 =	vsel vm4, $0x1D83, v1;
	v0 =	vsel vm5, $0x1D84, v0  }
0x4f: {  	v2 =	vsel vm4, $0x1E03, v2;
	v1 =	vsel vm5, $0x1E04, v1;
	v0 =	vsel vm6, $0x1E05, v0  }
0x50: {  	v2 =	vsel vm5, $0x1E84, v2;
	v1 =	vsel vm6, $0x1E85, v1;
	v0 =	vsel vm7, $0x1E86, v0  }
0x51: {  	v2 =	vsel vm6, $0x1F05, v2;
	v1 =	vsel vm7, $0x1F06, v1;
	v0 =	vsel vm8, $0x1F07, v0  }
0x52: {  	v2 =	vsel vm7, $0x1F86, v2;
	v1 =	vsel vm8, $0x1F87, v1;
	v0 =	vsel vm9, $0x1F88, v0  }
0x53: {  	v2 =	vsel vm8, $0x7, v2;
	v1 =	vsel vm9, $0x8, v1;
	v0 =	vsel vm10, $0x9, v0  }
0x54: {  	v2 =	vsel vm9, $0x88, v2;
	v1 =	vsel vm10, $0x89, v1;
	v0 =	vsel vm11, $0x8A, v0  }
0x55: {  	v2 =	vsel vm10, $0x109, v2;
	v1 =	vsel vm11, $0x10A, v1;
	v0 =	vsel vm12, $0x10B, v0  }
0x56: {  	v2 =	vsel vm11, $0x18A, v2;
	v1 =	vsel vm12, $0x18B, v1;
	v0 =	vsel vm13, $0x18C, v0  }
0x57: {  	v2 =	vsel vm12, $0x20B, v2;
	v1 =	vsel vm13, $0x20C, v1;
	v0 =	vsel vm14, $0x20D, v0  }
0x58: {  	v2 =	vsel vm13, $0x28C, v2;
	v24 =	vsel vm15, $0x28E, v0;
	v0 =	vsel vm14, $0x28D, v1  }
0x59: {  	v1 =	vsel vm14, $0x30D, v2;
	v33 =	vsel vm15, $0x30E, v0;
	v0 =	vimm.s32 $0x48F  }
0x5a: {  	[tilespmem:$0x1FAA0] =	vst v42;
	v42 =	vsel vm15, $0x38E, v1;
	v1 =	vimm.s32 $0x50F;
	v0 =	vsel vm1, $0x1D00, v0  }
0x5b: {  	v2 =	vimm.s32 $0x58F;
	v1 =	vsel vm1, $0x1D80, v1;
	v0 =	vsel vm2, $0x1D81, v0  }
0x5c: {  	v2 =	vsel vm1, $0x1E00, v2;
	v1 =	vsel vm2, $0x1E01, v1;
	v0 =	vsel vm3, $0x1E02, v0  }
0x5d: {  	v2 =	vsel vm2, $0x1E81, v2;
	v1 =	vsel vm3, $0x1E82, v1;
	v0 =	vsel vm4, $0x1E83, v0  }
0x5e: {  	v2 =	vsel vm3, $0x1F02, v2;
	v1 =	vsel vm4, $0x1F03, v1;
	v0 =	vsel vm5, $0x1F04, v0  }
0x5f: {  	v2 =	vsel vm4, $0x1F83, v2;
	v1 =	vsel vm5, $0x1F84, v1;
	v0 =	vsel vm6, $0x1F85, v0  }
0x60: {  	v2 =	vsel vm5, $0x4, v2;
	v1 =	vsel vm6, $0x5, v1;
	v0 =	vsel vm7, $0x6, v0  }
0x61: {  	v2 =	vsel vm6, $0x85, v2;
	v1 =	vsel vm7, $0x86, v1;
	v0 =	vsel vm8, $0x87, v0  }
0x62: {  	v2 =	vsel vm7, $0x106, v2;
	v1 =	vsel vm8, $0x107, v1;
	v0 =	vsel vm9, $0x108, v0  }
0x63: {  	v2 =	vsel vm8, $0x187, v2;
	v1 =	vsel vm9, $0x188, v1;
	v0 =	vsel vm10, $0x189, v0  }
0x64: {  	v2 =	vsel vm9, $0x208, v2;
	v1 =	vsel vm10, $0x209, v1;
	v0 =	vsel vm11, $0x20A, v0  }
0x65: {  	v2 =	vsel vm10, $0x289, v2;
	v1 =	vsel vm11, $0x28A, v1;
	v0 =	vsel vm12, $0x28B, v0  }
0x66: {  	v2 =	vsel vm11, $0x30A, v2;
	v1 =	vsel vm12, $0x30B, v1;
	v0 =	vsel vm13, $0x30C, v0  }
0x67: {  	v2 =	vsel vm12, $0x38B, v2;
	v1 =	vsel vm13, $0x38C, v1;
	v0 =	vsel vm14, $0x38D, v0  }
0x68: {  	v2 =	vsel vm13, $0x40C, v2;
	v45 =	vsel vm15, $0x40E, v0;
	v0 =	vsel vm14, $0x40D, v1  }
0x69: {  	v1 =	vsel vm14, $0x48D, v2;
	v46 =	vsel vm15, $0x48E, v0;
	v0 =	vimm.s32 $0x60F  }
0x6a: {  	v52 =	vsel vm15, $0x50E, v1;
	v1 =	vimm.s32 $0x68F;
	v0 =	vsel vm1, $0x1E80, v0  }
0x6b: {  	v2 =	vimm.s32 $0x70F;
	v1 =	vsel vm1, $0x1F00, v1;
	v0 =	vsel vm2, $0x1F01, v0  }
0x6c: {  	v2 =	vsel vm1, $0x1F80, v2;
	v1 =	vsel vm2, $0x1F81, v1;
	v0 =	vsel vm3, $0x1F82, v0  }
0x6d: {  	v2 =	vsel vm2, $0x1, v2;
	v1 =	vsel vm3, $0x2, v1;
	v0 =	vsel vm4, $0x3, v0  }
0x6e: {  	v2 =	vsel vm3, $0x82, v2;
	v1 =	vsel vm4, $0x83, v1;
	v0 =	vsel vm5, $0x84, v0  }
0x6f: {  	v2 =	vsel vm4, $0x103, v2;
	v1 =	vsel vm5, $0x104, v1;
	v0 =	vsel vm6, $0x105, v0  }
0x70: {  	v2 =	vsel vm5, $0x184, v2;
	v1 =	vsel vm6, $0x185, v1;
	v0 =	vsel vm7, $0x186, v0  }
0x71: {  	v2 =	vsel vm6, $0x205, v2;
	v1 =	vsel vm7, $0x206, v1;
	v0 =	vsel vm8, $0x207, v0  }
0x72: {  	v2 =	vsel vm7, $0x286, v2;
	v1 =	vsel vm8, $0x287, v1;
	v0 =	vsel vm9, $0x288, v0  }
0x73: {  	v2 =	vsel vm8, $0x307, v2;
	v1 =	vsel vm9, $0x308, v1;
	v0 =	vsel vm10, $0x309, v0  }
0x74: {  	v2 =	vsel vm9, $0x388, v2;
	v1 =	vsel vm10, $0x389, v1;
	v0 =	vsel vm11, $0x38A, v0  }
0x75: {  	v2 =	vsel vm10, $0x409, v2;
	v1 =	vsel vm11, $0x40A, v1;
	v0 =	vsel vm12, $0x40B, v0  }
0x76: {  	v2 =	vsel vm11, $0x48A, v2;
	v1 =	vsel vm12, $0x48B, v1;
	v0 =	vsel vm13, $0x48C, v0  }
0x77: {  	v2 =	vsel vm12, $0x50B, v2;
	v1 =	vsel vm13, $0x50C, v1;
	v0 =	vsel vm14, $0x50D, v0  }
0x78: {  	[tilespmem:$0x1FAC0] =	vst v53;
	v2 =	vsel vm13, $0x58C, v2;
	v53 =	vsel vm15, $0x58E, v0;
	v0 =	vsel vm14, $0x58D, v1  }
0x79: {  	v1 =	vsel vm14, $0x60D, v2;
	v2 =	vsel vm15, $0x60E, v0;
	v0 =	vadd.s32 $0x1E, v9  }
0x7a: {  	s6 =	rddreg [dreg:$0x0];
	[tilespmem:$0x1FB40] =	vst v0;
	v0 =	vadd.s32 $0x1F, v9  }
0x7b: {  	s0 =	rddreg [dreg:$0x1];
	[tilespmem:$0x1FB50] =	vst v0;
	v0 =	vor.u32 $0x20, v9  }
0x7c: {  	s3 =	rddreg [dreg:$0x2];
	s4 =	simm.s32 $0x0;
	[tilespmem:$0x1FB60] =	vst v0;
	v0 =	vadd.s32 $0x21, v9  }
0x7d: {  	s2 =	srdreg.scid;
	v10 =	vmul.u32 $0x80, v9;
	[smem:$0x7FF] =	sst s4;
	[tilespmem:$0x1FB70] =	vst v0;
	v0 =	vadd.s32 $0x22, v9  }
0x7e: {  	s5 =	sand.u32 $0x1, s2;
	s2 =	rddreg [dreg:$0x3];
	_ =	strace $0x80000047;
	[tilespmem:$0x1FB80] =	vst v0  }
0x7f: {  	v11 =	vadd.s32 $0x1, v9;
	[tilespmem:$0x1FC70] =	vst v10  }
0x80: {  	v12 =	vadd.s32 $0x2, v9;
	[tilespmem:$0x1FC80] =	vst v11  }
0x81: {  	v14 =	vadd.s32 $0x3, v9;
	[tilespmem:$0x1FC90] =	vst v12  }
0x82: {  	v15 =	vadd.s32 $0x4, v9;
	[tilespmem:$0x1FCA0] =	vst v14  }
0x83: {  	v16 =	vadd.s32 $0x5, v9;
	[tilespmem:$0x1FCB0] =	vst v15  }
0x84: {  	v17 =	vadd.s32 $0x6, v9;
	[tilespmem:$0x1FCC0] =	vst v16  }
0x85: {  	v18 =	vadd.s32 $0x7, v9;
	[tilespmem:$0x1FCD0] =	vst v17  }
0x86: {  	v25 =	vadd.s32 $0x8, v9;
	[tilespmem:$0x1FCE0] =	vst v18  }
0x87: {  	v26 =	vadd.s32 $0x9, v9;
	[tilespmem:$0x1FCF0] =	vst v25  }
0x88: {  	v27 =	vadd.s32 $0xA, v9;
	[tilespmem:$0x1FD00] =	vst v26  }
0x89: {  	v28 =	vadd.s32 $0xB, v9;
	[tilespmem:$0x1FD10] =	vst v27  }
0x8a: {  	v29 =	vadd.s32 $0xC, v9;
	[tilespmem:$0x1FD20] =	vst v28  }
0x8b: {  	v30 =	vadd.s32 $0xD, v9;
	[tilespmem:$0x1FD30] =	vst v29  }
0x8c: {  	v31 =	vadd.s32 $0xE, v9;
	[tilespmem:$0x1FD40] =	vst v30  }
0x8d: {  	v32 =	vadd.s32 $0xF, v9;
	[tilespmem:$0x1FD50] =	vst v31  }
0x8e: {  	v34 =	vor.u32 $0x10, v9;
	[tilespmem:$0x1FD60] =	vst v32  }
0x8f: {  	v35 =	vadd.s32 $0x11, v9;
	[tilespmem:$0x1FD70] =	vst v34  }
0x90: {  	v36 =	vadd.s32 $0x12, v9;
	[tilespmem:$0x1FD80] =	vst v35  }
0x91: {  	v37 =	vadd.s32 $0x13, v9;
	[tilespmem:$0x1FD90] =	vst v36  }
0x92: {  	v38 =	vadd.s32 $0x14, v9;
	[tilespmem:$0x1FDA0] =	vst v37  }
0x93: {  	v39 =	vadd.s32 $0x15, v9;
	[tilespmem:$0x1FDB0] =	vst v38  }
0x94: {  	[tilespmem:$0x1FDC0] =	vst v39  }
0x95: {  	v40 =	vadd.s32 $0x16, v9;
	[tilespmem:$0x1FDD0] =	vst v19  }
0x96: {  	v41 =	vadd.s32 $0x17, v9;
	[tilespmem:$0x1FDE0] =	vst v40  }
0x97: {  	[tilespmem:$0x1FDF0] =	vst v41  }
0x98: {  	[tilespmem:$0x1FE00] =	vst v20  }
0x99: {  	[tilespmem:$0x1FE10] =	vst v21  }
0x9a: {  	[tilespmem:$0x1FE20] =	vst v22  }
0x9b: {  	[tilespmem:$0x1FE30] =	vst v49  }
0x9c: {  	[tilespmem:$0x1FE40] =	vst v43  }
0x9d: {  	[tilespmem:$0x1FE50] =	vst v44  }
0x9e: {  	[tilespmem:$0x1FE60] =	vst v47  }
0x9f: {  	[tilespmem:$0x1FE70] =	vst v50  }
0xa0: {  	[tilespmem:$0x1FE80] =	vst v23  }
0xa1: {  	[tilespmem:$0x1FE90] =	vst v51  }
0xa2: {  	[tilespmem:$0x1FEA0] =	vst v48  }
0xa3: {  	[tilespmem:$0x1FEB0] =	vst v3  }
0xa4: {  	[tilespmem:$0x1FEC0] =	vst v60  }
0xa5: {  	[tilespmem:$0x1FED0] =	vst v61  }
0xa6: {  	[tilespmem:$0x1FEE0] =	vst v62  }
0xa7: {  	[tilespmem:$0x1FEF0] =	vst v63  }
0xa8: {  	[tilespmem:$0x1FF00] =	vst v8  }
0xa9: {  	[tilespmem:$0x1FF10] =	vst v24  }
0xaa: {  	[tilespmem:$0x1FF20] =	vst v33  }
0xab: {  	[tilespmem:$0x1FF30] =	vst v42  }
0xac: {  	[tilespmem:$0x1FF40] =	vst v45  }
0xad: {  	[tilespmem:$0x1FF50] =	vst v46  }
0xae: {  	[tilespmem:$0x1FF60] =	vst v52  }
0xaf: {  	[tilespmem:$0x1FF70] =	vst v53  }
0xb0: {  	v54 =	vsel vm15, $0x68E, v1;
	[tilespmem:$0x1FF80] =	vst v2  }
0xb1: {  	v1 =	vadd.s32 $0x18, v9;
	[tilespmem:$0x1FF90] =	vst v54  }
0xb2: {  	v55 =	vadd.s32 $0x19, v9;
	[tilespmem:$0x1FFA0] =	vst v1  }
0xb3: {  	v56 =	vadd.s32 $0x1A, v9;
	[tilespmem:$0x1FFB0] =	vst v55  }
0xb4: {  	v57 =	vadd.s32 $0x1B, v9;
	[tilespmem:$0x1FFC0] =	vst v56  }
0xb5: {  	v58 =	vadd.s32 $0x1C, v9;
	[tilespmem:$0x1FFD0] =	vst v57  }
0xb6: {  	v59 =	vadd.s32 $0x1D, v9;
	[tilespmem:$0x1FFE0] =	vst v58  }
0xb7: {  	v0 =	vadd.s32 $0x23, v9;
	[tilespmem:$0x1FFF0] =	vst v59  }
0xb8: {  	[tilespmem:$0x1FB90] =	vst v0;
	v0 =	vadd.s32 $0x24, v9  }
0xb9: {  	[tilespmem:$0x1FBA0] =	vst v0;
	v0 =	vadd.s32 $0x25, v9  }
0xba: {  	[tilespmem:$0x1FBB0] =	vst v0;
	v0 =	vadd.s32 $0x26, v9  }
0xbb: {  	[tilespmem:$0x1FBC0] =	vst v0;
	v0 =	vadd.s32 $0x27, v9  }
0xbc: {  	[tilespmem:$0x1FBD0] =	vst v0;
	v0 =	vadd.s32 $0x28, v9  }
0xbd: {  	[tilespmem:$0x1FBE0] =	vst v0;
	v0 =	vadd.s32 $0x29, v9  }
0xbe: {  	[tilespmem:$0x1FBF0] =	vst v0;
	v0 =	vadd.s32 $0x2A, v9  }
0xbf: {  	s1 =	stileid.u32;
	s10 =	simm.s32 $0x8000;
	s11 =	simm.s32 $0x1800;
	[tilespmem:$0x1FC00] =	vst v0;
	v0 =	vadd.s32 $0x2B, v9  }
0xc0: {  	s12 =	simm.s32 $0x7;
	s13 =	simm.s32 $0x80;
	s14 =	simm.s32 $0x1C00;
	[tilespmem:$0x1FC10] =	vst v0;
	v0 =	vadd.s32 $0x2C, v9  }
0xc1: {  	s15 =	simm.s32 $0x5;
	s7 =	sshll.u32 s1, $0xB;
	s8 =	sshll.u32 s5, $0xA;
	[tilespmem:$0x1FC20] =	vst v0;
	v0 =	vadd.s32 $0x2D, v9  }
0xc2: {  	s16 =	simm.s32 $0x4;
	s9 =	ssub.s32 $0x2, s5;
	s5 =	sor.u32 s8, s7;
	[tilespmem:$0x1FC30] =	vst v0;
	v0 =	vadd.s32 $0x2E, v9  }
0xc3: {  	s17 =	simm.s32 $0x6;
	s31 =	sshrl.u32 s9, $0x1;
	s8 =	sshrl.u32 s5, $0x3;
	[tilespmem:$0x1FC40] =	vst v0;
	v0 =	vadd.s32 $0x2F, v9  }
0xc4: {  	s18 =	simm.s32 $0x0;
	s9 =	ssub.s32 s9, s31;
	s6 =	sadd.s32 s6, s8;
	[tilespmem:$0x1FC50] =	vst v0;
	v0 =	vor.u32 $0x30, v9  }
0xc5: {  	s8 =	smax.u32 s9, $0x1;
	s9 =	simm.s32 $0x400;
	s7 =	sadd.s32 $0x6000, s6;
	[tilespmem:$0x1FC60] =	vst v0  }
.LBB2_1:
0xc6: {  	[tilespmem:s4], [sflag:$0x7] =	stream.strided.gather [hbm4b:s6+s9], $0x1800, s10, s9, $0x38;
	[tilespmem:$0x13C00] =	vst v63  }
0xc7: {  	_ = 	snop  }
0xc8: {  	[tilespmem:s11], [sflag:$0x7] =	stream.linear.gather [hbm4b:s7+s4], $0x100, $0x38;
	[tilespmem:$0x13C00] =	vst v63  }
0xc9: {  	_ =	swait.ge [sflag:s12], $0x1900  }
0xca: {  	[sflag:s12] =	ssyncset.done $0x0  }
0xcb: {  	s20 =	simm.s32 $0x0;
	[sflag:s12] =	ssyncadd.s32 $0xFFFFE700  }
0xcc: {  	[tilespmem:s14], [sflag:$0x1] =	stream.indirect.gather [hbm4b:s0+s13], $0x80, s4, s13, $0xb8;
	[tilespmem:$0x13C00] =	vst v63  }
.LBB2_2:
0xcd: {  	s19 =	sadd.s32 $0x1, s20;
	p1 =	seq.s32 s20, $0x31  }
0xce: {  	s21 =	smul.u32 @!p1 $0xAB, s19;
	_ =	sdelay $0x1  }
0xcf: {  	s21 =	sshrl.u32 @!p1 s21, $0x9  }
0xd0: {  	s22 =	smul.u32 $0xAB, s20;
	s21 =	sand.u32 @!p1 $0x7F, s21  }
0xd1: {  	p0 =	slt.u32 s20, $0x3;
	s21 =	smul.u32 @!p1 $0x3, s21  }
0xd2: {  	s24 =	sshll.u32 @!p1 s19, $0x7;
	s25 =	sadd.s32 @!p0 $0xFFFFFFFD, s20  }
0xd3: {  	s28 =	simm.s32 @!p1 $0x80;
	s22 =	sshrl.u32 s22, $0x9;
	s21 =	ssub.s32 @!p1 s19, s21  }
0xd4: {  	s24 =	sand.u32 @!p1 $0x3FFFFF80, s24;
	s26 =	sand.u32 @!p0 $0xFF, s25;
	s21 =	sand.u32 @!p1 $0xFF, s21  }
0xd5: {  	s22 =	sand.u32 $0x7F, s22;
	s26 =	smul.u32 @!p0 $0xAB, s26;
	s23 =	sshll.u32 @!p1 s21, $0xE  }
0xd6: {  	s22 =	smul.u32 $0x3, s22;
	s21 =	sadd.s32 @!p1 $0x1, s21;
	s23 =	sor.u32 @!p1 $0x1C00, s23  }
0xd7: {  	[tilespmem:s23], [sflag:s21] =	stream.indirect.gather @!p1 [hbm4b:s0+s28], $0x80, s24, s28, $0xb8;
	[tilespmem:$0x13C00] =	vst v63  }
0xd8: {  	s28 =	ssub.s32 s20, s22;
	s22 =	sshrl.u32 @!p0 s26, $0x9  }
0xd9: {  	s21 =	sand.u32 $0xFF, s28;
	s22 =	smul.u32 @!p0 $0x3, s22  }
0xda: {  	s29 =	sadd.s32 $0x1, s21  }
0xdb: {  	_ =	swait.ge [sflag:s29], $0x4000;
	s22 =	ssub.s32 @!p0 s25, s22  }
0xdc: {  	[sflag:s29] =	ssyncset.done $0x0;
	s22 =	sor.u32 @!p0 $0x4, s22  }
0xdd: {  	[sflag:s29] =	ssyncadd.s32 $0xFFFFC000;
	s22 =	sand.u32 @!p0 $0xFF, s22  }
0xde: {  	s24 =	simm.s32 $0x0;
	_ =	swait.ge @!p0 [sflag:s22], $0x2000  }
0xdf: {  	s30 =	sshll.u32 s21, $0xE;
	s31 =	sshll.u32 s21, $0xD;
	[sflag:s22] =	ssyncset.done @!p0 $0x0  }
0xe0: {  	s23 =	sor.u32 $0x1C00, s30;
	[sflag:s22] =	ssyncadd.s32 @!p0 $0xFFFFE000;
	s22 =	sadd.s32 $0xDC00, s31  }
.LBB2_3:
0xe1: {  	v0 =	vmov s24  }
0xe2: {  	v0 =	vshll.u32 v0, $0x7  }
0xe3: {  	v13 =	vor.u32 v10, v0  }
0xe4: {  	v0 =	vor.u32 v9, v13  }
0xe5: {  	v33 =	vor.u32 v11, v13;
	_ =	sdelay $0x1  }
0xe6: {  	v24 =	vor.u32 v12, v13;
	_ =	sdelay $0x1  }
0xe7: {  	v23 =	vor.u32 v14, v13;
	v6 =	vld.idx.msk [tilespmem:v0+s23+$0x0], $0xffff  }
0xe8: {  	v0 =	vld.idx.msk [tilespmem:v33+s23+$0x0], $0xffff  }
0xe9: {  	v22 =	vor.u32 v15, v13  }
0xea: {  	v2 =	vld.idx.msk [tilespmem:v24+s23+$0x0], $0xffff  }
0xeb: {  	v21 =	vor.u32 v16, v13  }
0xec: {  	v3 =	vld.idx.msk [tilespmem:v23+s23+$0x0], $0xffff  }
0xed: {  	v20 =	vor.u32 v17, v13;
	v4 =	vmul.f32 v6, v6;
	v0 =	vmul.f32 v0, v0  }
0xee: {  	v5 =	vld.idx.msk [tilespmem:v22+s23+$0x0], $0xffff  }
0xef: {  	v19 =	vor.u32 v18, v13;
	v2 =	vmul.f32 v2, v2;
	v0 =	vadd.f32 v0, v4  }
0xf0: {  	v54 =	vld.idx.msk [tilespmem:v21+s23+$0x0], $0xffff  }
0xf1: {  	v18 =	vor.u32 v25, v13;
	v0 =	vadd.f32 v2, v0;
	v2 =	vmul.f32 v3, v3  }
0xf2: {  	v3 =	vld.idx.msk [tilespmem:v20+s23+$0x0], $0xffff  }
0xf3: {  	v17 =	vor.u32 v26, v13;
	v0 =	vadd.f32 v2, v0;
	v2 =	vmul.f32 v5, v5  }
0xf4: {  	v60 =	vld.idx.msk [tilespmem:v19+s23+$0x0], $0xffff  }
0xf5: {  	v16 =	vor.u32 v27, v13;
	v0 =	vadd.f32 v2, v0;
	v2 =	vmul.f32 v54, v54  }
0xf6: {  	v61 =	vld.idx.msk [tilespmem:v18+s23+$0x0], $0xffff  }
0xf7: {  	v15 =	vor.u32 v28, v13;
	v0 =	vadd.f32 v2, v0;
	v2 =	vmul.f32 v3, v3  }
0xf8: {  	v3 =	vld.idx.msk [tilespmem:v17+s23+$0x0], $0xffff  }
0xf9: {  	v14 =	vor.u32 v29, v13;
	v0 =	vadd.f32 v2, v0;
	v2 =	vmul.f32 v60, v60  }
0xfa: {  	v62 =	vld.idx.msk [tilespmem:v16+s23+$0x0], $0xffff  }
0xfb: {  	v12 =	vor.u32 v30, v13;
	v0 =	vadd.f32 v2, v0;
	v2 =	vmul.f32 v61, v61  }
0xfc: {  	v63 =	vld.idx.msk [tilespmem:v15+s23+$0x0], $0xffff  }
0xfd: {  	v11 =	vor.u32 v31, v13;
	v0 =	vadd.f32 v2, v0;
	v2 =	vmul.f32 v3, v3  }
0xfe: {  	v3 =	vld.idx.msk [tilespmem:v14+s23+$0x0], $0xffff  }
0xff: {  	v10 =	vor.u32 v32, v13;
	v0 =	vadd.f32 v2, v0;
	v2 =	vmul.f32 v62, v62  }
0x100: {  	v42 =	vld.idx.msk [tilespmem:v12+s23+$0x0], $0xffff  }
0x101: {  	v9 =	vor.u32 v34, v13;
	v0 =	vadd.f32 v2, v0;
	v2 =	vmul.f32 v63, v63  }
0x102: {  	v45 =	vld.idx.msk [tilespmem:v11+s23+$0x0], $0xffff  }
0x103: {  	v8 =	vor.u32 v35, v13;
	v0 =	vadd.f32 v2, v0;
	v2 =	vmul.f32 v3, v3  }
0x104: {  	v3 =	vld.idx.msk [tilespmem:v10+s23+$0x0], $0xffff  }
0x105: {  	v7 =	vor.u32 v36, v13;
	v0 =	vadd.f32 v2, v0;
	v2 =	vmul.f32 v42, v42  }
0x106: {  	v25 =	vld.idx.msk [tilespmem:v9+s23+$0x0], $0xffff  }
0x107: {  	v4 =	vor.u32 v37, v13;
	v0 =	vadd.f32 v2, v0;
	v2 =	vmul.f32 v45, v45  }
0x108: {  	v26 =	vld.idx.msk [tilespmem:v8+s23+$0x0], $0xffff  }
0x109: {  	v0 =	vadd.f32 v2, v0;
	v2 =	vmul.f32 v3, v3  }
0x10a: {  	v27 =	vld.idx.msk [tilespmem:v7+s23+$0x0], $0xffff  }
0x10b: {  	v0 =	vadd.f32 v2, v0;
	v2 =	vmul.f32 v25, v25  }
0x10c: {  	v25 =	vld.idx.msk [tilespmem:v4+s23+$0x0], $0xffff  }
0x10d: {  	v0 =	vadd.f32 v2, v0;
	v2 =	vmul.f32 v26, v26;
	_ =	sdelay $0x1  }
0x10e: {  	v27 =	vmul.f32 v27, v27;
	v0 =	vadd.f32 v2, v0;
	_ =	sdelay $0x1  }
0x10f: {  	v0 =	vadd.f32 v27, v0;
	v27 =	vmul.f32 v25, v25;
	v25 =	vor.u32 v1, v13;
	v1 =	vld [tilespmem:$0x1FB40];
	_ =	sdelay $0x4  }
0x110: {  	v60 =	vor.u32 v59, v13;
	v59 =	vor.u32 v1, v13;
	v1 =	vld [tilespmem:$0x1FB50];
	_ =	sdelay $0x4  }
0x111: {  	v61 =	vor.u32 v58, v13;
	v58 =	vor.u32 v1, v13;
	v1 =	vld [tilespmem:$0x1FB60];
	_ =	sdelay $0x3  }
0x112: {  	v5 =	vor.u32 v38, v13  }
0x113: {  	v62 =	vor.u32 v57, v13;
	v57 =	vor.u32 v1, v13;
	v1 =	vld [tilespmem:$0x1FB70];
	_ =	sdelay $0x3  }
0x114: {  	v26 =	vld.idx.msk [tilespmem:v5+s23+$0x0], $0xffff  }
0x115: {  	v63 =	vor.u32 v56, v13;
	v56 =	vor.u32 v1, v13;
	v1 =	vld [tilespmem:$0x1FB80];
	_ =	sdelay $0x3  }
0x116: {  	v0 =	vadd.f32 v27, v0  }
0x117: {  	v27 =	vmul.f32 v26, v26;
	v26 =	vor.u32 v55, v13;
	v55 =	vor.u32 v1, v13;
	v1 =	vld [tilespmem:$0x1FB90];
	_ =	sdelay $0x4  }
0x118: {  	v54 =	vor.u32 v1, v13;
	v1 =	vld [tilespmem:$0x1FBA0];
	_ =	sdelay $0x3  }
0x119: {  	v31 =	vor.u32 v39, v13  }
0x11a: {  	v53 =	vor.u32 v1, v13;
	v1 =	vld [tilespmem:$0x1FBB0];
	_ =	sdelay $0x1  }
0x11b: {  	v32 =	vor.u32 v40, v13;
	_ =	sdelay $0x1  }
0x11c: {  	v34 =	vor.u32 v41, v13;
	v28 =	vld.idx.msk [tilespmem:v31+s23+$0x0], $0xffff  }
0x11d: {  	v52 =	vor.u32 v1, v13;
	v1 =	vld [tilespmem:$0x1FBC0];
	_ =	sdelay $0x1  }
0x11e: {  	v29 =	vld.idx.msk [tilespmem:v32+s23+$0x0], $0xffff;
	_ =	sdelay $0x1  }
0x11f: {  	v30 =	vld.idx.msk [tilespmem:v34+s23+$0x0], $0xffff  }
0x120: {  	v0 =	vadd.f32 v27, v0;
	v27 =	vmul.f32 v28, v28;
	v45 =	vor.u32 v1, v13;
	v1 =	vld [tilespmem:$0x1FBD0]  }
0x121: {  	v28 =	vld.idx.msk [tilespmem:v25+s23+$0x0], $0xffff  }
0x122: {  	v0 =	vadd.f32 v27, v0;
	v27 =	vmul.f32 v29, v29  }
0x123: {  	v29 =	vld.idx.msk [tilespmem:v26+s23+$0x0], $0xffff  }
0x124: {  	v0 =	vadd.f32 v27, v0;
	v27 =	vmul.f32 v30, v30;
	v30 =	vld.idx.msk [tilespmem:v63+s23+$0x0], $0xffff  }
0x125: {  	v42 =	vor.u32 v1, v13;
	v1 =	vld [tilespmem:$0x1FBE0]  }
0x126: {  	v0 =	vadd.f32 v27, v0;
	v27 =	vmul.f32 v28, v28  }
0x127: {  	v28 =	vld.idx.msk [tilespmem:v62+s23+$0x0], $0xffff  }
0x128: {  	v0 =	vadd.f32 v27, v0;
	v27 =	vmul.f32 v29, v29  }
0x129: {  	v29 =	vld.idx.msk [tilespmem:v61+s23+$0x0], $0xffff  }
0x12a: {  	v0 =	vadd.f32 v27, v0;
	v27 =	vmul.f32 v30, v30;
	v40 =	vor.u32 v1, v13;
	v1 =	vld [tilespmem:$0x1FBF0]  }
0x12b: {  	v30 =	vld.idx.msk [tilespmem:v60+s23+$0x0], $0xffff  }
0x12c: {  	v0 =	vadd.f32 v27, v0;
	v27 =	vmul.f32 v28, v28  }
0x12d: {  	v28 =	vld.idx.msk [tilespmem:v59+s23+$0x0], $0xffff  }
0x12e: {  	v0 =	vadd.f32 v27, v0;
	v27 =	vmul.f32 v29, v29;
	v29 =	vld.idx.msk [tilespmem:v58+s23+$0x0], $0xffff  }
0x12f: {  	v38 =	vor.u32 v1, v13;
	v1 =	vld [tilespmem:$0x1FC00]  }
0x130: {  	v0 =	vadd.f32 v27, v0;
	v27 =	vmul.f32 v30, v30  }
0x131: {  	v30 =	vld.idx.msk [tilespmem:v57+s23+$0x0], $0xffff  }
0x132: {  	v0 =	vadd.f32 v27, v0;
	v27 =	vmul.f32 v28, v28  }
0x133: {  	v28 =	vld.idx.msk [tilespmem:v56+s23+$0x0], $0xffff  }
0x134: {  	v0 =	vadd.f32 v27, v0;
	v27 =	vmul.f32 v29, v29;
	v37 =	vor.u32 v1, v13;
	v1 =	vld [tilespmem:$0x1FC10]  }
0x135: {  	v29 =	vld.idx.msk [tilespmem:v55+s23+$0x0], $0xffff  }
0x136: {  	v0 =	vadd.f32 v27, v0;
	v27 =	vmul.f32 v30, v30  }
0x137: {  	v30 =	vld.idx.msk [tilespmem:v54+s23+$0x0], $0xffff  }
0x138: {  	v0 =	vadd.f32 v27, v0;
	v27 =	vmul.f32 v28, v28;
	v28 =	vld.idx.msk [tilespmem:v53+s23+$0x0], $0xffff  }
0x139: {  	v35 =	vor.u32 v1, v13;
	v1 =	vld [tilespmem:$0x1FC20]  }
0x13a: {  	v0 =	vadd.f32 v27, v0;
	v27 =	vmul.f32 v29, v29  }
0x13b: {  	v29 =	vld.idx.msk [tilespmem:v52+s23+$0x0], $0xffff  }
0x13c: {  	v0 =	vadd.f32 v27, v0;
	v27 =	vmul.f32 v30, v30  }
0x13d: {  	v30 =	vld.idx.msk [tilespmem:v45+s23+$0x0], $0xffff  }
0x13e: {  	v0 =	vadd.f32 v27, v0;
	v27 =	vmul.f32 v28, v28;
	v3 =	vor.u32 v1, v13;
	v1 =	vld [tilespmem:$0x1FC30]  }
0x13f: {  	v28 =	vld.idx.msk [tilespmem:v42+s23+$0x0], $0xffff  }
0x140: {  	v0 =	vadd.f32 v27, v0;
	v27 =	vmul.f32 v29, v29  }
0x141: {  	v29 =	vld.idx.msk [tilespmem:v40+s23+$0x0], $0xffff  }
0x142: {  	v0 =	vadd.f32 v27, v0;
	v27 =	vmul.f32 v30, v30;
	v30 =	vld.idx.msk [tilespmem:v38+s23+$0x0], $0xffff  }
0x143: {  	v2 =	vor.u32 v1, v13;
	v1 =	vld [tilespmem:$0x1FC40]  }
0x144: {  	v0 =	vadd.f32 v27, v0;
	v27 =	vmul.f32 v28, v28;
	_ =	sdelay $0x1  }
0x145: {  	v0 =	vadd.f32 v27, v0;
	v27 =	vmul.f32 v29, v29;
	v28 =	vld.idx.msk [tilespmem:v37+s23+$0x0], $0xffff  }
0x146: {  	v29 =	vld.idx.msk [tilespmem:v35+s23+$0x0], $0xffff  }
0x147: {  	v0 =	vadd.f32 v27, v0;
	v27 =	vmul.f32 v30, v30;
	v30 =	vor.u32 v1, v13;
	v1 =	vld [tilespmem:$0x1FC50];
	_ =	sdelay $0x1  }
0x148: {  	v46 =	vld.idx.msk [tilespmem:v3+s23+$0x0], $0xffff  }
0x149: {  	v0 =	vadd.f32 v27, v0;
	v27 =	vmul.f32 v28, v28  }
0x14a: {  	v28 =	vld.idx.msk [tilespmem:v2+s23+$0x0], $0xffff  }
0x14b: {  	[tilespmem:$0x1FA30] =	vst v3;
	v0 =	vadd.f32 v27, v0;
	v29 =	vmul.f32 v29, v29;
	v3 =	vor.u32 v1, v13;
	v1 =	vld [tilespmem:$0x1FC60]  }
0x14c: {  	v39 =	vld.idx.msk [tilespmem:v30+s23+$0x0], $0xffff  }
0x14d: {  	v0 =	vadd.f32 v29, v0;
	v29 =	vmul.f32 v46, v46  }
0x14e: {  	[tilespmem:$0x1FA40] =	vst v2;
	v2 =	vor.u32 v43, v13  }
0x14f: {  	v0 =	vadd.f32 v29, v0;
	v28 =	vmul.f32 v28, v28  }
0x150: {  	v27 =	vor.u32 v1, v13;
	v1 =	vld [tilespmem:$0x1FE80]  }
0x151: {  	v0 =	vadd.f32 v28, v0;
	v39 =	vmul.f32 v39, v39  }
0x152: {  	v29 =	vld.idx.msk [tilespmem:v3+s23+$0x0], $0xffff  }
0x153: {  	v0 =	vadd.f32 v39, v0;
	v39 =	vld.idx.msk [tilespmem:v2+s23+$0x0], $0xffff  }
0x154: {  	[tilespmem:$0x1FA60] =	vst v2;
	v2 =	vld [tilespmem:$0x1FE00]  }
0x155: {  	v46 =	vsel vm0, v1, v50;
	v1 =	vld [tilespmem:$0x1FDD0];
	_ =	sdelay $0x4  }
0x156: {  	v36 =	vmul.f32 v29, v29;
	v29 =	vor.u32 v48, v13;
	v48 =	vsel vm0, v2, v1;
	v1 =	vld [tilespmem:$0x1FA90];
	_ =	sdelay $0x3  }
0x157: {  	v2 =	vld [tilespmem:$0x1FE20]  }
0x158: {  	v43 =	vcombine.low v48, v1;
	v1 =	vld [tilespmem:$0x1FE10];
	_ =	sdelay $0x2  }
0x159: {  	v47 =	vcombine.low v47, v46;
	_ =	sdelay $0x1  }
0x15a: {  	v28 =	vor.u32 v47, v13;
	v47 =	vsel vm0, v2, v1;
	v1 =	vld [tilespmem:$0x1FAA0];
	_ =	sdelay $0x4  }
0x15b: {  	v0 =	vadd.f32 v36, v0;
	v36 =	vor.u32 v43, v13;
	v43 =	vcombine.low v47, v1;
	v1 =	vld [tilespmem:$0x1FAB0];
	_ =	sdelay $0x3  }
0x15c: {  	v47 =	vsel vm0, v50, v49  }
0x15d: {  	v50 =	vcombine.low v47, v1;
	v1 =	vld [tilespmem:$0x1FA80]  }
0x15e: {  	v41 =	vld.idx.msk [tilespmem:v27+s23+$0x0], $0xffff;
	_ =	sdelay $0x1  }
0x15f: {  	[tilespmem:$0x1FA50] =	vst v3;
	v3 =	vor.u32 v44, v13;
	_ =	sdelay $0x1  }
0x160: {  	v51 =	vsel vm0, v51, v1;
	v1 =	vld [tilespmem:$0x1FAC0]  }
0x161: {  	v41 =	vmul.f32 v41, v41;
	_ =	sdelay $0x1  }
0x162: {  	v44 =	vld.idx.msk [tilespmem:v3+s23+$0x0], $0xffff;
	v0 =	vadd.f32 v41, v0;
	v41 =	vmul.f32 v39, v39;
	_ =	sdelay $0x1  }
0x163: {  	v0 =	vadd.f32 v41, v0;
	v41 =	vor.u32 v50, v13;
	v50 =	vcombine.low v51, v1;
	v1 =	vld [tilespmem:$0x1FAD0];
	_ =	sdelay $0x2  }
0x164: {  	v44 =	vmul.f32 v44, v44  }
0x165: {  	v48 =	vld.idx.msk [tilespmem:v28+s23+$0x0], $0xffff  }
0x166: {  	v0 =	vadd.f32 v44, v0;
	v44 =	vor.u32 v1, v13;
	v1 =	vld [tilespmem:$0x1FAF0];
	_ =	sdelay $0x1  }
0x167: {  	v49 =	vld.idx.msk [tilespmem:v29+s23+$0x0], $0xffff  }
0x168: {  	v39 =	vor.u32 v43, v13;
	_ =	sdelay $0x1  }
0x169: {  	v51 =	vmul.f32 v48, v48;
	v43 =	vor.u32 v50, v13;
	v50 =	vcombine.low v46, v1;
	v1 =	vld [tilespmem:$0x1FAE0]  }
0x16a: {  	v47 =	vld.idx.msk [tilespmem:v36+s23+$0x0], $0xffff  }
0x16b: {  	v48 =	vmul.f32 v49, v49;
	v0 =	vadd.f32 v51, v0  }
0x16c: {  	v49 =	vld.idx.msk [tilespmem:v39+s23+$0x0], $0xffff  }
0x16d: {  	v0 =	vadd.f32 v48, v0;
	v48 =	vld.idx.msk [tilespmem:v41+s23+$0x0], $0xffff  }
0x16e: {  	v46 =	vor.u32 v1, v13;
	v1 =	vld [tilespmem:$0x1FB00]  }
0x16f: {  	v47 =	vmul.f32 v47, v47  }
0x170: {  	v51 =	vld.idx.msk [tilespmem:v43+s23+$0x0], $0xffff  }
0x171: {  	v49 =	vmul.f32 v49, v49;
	v0 =	vadd.f32 v47, v0  }
0x172: {  	v47 =	vor.u32 v50, v13;
	v50 =	vld.idx.msk [tilespmem:v44+s23+$0x0], $0xffff  }
0x173: {  	v0 =	vadd.f32 v49, v0;
	v49 =	vmul.f32 v48, v48;
	v48 =	vor.u32 v1, v13;
	v1 =	vld [tilespmem:$0x1FB10];
	_ =	sdelay $0x1  }
0x174: {  	v0 =	vadd.f32 v49, v0;
	v51 =	vmul.f32 v51, v51;
	_ =	sdelay $0x1  }
0x175: {  	v0 =	vadd.f32 v51, v0;
	v51 =	vmul.f32 v50, v50  }
0x176: {  	v49 =	vor.u32 v1, v13;
	v1 =	vld [tilespmem:$0x1FB20]  }
0x177: {  	v0 =	vadd.f32 v51, v0;
	v51 =	vld [tilespmem:$0x1FB30]  }
0x178: {  	[tilespmem:$0x1FA70] =	vst v3;
	v3 =	vld.idx.msk [tilespmem:v46+s23+$0x0], $0xffff;
	_ =	sdelay $0x1  }
0x179: {  	v2 =	vld.idx.msk [tilespmem:v47+s23+$0x0], $0xffff  }
0x17a: {  	v50 =	vor.u32 v1, v13  }
0x17b: {  	v1 =	vld.idx.msk [tilespmem:v48+s23+$0x0], $0xffff  }
0x17c: {  	v51 =	vor.u32 v51, v13;
	v3 =	vmul.f32 v3, v3  }
0x17d: {  	v13 =	vld.idx.msk [tilespmem:v49+s23+$0x0], $0xffff  }
0x17e: {  	v2 =	vmul.f32 v2, v2;
	v0 =	vadd.f32 v3, v0  }
0x17f: {  	v3 =	vld.idx.msk [tilespmem:v50+s23+$0x0], $0xffff  }
0x180: {  	v0 =	vadd.f32 v2, v0;
	v1 =	vmul.f32 v1, v1  }
0x181: {  	v2 =	vld.idx.msk [tilespmem:v51+s23+$0x0], $0xffff  }
0x182: {  	v0 =	vadd.f32 v1, v0;
	v1 =	vmul.f32 v13, v13;
	_ =	sdelay $0x1  }
0x183: {  	v0 =	vadd.f32 v1, v0;
	v1 =	vmul.f32 v3, v3;
	_ =	sdelay $0x1  }
0x184: {  	v0 =	vadd.f32 v1, v0;
	v1 =	vmul.f32 v2, v2;
	_ =	sdelay $0x1  }
0x185: {  	v0 =	vadd.f32 v1, v0;
	_ =	sdelay $0x1  }
0x186: {  	v1 =	vshra.s32 v0, $0x1;
	v0 =	vmul.f32 $5.000000000e-01, v0  }
0x187: {  	v1 =	vsub.s32 $0x5F3759DF, v1  }
0x188: {  	v2 =	vmul.f32 v1, v0;
	_ =	sdelay $0x1  }
0x189: {  	v2 =	vmul.f32 v1, v2;
	_ =	sdelay $0x1  }
0x18a: {  	v2 =	vsub.f32 $1.500000000e+00, v2;
	_ =	sdelay $0x1  }
0x18b: {  	v1 =	vmul.f32 v1, v2;
	_ =	sdelay $0x1  }
0x18c: {  	v0 =	vmul.f32 v1, v0;
	_ =	sdelay $0x1  }
0x18d: {  	v2 =	vmul.f32 v0, v1;
	v0 =	vlaneseq.u32  }
0x18e: {  	v0 =	vmul.u32 $0x81, v0  }
0x18f: {  	v2 =	vsub.f32 $1.500000000e+00, v2  }
0x190: {  	v3 =	vor.u32 s24, v0  }
0x191: {  	v13 =	vmul.f32 v2, v1;
	_ =	sdelay $0x1  }
0x192: {  	v1 =	vmul.f32 v13, v6;
	_ =	sdelay $0x1  }
0x193: {  	[tilespmem:v3+s22+$0x0] =	vst.idx.msk $0xffff, v1  }
0x194: {  	v1 =	vld.idx.msk [tilespmem:v33+s23+$0x0], $0xffff  }
0x195: {  	v2 =	vadd.s32 $0x80, v0  }
0x196: {  	v2 =	vor.u32 s24, v2;
	_ =	sdelay $0x2  }
0x197: {  	v1 =	vmul.f32 v13, v1;
	_ =	sdelay $0x1  }
0x198: {  	[tilespmem:v2+s22+$0x0] =	vst.idx.msk $0xffff, v1  }
0x199: {  	v1 =	vld.idx.msk [tilespmem:v24+s23+$0x0], $0xffff  }
0x19a: {  	v2 =	vadd.s32 $0x100, v0  }
0x19b: {  	v2 =	vor.u32 s24, v2;
	_ =	sdelay $0x2  }
0x19c: {  	v1 =	vmul.f32 v13, v1;
	_ =	sdelay $0x1  }
0x19d: {  	[tilespmem:v2+s22+$0x0] =	vst.idx.msk $0xffff, v1  }
0x19e: {  	v1 =	vld.idx.msk [tilespmem:v23+s23+$0x0], $0xffff  }
0x19f: {  	v2 =	vadd.s32 $0x180, v0  }
0x1a0: {  	v2 =	vor.u32 s24, v2;
	_ =	sdelay $0x2  }
0x1a1: {  	v1 =	vmul.f32 v13, v1;
	_ =	sdelay $0x1  }
0x1a2: {  	[tilespmem:v2+s22+$0x0] =	vst.idx.msk $0xffff, v1  }
0x1a3: {  	v1 =	vld.idx.msk [tilespmem:v22+s23+$0x0], $0xffff  }
0x1a4: {  	v2 =	vadd.s32 $0x200, v0  }
0x1a5: {  	v2 =	vor.u32 s24, v2;
	_ =	sdelay $0x2  }
0x1a6: {  	v1 =	vmul.f32 v13, v1;
	_ =	sdelay $0x1  }
0x1a7: {  	[tilespmem:v2+s22+$0x0] =	vst.idx.msk $0xffff, v1  }
0x1a8: {  	v1 =	vld.idx.msk [tilespmem:v21+s23+$0x0], $0xffff  }
0x1a9: {  	v2 =	vadd.s32 $0x280, v0  }
0x1aa: {  	v2 =	vor.u32 s24, v2;
	_ =	sdelay $0x2  }
0x1ab: {  	v1 =	vmul.f32 v13, v1;
	_ =	sdelay $0x1  }
0x1ac: {  	[tilespmem:v2+s22+$0x0] =	vst.idx.msk $0xffff, v1  }
0x1ad: {  	v1 =	vld.idx.msk [tilespmem:v20+s23+$0x0], $0xffff  }
0x1ae: {  	v2 =	vadd.s32 $0x300, v0  }
0x1af: {  	v2 =	vor.u32 s24, v2;
	_ =	sdelay $0x2  }
0x1b0: {  	v1 =	vmul.f32 v13, v1;
	_ =	sdelay $0x1  }
0x1b1: {  	[tilespmem:v2+s22+$0x0] =	vst.idx.msk $0xffff, v1  }
0x1b2: {  	v1 =	vld.idx.msk [tilespmem:v19+s23+$0x0], $0xffff  }
0x1b3: {  	v2 =	vadd.s32 $0x380, v0  }
0x1b4: {  	v2 =	vor.u32 s24, v2;
	_ =	sdelay $0x2  }
0x1b5: {  	v1 =	vmul.f32 v13, v1;
	_ =	sdelay $0x1  }
0x1b6: {  	[tilespmem:v2+s22+$0x0] =	vst.idx.msk $0xffff, v1  }
0x1b7: {  	v1 =	vld.idx.msk [tilespmem:v18+s23+$0x0], $0xffff  }
0x1b8: {  	v2 =	vadd.s32 $0x400, v0  }
0x1b9: {  	v2 =	vor.u32 s24, v2;
	_ =	sdelay $0x2  }
0x1ba: {  	v1 =	vmul.f32 v1, v13;
	_ =	sdelay $0x1  }
0x1bb: {  	[tilespmem:v2+s22+$0x0] =	vst.idx.msk $0xffff, v1  }
0x1bc: {  	v1 =	vld.idx.msk [tilespmem:v17+s23+$0x0], $0xffff  }
0x1bd: {  	v2 =	vadd.s32 $0x480, v0  }
0x1be: {  	v2 =	vor.u32 s24, v2;
	_ =	sdelay $0x2  }
0x1bf: {  	v1 =	vmul.f32 v1, v13;
	_ =	sdelay $0x1  }
0x1c0: {  	[tilespmem:v2+s22+$0x0] =	vst.idx.msk $0xffff, v1  }
0x1c1: {  	v1 =	vld.idx.msk [tilespmem:v16+s23+$0x0], $0xffff  }
0x1c2: {  	v2 =	vadd.s32 $0x500, v0  }
0x1c3: {  	v2 =	vor.u32 s24, v2;
	_ =	sdelay $0x2  }
0x1c4: {  	v1 =	vmul.f32 v1, v13;
	_ =	sdelay $0x1  }
0x1c5: {  	[tilespmem:v2+s22+$0x0] =	vst.idx.msk $0xffff, v1  }
0x1c6: {  	v1 =	vld.idx.msk [tilespmem:v15+s23+$0x0], $0xffff  }
0x1c7: {  	v2 =	vadd.s32 $0x580, v0  }
0x1c8: {  	v2 =	vor.u32 s24, v2;
	_ =	sdelay $0x2  }
0x1c9: {  	v1 =	vmul.f32 v1, v13;
	_ =	sdelay $0x1  }
0x1ca: {  	[tilespmem:v2+s22+$0x0] =	vst.idx.msk $0xffff, v1  }
0x1cb: {  	v1 =	vld.idx.msk [tilespmem:v14+s23+$0x0], $0xffff  }
0x1cc: {  	v2 =	vadd.s32 $0x600, v0  }
0x1cd: {  	v2 =	vor.u32 s24, v2;
	_ =	sdelay $0x2  }
0x1ce: {  	v1 =	vmul.f32 v1, v13;
	_ =	sdelay $0x1  }
0x1cf: {  	[tilespmem:v2+s22+$0x0] =	vst.idx.msk $0xffff, v1  }
0x1d0: {  	v1 =	vld.idx.msk [tilespmem:v12+s23+$0x0], $0xffff  }
0x1d1: {  	v2 =	vadd.s32 $0x680, v0  }
0x1d2: {  	v2 =	vor.u32 s24, v2;
	_ =	sdelay $0x2  }
0x1d3: {  	v1 =	vmul.f32 v1, v13;
	_ =	sdelay $0x1  }
0x1d4: {  	[tilespmem:v2+s22+$0x0] =	vst.idx.msk $0xffff, v1  }
0x1d5: {  	v1 =	vld.idx.msk [tilespmem:v11+s23+$0x0], $0xffff  }
0x1d6: {  	v2 =	vadd.s32 $0x700, v0  }
0x1d7: {  	v2 =	vor.u32 s24, v2;
	_ =	sdelay $0x2  }
0x1d8: {  	v1 =	vmul.f32 v1, v13;
	_ =	sdelay $0x1  }
0x1d9: {  	[tilespmem:v2+s22+$0x0] =	vst.idx.msk $0xffff, v1  }
0x1da: {  	v1 =	vld.idx.msk [tilespmem:v10+s23+$0x0], $0xffff  }
0x1db: {  	v2 =	vadd.s32 $0x780, v0  }
0x1dc: {  	v2 =	vor.u32 s24, v2;
	_ =	sdelay $0x2  }
0x1dd: {  	v1 =	vmul.f32 v1, v13;
	_ =	sdelay $0x1  }
0x1de: {  	[tilespmem:v2+s22+$0x0] =	vst.idx.msk $0xffff, v1  }
0x1df: {  	v1 =	vld.idx.msk [tilespmem:v9+s23+$0x0], $0xffff  }
0x1e0: {  	v2 =	vor.u32 $0x800, v0  }
0x1e1: {  	v2 =	vor.u32 s24, v2;
	_ =	sdelay $0x2  }
0x1e2: {  	v1 =	vmul.f32 v1, v13;
	_ =	sdelay $0x1  }
0x1e3: {  	[tilespmem:v2+s22+$0x0] =	vst.idx.msk $0xffff, v1  }
0x1e4: {  	v1 =	vld.idx.msk [tilespmem:v8+s23+$0x0], $0xffff  }
0x1e5: {  	v2 =	vadd.s32 $0x880, v0  }
0x1e6: {  	v2 =	vor.u32 s24, v2;
	_ =	sdelay $0x2  }
0x1e7: {  	v1 =	vmul.f32 v1, v13;
	_ =	sdelay $0x1  }
0x1e8: {  	[tilespmem:v2+s22+$0x0] =	vst.idx.msk $0xffff, v1  }
0x1e9: {  	v1 =	vld.idx.msk [tilespmem:v7+s23+$0x0], $0xffff  }
0x1ea: {  	v2 =	vadd.s32 $0x900, v0  }
0x1eb: {  	v2 =	vor.u32 s24, v2;
	_ =	sdelay $0x2  }
0x1ec: {  	v1 =	vmul.f32 v1, v13;
	_ =	sdelay $0x1  }
0x1ed: {  	[tilespmem:v2+s22+$0x0] =	vst.idx.msk $0xffff, v1  }
0x1ee: {  	v1 =	vld.idx.msk [tilespmem:v4+s23+$0x0], $0xffff  }
0x1ef: {  	v2 =	vadd.s32 $0x980, v0  }
0x1f0: {  	v2 =	vor.u32 s24, v2;
	_ =	sdelay $0x2  }
0x1f1: {  	v1 =	vmul.f32 v1, v13;
	_ =	sdelay $0x1  }
0x1f2: {  	[tilespmem:v2+s22+$0x0] =	vst.idx.msk $0xffff, v1  }
0x1f3: {  	v1 =	vld.idx.msk [tilespmem:v5+s23+$0x0], $0xffff  }
0x1f4: {  	v2 =	vadd.s32 $0xA00, v0  }
0x1f5: {  	v2 =	vor.u32 s24, v2;
	_ =	sdelay $0x2  }
0x1f6: {  	v1 =	vmul.f32 v1, v13;
	_ =	sdelay $0x1  }
0x1f7: {  	[tilespmem:v2+s22+$0x0] =	vst.idx.msk $0xffff, v1  }
0x1f8: {  	v1 =	vld.idx.msk [tilespmem:v31+s23+$0x0], $0xffff  }
0x1f9: {  	v2 =	vadd.s32 $0xA80, v0  }
0x1fa: {  	v2 =	vor.u32 s24, v2;
	_ =	sdelay $0x2  }
0x1fb: {  	v1 =	vmul.f32 v1, v13;
	_ =	sdelay $0x1  }
0x1fc: {  	[tilespmem:v2+s22+$0x0] =	vst.idx.msk $0xffff, v1  }
0x1fd: {  	v1 =	vld.idx.msk [tilespmem:v32+s23+$0x0], $0xffff  }
0x1fe: {  	v2 =	vadd.s32 $0xB00, v0  }
0x1ff: {  	v2 =	vor.u32 s24, v2;
	_ =	sdelay $0x2  }
0x200: {  	v1 =	vmul.f32 v1, v13;
	_ =	sdelay $0x1  }
0x201: {  	[tilespmem:v2+s22+$0x0] =	vst.idx.msk $0xffff, v1  }
0x202: {  	v1 =	vld.idx.msk [tilespmem:v34+s23+$0x0], $0xffff  }
0x203: {  	v2 =	vadd.s32 $0xB80, v0  }
0x204: {  	v2 =	vor.u32 s24, v2;
	_ =	sdelay $0x2  }
0x205: {  	v1 =	vmul.f32 v1, v13;
	_ =	sdelay $0x1  }
0x206: {  	[tilespmem:v2+s22+$0x0] =	vst.idx.msk $0xffff, v1  }
0x207: {  	v1 =	vld.idx.msk [tilespmem:v25+s23+$0x0], $0xffff  }
0x208: {  	v2 =	vadd.s32 $0xC00, v0  }
0x209: {  	v2 =	vor.u32 s24, v2;
	_ =	sdelay $0x2  }
0x20a: {  	v1 =	vmul.f32 v1, v13;
	_ =	sdelay $0x1  }
0x20b: {  	[tilespmem:v2+s22+$0x0] =	vst.idx.msk $0xffff, v1  }
0x20c: {  	v1 =	vld.idx.msk [tilespmem:v26+s23+$0x0], $0xffff  }
0x20d: {  	v2 =	vadd.s32 $0xC80, v0  }
0x20e: {  	v2 =	vor.u32 s24, v2;
	_ =	sdelay $0x2  }
0x20f: {  	v1 =	vmul.f32 v1, v13;
	_ =	sdelay $0x1  }
0x210: {  	[tilespmem:v2+s22+$0x0] =	vst.idx.msk $0xffff, v1  }
0x211: {  	v1 =	vld.idx.msk [tilespmem:v63+s23+$0x0], $0xffff  }
0x212: {  	v2 =	vadd.s32 $0xD00, v0  }
0x213: {  	v2 =	vor.u32 s24, v2;
	_ =	sdelay $0x2  }
0x214: {  	v1 =	vmul.f32 v1, v13;
	_ =	sdelay $0x1  }
0x215: {  	[tilespmem:v2+s22+$0x0] =	vst.idx.msk $0xffff, v1  }
0x216: {  	v1 =	vld.idx.msk [tilespmem:v62+s23+$0x0], $0xffff  }
0x217: {  	v2 =	vadd.s32 $0xD80, v0  }
0x218: {  	v2 =	vor.u32 s24, v2;
	_ =	sdelay $0x2  }
0x219: {  	v1 =	vmul.f32 v1, v13;
	_ =	sdelay $0x1  }
0x21a: {  	[tilespmem:v2+s22+$0x0] =	vst.idx.msk $0xffff, v1  }
0x21b: {  	v1 =	vld.idx.msk [tilespmem:v61+s23+$0x0], $0xffff  }
0x21c: {  	v2 =	vadd.s32 $0xE00, v0  }
0x21d: {  	v2 =	vor.u32 s24, v2;
	_ =	sdelay $0x2  }
0x21e: {  	v1 =	vmul.f32 v1, v13;
	_ =	sdelay $0x1  }
0x21f: {  	[tilespmem:v2+s22+$0x0] =	vst.idx.msk $0xffff, v1  }
0x220: {  	v1 =	vld.idx.msk [tilespmem:v60+s23+$0x0], $0xffff  }
0x221: {  	v2 =	vadd.s32 $0xE80, v0  }
0x222: {  	v2 =	vor.u32 s24, v2;
	_ =	sdelay $0x2  }
0x223: {  	v1 =	vmul.f32 v1, v13;
	_ =	sdelay $0x1  }
0x224: {  	[tilespmem:v2+s22+$0x0] =	vst.idx.msk $0xffff, v1  }
0x225: {  	v1 =	vld.idx.msk [tilespmem:v59+s23+$0x0], $0xffff  }
0x226: {  	v2 =	vadd.s32 $0xF00, v0  }
0x227: {  	v2 =	vor.u32 s24, v2;
	_ =	sdelay $0x2  }
0x228: {  	v1 =	vmul.f32 v1, v13;
	_ =	sdelay $0x1  }
0x229: {  	[tilespmem:v2+s22+$0x0] =	vst.idx.msk $0xffff, v1  }
0x22a: {  	v1 =	vld.idx.msk [tilespmem:v58+s23+$0x0], $0xffff  }
0x22b: {  	v2 =	vadd.s32 $0xF80, v0  }
0x22c: {  	v2 =	vor.u32 s24, v2;
	_ =	sdelay $0x2  }
0x22d: {  	v1 =	vmul.f32 v1, v13;
	_ =	sdelay $0x1  }
0x22e: {  	[tilespmem:v2+s22+$0x0] =	vst.idx.msk $0xffff, v1  }
0x22f: {  	v1 =	vld.idx.msk [tilespmem:v57+s23+$0x0], $0xffff  }
0x230: {  	v2 =	vor.u32 $0x1000, v0  }
0x231: {  	v2 =	vor.u32 s24, v2;
	_ =	sdelay $0x2  }
0x232: {  	v1 =	vmul.f32 v1, v13;
	_ =	sdelay $0x1  }
0x233: {  	[tilespmem:v2+s22+$0x0] =	vst.idx.msk $0xffff, v1  }
0x234: {  	v1 =	vld.idx.msk [tilespmem:v56+s23+$0x0], $0xffff  }
0x235: {  	v2 =	vadd.s32 $0x1080, v0  }
0x236: {  	v2 =	vor.u32 s24, v2;
	_ =	sdelay $0x2  }
0x237: {  	v1 =	vmul.f32 v1, v13;
	_ =	sdelay $0x1  }
0x238: {  	[tilespmem:v2+s22+$0x0] =	vst.idx.msk $0xffff, v1  }
0x239: {  	v1 =	vld.idx.msk [tilespmem:v55+s23+$0x0], $0xffff  }
0x23a: {  	v2 =	vadd.s32 $0x1100, v0  }
0x23b: {  	v2 =	vor.u32 s24, v2;
	_ =	sdelay $0x2  }
0x23c: {  	v1 =	vmul.f32 v1, v13;
	_ =	sdelay $0x1  }
0x23d: {  	[tilespmem:v2+s22+$0x0] =	vst.idx.msk $0xffff, v1  }
0x23e: {  	v1 =	vld.idx.msk [tilespmem:v54+s23+$0x0], $0xffff  }
0x23f: {  	v2 =	vadd.s32 $0x1180, v0  }
0x240: {  	v2 =	vor.u32 s24, v2;
	_ =	sdelay $0x2  }
0x241: {  	v1 =	vmul.f32 v1, v13;
	_ =	sdelay $0x1  }
0x242: {  	[tilespmem:v2+s22+$0x0] =	vst.idx.msk $0xffff, v1  }
0x243: {  	v1 =	vld.idx.msk [tilespmem:v53+s23+$0x0], $0xffff  }
0x244: {  	v2 =	vadd.s32 $0x1200, v0  }
0x245: {  	v2 =	vor.u32 s24, v2;
	_ =	sdelay $0x2  }
0x246: {  	v1 =	vmul.f32 v1, v13;
	_ =	sdelay $0x1  }
0x247: {  	[tilespmem:v2+s22+$0x0] =	vst.idx.msk $0xffff, v1  }
0x248: {  	v1 =	vld.idx.msk [tilespmem:v52+s23+$0x0], $0xffff  }
0x249: {  	v2 =	vadd.s32 $0x1280, v0  }
0x24a: {  	v2 =	vor.u32 s24, v2;
	_ =	sdelay $0x2  }
0x24b: {  	v1 =	vmul.f32 v1, v13;
	_ =	sdelay $0x1  }
0x24c: {  	[tilespmem:v2+s22+$0x0] =	vst.idx.msk $0xffff, v1  }
0x24d: {  	v1 =	vld.idx.msk [tilespmem:v45+s23+$0x0], $0xffff  }
0x24e: {  	v2 =	vadd.s32 $0x1300, v0  }
0x24f: {  	v2 =	vor.u32 s24, v2;
	_ =	sdelay $0x2  }
0x250: {  	v1 =	vmul.f32 v1, v13;
	_ =	sdelay $0x1  }
0x251: {  	[tilespmem:v2+s22+$0x0] =	vst.idx.msk $0xffff, v1  }
0x252: {  	v1 =	vld.idx.msk [tilespmem:v42+s23+$0x0], $0xffff  }
0x253: {  	v2 =	vadd.s32 $0x1380, v0  }
0x254: {  	v2 =	vor.u32 s24, v2;
	_ =	sdelay $0x2  }
0x255: {  	v1 =	vmul.f32 v1, v13;
	_ =	sdelay $0x1  }
0x256: {  	[tilespmem:v2+s22+$0x0] =	vst.idx.msk $0xffff, v1  }
0x257: {  	v1 =	vld.idx.msk [tilespmem:v40+s23+$0x0], $0xffff  }
0x258: {  	v2 =	vadd.s32 $0x1400, v0  }
0x259: {  	v2 =	vor.u32 s24, v2;
	_ =	sdelay $0x2  }
0x25a: {  	v1 =	vmul.f32 v1, v13;
	_ =	sdelay $0x1  }
0x25b: {  	[tilespmem:v2+s22+$0x0] =	vst.idx.msk $0xffff, v1  }
0x25c: {  	v1 =	vld.idx.msk [tilespmem:v38+s23+$0x0], $0xffff  }
0x25d: {  	v2 =	vadd.s32 $0x1480, v0  }
0x25e: {  	v2 =	vor.u32 s24, v2;
	_ =	sdelay $0x2  }
0x25f: {  	v1 =	vmul.f32 v1, v13;
	_ =	sdelay $0x1  }
0x260: {  	[tilespmem:v2+s22+$0x0] =	vst.idx.msk $0xffff, v1  }
0x261: {  	v1 =	vld.idx.msk [tilespmem:v37+s23+$0x0], $0xffff  }
0x262: {  	v2 =	vadd.s32 $0x1500, v0  }
0x263: {  	v2 =	vor.u32 s24, v2;
	_ =	sdelay $0x2  }
0x264: {  	v1 =	vmul.f32 v1, v13;
	_ =	sdelay $0x1  }
0x265: {  	[tilespmem:v2+s22+$0x0] =	vst.idx.msk $0xffff, v1  }
0x266: {  	v1 =	vld.idx.msk [tilespmem:v35+s23+$0x0], $0xffff  }
0x267: {  	v2 =	vadd.s32 $0x1580, v0  }
0x268: {  	v2 =	vor.u32 s24, v2;
	_ =	sdelay $0x2  }
0x269: {  	v1 =	vmul.f32 v1, v13;
	_ =	sdelay $0x1  }
0x26a: {  	[tilespmem:v2+s22+$0x0] =	vst.idx.msk $0xffff, v1;
	v1 =	vld [tilespmem:$0x1FA30];
	_ =	sdelay $0x7  }
0x26b: {  	v1 =	vld.idx.msk [tilespmem:v1+s23+$0x0], $0xffff  }
0x26c: {  	v2 =	vadd.s32 $0x1600, v0  }
0x26d: {  	v2 =	vor.u32 s24, v2;
	_ =	sdelay $0x2  }
0x26e: {  	v1 =	vmul.f32 v1, v13;
	_ =	sdelay $0x1  }
0x26f: {  	[tilespmem:v2+s22+$0x0] =	vst.idx.msk $0xffff, v1;
	v1 =	vld [tilespmem:$0x1FA40];
	_ =	sdelay $0x7  }
0x270: {  	v1 =	vld.idx.msk [tilespmem:v1+s23+$0x0], $0xffff  }
0x271: {  	v2 =	vadd.s32 $0x1680, v0  }
0x272: {  	v2 =	vor.u32 s24, v2;
	_ =	sdelay $0x2  }
0x273: {  	v1 =	vmul.f32 v1, v13;
	_ =	sdelay $0x1  }
0x274: {  	[tilespmem:v2+s22+$0x0] =	vst.idx.msk $0xffff, v1  }
0x275: {  	v1 =	vld.idx.msk [tilespmem:v30+s23+$0x0], $0xffff  }
0x276: {  	v2 =	vadd.s32 $0x1700, v0  }
0x277: {  	v2 =	vor.u32 s24, v2;
	_ =	sdelay $0x2  }
0x278: {  	v1 =	vmul.f32 v1, v13;
	_ =	sdelay $0x1  }
0x279: {  	[tilespmem:v2+s22+$0x0] =	vst.idx.msk $0xffff, v1;
	v1 =	vld [tilespmem:$0x1FA50];
	_ =	sdelay $0x7  }
0x27a: {  	v1 =	vld.idx.msk [tilespmem:v1+s23+$0x0], $0xffff  }
0x27b: {  	v2 =	vadd.s32 $0x1780, v0  }
0x27c: {  	v2 =	vor.u32 s24, v2;
	_ =	sdelay $0x2  }
0x27d: {  	v1 =	vmul.f32 v1, v13;
	_ =	sdelay $0x1  }
0x27e: {  	[tilespmem:v2+s22+$0x0] =	vst.idx.msk $0xffff, v1  }
0x27f: {  	v1 =	vld.idx.msk [tilespmem:v27+s23+$0x0], $0xffff  }
0x280: {  	v0 =	vor.u32 $0x1800, v0  }
0x281: {  	v0 =	vor.u32 s24, v0;
	_ =	sdelay $0x2  }
0x282: {  	v1 =	vmul.f32 v1, v13;
	_ =	sdelay $0x1  }
0x283: {  	[tilespmem:v0+s22+$0x0] =	vst.idx.msk $0xffff, v1;
	v0 =	vld [tilespmem:$0x1FA60];
	_ =	sdelay $0x4  }
0x284: {  	v3 =	vld [tilespmem:$0x1FEB0];
	_ =	sdelay $0x2  }
0x285: {  	v0 =	vld.idx.msk [tilespmem:v0+s23+$0x0], $0xffff;
	_ =	sdelay $0x1  }
0x286: {  	v1 =	vor.u32 s24, v3;
	_ =	sdelay $0x2  }
0x287: {  	v0 =	vmul.f32 v0, v13;
	_ =	sdelay $0x1  }
0x288: {  	[tilespmem:v1+s22+$0x0] =	vst.idx.msk $0xffff, v0;
	v0 =	vld [tilespmem:$0x1FA70];
	_ =	sdelay $0x4  }
0x289: {  	v4 =	vld [tilespmem:$0x1FEC0];
	_ =	sdelay $0x2  }
0x28a: {  	v0 =	vld.idx.msk [tilespmem:v0+s23+$0x0], $0xffff;
	_ =	sdelay $0x1  }
0x28b: {  	v1 =	vor.u32 s24, v4;
	_ =	sdelay $0x2  }
0x28c: {  	v21 =	vld [tilespmem:$0x1FED0];
	v0 =	vmul.f32 v0, v13;
	_ =	sdelay $0x1  }
0x28d: {  	[tilespmem:v1+s22+$0x0] =	vst.idx.msk $0xffff, v0  }
0x28e: {  	v0 =	vld.idx.msk [tilespmem:v28+s23+$0x0], $0xffff;
	_ =	sdelay $0x1  }
0x28f: {  	v1 =	vor.u32 s24, v21;
	_ =	sdelay $0x2  }
0x290: {  	v6 =	vld [tilespmem:$0x1FEE0];
	v0 =	vmul.f32 v0, v13;
	_ =	sdelay $0x1  }
0x291: {  	[tilespmem:v1+s22+$0x0] =	vst.idx.msk $0xffff, v0  }
0x292: {  	v0 =	vld.idx.msk [tilespmem:v29+s23+$0x0], $0xffff;
	_ =	sdelay $0x1  }
0x293: {  	v1 =	vor.u32 s24, v6;
	_ =	sdelay $0x2  }
0x294: {  	v7 =	vld [tilespmem:$0x1FEF0];
	v0 =	vmul.f32 v0, v13;
	_ =	sdelay $0x1  }
0x295: {  	[tilespmem:v1+s22+$0x0] =	vst.idx.msk $0xffff, v0  }
0x296: {  	v0 =	vld.idx.msk [tilespmem:v36+s23+$0x0], $0xffff;
	_ =	sdelay $0x1  }
0x297: {  	v1 =	vor.u32 s24, v7;
	_ =	sdelay $0x2  }
0x298: {  	v8 =	vld [tilespmem:$0x1FF00];
	v0 =	vmul.f32 v0, v13;
	_ =	sdelay $0x1  }
0x299: {  	[tilespmem:v1+s22+$0x0] =	vst.idx.msk $0xffff, v0  }
0x29a: {  	v0 =	vld.idx.msk [tilespmem:v39+s23+$0x0], $0xffff;
	_ =	sdelay $0x1  }
0x29b: {  	v1 =	vor.u32 s24, v8;
	_ =	sdelay $0x2  }
0x29c: {  	v24 =	vld [tilespmem:$0x1FF10];
	v0 =	vmul.f32 v0, v13;
	_ =	sdelay $0x1  }
0x29d: {  	[tilespmem:v1+s22+$0x0] =	vst.idx.msk $0xffff, v0  }
0x29e: {  	v0 =	vld.idx.msk [tilespmem:v41+s23+$0x0], $0xffff;
	_ =	sdelay $0x1  }
0x29f: {  	v1 =	vor.u32 s24, v24;
	_ =	sdelay $0x2  }
0x2a0: {  	v33 =	vld [tilespmem:$0x1FF20];
	v0 =	vmul.f32 v0, v13;
	_ =	sdelay $0x1  }
0x2a1: {  	[tilespmem:v1+s22+$0x0] =	vst.idx.msk $0xffff, v0  }
0x2a2: {  	v0 =	vld.idx.msk [tilespmem:v43+s23+$0x0], $0xffff;
	_ =	sdelay $0x1  }
0x2a3: {  	v1 =	vor.u32 s24, v33;
	_ =	sdelay $0x2  }
0x2a4: {  	v62 =	vld [tilespmem:$0x1FF30];
	v0 =	vmul.f32 v0, v13;
	_ =	sdelay $0x1  }
0x2a5: {  	[tilespmem:v1+s22+$0x0] =	vst.idx.msk $0xffff, v0  }
0x2a6: {  	v0 =	vld.idx.msk [tilespmem:v44+s23+$0x0], $0xffff;
	_ =	sdelay $0x1  }
0x2a7: {  	v1 =	vor.u32 s24, v62;
	_ =	sdelay $0x2  }
0x2a8: {  	v61 =	vld [tilespmem:$0x1FF40];
	v0 =	vmul.f32 v0, v13;
	_ =	sdelay $0x1  }
0x2a9: {  	[tilespmem:v1+s22+$0x0] =	vst.idx.msk $0xffff, v0  }
0x2aa: {  	v0 =	vld.idx.msk [tilespmem:v46+s23+$0x0], $0xffff  }
0x2ab: {  	v23 =	vld [tilespmem:$0x1FF70]  }
0x2ac: {  	v22 =	vld [tilespmem:$0x1FF90];
	v1 =	vor.u32 s24, v61  }
0x2ad: {  	v18 =	vld [tilespmem:$0x1FCE0]  }
0x2ae: {  	v17 =	vld [tilespmem:$0x1FCD0]  }
0x2af: {  	v63 =	vld [tilespmem:$0x1FF50];
	v0 =	vmul.f32 v0, v13  }
0x2b0: {  	v16 =	vld [tilespmem:$0x1FCC0]  }
0x2b1: {  	v15 =	vld [tilespmem:$0x1FCB0];
	[tilespmem:v1+s22+$0x0] =	vst.idx.msk $0xffff, v0  }
0x2b2: {  	v0 =	vld.idx.msk [tilespmem:v47+s23+$0x0], $0xffff  }
0x2b3: {  	v14 =	vld [tilespmem:$0x1FCA0]  }
0x2b4: {  	v12 =	vld [tilespmem:$0x1FC90];
	v1 =	vor.u32 s24, v63  }
0x2b5: {  	v11 =	vld [tilespmem:$0x1FC80]  }
0x2b6: {  	v10 =	vld [tilespmem:$0x1FC70]  }
0x2b7: {  	v60 =	vld [tilespmem:$0x1FF60];
	v0 =	vmul.f32 v0, v13  }
0x2b8: {  	v31 =	vld [tilespmem:$0x1FD50]  }
0x2b9: {  	v32 =	vld [tilespmem:$0x1FD60];
	[tilespmem:v1+s22+$0x0] =	vst.idx.msk $0xffff, v0  }
0x2ba: {  	v0 =	vld.idx.msk [tilespmem:v48+s23+$0x0], $0xffff  }
0x2bb: {  	v34 =	vld [tilespmem:$0x1FD70]  }
0x2bc: {  	v25 =	vld [tilespmem:$0x1FCF0];
	v1 =	vor.u32 s24, v60  }
0x2bd: {  	v26 =	vld [tilespmem:$0x1FD00]  }
0x2be: {  	v59 =	vld [tilespmem:$0x1FFF0]  }
0x2bf: {  	v58 =	vld [tilespmem:$0x1FFE0];
	v0 =	vmul.f32 v0, v13  }
0x2c0: {  	v57 =	vld [tilespmem:$0x1FFD0]  }
0x2c1: {  	v56 =	vld [tilespmem:$0x1FFC0];
	[tilespmem:v1+s22+$0x0] =	vst.idx.msk $0xffff, v0  }
0x2c2: {  	v0 =	vld.idx.msk [tilespmem:v49+s23+$0x0], $0xffff  }
0x2c3: {  	v55 =	vld [tilespmem:$0x1FFB0]  }
0x2c4: {  	v40 =	vld [tilespmem:$0x1FDE0];
	v1 =	vor.u32 s24, v23  }
0x2c5: {  	v38 =	vld [tilespmem:$0x1FDB0]  }
0x2c6: {  	v37 =	vld [tilespmem:$0x1FDA0]  }
0x2c7: {  	v2 =	vld [tilespmem:$0x1FF80];
	v0 =	vmul.f32 v0, v13  }
0x2c8: {  	v35 =	vld [tilespmem:$0x1FD80]  }
0x2c9: {  	v30 =	vld [tilespmem:$0x1FD40];
	[tilespmem:v1+s22+$0x0] =	vst.idx.msk $0xffff, v0  }
0x2ca: {  	v0 =	vld.idx.msk [tilespmem:v50+s23+$0x0], $0xffff  }
0x2cb: {  	v27 =	vld [tilespmem:$0x1FD10]  }
0x2cc: {  	v28 =	vld [tilespmem:$0x1FD20];
	v1 =	vor.u32 s24, v2  }
0x2cd: {  	v29 =	vld [tilespmem:$0x1FD30]  }
0x2ce: {  	v36 =	vld [tilespmem:$0x1FD90]  }
0x2cf: {  	v39 =	vld [tilespmem:$0x1FDC0];
	v0 =	vmul.f32 v0, v13  }
0x2d0: {  	v41 =	vld [tilespmem:$0x1FDF0]  }
0x2d1: {  	v43 =	vld [tilespmem:$0x1FE40];
	[tilespmem:v1+s22+$0x0] =	vst.idx.msk $0xffff, v0  }
0x2d2: {  	v0 =	vld.idx.msk [tilespmem:v51+s23+$0x0], $0xffff  }
0x2d3: {  	v44 =	vld [tilespmem:$0x1FE50]  }
0x2d4: {  	p0 =	sne.s32 s24, $0x70;
	v47 =	vld [tilespmem:$0x1FE60];
	v1 =	vor.u32 s24, v22  }
.Ltmp0:
0x2d5: {  	v48 =	vld [tilespmem:$0x1FEA0];
	(pc) =	sbr.rel @p0 .LBB2_3-.Ltmp0, $4  }
0x2d6: {  	v49 =	vld [tilespmem:$0x1FE30]  }
0x2d7: {  	v50 =	vld [tilespmem:$0x1FE70];
	v0 =	vmul.f32 v0, v13  }
0x2d8: {  	v51 =	vld [tilespmem:$0x1FE90]  }
0x2d9: {  	v9 =	vlaneseq.u32;
	s24 =	sadd.s32 $0x10, s24;
	[tilespmem:v1+s22+$0x0] =	vst.idx.msk $0xffff, v0;
	v1 =	vld [tilespmem:$0x1FFA0]  }
0x2da: {  	s20 =	sshll.u32 s20, $0x12;
	p0 =	sne.s32 s19, $0x32  }
.Ltmp1:
0x2db: {  	s20 =	sor.u32 s5, s20;
	(pc) =	sbr.rel @p0 .LBB2_2-.Ltmp1, $4  }
0x2dc: {  	s20 =	sshrl.u32 s20, $0x3  }
0x2dd: {  	s21 =	sadd.s32 $0x4, s21;
	s20 =	sadd.s32 s3, s20  }
0x2de: {  	[hbm4b:s20+s9] =	stream.strided.scatter [tilespmem:s22], [sflag:s21], $0x2000, s10, s9, $0x38;
	[tilespmem:$0x13C00] =	vst v63  }
0x2df: {  	s20 =	smov.u32 s19  }
0x2e0: {  	_ =	swait.ge [sflag:s15], $0x2000  }
0x2e1: {  	[sflag:s15] =	ssyncset.done $0x0  }
0x2e2: {  	s18 =	sadd.s32 $0x1, s18;
	[sflag:s15] =	ssyncadd.s32 $0xFFFFE000  }
0x2e3: {  	p0 =	sne.s32 s18, s8;
	_ =	swait.ge [sflag:s16], $0x2000  }
.Ltmp2:
0x2e4: {  	[sflag:s16] =	ssyncset.done $0x0;
	(pc) =	sbr.rel @p0 .LBB2_1-.Ltmp2, $4  }
0x2e5: {  	[sflag:s16] =	ssyncadd.s32 $0xFFFFE000  }
0x2e6: {  	_ =	swait.ge [sflag:s17], $0x2000  }
0x2e7: {  	[sflag:s17] =	ssyncset.done $0x0  }
0x2e8: {  	[sflag:s17] =	ssyncadd.s32 $0xFFFFE000  }
0x2e9: {  	_ =	sfence.sel $0x180000  }
0x2ea: {  	[bflag:$0x0] =	sbarrier.arrive $0xFFFF  }
0x2eb: {  	p0 =	sne.s32 s1, $0x0;
	_ =	strace $0x90000047  }
0x2ec: {  	s0 =	sadd.s32 @!p0 $0x100000, s2;
	[bflag:$0x2] =	sbarrier.arrive $0xFFFF  }
0x2ed: {  	[sflag:s0] =	ssyncadd.tile.s32 @!p0 $0x1;
	_ =	shalt  }
.Lfunc_end2:
_tile_overlayer_lowered:
.L_overlay_start_2:
0x2ee: {  	(tag) =	ssettag $0x2  }
0x2ef: {  	s0 =	rddreg [dreg:$0x0];
	s2 =	stileid.u32  }
0x2f0: {  	s1 =	rddreg [dreg:$0x1];
	p0 =	sne.s32 s2, $0x0  }
0x2f1: {  	s3 =	rddreg [dreg:$0x2];
	[bflag:$0x3] =	sbarrier.arrive $0xFFFF;
	s2 =	simm.s32 @!p0 $0x1C07  }
0x2f2: {  	[timem:s3], [sflag:s2] =	dma.local @!p0 [hbm:s0], s1  }
0x2f3: {  	s0 =	simm.s32 @!p0 $0x7  }
0x2f4: {  	_ =	swait.ge @!p0 [sflag:s0], s1  }
0x2f5: {  	s1 =	ssub.s32 @!p0 $0x0, s1;
	[sflag:s0] =	ssyncset.done @!p0 $0x0  }
0x2f6: {  	[sflag:s0] =	ssyncadd.s32 @!p0 s1  }
0x2f7: {  	[bflag:$0x3] =	sbarrier.arrive $0xFFFF  }
0x2f8: {  	_ =	shalt  }

</sc_bundles>
